<compile_context>
chip_gen: v7x
topology: tpu7x:2x2x1
jax: 0.10.2.dev20260603
libtpu: 0.0.44.dev20260713+nightly
codegen_flags: <defaults>
</compile_context>

<pallas_src>
import jax
import jax.numpy as jnp
from jax import lax
from jax.experimental import pallas as pl
from jax.experimental.pallas import tpu as pltpu
from jax.experimental.pallas import tpu_sc as plsc

N = 10000
E = 320000
D = 128
R = 8
B = 4
H = 128
RP = R + 1

NC = 2
NS = 16
NW = NC * NS
EPW = E // NW
C = 80
NCH = EPW // C
G = 5
NGRP = NCH // G
NBUF = 4
DB = 80
NDB = N // DB
KDR = -(-NDB // NS)

BN = 2000


def _mk_w(coef_ref, basis_ref, r):
  w = coef_ref[r, 0] * basis_ref[0]
  for b in range(1, B):
    w = w + coef_ref[r, b] * basis_ref[b]
  return w


def _project1_body(coef_ref, basis_ref, loop_ref, x_ref, out_ref):
  xb = x_ref[...]
  for r in range(R):
    w = _mk_w(coef_ref, basis_ref, r)
    out_ref[r] = jnp.dot(xb, w, preferred_element_type=jnp.float32)
  out_ref[R] = jnp.dot(xb, loop_ref[...], preferred_element_type=jnp.float32)


def _project1(x, coef1, basis1, loop1):
  return pl.pallas_call(
      _project1_body,
      grid=(N // BN,),
      in_specs=[
          pl.BlockSpec(memory_space=pltpu.SMEM),
          pl.BlockSpec((B, D, H), lambda i: (0, 0, 0)),
          pl.BlockSpec((D, H), lambda i: (0, 0)),
          pl.BlockSpec((BN, D), lambda i: (i, 0)),
      ],
      out_specs=pl.BlockSpec((RP, BN, H), lambda i: (0, i, 0)),
      out_shape=jax.ShapeDtypeStruct((RP, N, H), jnp.float32),
  )(coef1, basis1, loop1, x)


def _finish1_project2_body(coef_ref, basis_ref, loop_ref, p_ref, t1s_ref,
                           bias_ref, out_ref):
  h = p_ref[0] + p_ref[1] + t1s_ref[0] + bias_ref[...]
  h = jnp.where(h >= 0, h, h * jnp.float32(0.01))
  for r in range(R):
    w = _mk_w(coef_ref, basis_ref, r)
    out_ref[r] = jnp.dot(h, w, preferred_element_type=jnp.float32)
  out_ref[R] = jnp.dot(h, loop_ref[...], preferred_element_type=jnp.float32)


def _finish1_project2(p1, t1, bias1, coef2, basis2, loop2):
  return pl.pallas_call(
      _finish1_project2_body,
      grid=(N // BN,),
      in_specs=[
          pl.BlockSpec(memory_space=pltpu.SMEM),
          pl.BlockSpec((B, H, H), lambda i: (0, 0, 0)),
          pl.BlockSpec((H, H), lambda i: (0, 0)),
          pl.BlockSpec((NC, BN, H), lambda i: (0, i, 0)),
          pl.BlockSpec((1, BN, H), lambda i: (R, i, 0)),
          pl.BlockSpec((1, H), lambda i: (0, 0)),
      ],
      out_specs=pl.BlockSpec((RP, BN, H), lambda i: (0, i, 0)),
      out_shape=jax.ShapeDtypeStruct((RP, N, H), jnp.float32),
  )(coef2, basis2, loop2, p1, t1, bias1)


def _finish2_body(p_ref, t2s_ref, bias_ref, out_ref):
  out_ref[...] = p_ref[0] + p_ref[1] + t2s_ref[0] + bias_ref[...]


def _finish2(p2, t2, bias2):
  return pl.pallas_call(
      _finish2_body,
      grid=(N // BN,),
      in_specs=[
          pl.BlockSpec((NC, BN, H), lambda i: (0, i, 0)),
          pl.BlockSpec((1, BN, H), lambda i: (R, i, 0)),
          pl.BlockSpec((1, H), lambda i: (0, 0)),
      ],
      out_specs=pl.BlockSpec((BN, H), lambda i: (i, 0)),
      out_shape=jax.ShapeDtypeStruct((N, H), jnp.float32),
  )(p2, t2, bias2)


def _sc_scatter_body(table_hbm, gidx_hbm, didx_hbm, out_hbm,
                     gidx_v, didx_v, rows_v, acc_sh, isem, gsem):
  cid = lax.axis_index("c")
  sid = lax.axis_index("s")
  wid = sid * NC + cid

  pltpu.async_copy(gidx_hbm.at[wid, 0], gidx_v.at[0], isem)
  pltpu.async_copy(didx_hbm.at[wid, 0], didx_v.at[0], isem)
  pltpu.make_async_copy(gidx_hbm.at[wid, 0], gidx_v.at[0], isem).wait()
  pltpu.make_async_copy(didx_hbm.at[wid, 0], didx_v.at[0], isem).wait()
  for b in range(NBUF - 1):
    pltpu.async_copy(table_hbm.at[gidx_v.at[0, b]], rows_v.at[b],
                     gsem.at[b])

  zeros16 = jnp.zeros((16,), jnp.float32)

  def _zero_row(i, carry):
    for k in range(H // 16):
      rows_v[NBUF - 1, i, pl.ds(k * 16, 16)] = zeros16
    return carry

  lax.fori_loop(0, DB, _zero_row, 0)
  zsrc = rows_v.at[NBUF - 1, pl.ds(0, DB)]
  for k in range(KDR):
    blk = sid + k * NS

    @pl.when(blk < NDB)
    def _():
      pltpu.sync_copy(zsrc, acc_sh.at[pl.ds(blk * DB, DB)])

  pltpu.async_copy(table_hbm.at[gidx_v.at[0, NBUF - 1]],
                   rows_v.at[NBUF - 1], gsem.at[NBUF - 1])
  plsc.subcore_barrier()

  def _chunk(j, carry):
    m = lax.rem(j, NBUF)
    grp = lax.div(j, G)
    k = lax.rem(j, G)
    slot = lax.rem(grp, 2)

    @pl.when(jnp.logical_and(k == 0, grp + 1 < NGRP))
    def _():
      pltpu.async_copy(gidx_hbm.at[wid, grp + 1], gidx_v.at[1 - slot],
                       isem)
      pltpu.async_copy(didx_hbm.at[wid, grp + 1], didx_v.at[1 - slot],
                       isem)

    pltpu.make_async_copy(
        table_hbm.at[gidx_v.at[slot, k]], rows_v.at[m], gsem.at[m]).wait()
    pltpu.sync_copy(rows_v.at[m], acc_sh.at[didx_v.at[slot, k]], add=True)

    jn = j + NBUF

    @pl.when(jn < NCH)
    def _():
      kn = lax.rem(jn, G)
      grpn = lax.div(jn, G)
      slotn = lax.rem(grpn, 2)

      @pl.when(kn == 0)
      def _():
        pltpu.make_async_copy(
            gidx_hbm.at[wid, grpn], gidx_v.at[slotn], isem).wait()
        pltpu.make_async_copy(
            didx_hbm.at[wid, grpn], didx_v.at[slotn], isem).wait()

      pltpu.async_copy(table_hbm.at[gidx_v.at[slotn, kn]], rows_v.at[m],
                       gsem.at[m])

    return carry

  lax.fori_loop(0, NCH, _chunk, 0)
  plsc.subcore_barrier()

  for k in range(KDR):
    blk = sid + k * NS

    @pl.when(blk < NDB)
    def _():
      sl = pl.ds(blk * DB, DB)
      pltpu.async_copy(acc_sh.at[sl], out_hbm.at[cid, sl], isem)

  for k in range(KDR):
    blk = sid + k * NS

    @pl.when(blk < NDB)
    def _():
      sl = pl.ds(blk * DB, DB)
      pltpu.make_async_copy(acc_sh.at[sl], out_hbm.at[cid, sl],
                            isem).wait()


def _sc_scatter(table, gidx, didx):
  mesh = plsc.VectorSubcoreMesh(
      core_axis_name="c", subcore_axis_name="s", num_cores=NC,
      num_subcores=NS)
  f = pl.kernel(
      _sc_scatter_body,
      out_type=jax.ShapeDtypeStruct((NC, N, H), jnp.float32),
      mesh=mesh,
      scratch_types=[
          pltpu.VMEM((2, G, C), jnp.int32),
          pltpu.VMEM((2, G, C), jnp.int32),
          pltpu.VMEM((NBUF, C, H), jnp.float32),
          pltpu.VMEM_SHARED((N, H), jnp.float32),
          pltpu.SemaphoreType.DMA,
          pltpu.SemaphoreType.DMA((NBUF,)),
      ],
  )
  return f(table, gidx, didx)


def kernel(x, edge_index, etype, basis1, coef1, loop1, bias1,
           basis2, coef2, loop2, bias2):
  src = edge_index[0]
  dst = edge_index[1]
  gidx = (etype * N + src).reshape(NW, NGRP, G, C)
  didx = dst.reshape(NW, NGRP, G, C)

  t1 = _project1(x, coef1, basis1, loop1)
  p1 = _sc_scatter(t1.reshape(RP * N, H), gidx, didx)
  t2 = _finish1_project2(p1, t1, bias1.reshape(1, H), coef2, basis2, loop2)
  p2 = _sc_scatter(t2.reshape(RP * N, H), gidx, didx)
  return _finish2(p2, t2, bias2.reshape(1, H))

# --- scband reference (transcript-rebuilt; emitter-appended) ---
"""Pipeline reference for scband-relational-gcn-8589935118 (READ-ONLY COPY).

The authoritative reference and input builder live on the scoring server;
editing this copy changes nothing except your own understanding.
"""

import jax, jax.numpy as jnp
import numpy as np

N = 10000
E = 320000
D = 128
R = 8
B = 4
H = 128


def setup_inputs(seed: int = 0) -> dict:
    key = jax.random.key(seed)
    ks = jax.random.split(key, 12)
    x = jax.random.normal(ks[0], (N, D), dtype=jnp.float32)
    edge_index = jax.random.randint(ks[1], (2, E), 0, N, dtype=jnp.int32)
    etype = jax.random.randint(ks[2], (E,), 0, R, dtype=jnp.int32)
    # Layer 1 params (RelGraphConv with basis regularizer, self_loop=True, bias=True)
    basis1 = jax.random.normal(ks[3], (B, D, H), dtype=jnp.float32) * 0.05
    coef1 = jax.random.normal(ks[4], (R, B), dtype=jnp.float32) * 0.05
    loop1 = jax.random.normal(ks[5], (D, H), dtype=jnp.float32) * 0.05
    bias1 = jnp.zeros((H,), dtype=jnp.float32)
    # Layer 2 params
    basis2 = jax.random.normal(ks[6], (B, H, H), dtype=jnp.float32) * 0.05
    coef2 = jax.random.normal(ks[7], (R, B), dtype=jnp.float32) * 0.05
    loop2 = jax.random.normal(ks[8], (H, H), dtype=jnp.float32) * 0.05
    bias2 = jnp.zeros((H,), dtype=jnp.float32)
    return {
        "x": x,
        "edge_index": edge_index,
        "etype": etype,
        "basis1": basis1,
        "coef1": coef1,
        "loop1": loop1,
        "bias1": bias1,
        "basis2": basis2,
        "coef2": coef2,
        "loop2": loop2,
        "bias2": bias2,
    }


def _rel_graph_conv(h, edge_index, etype, basis, coef, loop_w, bias):
    # basis-decomposed relation weights: W_r = sum_b coef[r,b] * basis[b]
    src = edge_index[0]
    dst = edge_index[1]
    W = jnp.einsum("rb,bio->rio", coef, basis)  # [R, in, out]
    # project node features under every relation at node granularity (low-mem)
    hw = jnp.einsum("ni,rio->nro", h, W)  # [N, R, out]
    # per-edge message: W_{etype} @ h_src  (gather, SparseCore-friendly)
    msg = hw[src, etype]  # [E, out]
    # sum aggregation over destination nodes (scatter-add)
    agg = jax.ops.segment_sum(msg, dst, num_segments=h.shape[0])
    # self-loop + bias (DGL RelGraphConv defaults)
    return agg + h @ loop_w + bias


def reference(x, edge_index, etype, basis1, coef1, loop1, bias1, basis2, coef2, loop2, bias2):
    h = _rel_graph_conv(x, edge_index, etype, basis1, coef1, loop1, bias1)
    h = jax.nn.leaky_relu(h, negative_slope=0.01)
    h = _rel_graph_conv(h, edge_index, etype, basis2, coef2, loop2, bias2)
    return h

if __name__ == "__main__":
    import jax
    _d = setup_inputs()
    print(jax.jit(kernel)(*tuple(_d.values())))

</pallas_src>

<mosaic_0001>
#map = affine_map<(d0, d1) -> (0, 0)>
#map1 = affine_map<(d0, d1) -> (0, 0, 0, 0)>
#map2 = affine_map<(d0, d1) -> (0, 0, 0)>
module attributes {stable_mosaic.version = 14 : i64} {
  func.func @_sc_scatter_body(%arg0: i32, %arg1: i32, %arg2: memref<90000x128xf32, #tpu.memory_space<hbm>>, %arg3: memref<32x25x5x80xi32, #tpu.memory_space<hbm>>, %arg4: memref<32x25x5x80xi32, #tpu.memory_space<hbm>>, %arg5: memref<2x10000x128xf32, #tpu.memory_space<hbm>>, %arg6: memref<2x5x80xi32, #tpu.memory_space<vmem>>, %arg7: memref<2x5x80xi32, #tpu.memory_space<vmem>>, %arg8: memref<4x80x128xf32, #tpu.memory_space<vmem>>, %arg9: memref<10000x128xf32, #tpu.memory_space<vmem_shared>>, %arg10: memref<!tpu.dma_semaphore, #tpu.memory_space<semaphore_mem>>, %arg11: memref<4x!tpu.dma_semaphore, #tpu.memory_space<semaphore_mem>>) attributes {dimension_semantics = [#tpu.dimension_semantics<core_parallel>, #tpu.dimension_semantics<subcore_parallel>], iteration_bounds = array<i64: 2, 16>, scalar_prefetch = 0 : i64, scratch_operands = 6 : i64, tpu.core_type = #tpu.core_type<sc_vector_subcore>, window_params = [{transform_indices = #map}, {transform_indices = #map1}, {transform_indices = #map1}, {transform_indices = #map2}]} {
    %mul3A = arith.constant 2 : i32
    %mul3A_0 = arith.muli %arg1, %mul3A : i32
    %add3A = arith.addi %mul3A_0, %arg0 : i32
    %dma_start3A = arith.constant 0 : i32
    %dma_start3A_1 = arith.constant 0 : i32
    %dma_start3A_2 = arith.constant 0 : i32
    %dma_start3A_3 = arith.constant 0 : i32
    %dma_start3A_4 = tpu.memref_slice %arg6[%dma_start3A_1, %dma_start3A_2, %dma_start3A_3] : memref<2x5x80xi32, #tpu.memory_space<vmem>> -> memref<1x5x80xi32, #tpu.memory_space<vmem>>
    %dma_start3A_5 = tpu.memref_squeeze %dma_start3A_4 : memref<1x5x80xi32, #tpu.memory_space<vmem>> -> memref<5x80xi32, #tpu.memory_space<vmem>>
    %dma_start3A_6 = arith.constant 0 : i32
    %dma_start3A_7 = arith.constant 0 : i32
    %dma_start3A_8 = tpu.memref_slice %arg3[%add3A, %dma_start3A, %dma_start3A_6, %dma_start3A_7] : memref<32x25x5x80xi32, #tpu.memory_space<hbm>> -> memref<1x1x5x80xi32, #tpu.memory_space<hbm>>
    %dma_start3A_9 = tpu.memref_squeeze %dma_start3A_8 : memref<1x1x5x80xi32, #tpu.memory_space<hbm>> -> memref<5x80xi32, #tpu.memory_space<hbm>>
    %dma_start3A_10 = arith.constant 0 : i32
    %dma_start3A_11 = arith.constant 0 : i32
    %dma_start3A_12 = tpu.memref_slice %arg6[%dma_start3A_1, %dma_start3A_10, %dma_start3A_11] : memref<2x5x80xi32, #tpu.memory_space<vmem>> -> memref<1x5x80xi32, #tpu.memory_space<vmem>>
    %dma_start3A_13 = tpu.memref_squeeze %dma_start3A_12 : memref<1x5x80xi32, #tpu.memory_space<vmem>> -> memref<5x80xi32, #tpu.memory_space<vmem>>
    %dma_start3A_14 = arith.constant 0 : i32
    %dma_start3A_15 = arith.constant 0 : i32
    %dma_start3A_16 = tpu.memref_slice %arg3[%add3A, %dma_start3A, %dma_start3A_14, %dma_start3A_15] : memref<32x25x5x80xi32, #tpu.memory_space<hbm>> -> memref<1x1x5x80xi32, #tpu.memory_space<hbm>>
    %dma_start3A_17 = tpu.memref_squeeze %dma_start3A_16 : memref<1x1x5x80xi32, #tpu.memory_space<hbm>> -> memref<5x80xi32, #tpu.memory_space<hbm>>
    tpu.enqueue_dma source(%dma_start3A_17 : memref<5x80xi32, #tpu.memory_space<hbm>>) target(%dma_start3A_13 : memref<5x80xi32, #tpu.memory_space<vmem>>) target_semaphore(%arg10 : memref<!tpu.dma_semaphore, #tpu.memory_space<semaphore_mem>>)
    %dma_start3A_18 = arith.constant 0 : i32
    %dma_start3A_19 = arith.constant 0 : i32
    %dma_start3A_20 = arith.constant 0 : i32
    %dma_start3A_21 = arith.constant 0 : i32
    %dma_start3A_22 = tpu.memref_slice %arg7[%dma_start3A_19, %dma_start3A_20, %dma_start3A_21] : memref<2x5x80xi32, #tpu.memory_space<vmem>> -> memref<1x5x80xi32, #tpu.memory_space<vmem>>
    %dma_start3A_23 = tpu.memref_squeeze %dma_start3A_22 : memref<1x5x80xi32, #tpu.memory_space<vmem>> -> memref<5x80xi32, #tpu.memory_space<vmem>>
    %dma_start3A_24 = arith.constant 0 : i32
    %dma_start3A_25 = arith.constant 0 : i32
    %dma_start3A_26 = tpu.memref_slice %arg4[%add3A, %dma_start3A_18, %dma_start3A_24, %dma_start3A_25] : memref<32x25x5x80xi32, #tpu.memory_space<hbm>> -> memref<1x1x5x80xi32, #tpu.memory_space<hbm>>
    %dma_start3A_27 = tpu.memref_squeeze %dma_start3A_26 : memref<1x1x5x80xi32, #tpu.memory_space<hbm>> -> memref<5x80xi32, #tpu.memory_space<hbm>>
    %dma_start3A_28 = arith.constant 0 : i32
    %dma_start3A_29 = arith.constant 0 : i32
    %dma_start3A_30 = tpu.memref_slice %arg7[%dma_start3A_19, %dma_start3A_28, %dma_start3A_29] : memref<2x5x80xi32, #tpu.memory_space<vmem>> -> memref<1x5x80xi32, #tpu.memory_space<vmem>>
    %dma_start3A_31 = tpu.memref_squeeze %dma_start3A_30 : memref<1x5x80xi32, #tpu.memory_space<vmem>> -> memref<5x80xi32, #tpu.memory_space<vmem>>
    %dma_start3A_32 = arith.constant 0 : i32
    %dma_start3A_33 = arith.constant 0 : i32
    %dma_start3A_34 = tpu.memref_slice %arg4[%add3A, %dma_start3A_18, %dma_start3A_32, %dma_start3A_33] : memref<32x25x5x80xi32, #tpu.memory_space<hbm>> -> memref<1x1x5x80xi32, #tpu.memory_space<hbm>>
    %dma_start3A_35 = tpu.memref_squeeze %dma_start3A_34 : memref<1x1x5x80xi32, #tpu.memory_space<hbm>> -> memref<5x80xi32, #tpu.memory_space<hbm>>
    tpu.enqueue_dma source(%dma_start3A_35 : memref<5x80xi32, #tpu.memory_space<hbm>>) target(%dma_start3A_31 : memref<5x80xi32, #tpu.memory_space<vmem>>) target_semaphore(%arg10 : memref<!tpu.dma_semaphore, #tpu.memory_space<semaphore_mem>>)
    %dma_wait3A = arith.constant 0 : i32
    %dma_wait3A_36 = arith.constant 0 : i32
    %dma_wait3A_37 = arith.constant 0 : i32
    %dma_wait3A_38 = arith.constant 0 : i32
    %dma_wait3A_39 = tpu.memref_slice %arg6[%dma_wait3A_36, %dma_wait3A_37, %dma_wait3A_38] : memref<2x5x80xi32, #tpu.memory_space<vmem>> -> memref<1x5x80xi32, #tpu.memory_space<vmem>>
    %dma_wait3A_40 = tpu.memref_squeeze %dma_wait3A_39 : memref<1x5x80xi32, #tpu.memory_space<vmem>> -> memref<5x80xi32, #tpu.memory_space<vmem>>
    %dma_wait3A_41 = arith.constant 0 : i32
    %dma_wait3A_42 = arith.constant 0 : i32
    %dma_wait3A_43 = tpu.memref_slice %arg3[%add3A, %dma_wait3A, %dma_wait3A_41, %dma_wait3A_42] : memref<32x25x5x80xi32, #tpu.memory_space<hbm>> -> memref<1x1x5x80xi32, #tpu.memory_space<hbm>>
    %dma_wait3A_44 = tpu.memref_squeeze %dma_wait3A_43 : memref<1x1x5x80xi32, #tpu.memory_space<hbm>> -> memref<5x80xi32, #tpu.memory_space<hbm>>
    %dma_wait3A_45 = arith.constant 0 : i32
    %dma_wait3A_46 = arith.constant 0 : i32
    %dma_wait3A_47 = tpu.memref_slice %arg6[%dma_wait3A_36, %dma_wait3A_45, %dma_wait3A_46] : memref<2x5x80xi32, #tpu.memory_space<vmem>> -> memref<1x5x80xi32, #tpu.memory_space<vmem>>
    %dma_wait3A_48 = tpu.memref_squeeze %dma_wait3A_47 : memref<1x5x80xi32, #tpu.memory_space<vmem>> -> memref<5x80xi32, #tpu.memory_space<vmem>>
    %dma_wait3A_49 = arith.constant 0 : i32
    %dma_wait3A_50 = arith.constant 0 : i32
    %dma_wait3A_51 = tpu.memref_slice %arg3[%add3A, %dma_wait3A, %dma_wait3A_49, %dma_wait3A_50] : memref<32x25x5x80xi32, #tpu.memory_space<hbm>> -> memref<1x1x5x80xi32, #tpu.memory_space<hbm>>
    %dma_wait3A_52 = tpu.memref_squeeze %dma_wait3A_51 : memref<1x1x5x80xi32, #tpu.memory_space<hbm>> -> memref<5x80xi32, #tpu.memory_space<hbm>>
    tpu.wait_dma2 semaphore(%arg10 : memref<!tpu.dma_semaphore, #tpu.memory_space<semaphore_mem>>) src(%dma_wait3A_52 : memref<5x80xi32, #tpu.memory_space<hbm>>) dst(%dma_wait3A_48 : memref<5x80xi32, #tpu.memory_space<vmem>>)
    %dma_wait3A_53 = arith.constant 0 : i32
    %dma_wait3A_54 = arith.constant 0 : i32
    %dma_wait3A_55 = arith.constant 0 : i32
    %dma_wait3A_56 = arith.constant 0 : i32
    %dma_wait3A_57 = tpu.memref_slice %arg7[%dma_wait3A_54, %dma_wait3A_55, %dma_wait3A_56] : memref<2x5x80xi32, #tpu.memory_space<vmem>> -> memref<1x5x80xi32, #tpu.memory_space<vmem>>
    %dma_wait3A_58 = tpu.memref_squeeze %dma_wait3A_57 : memref<1x5x80xi32, #tpu.memory_space<vmem>> -> memref<5x80xi32, #tpu.memory_space<vmem>>
    %dma_wait3A_59 = arith.constant 0 : i32
    %dma_wait3A_60 = arith.constant 0 : i32
    %dma_wait3A_61 = tpu.memref_slice %arg4[%add3A, %dma_wait3A_53, %dma_wait3A_59, %dma_wait3A_60] : memref<32x25x5x80xi32, #tpu.memory_space<hbm>> -> memref<1x1x5x80xi32, #tpu.memory_space<hbm>>
    %dma_wait3A_62 = tpu.memref_squeeze %dma_wait3A_61 : memref<1x1x5x80xi32, #tpu.memory_space<hbm>> -> memref<5x80xi32, #tpu.memory_space<hbm>>
    %dma_wait3A_63 = arith.constant 0 : i32
    %dma_wait3A_64 = arith.constant 0 : i32
    %dma_wait3A_65 = tpu.memref_slice %arg7[%dma_wait3A_54, %dma_wait3A_63, %dma_wait3A_64] : memref<2x5x80xi32, #tpu.memory_space<vmem>> -> memref<1x5x80xi32, #tpu.memory_space<vmem>>
    %dma_wait3A_66 = tpu.memref_squeeze %dma_wait3A_65 : memref<1x5x80xi32, #tpu.memory_space<vmem>> -> memref<5x80xi32, #tpu.memory_space<vmem>>
    %dma_wait3A_67 = arith.constant 0 : i32
    %dma_wait3A_68 = arith.constant 0 : i32
    %dma_wait3A_69 = tpu.memref_slice %arg4[%add3A, %dma_wait3A_53, %dma_wait3A_67, %dma_wait3A_68] : memref<32x25x5x80xi32, #tpu.memory_space<hbm>> -> memref<1x1x5x80xi32, #tpu.memory_space<hbm>>
    %dma_wait3A_70 = tpu.memref_squeeze %dma_wait3A_69 : memref<1x1x5x80xi32, #tpu.memory_space<hbm>> -> memref<5x80xi32, #tpu.memory_space<hbm>>
    tpu.wait_dma2 semaphore(%arg10 : memref<!tpu.dma_semaphore, #tpu.memory_space<semaphore_mem>>) src(%dma_wait3A_70 : memref<5x80xi32, #tpu.memory_space<hbm>>) dst(%dma_wait3A_66 : memref<5x80xi32, #tpu.memory_space<vmem>>)
    %dma_start3A_71 = arith.constant 0 : i32
    %dma_start3A_72 = arith.constant 0 : i32
    %dma_start3A_73 = arith.constant 0 : i32
    %dma_start3A_74 = arith.constant 0 : i32
    %dma_start3A_75 = arith.constant 0 : i32
    %dma_start3A_76 = arith.constant 0 : i32
    %dma_start3A_77 = tpu.memref_slice %arg8[%dma_start3A_73, %dma_start3A_75, %dma_start3A_76] : memref<4x80x128xf32, #tpu.memory_space<vmem>> -> memref<1x80x128xf32, #tpu.memory_space<vmem>>
    %dma_start3A_78 = tpu.memref_squeeze %dma_start3A_77 : memref<1x80x128xf32, #tpu.memory_space<vmem>> -> memref<80x128xf32, #tpu.memory_space<vmem>>
    %dma_start3A_79 = arith.constant 0 : i32
    %dma_start3A_80 = tpu.memref_slice %arg6[%dma_start3A_71, %dma_start3A_72, %dma_start3A_79] : memref<2x5x80xi32, #tpu.memory_space<vmem>> -> memref<1x1x80xi32, #tpu.memory_space<vmem>>
    %dma_start3A_81 = tpu.memref_squeeze %dma_start3A_80 : memref<1x1x80xi32, #tpu.memory_space<vmem>> -> memref<80xi32, #tpu.memory_space<vmem>>
    %dma_start3A_82 = arith.constant 0 : i32
    %dma_start3A_83 = arith.constant 0 : i32
    %dma_start3A_84 = tpu.memref_slice %arg2[%dma_start3A_82, %dma_start3A_83] : memref<90000x128xf32, #tpu.memory_space<hbm>> -> memref<90000x128xf32, #tpu.memory_space<hbm>>
    %dma_start3A_85 = tpu.memref_slice %arg11[%dma_start3A_74] : memref<4x!tpu.dma_semaphore, #tpu.memory_space<semaphore_mem>> -> memref<1x!tpu.dma_semaphore, #tpu.memory_space<semaphore_mem>>
    %dma_start3A_86 = tpu.memref_squeeze %dma_start3A_85 : memref<1x!tpu.dma_semaphore, #tpu.memory_space<semaphore_mem>> -> memref<!tpu.dma_semaphore, #tpu.memory_space<semaphore_mem>>
    tpu.enqueue_indirect_dma source(%dma_start3A_84 : memref<90000x128xf32, #tpu.memory_space<hbm>>) target(%dma_start3A_78 : memref<80x128xf32, #tpu.memory_space<vmem>>) offsets(%dma_start3A_81 : memref<80xi32, #tpu.memory_space<vmem>>) semaphore(%dma_start3A_86 : memref<!tpu.dma_semaphore, #tpu.memory_space<semaphore_mem>>)
    %dma_start3A_87 = arith.constant 0 : i32
    %dma_start3A_88 = arith.constant 1 : i32
    %dma_start3A_89 = arith.constant 1 : i32
    %dma_start3A_90 = arith.constant 1 : i32
    %dma_start3A_91 = arith.constant 0 : i32
    %dma_start3A_92 = arith.constant 0 : i32
    %dma_start3A_93 = tpu.memref_slice %arg8[%dma_start3A_89, %dma_start3A_91, %dma_start3A_92] : memref<4x80x128xf32, #tpu.memory_space<vmem>> -> memref<1x80x128xf32, #tpu.memory_space<vmem>>
    %dma_start3A_94 = tpu.memref_squeeze %dma_start3A_93 : memref<1x80x128xf32, #tpu.memory_space<vmem>> -> memref<80x128xf32, #tpu.memory_space<vmem>>
    %dma_start3A_95 = arith.constant 0 : i32
    %dma_start3A_96 = tpu.memref_slice %arg6[%dma_start3A_87, %dma_start3A_88, %dma_start3A_95] : memref<2x5x80xi32, #tpu.memory_space<vmem>> -> memref<1x1x80xi32, #tpu.memory_space<vmem>>
    %dma_start3A_97 = tpu.memref_squeeze %dma_start3A_96 : memref<1x1x80xi32, #tpu.memory_space<vmem>> -> memref<80xi32, #tpu.memory_space<vmem>>
    %dma_start3A_98 = arith.constant 0 : i32
    %dma_start3A_99 = arith.constant 0 : i32
    %dma_start3A_100 = tpu.memref_slice %arg2[%dma_start3A_98, %dma_start3A_99] : memref<90000x128xf32, #tpu.memory_space<hbm>> -> memref<90000x128xf32, #tpu.memory_space<hbm>>
    %dma_start3A_101 = tpu.memref_slice %arg11[%dma_start3A_90] : memref<4x!tpu.dma_semaphore, #tpu.memory_space<semaphore_mem>> -> memref<1x!tpu.dma_semaphore, #tpu.memory_space<semaphore_mem>>
    %dma_start3A_102 = tpu.memref_squeeze %dma_start3A_101 : memref<1x!tpu.dma_semaphore, #tpu.memory_space<semaphore_mem>> -> memref<!tpu.dma_semaphore, #tpu.memory_space<semaphore_mem>>
    tpu.enqueue_indirect_dma source(%dma_start3A_100 : memref<90000x128xf32, #tpu.memory_space<hbm>>) target(%dma_start3A_94 : memref<80x128xf32, #tpu.memory_space<vmem>>) offsets(%dma_start3A_97 : memref<80xi32, #tpu.memory_space<vmem>>) semaphore(%dma_start3A_102 : memref<!tpu.dma_semaphore, #tpu.memory_space<semaphore_mem>>)
    %dma_start3A_103 = arith.constant 0 : i32
    %dma_start3A_104 = arith.constant 2 : i32
    %dma_start3A_105 = arith.constant 2 : i32
    %dma_start3A_106 = arith.constant 2 : i32
    %dma_start3A_107 = arith.constant 0 : i32
    %dma_start3A_108 = arith.constant 0 : i32
    %dma_start3A_109 = tpu.memref_slice %arg8[%dma_start3A_105, %dma_start3A_107, %dma_start3A_108] : memref<4x80x128xf32, #tpu.memory_space<vmem>> -> memref<1x80x128xf32, #tpu.memory_space<vmem>>
    %dma_start3A_110 = tpu.memref_squeeze %dma_start3A_109 : memref<1x80x128xf32, #tpu.memory_space<vmem>> -> memref<80x128xf32, #tpu.memory_space<vmem>>
    %dma_start3A_111 = arith.constant 0 : i32
    %dma_start3A_112 = tpu.memref_slice %arg6[%dma_start3A_103, %dma_start3A_104, %dma_start3A_111] : memref<2x5x80xi32, #tpu.memory_space<vmem>> -> memref<1x1x80xi32, #tpu.memory_space<vmem>>
    %dma_start3A_113 = tpu.memref_squeeze %dma_start3A_112 : memref<1x1x80xi32, #tpu.memory_space<vmem>> -> memref<80xi32, #tpu.memory_space<vmem>>
    %dma_start3A_114 = arith.constant 0 : i32
    %dma_start3A_115 = arith.constant 0 : i32
    %dma_start3A_116 = tpu.memref_slice %arg2[%dma_start3A_114, %dma_start3A_115] : memref<90000x128xf32, #tpu.memory_space<hbm>> -> memref<90000x128xf32, #tpu.memory_space<hbm>>
    %dma_start3A_117 = tpu.memref_slice %arg11[%dma_start3A_106] : memref<4x!tpu.dma_semaphore, #tpu.memory_space<semaphore_mem>> -> memref<1x!tpu.dma_semaphore, #tpu.memory_space<semaphore_mem>>
    %dma_start3A_118 = tpu.memref_squeeze %dma_start3A_117 : memref<1x!tpu.dma_semaphore, #tpu.memory_space<semaphore_mem>> -> memref<!tpu.dma_semaphore, #tpu.memory_space<semaphore_mem>>
    tpu.enqueue_indirect_dma source(%dma_start3A_116 : memref<90000x128xf32, #tpu.memory_space<hbm>>) target(%dma_start3A_110 : memref<80x128xf32, #tpu.memory_space<vmem>>) offsets(%dma_start3A_113 : memref<80xi32, #tpu.memory_space<vmem>>) semaphore(%dma_start3A_118 : memref<!tpu.dma_semaphore, #tpu.memory_space<semaphore_mem>>)
    %broadcast_in_dim3A = arith.constant 0.000000e+00 : f32
    %broadcast_in_dim3A_119 = vector.broadcast %broadcast_in_dim3A : f32 to vector<16xf32>
    %scan3A = arith.constant 0 : i32
    %scan3A_120 = arith.constant 0 : i32
    %scan3A_121 = arith.constant 80 : i32
    %scan3A_122 = arith.addi %scan3A_120, %scan3A_121 : i32
    %scan3A_123 = arith.constant 1 : i32
    scf.for %scan3A_321 = %scan3A_120 to %scan3A_122 step %scan3A_123  : i32 {
      %swap3A = arith.constant 3 : i32
      %swap3A_322 = arith.index_cast %swap3A : i32 to index
      %swap3A_323 = arith.index_cast %scan3A_321 : i32 to index
      %swap3A_324 = arith.constant 0 : index
      %swap3A_325 = tpu.vector_load %arg8[%swap3A_322, %swap3A_323, %swap3A_324] {strides = array<i32>} : memref<4x80x128xf32, #tpu.memory_space<vmem>>, vector<1x1x16xf32>,
      %swap3A_326 = vector.shape_cast %swap3A_325 : vector<1x1x16xf32> to vector<16xf32>
      %swap3A_327 = vector.shape_cast %broadcast_in_dim3A_119 : vector<16xf32> to vector<1x1x16xf32>
      tpu.vector_store %arg8[%swap3A_322, %swap3A_323, %swap3A_324], %swap3A_327 {strides = array<i32>} : memref<4x80x128xf32, #tpu.memory_space<vmem>>, vector<1x1x16xf32>,
      %swap3A_328 = arith.constant 3 : i32
      %swap3A_329 = arith.index_cast %swap3A_328 : i32 to index
      %swap3A_330 = arith.index_cast %scan3A_321 : i32 to index
      %swap3A_331 = arith.constant 16 : index
      %swap3A_332 = tpu.vector_load %arg8[%swap3A_329, %swap3A_330, %swap3A_331] {strides = array<i32>} : memref<4x80x128xf32, #tpu.memory_space<vmem>>, vector<1x1x16xf32>,
      %swap3A_333 = vector.shape_cast %swap3A_332 : vector<1x1x16xf32> to vector<16xf32>
      %swap3A_334 = vector.shape_cast %broadcast_in_dim3A_119 : vector<16xf32> to vector<1x1x16xf32>
      tpu.vector_store %arg8[%swap3A_329, %swap3A_330, %swap3A_331], %swap3A_334 {strides = array<i32>} : memref<4x80x128xf32, #tpu.memory_space<vmem>>, vector<1x1x16xf32>,
      %swap3A_335 = arith.constant 3 : i32
      %swap3A_336 = arith.index_cast %swap3A_335 : i32 to index
      %swap3A_337 = arith.index_cast %scan3A_321 : i32 to index
      %swap3A_338 = arith.constant 32 : index
      %swap3A_339 = tpu.vector_load %arg8[%swap3A_336, %swap3A_337, %swap3A_338] {strides = array<i32>} : memref<4x80x128xf32, #tpu.memory_space<vmem>>, vector<1x1x16xf32>,
      %swap3A_340 = vector.shape_cast %swap3A_339 : vector<1x1x16xf32> to vector<16xf32>
      %swap3A_341 = vector.shape_cast %broadcast_in_dim3A_119 : vector<16xf32> to vector<1x1x16xf32>
      tpu.vector_store %arg8[%swap3A_336, %swap3A_337, %swap3A_338], %swap3A_341 {strides = array<i32>} : memref<4x80x128xf32, #tpu.memory_space<vmem>>, vector<1x1x16xf32>,
      %swap3A_342 = arith.constant 3 : i32
      %swap3A_343 = arith.index_cast %swap3A_342 : i32 to index
      %swap3A_344 = arith.index_cast %scan3A_321 : i32 to index
      %swap3A_345 = arith.constant 48 : index
      %swap3A_346 = tpu.vector_load %arg8[%swap3A_343, %swap3A_344, %swap3A_345] {strides = array<i32>} : memref<4x80x128xf32, #tpu.memory_space<vmem>>, vector<1x1x16xf32>,
      %swap3A_347 = vector.shape_cast %swap3A_346 : vector<1x1x16xf32> to vector<16xf32>
      %swap3A_348 = vector.shape_cast %broadcast_in_dim3A_119 : vector<16xf32> to vector<1x1x16xf32>
      tpu.vector_store %arg8[%swap3A_343, %swap3A_344, %swap3A_345], %swap3A_348 {strides = array<i32>} : memref<4x80x128xf32, #tpu.memory_space<vmem>>, vector<1x1x16xf32>,
      %swap3A_349 = arith.constant 3 : i32
      %swap3A_350 = arith.index_cast %swap3A_349 : i32 to index
      %swap3A_351 = arith.index_cast %scan3A_321 : i32 to index
      %swap3A_352 = arith.constant 64 : index
      %swap3A_353 = tpu.vector_load %arg8[%swap3A_350, %swap3A_351, %swap3A_352] {strides = array<i32>} : memref<4x80x128xf32, #tpu.memory_space<vmem>>, vector<1x1x16xf32>,
      %swap3A_354 = vector.shape_cast %swap3A_353 : vector<1x1x16xf32> to vector<16xf32>
      %swap3A_355 = vector.shape_cast %broadcast_in_dim3A_119 : vector<16xf32> to vector<1x1x16xf32>
      tpu.vector_store %arg8[%swap3A_350, %swap3A_351, %swap3A_352], %swap3A_355 {strides = array<i32>} : memref<4x80x128xf32, #tpu.memory_space<vmem>>, vector<1x1x16xf32>,
      %swap3A_356 = arith.constant 3 : i32
      %swap3A_357 = arith.index_cast %swap3A_356 : i32 to index
      %swap3A_358 = arith.index_cast %scan3A_321 : i32 to index
      %swap3A_359 = arith.constant 80 : index
      %swap3A_360 = tpu.vector_load %arg8[%swap3A_357, %swap3A_358, %swap3A_359] {strides = array<i32>} : memref<4x80x128xf32, #tpu.memory_space<vmem>>, vector<1x1x16xf32>,
      %swap3A_361 = vector.shape_cast %swap3A_360 : vector<1x1x16xf32> to vector<16xf32>
      %swap3A_362 = vector.shape_cast %broadcast_in_dim3A_119 : vector<16xf32> to vector<1x1x16xf32>
      tpu.vector_store %arg8[%swap3A_357, %swap3A_358, %swap3A_359], %swap3A_362 {strides = array<i32>} : memref<4x80x128xf32, #tpu.memory_space<vmem>>, vector<1x1x16xf32>,
      %swap3A_363 = arith.constant 3 : i32
      %swap3A_364 = arith.index_cast %swap3A_363 : i32 to index
      %swap3A_365 = arith.index_cast %scan3A_321 : i32 to index
      %swap3A_366 = arith.constant 96 : index
      %swap3A_367 = tpu.vector_load %arg8[%swap3A_364, %swap3A_365, %swap3A_366] {strides = array<i32>} : memref<4x80x128xf32, #tpu.memory_space<vmem>>, vector<1x1x16xf32>,
      %swap3A_368 = vector.shape_cast %swap3A_367 : vector<1x1x16xf32> to vector<16xf32>
      %swap3A_369 = vector.shape_cast %broadcast_in_dim3A_119 : vector<16xf32> to vector<1x1x16xf32>
      tpu.vector_store %arg8[%swap3A_364, %swap3A_365, %swap3A_366], %swap3A_369 {strides = array<i32>} : memref<4x80x128xf32, #tpu.memory_space<vmem>>, vector<1x1x16xf32>,
      %swap3A_370 = arith.constant 3 : i32
      %swap3A_371 = arith.index_cast %swap3A_370 : i32 to index
      %swap3A_372 = arith.index_cast %scan3A_321 : i32 to index
      %swap3A_373 = arith.constant 112 : index
      %swap3A_374 = tpu.vector_load %arg8[%swap3A_371, %swap3A_372, %swap3A_373] {strides = array<i32>} : memref<4x80x128xf32, #tpu.memory_space<vmem>>, vector<1x1x16xf32>,
      %swap3A_375 = vector.shape_cast %swap3A_374 : vector<1x1x16xf32> to vector<16xf32>
      %swap3A_376 = vector.shape_cast %broadcast_in_dim3A_119 : vector<16xf32> to vector<1x1x16xf32>
      tpu.vector_store %arg8[%swap3A_371, %swap3A_372, %swap3A_373], %swap3A_376 {strides = array<i32>} : memref<4x80x128xf32, #tpu.memory_space<vmem>>, vector<1x1x16xf32>,
    }
    %scan3A_124 = arith.constant 80 : i32
    %add3A_125 = arith.constant 0 : i32
    %add3A_126 = arith.addi %arg1, %add3A_125 : i32
    %lt3A = arith.constant 125 : i32
    %lt3A_127 = arith.cmpi slt, %add3A_126, %lt3A : i32
    %convert_element_type3A = arith.extui %lt3A_127 : i1 to i32
    %cond3A = arith.constant 3 : i32
    %cond3A_128 = arith.constant 0 : i32
    %cond3A_129 = arith.cmpi ne, %convert_element_type3A, %cond3A_128 : i32
    scf.if %cond3A_129 {
      %mul3A_321 = arith.constant 80 : i32
      %mul3A_322 = arith.muli %add3A_126, %mul3A_321 : i32
      "tpu.region"() ({
        %run_scoped3A = tpu.sem_alloc : memref<!tpu.dma_semaphore, #tpu.memory_space<semaphore_mem>>
        %dma_start3A_323 = arith.constant 0 : i32
        %dma_start3A_324 = arith.constant 0 : i32
        %dma_start3A_325 = tpu.memref_slice %arg8[%cond3A, %dma_start3A_323, %dma_start3A_324] : memref<4x80x128xf32, #tpu.memory_space<vmem>> -> memref<1x80x128xf32, #tpu.memory_space<vmem>>
        %dma_start3A_326 = tpu.memref_squeeze %dma_start3A_325 : memref<1x80x128xf32, #tpu.memory_space<vmem>> -> memref<80x128xf32, #tpu.memory_space<vmem>>
        %dma_start3A_327 = arith.constant 0 : i32
        %dma_start3A_328 = tpu.memref_slice %arg9[%mul3A_322, %dma_start3A_327] : memref<10000x128xf32, #tpu.memory_space<vmem_shared>> -> memref<80x128xf32, #tpu.memory_space<vmem_shared>>
        %dma_start3A_329 = arith.constant 0 : i32
        %dma_start3A_330 = tpu.memref_slice %arg9[%mul3A_322, %dma_start3A_329] : memref<10000x128xf32, #tpu.memory_space<vmem_shared>> -> memref<80x128xf32, #tpu.memory_space<vmem_shared>>
        %dma_start3A_331 = arith.constant 0 : i32
        %dma_start3A_332 = arith.constant 0 : i32
        %dma_start3A_333 = tpu.memref_slice %arg8[%cond3A, %dma_start3A_331, %dma_start3A_332] : memref<4x80x128xf32, #tpu.memory_space<vmem>> -> memref<1x80x128xf32, #tpu.memory_space<vmem>>
        %dma_start3A_334 = tpu.memref_squeeze %dma_start3A_333 : memref<1x80x128xf32, #tpu.memory_space<vmem>> -> memref<80x128xf32, #tpu.memory_space<vmem>>
        tpu.enqueue_dma source(%dma_start3A_334 : memref<80x128xf32, #tpu.memory_space<vmem>>) target(%dma_start3A_330 : memref<80x128xf32, #tpu.memory_space<vmem_shared>>) target_semaphore(%run_scoped3A : memref<!tpu.dma_semaphore, #tpu.memory_space<semaphore_mem>>)
        %dma_wait3A_335 = arith.constant 0 : i32
        %dma_wait3A_336 = arith.constant 0 : i32
        %dma_wait3A_337 = tpu.memref_slice %arg8[%cond3A, %dma_wait3A_335, %dma_wait3A_336] : memref<4x80x128xf32, #tpu.memory_space<vmem>> -> memref<1x80x128xf32, #tpu.memory_space<vmem>>
        %dma_wait3A_338 = tpu.memref_squeeze %dma_wait3A_337 : memref<1x80x128xf32, #tpu.memory_space<vmem>> -> memref<80x128xf32, #tpu.memory_space<vmem>>
        %dma_wait3A_339 = arith.constant 0 : i32
        %dma_wait3A_340 = tpu.memref_slice %arg9[%mul3A_322, %dma_wait3A_339] : memref<10000x128xf32, #tpu.memory_space<vmem_shared>> -> memref<80x128xf32, #tpu.memory_space<vmem_shared>>
        %dma_wait3A_341 = arith.constant 0 : i32
        %dma_wait3A_342 = tpu.memref_slice %arg9[%mul3A_322, %dma_wait3A_341] : memref<10000x128xf32, #tpu.memory_space<vmem_shared>> -> memref<80x128xf32, #tpu.memory_space<vmem_shared>>
        %dma_wait3A_343 = arith.constant 0 : i32
        %dma_wait3A_344 = arith.constant 0 : i32
        %dma_wait3A_345 = tpu.memref_slice %arg8[%cond3A, %dma_wait3A_343, %dma_wait3A_344] : memref<4x80x128xf32, #tpu.memory_space<vmem>> -> memref<1x80x128xf32, #tpu.memory_space<vmem>>
        %dma_wait3A_346 = tpu.memref_squeeze %dma_wait3A_345 : memref<1x80x128xf32, #tpu.memory_space<vmem>> -> memref<80x128xf32, #tpu.memory_space<vmem>>
        tpu.wait_dma2 semaphore(%run_scoped3A : memref<!tpu.dma_semaphore, #tpu.memory_space<semaphore_mem>>) src(%dma_wait3A_346 : memref<80x128xf32, #tpu.memory_space<vmem>>) dst(%dma_wait3A_342 : memref<80x128xf32, #tpu.memory_space<vmem_shared>>)
        tpu.yield
      }) : () -> ()
    } else {
    }
    %add3A_130 = arith.constant 16 : i32
    %add3A_131 = arith.addi %arg1, %add3A_130 : i32
    %lt3A_132 = arith.constant 125 : i32
    %lt3A_133 = arith.cmpi slt, %add3A_131, %lt3A_132 : i32
    %convert_element_type3A_134 = arith.extui %lt3A_133 : i1 to i32
    %cond3A_135 = arith.constant 3 : i32
    %cond3A_136 = arith.constant 0 : i32
    %cond3A_137 = arith.cmpi ne, %convert_element_type3A_134, %cond3A_136 : i32
    scf.if %cond3A_137 {
      %mul3A_321 = arith.constant 80 : i32
      %mul3A_322 = arith.muli %add3A_131, %mul3A_321 : i32
      "tpu.region"() ({
        %run_scoped3A = tpu.sem_alloc : memref<!tpu.dma_semaphore, #tpu.memory_space<semaphore_mem>>
        %dma_start3A_323 = arith.constant 0 : i32
        %dma_start3A_324 = arith.constant 0 : i32
        %dma_start3A_325 = tpu.memref_slice %arg8[%cond3A_135, %dma_start3A_323, %dma_start3A_324] : memref<4x80x128xf32, #tpu.memory_space<vmem>> -> memref<1x80x128xf32, #tpu.memory_space<vmem>>
        %dma_start3A_326 = tpu.memref_squeeze %dma_start3A_325 : memref<1x80x128xf32, #tpu.memory_space<vmem>> -> memref<80x128xf32, #tpu.memory_space<vmem>>
        %dma_start3A_327 = arith.constant 0 : i32
        %dma_start3A_328 = tpu.memref_slice %arg9[%mul3A_322, %dma_start3A_327] : memref<10000x128xf32, #tpu.memory_space<vmem_shared>> -> memref<80x128xf32, #tpu.memory_space<vmem_shared>>
        %dma_start3A_329 = arith.constant 0 : i32
        %dma_start3A_330 = tpu.memref_slice %arg9[%mul3A_322, %dma_start3A_329] : memref<10000x128xf32, #tpu.memory_space<vmem_shared>> -> memref<80x128xf32, #tpu.memory_space<vmem_shared>>
        %dma_start3A_331 = arith.constant 0 : i32
        %dma_start3A_332 = arith.constant 0 : i32
        %dma_start3A_333 = tpu.memref_slice %arg8[%cond3A_135, %dma_start3A_331, %dma_start3A_332] : memref<4x80x128xf32, #tpu.memory_space<vmem>> -> memref<1x80x128xf32, #tpu.memory_space<vmem>>
        %dma_start3A_334 = tpu.memref_squeeze %dma_start3A_333 : memref<1x80x128xf32, #tpu.memory_space<vmem>> -> memref<80x128xf32, #tpu.memory_space<vmem>>
        tpu.enqueue_dma source(%dma_start3A_334 : memref<80x128xf32, #tpu.memory_space<vmem>>) target(%dma_start3A_330 : memref<80x128xf32, #tpu.memory_space<vmem_shared>>) target_semaphore(%run_scoped3A : memref<!tpu.dma_semaphore, #tpu.memory_space<semaphore_mem>>)
        %dma_wait3A_335 = arith.constant 0 : i32
        %dma_wait3A_336 = arith.constant 0 : i32
        %dma_wait3A_337 = tpu.memref_slice %arg8[%cond3A_135, %dma_wait3A_335, %dma_wait3A_336] : memref<4x80x128xf32, #tpu.memory_space<vmem>> -> memref<1x80x128xf32, #tpu.memory_space<vmem>>
        %dma_wait3A_338 = tpu.memref_squeeze %dma_wait3A_337 : memref<1x80x128xf32, #tpu.memory_space<vmem>> -> memref<80x128xf32, #tpu.memory_space<vmem>>
        %dma_wait3A_339 = arith.constant 0 : i32
        %dma_wait3A_340 = tpu.memref_slice %arg9[%mul3A_322, %dma_wait3A_339] : memref<10000x128xf32, #tpu.memory_space<vmem_shared>> -> memref<80x128xf32, #tpu.memory_space<vmem_shared>>
        %dma_wait3A_341 = arith.constant 0 : i32
        %dma_wait3A_342 = tpu.memref_slice %arg9[%mul3A_322, %dma_wait3A_341] : memref<10000x128xf32, #tpu.memory_space<vmem_shared>> -> memref<80x128xf32, #tpu.memory_space<vmem_shared>>
        %dma_wait3A_343 = arith.constant 0 : i32
        %dma_wait3A_344 = arith.constant 0 : i32
        %dma_wait3A_345 = tpu.memref_slice %arg8[%cond3A_135, %dma_wait3A_343, %dma_wait3A_344] : memref<4x80x128xf32, #tpu.memory_space<vmem>> -> memref<1x80x128xf32, #tpu.memory_space<vmem>>
        %dma_wait3A_346 = tpu.memref_squeeze %dma_wait3A_345 : memref<1x80x128xf32, #tpu.memory_space<vmem>> -> memref<80x128xf32, #tpu.memory_space<vmem>>
        tpu.wait_dma2 semaphore(%run_scoped3A : memref<!tpu.dma_semaphore, #tpu.memory_space<semaphore_mem>>) src(%dma_wait3A_346 : memref<80x128xf32, #tpu.memory_space<vmem>>) dst(%dma_wait3A_342 : memref<80x128xf32, #tpu.memory_space<vmem_shared>>)
        tpu.yield
      }) : () -> ()
    } else {
    }
    %add3A_138 = arith.constant 32 : i32
    %add3A_139 = arith.addi %arg1, %add3A_138 : i32
    %lt3A_140 = arith.constant 125 : i32
    %lt3A_141 = arith.cmpi slt, %add3A_139, %lt3A_140 : i32
    %convert_element_type3A_142 = arith.extui %lt3A_141 : i1 to i32
    %cond3A_143 = arith.constant 3 : i32
    %cond3A_144 = arith.constant 0 : i32
    %cond3A_145 = arith.cmpi ne, %convert_element_type3A_142, %cond3A_144 : i32
    scf.if %cond3A_145 {
      %mul3A_321 = arith.constant 80 : i32
      %mul3A_322 = arith.muli %add3A_139, %mul3A_321 : i32
      "tpu.region"() ({
        %run_scoped3A = tpu.sem_alloc : memref<!tpu.dma_semaphore, #tpu.memory_space<semaphore_mem>>
        %dma_start3A_323 = arith.constant 0 : i32
        %dma_start3A_324 = arith.constant 0 : i32
        %dma_start3A_325 = tpu.memref_slice %arg8[%cond3A_143, %dma_start3A_323, %dma_start3A_324] : memref<4x80x128xf32, #tpu.memory_space<vmem>> -> memref<1x80x128xf32, #tpu.memory_space<vmem>>
        %dma_start3A_326 = tpu.memref_squeeze %dma_start3A_325 : memref<1x80x128xf32, #tpu.memory_space<vmem>> -> memref<80x128xf32, #tpu.memory_space<vmem>>
        %dma_start3A_327 = arith.constant 0 : i32
        %dma_start3A_328 = tpu.memref_slice %arg9[%mul3A_322, %dma_start3A_327] : memref<10000x128xf32, #tpu.memory_space<vmem_shared>> -> memref<80x128xf32, #tpu.memory_space<vmem_shared>>
        %dma_start3A_329 = arith.constant 0 : i32
        %dma_start3A_330 = tpu.memref_slice %arg9[%mul3A_322, %dma_start3A_329] : memref<10000x128xf32, #tpu.memory_space<vmem_shared>> -> memref<80x128xf32, #tpu.memory_space<vmem_shared>>
        %dma_start3A_331 = arith.constant 0 : i32
        %dma_start3A_332 = arith.constant 0 : i32
        %dma_start3A_333 = tpu.memref_slice %arg8[%cond3A_143, %dma_start3A_331, %dma_start3A_332] : memref<4x80x128xf32, #tpu.memory_space<vmem>> -> memref<1x80x128xf32, #tpu.memory_space<vmem>>
        %dma_start3A_334 = tpu.memref_squeeze %dma_start3A_333 : memref<1x80x128xf32, #tpu.memory_space<vmem>> -> memref<80x128xf32, #tpu.memory_space<vmem>>
        tpu.enqueue_dma source(%dma_start3A_334 : memref<80x128xf32, #tpu.memory_space<vmem>>) target(%dma_start3A_330 : memref<80x128xf32, #tpu.memory_space<vmem_shared>>) target_semaphore(%run_scoped3A : memref<!tpu.dma_semaphore, #tpu.memory_space<semaphore_mem>>)
        %dma_wait3A_335 = arith.constant 0 : i32
        %dma_wait3A_336 = arith.constant 0 : i32
        %dma_wait3A_337 = tpu.memref_slice %arg8[%cond3A_143, %dma_wait3A_335, %dma_wait3A_336] : memref<4x80x128xf32, #tpu.memory_space<vmem>> -> memref<1x80x128xf32, #tpu.memory_space<vmem>>
        %dma_wait3A_338 = tpu.memref_squeeze %dma_wait3A_337 : memref<1x80x128xf32, #tpu.memory_space<vmem>> -> memref<80x128xf32, #tpu.memory_space<vmem>>
        %dma_wait3A_339 = arith.constant 0 : i32
        %dma_wait3A_340 = tpu.memref_slice %arg9[%mul3A_322, %dma_wait3A_339] : memref<10000x128xf32, #tpu.memory_space<vmem_shared>> -> memref<80x128xf32, #tpu.memory_space<vmem_shared>>
        %dma_wait3A_341 = arith.constant 0 : i32
        %dma_wait3A_342 = tpu.memref_slice %arg9[%mul3A_322, %dma_wait3A_341] : memref<10000x128xf32, #tpu.memory_space<vmem_shared>> -> memref<80x128xf32, #tpu.memory_space<vmem_shared>>
        %dma_wait3A_343 = arith.constant 0 : i32
        %dma_wait3A_344 = arith.constant 0 : i32
        %dma_wait3A_345 = tpu.memref_slice %arg8[%cond3A_143, %dma_wait3A_343, %dma_wait3A_344] : memref<4x80x128xf32, #tpu.memory_space<vmem>> -> memref<1x80x128xf32, #tpu.memory_space<vmem>>
        %dma_wait3A_346 = tpu.memref_squeeze %dma_wait3A_345 : memref<1x80x128xf32, #tpu.memory_space<vmem>> -> memref<80x128xf32, #tpu.memory_space<vmem>>
        tpu.wait_dma2 semaphore(%run_scoped3A : memref<!tpu.dma_semaphore, #tpu.memory_space<semaphore_mem>>) src(%dma_wait3A_346 : memref<80x128xf32, #tpu.memory_space<vmem>>) dst(%dma_wait3A_342 : memref<80x128xf32, #tpu.memory_space<vmem_shared>>)
        tpu.yield
      }) : () -> ()
    } else {
    }
    %add3A_146 = arith.constant 48 : i32
    %add3A_147 = arith.addi %arg1, %add3A_146 : i32
    %lt3A_148 = arith.constant 125 : i32
    %lt3A_149 = arith.cmpi slt, %add3A_147, %lt3A_148 : i32
    %convert_element_type3A_150 = arith.extui %lt3A_149 : i1 to i32
    %cond3A_151 = arith.constant 3 : i32
    %cond3A_152 = arith.constant 0 : i32
    %cond3A_153 = arith.cmpi ne, %convert_element_type3A_150, %cond3A_152 : i32
    scf.if %cond3A_153 {
      %mul3A_321 = arith.constant 80 : i32
      %mul3A_322 = arith.muli %add3A_147, %mul3A_321 : i32
      "tpu.region"() ({
        %run_scoped3A = tpu.sem_alloc : memref<!tpu.dma_semaphore, #tpu.memory_space<semaphore_mem>>
        %dma_start3A_323 = arith.constant 0 : i32
        %dma_start3A_324 = arith.constant 0 : i32
        %dma_start3A_325 = tpu.memref_slice %arg8[%cond3A_151, %dma_start3A_323, %dma_start3A_324] : memref<4x80x128xf32, #tpu.memory_space<vmem>> -> memref<1x80x128xf32, #tpu.memory_space<vmem>>
        %dma_start3A_326 = tpu.memref_squeeze %dma_start3A_325 : memref<1x80x128xf32, #tpu.memory_space<vmem>> -> memref<80x128xf32, #tpu.memory_space<vmem>>
        %dma_start3A_327 = arith.constant 0 : i32
        %dma_start3A_328 = tpu.memref_slice %arg9[%mul3A_322, %dma_start3A_327] : memref<10000x128xf32, #tpu.memory_space<vmem_shared>> -> memref<80x128xf32, #tpu.memory_space<vmem_shared>>
        %dma_start3A_329 = arith.constant 0 : i32
        %dma_start3A_330 = tpu.memref_slice %arg9[%mul3A_322, %dma_start3A_329] : memref<10000x128xf32, #tpu.memory_space<vmem_shared>> -> memref<80x128xf32, #tpu.memory_space<vmem_shared>>
        %dma_start3A_331 = arith.constant 0 : i32
        %dma_start3A_332 = arith.constant 0 : i32
        %dma_start3A_333 = tpu.memref_slice %arg8[%cond3A_151, %dma_start3A_331, %dma_start3A_332] : memref<4x80x128xf32, #tpu.memory_space<vmem>> -> memref<1x80x128xf32, #tpu.memory_space<vmem>>
        %dma_start3A_334 = tpu.memref_squeeze %dma_start3A_333 : memref<1x80x128xf32, #tpu.memory_space<vmem>> -> memref<80x128xf32, #tpu.memory_space<vmem>>
        tpu.enqueue_dma source(%dma_start3A_334 : memref<80x128xf32, #tpu.memory_space<vmem>>) target(%dma_start3A_330 : memref<80x128xf32, #tpu.memory_space<vmem_shared>>) target_semaphore(%run_scoped3A : memref<!tpu.dma_semaphore, #tpu.memory_space<semaphore_mem>>)
        %dma_wait3A_335 = arith.constant 0 : i32
        %dma_wait3A_336 = arith.constant 0 : i32
        %dma_wait3A_337 = tpu.memref_slice %arg8[%cond3A_151, %dma_wait3A_335, %dma_wait3A_336] : memref<4x80x128xf32, #tpu.memory_space<vmem>> -> memref<1x80x128xf32, #tpu.memory_space<vmem>>
        %dma_wait3A_338 = tpu.memref_squeeze %dma_wait3A_337 : memref<1x80x128xf32, #tpu.memory_space<vmem>> -> memref<80x128xf32, #tpu.memory_space<vmem>>
        %dma_wait3A_339 = arith.constant 0 : i32
        %dma_wait3A_340 = tpu.memref_slice %arg9[%mul3A_322, %dma_wait3A_339] : memref<10000x128xf32, #tpu.memory_space<vmem_shared>> -> memref<80x128xf32, #tpu.memory_space<vmem_shared>>
        %dma_wait3A_341 = arith.constant 0 : i32
        %dma_wait3A_342 = tpu.memref_slice %arg9[%mul3A_322, %dma_wait3A_341] : memref<10000x128xf32, #tpu.memory_space<vmem_shared>> -> memref<80x128xf32, #tpu.memory_space<vmem_shared>>
        %dma_wait3A_343 = arith.constant 0 : i32
        %dma_wait3A_344 = arith.constant 0 : i32
        %dma_wait3A_345 = tpu.memref_slice %arg8[%cond3A_151, %dma_wait3A_343, %dma_wait3A_344] : memref<4x80x128xf32, #tpu.memory_space<vmem>> -> memref<1x80x128xf32, #tpu.memory_space<vmem>>
        %dma_wait3A_346 = tpu.memref_squeeze %dma_wait3A_345 : memref<1x80x128xf32, #tpu.memory_space<vmem>> -> memref<80x128xf32, #tpu.memory_space<vmem>>
        tpu.wait_dma2 semaphore(%run_scoped3A : memref<!tpu.dma_semaphore, #tpu.memory_space<semaphore_mem>>) src(%dma_wait3A_346 : memref<80x128xf32, #tpu.memory_space<vmem>>) dst(%dma_wait3A_342 : memref<80x128xf32, #tpu.memory_space<vmem_shared>>)
        tpu.yield
      }) : () -> ()
    } else {
    }
    %add3A_154 = arith.constant 64 : i32
    %add3A_155 = arith.addi %arg1, %add3A_154 : i32
    %lt3A_156 = arith.constant 125 : i32
    %lt3A_157 = arith.cmpi slt, %add3A_155, %lt3A_156 : i32
    %convert_element_type3A_158 = arith.extui %lt3A_157 : i1 to i32
    %cond3A_159 = arith.constant 3 : i32
    %cond3A_160 = arith.constant 0 : i32
    %cond3A_161 = arith.cmpi ne, %convert_element_type3A_158, %cond3A_160 : i32
    scf.if %cond3A_161 {
      %mul3A_321 = arith.constant 80 : i32
      %mul3A_322 = arith.muli %add3A_155, %mul3A_321 : i32
      "tpu.region"() ({
        %run_scoped3A = tpu.sem_alloc : memref<!tpu.dma_semaphore, #tpu.memory_space<semaphore_mem>>
        %dma_start3A_323 = arith.constant 0 : i32
        %dma_start3A_324 = arith.constant 0 : i32
        %dma_start3A_325 = tpu.memref_slice %arg8[%cond3A_159, %dma_start3A_323, %dma_start3A_324] : memref<4x80x128xf32, #tpu.memory_space<vmem>> -> memref<1x80x128xf32, #tpu.memory_space<vmem>>
        %dma_start3A_326 = tpu.memref_squeeze %dma_start3A_325 : memref<1x80x128xf32, #tpu.memory_space<vmem>> -> memref<80x128xf32, #tpu.memory_space<vmem>>
        %dma_start3A_327 = arith.constant 0 : i32
        %dma_start3A_328 = tpu.memref_slice %arg9[%mul3A_322, %dma_start3A_327] : memref<10000x128xf32, #tpu.memory_space<vmem_shared>> -> memref<80x128xf32, #tpu.memory_space<vmem_shared>>
        %dma_start3A_329 = arith.constant 0 : i32
        %dma_start3A_330 = tpu.memref_slice %arg9[%mul3A_322, %dma_start3A_329] : memref<10000x128xf32, #tpu.memory_space<vmem_shared>> -> memref<80x128xf32, #tpu.memory_space<vmem_shared>>
        %dma_start3A_331 = arith.constant 0 : i32
        %dma_start3A_332 = arith.constant 0 : i32
        %dma_start3A_333 = tpu.memref_slice %arg8[%cond3A_159, %dma_start3A_331, %dma_start3A_332] : memref<4x80x128xf32, #tpu.memory_space<vmem>> -> memref<1x80x128xf32, #tpu.memory_space<vmem>>
        %dma_start3A_334 = tpu.memref_squeeze %dma_start3A_333 : memref<1x80x128xf32, #tpu.memory_space<vmem>> -> memref<80x128xf32, #tpu.memory_space<vmem>>
        tpu.enqueue_dma source(%dma_start3A_334 : memref<80x128xf32, #tpu.memory_space<vmem>>) target(%dma_start3A_330 : memref<80x128xf32, #tpu.memory_space<vmem_shared>>) target_semaphore(%run_scoped3A : memref<!tpu.dma_semaphore, #tpu.memory_space<semaphore_mem>>)
        %dma_wait3A_335 = arith.constant 0 : i32
        %dma_wait3A_336 = arith.constant 0 : i32
        %dma_wait3A_337 = tpu.memref_slice %arg8[%cond3A_159, %dma_wait3A_335, %dma_wait3A_336] : memref<4x80x128xf32, #tpu.memory_space<vmem>> -> memref<1x80x128xf32, #tpu.memory_space<vmem>>
        %dma_wait3A_338 = tpu.memref_squeeze %dma_wait3A_337 : memref<1x80x128xf32, #tpu.memory_space<vmem>> -> memref<80x128xf32, #tpu.memory_space<vmem>>
        %dma_wait3A_339 = arith.constant 0 : i32
        %dma_wait3A_340 = tpu.memref_slice %arg9[%mul3A_322, %dma_wait3A_339] : memref<10000x128xf32, #tpu.memory_space<vmem_shared>> -> memref<80x128xf32, #tpu.memory_space<vmem_shared>>
        %dma_wait3A_341 = arith.constant 0 : i32
        %dma_wait3A_342 = tpu.memref_slice %arg9[%mul3A_322, %dma_wait3A_341] : memref<10000x128xf32, #tpu.memory_space<vmem_shared>> -> memref<80x128xf32, #tpu.memory_space<vmem_shared>>
        %dma_wait3A_343 = arith.constant 0 : i32
        %dma_wait3A_344 = arith.constant 0 : i32
        %dma_wait3A_345 = tpu.memref_slice %arg8[%cond3A_159, %dma_wait3A_343, %dma_wait3A_344] : memref<4x80x128xf32, #tpu.memory_space<vmem>> -> memref<1x80x128xf32, #tpu.memory_space<vmem>>
        %dma_wait3A_346 = tpu.memref_squeeze %dma_wait3A_345 : memref<1x80x128xf32, #tpu.memory_space<vmem>> -> memref<80x128xf32, #tpu.memory_space<vmem>>
        tpu.wait_dma2 semaphore(%run_scoped3A : memref<!tpu.dma_semaphore, #tpu.memory_space<semaphore_mem>>) src(%dma_wait3A_346 : memref<80x128xf32, #tpu.memory_space<vmem>>) dst(%dma_wait3A_342 : memref<80x128xf32, #tpu.memory_space<vmem_shared>>)
        tpu.yield
      }) : () -> ()
    } else {
    }
    %add3A_162 = arith.constant 80 : i32
    %add3A_163 = arith.addi %arg1, %add3A_162 : i32
    %lt3A_164 = arith.constant 125 : i32
    %lt3A_165 = arith.cmpi slt, %add3A_163, %lt3A_164 : i32
    %convert_element_type3A_166 = arith.extui %lt3A_165 : i1 to i32
    %cond3A_167 = arith.constant 3 : i32
    %cond3A_168 = arith.constant 0 : i32
    %cond3A_169 = arith.cmpi ne, %convert_element_type3A_166, %cond3A_168 : i32
    scf.if %cond3A_169 {
      %mul3A_321 = arith.constant 80 : i32
      %mul3A_322 = arith.muli %add3A_163, %mul3A_321 : i32
      "tpu.region"() ({
        %run_scoped3A = tpu.sem_alloc : memref<!tpu.dma_semaphore, #tpu.memory_space<semaphore_mem>>
        %dma_start3A_323 = arith.constant 0 : i32
        %dma_start3A_324 = arith.constant 0 : i32
        %dma_start3A_325 = tpu.memref_slice %arg8[%cond3A_167, %dma_start3A_323, %dma_start3A_324] : memref<4x80x128xf32, #tpu.memory_space<vmem>> -> memref<1x80x128xf32, #tpu.memory_space<vmem>>
        %dma_start3A_326 = tpu.memref_squeeze %dma_start3A_325 : memref<1x80x128xf32, #tpu.memory_space<vmem>> -> memref<80x128xf32, #tpu.memory_space<vmem>>
        %dma_start3A_327 = arith.constant 0 : i32
        %dma_start3A_328 = tpu.memref_slice %arg9[%mul3A_322, %dma_start3A_327] : memref<10000x128xf32, #tpu.memory_space<vmem_shared>> -> memref<80x128xf32, #tpu.memory_space<vmem_shared>>
        %dma_start3A_329 = arith.constant 0 : i32
        %dma_start3A_330 = tpu.memref_slice %arg9[%mul3A_322, %dma_start3A_329] : memref<10000x128xf32, #tpu.memory_space<vmem_shared>> -> memref<80x128xf32, #tpu.memory_space<vmem_shared>>
        %dma_start3A_331 = arith.constant 0 : i32
        %dma_start3A_332 = arith.constant 0 : i32
        %dma_start3A_333 = tpu.memref_slice %arg8[%cond3A_167, %dma_start3A_331, %dma_start3A_332] : memref<4x80x128xf32, #tpu.memory_space<vmem>> -> memref<1x80x128xf32, #tpu.memory_space<vmem>>
        %dma_start3A_334 = tpu.memref_squeeze %dma_start3A_333 : memref<1x80x128xf32, #tpu.memory_space<vmem>> -> memref<80x128xf32, #tpu.memory_space<vmem>>
        tpu.enqueue_dma source(%dma_start3A_334 : memref<80x128xf32, #tpu.memory_space<vmem>>) target(%dma_start3A_330 : memref<80x128xf32, #tpu.memory_space<vmem_shared>>) target_semaphore(%run_scoped3A : memref<!tpu.dma_semaphore, #tpu.memory_space<semaphore_mem>>)
        %dma_wait3A_335 = arith.constant 0 : i32
        %dma_wait3A_336 = arith.constant 0 : i32
        %dma_wait3A_337 = tpu.memref_slice %arg8[%cond3A_167, %dma_wait3A_335, %dma_wait3A_336] : memref<4x80x128xf32, #tpu.memory_space<vmem>> -> memref<1x80x128xf32, #tpu.memory_space<vmem>>
        %dma_wait3A_338 = tpu.memref_squeeze %dma_wait3A_337 : memref<1x80x128xf32, #tpu.memory_space<vmem>> -> memref<80x128xf32, #tpu.memory_space<vmem>>
        %dma_wait3A_339 = arith.constant 0 : i32
        %dma_wait3A_340 = tpu.memref_slice %arg9[%mul3A_322, %dma_wait3A_339] : memref<10000x128xf32, #tpu.memory_space<vmem_shared>> -> memref<80x128xf32, #tpu.memory_space<vmem_shared>>
        %dma_wait3A_341 = arith.constant 0 : i32
        %dma_wait3A_342 = tpu.memref_slice %arg9[%mul3A_322, %dma_wait3A_341] : memref<10000x128xf32, #tpu.memory_space<vmem_shared>> -> memref<80x128xf32, #tpu.memory_space<vmem_shared>>
        %dma_wait3A_343 = arith.constant 0 : i32
        %dma_wait3A_344 = arith.constant 0 : i32
        %dma_wait3A_345 = tpu.memref_slice %arg8[%cond3A_167, %dma_wait3A_343, %dma_wait3A_344] : memref<4x80x128xf32, #tpu.memory_space<vmem>> -> memref<1x80x128xf32, #tpu.memory_space<vmem>>
        %dma_wait3A_346 = tpu.memref_squeeze %dma_wait3A_345 : memref<1x80x128xf32, #tpu.memory_space<vmem>> -> memref<80x128xf32, #tpu.memory_space<vmem>>
        tpu.wait_dma2 semaphore(%run_scoped3A : memref<!tpu.dma_semaphore, #tpu.memory_space<semaphore_mem>>) src(%dma_wait3A_346 : memref<80x128xf32, #tpu.memory_space<vmem>>) dst(%dma_wait3A_342 : memref<80x128xf32, #tpu.memory_space<vmem_shared>>)
        tpu.yield
      }) : () -> ()
    } else {
    }
    %add3A_170 = arith.constant 96 : i32
    %add3A_171 = arith.addi %arg1, %add3A_170 : i32
    %lt3A_172 = arith.constant 125 : i32
    %lt3A_173 = arith.cmpi slt, %add3A_171, %lt3A_172 : i32
    %convert_element_type3A_174 = arith.extui %lt3A_173 : i1 to i32
    %cond3A_175 = arith.constant 3 : i32
    %cond3A_176 = arith.constant 0 : i32
    %cond3A_177 = arith.cmpi ne, %convert_element_type3A_174, %cond3A_176 : i32
    scf.if %cond3A_177 {
      %mul3A_321 = arith.constant 80 : i32
      %mul3A_322 = arith.muli %add3A_171, %mul3A_321 : i32
      "tpu.region"() ({
        %run_scoped3A = tpu.sem_alloc : memref<!tpu.dma_semaphore, #tpu.memory_space<semaphore_mem>>
        %dma_start3A_323 = arith.constant 0 : i32
        %dma_start3A_324 = arith.constant 0 : i32
        %dma_start3A_325 = tpu.memref_slice %arg8[%cond3A_175, %dma_start3A_323, %dma_start3A_324] : memref<4x80x128xf32, #tpu.memory_space<vmem>> -> memref<1x80x128xf32, #tpu.memory_space<vmem>>
        %dma_start3A_326 = tpu.memref_squeeze %dma_start3A_325 : memref<1x80x128xf32, #tpu.memory_space<vmem>> -> memref<80x128xf32, #tpu.memory_space<vmem>>
        %dma_start3A_327 = arith.constant 0 : i32
        %dma_start3A_328 = tpu.memref_slice %arg9[%mul3A_322, %dma_start3A_327] : memref<10000x128xf32, #tpu.memory_space<vmem_shared>> -> memref<80x128xf32, #tpu.memory_space<vmem_shared>>
        %dma_start3A_329 = arith.constant 0 : i32
        %dma_start3A_330 = tpu.memref_slice %arg9[%mul3A_322, %dma_start3A_329] : memref<10000x128xf32, #tpu.memory_space<vmem_shared>> -> memref<80x128xf32, #tpu.memory_space<vmem_shared>>
        %dma_start3A_331 = arith.constant 0 : i32
        %dma_start3A_332 = arith.constant 0 : i32
        %dma_start3A_333 = tpu.memref_slice %arg8[%cond3A_175, %dma_start3A_331, %dma_start3A_332] : memref<4x80x128xf32, #tpu.memory_space<vmem>> -> memref<1x80x128xf32, #tpu.memory_space<vmem>>
        %dma_start3A_334 = tpu.memref_squeeze %dma_start3A_333 : memref<1x80x128xf32, #tpu.memory_space<vmem>> -> memref<80x128xf32, #tpu.memory_space<vmem>>
        tpu.enqueue_dma source(%dma_start3A_334 : memref<80x128xf32, #tpu.memory_space<vmem>>) target(%dma_start3A_330 : memref<80x128xf32, #tpu.memory_space<vmem_shared>>) target_semaphore(%run_scoped3A : memref<!tpu.dma_semaphore, #tpu.memory_space<semaphore_mem>>)
        %dma_wait3A_335 = arith.constant 0 : i32
        %dma_wait3A_336 = arith.constant 0 : i32
        %dma_wait3A_337 = tpu.memref_slice %arg8[%cond3A_175, %dma_wait3A_335, %dma_wait3A_336] : memref<4x80x128xf32, #tpu.memory_space<vmem>> -> memref<1x80x128xf32, #tpu.memory_space<vmem>>
        %dma_wait3A_338 = tpu.memref_squeeze %dma_wait3A_337 : memref<1x80x128xf32, #tpu.memory_space<vmem>> -> memref<80x128xf32, #tpu.memory_space<vmem>>
        %dma_wait3A_339 = arith.constant 0 : i32
        %dma_wait3A_340 = tpu.memref_slice %arg9[%mul3A_322, %dma_wait3A_339] : memref<10000x128xf32, #tpu.memory_space<vmem_shared>> -> memref<80x128xf32, #tpu.memory_space<vmem_shared>>
        %dma_wait3A_341 = arith.constant 0 : i32
        %dma_wait3A_342 = tpu.memref_slice %arg9[%mul3A_322, %dma_wait3A_341] : memref<10000x128xf32, #tpu.memory_space<vmem_shared>> -> memref<80x128xf32, #tpu.memory_space<vmem_shared>>
        %dma_wait3A_343 = arith.constant 0 : i32
        %dma_wait3A_344 = arith.constant 0 : i32
        %dma_wait3A_345 = tpu.memref_slice %arg8[%cond3A_175, %dma_wait3A_343, %dma_wait3A_344] : memref<4x80x128xf32, #tpu.memory_space<vmem>> -> memref<1x80x128xf32, #tpu.memory_space<vmem>>
        %dma_wait3A_346 = tpu.memref_squeeze %dma_wait3A_345 : memref<1x80x128xf32, #tpu.memory_space<vmem>> -> memref<80x128xf32, #tpu.memory_space<vmem>>
        tpu.wait_dma2 semaphore(%run_scoped3A : memref<!tpu.dma_semaphore, #tpu.memory_space<semaphore_mem>>) src(%dma_wait3A_346 : memref<80x128xf32, #tpu.memory_space<vmem>>) dst(%dma_wait3A_342 : memref<80x128xf32, #tpu.memory_space<vmem_shared>>)
        tpu.yield
      }) : () -> ()
    } else {
    }
    %add3A_178 = arith.constant 112 : i32
    %add3A_179 = arith.addi %arg1, %add3A_178 : i32
    %lt3A_180 = arith.constant 125 : i32
    %lt3A_181 = arith.cmpi slt, %add3A_179, %lt3A_180 : i32
    %convert_element_type3A_182 = arith.extui %lt3A_181 : i1 to i32
    %cond3A_183 = arith.constant 3 : i32
    %cond3A_184 = arith.constant 0 : i32
    %cond3A_185 = arith.cmpi ne, %convert_element_type3A_182, %cond3A_184 : i32
    scf.if %cond3A_185 {
      %mul3A_321 = arith.constant 80 : i32
      %mul3A_322 = arith.muli %add3A_179, %mul3A_321 : i32
      "tpu.region"() ({
        %run_scoped3A = tpu.sem_alloc : memref<!tpu.dma_semaphore, #tpu.memory_space<semaphore_mem>>
        %dma_start3A_323 = arith.constant 0 : i32
        %dma_start3A_324 = arith.constant 0 : i32
        %dma_start3A_325 = tpu.memref_slice %arg8[%cond3A_183, %dma_start3A_323, %dma_start3A_324] : memref<4x80x128xf32, #tpu.memory_space<vmem>> -> memref<1x80x128xf32, #tpu.memory_space<vmem>>
        %dma_start3A_326 = tpu.memref_squeeze %dma_start3A_325 : memref<1x80x128xf32, #tpu.memory_space<vmem>> -> memref<80x128xf32, #tpu.memory_space<vmem>>
        %dma_start3A_327 = arith.constant 0 : i32
        %dma_start3A_328 = tpu.memref_slice %arg9[%mul3A_322, %dma_start3A_327] : memref<10000x128xf32, #tpu.memory_space<vmem_shared>> -> memref<80x128xf32, #tpu.memory_space<vmem_shared>>
        %dma_start3A_329 = arith.constant 0 : i32
        %dma_start3A_330 = tpu.memref_slice %arg9[%mul3A_322, %dma_start3A_329] : memref<10000x128xf32, #tpu.memory_space<vmem_shared>> -> memref<80x128xf32, #tpu.memory_space<vmem_shared>>
        %dma_start3A_331 = arith.constant 0 : i32
        %dma_start3A_332 = arith.constant 0 : i32
        %dma_start3A_333 = tpu.memref_slice %arg8[%cond3A_183, %dma_start3A_331, %dma_start3A_332] : memref<4x80x128xf32, #tpu.memory_space<vmem>> -> memref<1x80x128xf32, #tpu.memory_space<vmem>>
        %dma_start3A_334 = tpu.memref_squeeze %dma_start3A_333 : memref<1x80x128xf32, #tpu.memory_space<vmem>> -> memref<80x128xf32, #tpu.memory_space<vmem>>
        tpu.enqueue_dma source(%dma_start3A_334 : memref<80x128xf32, #tpu.memory_space<vmem>>) target(%dma_start3A_330 : memref<80x128xf32, #tpu.memory_space<vmem_shared>>) target_semaphore(%run_scoped3A : memref<!tpu.dma_semaphore, #tpu.memory_space<semaphore_mem>>)
        %dma_wait3A_335 = arith.constant 0 : i32
        %dma_wait3A_336 = arith.constant 0 : i32
        %dma_wait3A_337 = tpu.memref_slice %arg8[%cond3A_183, %dma_wait3A_335, %dma_wait3A_336] : memref<4x80x128xf32, #tpu.memory_space<vmem>> -> memref<1x80x128xf32, #tpu.memory_space<vmem>>
        %dma_wait3A_338 = tpu.memref_squeeze %dma_wait3A_337 : memref<1x80x128xf32, #tpu.memory_space<vmem>> -> memref<80x128xf32, #tpu.memory_space<vmem>>
        %dma_wait3A_339 = arith.constant 0 : i32
        %dma_wait3A_340 = tpu.memref_slice %arg9[%mul3A_322, %dma_wait3A_339] : memref<10000x128xf32, #tpu.memory_space<vmem_shared>> -> memref<80x128xf32, #tpu.memory_space<vmem_shared>>
        %dma_wait3A_341 = arith.constant 0 : i32
        %dma_wait3A_342 = tpu.memref_slice %arg9[%mul3A_322, %dma_wait3A_341] : memref<10000x128xf32, #tpu.memory_space<vmem_shared>> -> memref<80x128xf32, #tpu.memory_space<vmem_shared>>
        %dma_wait3A_343 = arith.constant 0 : i32
        %dma_wait3A_344 = arith.constant 0 : i32
        %dma_wait3A_345 = tpu.memref_slice %arg8[%cond3A_183, %dma_wait3A_343, %dma_wait3A_344] : memref<4x80x128xf32, #tpu.memory_space<vmem>> -> memref<1x80x128xf32, #tpu.memory_space<vmem>>
        %dma_wait3A_346 = tpu.memref_squeeze %dma_wait3A_345 : memref<1x80x128xf32, #tpu.memory_space<vmem>> -> memref<80x128xf32, #tpu.memory_space<vmem>>
        tpu.wait_dma2 semaphore(%run_scoped3A : memref<!tpu.dma_semaphore, #tpu.memory_space<semaphore_mem>>) src(%dma_wait3A_346 : memref<80x128xf32, #tpu.memory_space<vmem>>) dst(%dma_wait3A_342 : memref<80x128xf32, #tpu.memory_space<vmem_shared>>)
        tpu.yield
      }) : () -> ()
    } else {
    }
    %dma_start3A_186 = arith.constant 0 : i32
    %dma_start3A_187 = arith.constant 3 : i32
    %dma_start3A_188 = arith.constant 3 : i32
    %dma_start3A_189 = arith.constant 3 : i32
    %dma_start3A_190 = arith.constant 0 : i32
    %dma_start3A_191 = arith.constant 0 : i32
    %dma_start3A_192 = tpu.memref_slice %arg8[%dma_start3A_188, %dma_start3A_190, %dma_start3A_191] : memref<4x80x128xf32, #tpu.memory_space<vmem>> -> memref<1x80x128xf32, #tpu.memory_space<vmem>>
    %dma_start3A_193 = tpu.memref_squeeze %dma_start3A_192 : memref<1x80x128xf32, #tpu.memory_space<vmem>> -> memref<80x128xf32, #tpu.memory_space<vmem>>
    %dma_start3A_194 = arith.constant 0 : i32
    %dma_start3A_195 = tpu.memref_slice %arg6[%dma_start3A_186, %dma_start3A_187, %dma_start3A_194] : memref<2x5x80xi32, #tpu.memory_space<vmem>> -> memref<1x1x80xi32, #tpu.memory_space<vmem>>
    %dma_start3A_196 = tpu.memref_squeeze %dma_start3A_195 : memref<1x1x80xi32, #tpu.memory_space<vmem>> -> memref<80xi32, #tpu.memory_space<vmem>>
    %dma_start3A_197 = arith.constant 0 : i32
    %dma_start3A_198 = arith.constant 0 : i32
    %dma_start3A_199 = tpu.memref_slice %arg2[%dma_start3A_197, %dma_start3A_198] : memref<90000x128xf32, #tpu.memory_space<hbm>> -> memref<90000x128xf32, #tpu.memory_space<hbm>>
    %dma_start3A_200 = tpu.memref_slice %arg11[%dma_start3A_189] : memref<4x!tpu.dma_semaphore, #tpu.memory_space<semaphore_mem>> -> memref<1x!tpu.dma_semaphore, #tpu.memory_space<semaphore_mem>>
    %dma_start3A_201 = tpu.memref_squeeze %dma_start3A_200 : memref<1x!tpu.dma_semaphore, #tpu.memory_space<semaphore_mem>> -> memref<!tpu.dma_semaphore, #tpu.memory_space<semaphore_mem>>
    tpu.enqueue_indirect_dma source(%dma_start3A_199 : memref<90000x128xf32, #tpu.memory_space<hbm>>) target(%dma_start3A_193 : memref<80x128xf32, #tpu.memory_space<vmem>>) offsets(%dma_start3A_196 : memref<80xi32, #tpu.memory_space<vmem>>) semaphore(%dma_start3A_201 : memref<!tpu.dma_semaphore, #tpu.memory_space<semaphore_mem>>)
    %barrier3A = arith.constant 0 : index
    tpu.barrier barrier_id(%barrier3A)
    %scan3A_202 = arith.constant 0 : i32
    %scan3A_203 = arith.constant 0 : i32
    %scan3A_204 = arith.constant 125 : i32
    %scan3A_205 = arith.addi %scan3A_203, %scan3A_204 : i32
    %scan3A_206 = arith.constant 1 : i32
    scf.for %scan3A_321 = %scan3A_203 to %scan3A_205 step %scan3A_206  : i32 {
      %rem3A = arith.constant 4 : i32
      %rem3A_322 = arith.remsi %scan3A_321, %rem3A : i32
      %div3A = arith.constant 5 : i32
      %div3A_323 = arith.divsi %scan3A_321, %div3A : i32
      %rem3A_324 = arith.constant 5 : i32
      %rem3A_325 = arith.remsi %scan3A_321, %rem3A_324 : i32
      %rem3A_326 = arith.constant 2 : i32
      %rem3A_327 = arith.remsi %div3A_323, %rem3A_326 : i32
      %eq3A = arith.constant 0 : i32
      %eq3A_328 = arith.cmpi eq, %rem3A_325, %eq3A : i32
      %add3A_329 = arith.constant 1 : i32
      %add3A_330 = arith.addi %div3A_323, %add3A_329 : i32
      %lt3A_331 = arith.constant 25 : i32
      %lt3A_332 = arith.cmpi slt, %add3A_330, %lt3A_331 : i32
      %and3A = arith.andi %eq3A_328, %lt3A_332 : i1
      %convert_element_type3A_333 = arith.extui %and3A : i1 to i32
      %cond3A_334 = arith.constant 0 : i32
      %cond3A_335 = arith.cmpi ne, %convert_element_type3A_333, %cond3A_334 : i32
      scf.if %cond3A_335 {
        %add3A_355 = arith.constant 1 : i32
        %add3A_356 = arith.addi %div3A_323, %add3A_355 : i32
        %sub3A = arith.constant 1 : i32
        %sub3A_357 = arith.subi %sub3A, %rem3A_327 : i32
        %dma_start3A_358 = arith.constant 0 : i32
        %dma_start3A_359 = arith.constant 0 : i32
        %dma_start3A_360 = tpu.memref_slice %arg6[%sub3A_357, %dma_start3A_358, %dma_start3A_359] : memref<2x5x80xi32, #tpu.memory_space<vmem>> -> memref<1x5x80xi32, #tpu.memory_space<vmem>>
        %dma_start3A_361 = tpu.memref_squeeze %dma_start3A_360 : memref<1x5x80xi32, #tpu.memory_space<vmem>> -> memref<5x80xi32, #tpu.memory_space<vmem>>
        %dma_start3A_362 = arith.constant 0 : i32
        %dma_start3A_363 = arith.constant 0 : i32
        %dma_start3A_364 = tpu.memref_slice %arg3[%add3A, %add3A_356, %dma_start3A_362, %dma_start3A_363] : memref<32x25x5x80xi32, #tpu.memory_space<hbm>> -> memref<1x1x5x80xi32, #tpu.memory_space<hbm>>
        %dma_start3A_365 = tpu.memref_squeeze %dma_start3A_364 : memref<1x1x5x80xi32, #tpu.memory_space<hbm>> -> memref<5x80xi32, #tpu.memory_space<hbm>>
        %dma_start3A_366 = arith.constant 0 : i32
        %dma_start3A_367 = arith.constant 0 : i32
        %dma_start3A_368 = tpu.memref_slice %arg6[%sub3A_357, %dma_start3A_366, %dma_start3A_367] : memref<2x5x80xi32, #tpu.memory_space<vmem>> -> memref<1x5x80xi32, #tpu.memory_space<vmem>>
        %dma_start3A_369 = tpu.memref_squeeze %dma_start3A_368 : memref<1x5x80xi32, #tpu.memory_space<vmem>> -> memref<5x80xi32, #tpu.memory_space<vmem>>
        %dma_start3A_370 = arith.constant 0 : i32
        %dma_start3A_371 = arith.constant 0 : i32
        %dma_start3A_372 = tpu.memref_slice %arg3[%add3A, %add3A_356, %dma_start3A_370, %dma_start3A_371] : memref<32x25x5x80xi32, #tpu.memory_space<hbm>> -> memref<1x1x5x80xi32, #tpu.memory_space<hbm>>
        %dma_start3A_373 = tpu.memref_squeeze %dma_start3A_372 : memref<1x1x5x80xi32, #tpu.memory_space<hbm>> -> memref<5x80xi32, #tpu.memory_space<hbm>>
        tpu.enqueue_dma source(%dma_start3A_373 : memref<5x80xi32, #tpu.memory_space<hbm>>) target(%dma_start3A_369 : memref<5x80xi32, #tpu.memory_space<vmem>>) target_semaphore(%arg10 : memref<!tpu.dma_semaphore, #tpu.memory_space<semaphore_mem>>)
        %add3A_374 = arith.constant 1 : i32
        %add3A_375 = arith.addi %div3A_323, %add3A_374 : i32
        %sub3A_376 = arith.constant 1 : i32
        %sub3A_377 = arith.subi %sub3A_376, %rem3A_327 : i32
        %dma_start3A_378 = arith.constant 0 : i32
        %dma_start3A_379 = arith.constant 0 : i32
        %dma_start3A_380 = tpu.memref_slice %arg7[%sub3A_377, %dma_start3A_378, %dma_start3A_379] : memref<2x5x80xi32, #tpu.memory_space<vmem>> -> memref<1x5x80xi32, #tpu.memory_space<vmem>>
        %dma_start3A_381 = tpu.memref_squeeze %dma_start3A_380 : memref<1x5x80xi32, #tpu.memory_space<vmem>> -> memref<5x80xi32, #tpu.memory_space<vmem>>
        %dma_start3A_382 = arith.constant 0 : i32
        %dma_start3A_383 = arith.constant 0 : i32
        %dma_start3A_384 = tpu.memref_slice %arg4[%add3A, %add3A_375, %dma_start3A_382, %dma_start3A_383] : memref<32x25x5x80xi32, #tpu.memory_space<hbm>> -> memref<1x1x5x80xi32, #tpu.memory_space<hbm>>
        %dma_start3A_385 = tpu.memref_squeeze %dma_start3A_384 : memref<1x1x5x80xi32, #tpu.memory_space<hbm>> -> memref<5x80xi32, #tpu.memory_space<hbm>>
        %dma_start3A_386 = arith.constant 0 : i32
        %dma_start3A_387 = arith.constant 0 : i32
        %dma_start3A_388 = tpu.memref_slice %arg7[%sub3A_377, %dma_start3A_386, %dma_start3A_387] : memref<2x5x80xi32, #tpu.memory_space<vmem>> -> memref<1x5x80xi32, #tpu.memory_space<vmem>>
        %dma_start3A_389 = tpu.memref_squeeze %dma_start3A_388 : memref<1x5x80xi32, #tpu.memory_space<vmem>> -> memref<5x80xi32, #tpu.memory_space<vmem>>
        %dma_start3A_390 = arith.constant 0 : i32
        %dma_start3A_391 = arith.constant 0 : i32
        %dma_start3A_392 = tpu.memref_slice %arg4[%add3A, %add3A_375, %dma_start3A_390, %dma_start3A_391] : memref<32x25x5x80xi32, #tpu.memory_space<hbm>> -> memref<1x1x5x80xi32, #tpu.memory_space<hbm>>
        %dma_start3A_393 = tpu.memref_squeeze %dma_start3A_392 : memref<1x1x5x80xi32, #tpu.memory_space<hbm>> -> memref<5x80xi32, #tpu.memory_space<hbm>>
        tpu.enqueue_dma source(%dma_start3A_393 : memref<5x80xi32, #tpu.memory_space<hbm>>) target(%dma_start3A_389 : memref<5x80xi32, #tpu.memory_space<vmem>>) target_semaphore(%arg10 : memref<!tpu.dma_semaphore, #tpu.memory_space<semaphore_mem>>)
      } else {
      }
      %dma_wait3A_336 = arith.constant 0 : i32
      %dma_wait3A_337 = arith.constant 0 : i32
      %dma_wait3A_338 = tpu.memref_slice %arg8[%rem3A_322, %dma_wait3A_336, %dma_wait3A_337] : memref<4x80x128xf32, #tpu.memory_space<vmem>> -> memref<1x80x128xf32, #tpu.memory_space<vmem>>
      %dma_wait3A_339 = tpu.memref_squeeze %dma_wait3A_338 : memref<1x80x128xf32, #tpu.memory_space<vmem>> -> memref<80x128xf32, #tpu.memory_space<vmem>>
      %dma_wait3A_340 = arith.constant 0 : i32
      %dma_wait3A_341 = tpu.memref_slice %arg6[%rem3A_327, %rem3A_325, %dma_wait3A_340] : memref<2x5x80xi32, #tpu.memory_space<vmem>> -> memref<1x1x80xi32, #tpu.memory_space<vmem>>
      %dma_wait3A_342 = tpu.memref_squeeze %dma_wait3A_341 : memref<1x1x80xi32, #tpu.memory_space<vmem>> -> memref<80xi32, #tpu.memory_space<vmem>>
      %dma_wait3A_343 = arith.constant 0 : i32
      %dma_wait3A_344 = arith.constant 0 : i32
      %dma_wait3A_345 = tpu.memref_slice %arg2[%dma_wait3A_343, %dma_wait3A_344] : memref<90000x128xf32, #tpu.memory_space<hbm>> -> memref<90000x128xf32, #tpu.memory_space<hbm>>
      %dma_wait3A_346 = tpu.memref_slice %arg11[%rem3A_322] : memref<4x!tpu.dma_semaphore, #tpu.memory_space<semaphore_mem>> -> memref<1x!tpu.dma_semaphore, #tpu.memory_space<semaphore_mem>>
      %dma_wait3A_347 = tpu.memref_squeeze %dma_wait3A_346 : memref<1x!tpu.dma_semaphore, #tpu.memory_space<semaphore_mem>> -> memref<!tpu.dma_semaphore, #tpu.memory_space<semaphore_mem>>
      tpu.wait_indirect_dma semaphore(%dma_wait3A_347 : memref<!tpu.dma_semaphore, #tpu.memory_space<semaphore_mem>>) src(%dma_wait3A_345 : memref<90000x128xf32, #tpu.memory_space<hbm>>) dst(%dma_wait3A_339 : memref<80x128xf32, #tpu.memory_space<vmem>>)
      "tpu.region"() ({
        %run_scoped3A = tpu.sem_alloc : memref<!tpu.dma_semaphore, #tpu.memory_space<semaphore_mem>>
        %dma_start3A_355 = arith.constant 0 : i32
        %dma_start3A_356 = arith.constant 0 : i32
        %dma_start3A_357 = tpu.memref_slice %arg8[%rem3A_322, %dma_start3A_355, %dma_start3A_356] : memref<4x80x128xf32, #tpu.memory_space<vmem>> -> memref<1x80x128xf32, #tpu.memory_space<vmem>>
        %dma_start3A_358 = tpu.memref_squeeze %dma_start3A_357 : memref<1x80x128xf32, #tpu.memory_space<vmem>> -> memref<80x128xf32, #tpu.memory_space<vmem>>
        %dma_start3A_359 = arith.constant 0 : i32
        %dma_start3A_360 = tpu.memref_slice %arg7[%rem3A_327, %rem3A_325, %dma_start3A_359] : memref<2x5x80xi32, #tpu.memory_space<vmem>> -> memref<1x1x80xi32, #tpu.memory_space<vmem>>
        %dma_start3A_361 = tpu.memref_squeeze %dma_start3A_360 : memref<1x1x80xi32, #tpu.memory_space<vmem>> -> memref<80xi32, #tpu.memory_space<vmem>>
        %dma_start3A_362 = arith.constant 0 : i32
        %dma_start3A_363 = arith.constant 0 : i32
        %dma_start3A_364 = tpu.memref_slice %arg9[%dma_start3A_362, %dma_start3A_363] : memref<10000x128xf32, #tpu.memory_space<vmem_shared>> -> memref<10000x128xf32, #tpu.memory_space<vmem_shared>>
        tpu.enqueue_indirect_dma source(%dma_start3A_358 : memref<80x128xf32, #tpu.memory_space<vmem>>) target(%dma_start3A_364 : memref<10000x128xf32, #tpu.memory_space<vmem_shared>>) offsets(%dma_start3A_361 : memref<80xi32, #tpu.memory_space<vmem>>) semaphore(%run_scoped3A : memref<!tpu.dma_semaphore, #tpu.memory_space<semaphore_mem>>) {add = true}
        %dma_wait3A_365 = arith.constant 0 : i32
        %dma_wait3A_366 = arith.constant 0 : i32
        %dma_wait3A_367 = tpu.memref_slice %arg8[%rem3A_322, %dma_wait3A_365, %dma_wait3A_366] : memref<4x80x128xf32, #tpu.memory_space<vmem>> -> memref<1x80x128xf32, #tpu.memory_space<vmem>>
        %dma_wait3A_368 = tpu.memref_squeeze %dma_wait3A_367 : memref<1x80x128xf32, #tpu.memory_space<vmem>> -> memref<80x128xf32, #tpu.memory_space<vmem>>
        %dma_wait3A_369 = arith.constant 0 : i32
        %dma_wait3A_370 = tpu.memref_slice %arg7[%rem3A_327, %rem3A_325, %dma_wait3A_369] : memref<2x5x80xi32, #tpu.memory_space<vmem>> -> memref<1x1x80xi32, #tpu.memory_space<vmem>>
        %dma_wait3A_371 = tpu.memref_squeeze %dma_wait3A_370 : memref<1x1x80xi32, #tpu.memory_space<vmem>> -> memref<80xi32, #tpu.memory_space<vmem>>
        %dma_wait3A_372 = arith.constant 0 : i32
        %dma_wait3A_373 = arith.constant 0 : i32
        %dma_wait3A_374 = tpu.memref_slice %arg9[%dma_wait3A_372, %dma_wait3A_373] : memref<10000x128xf32, #tpu.memory_space<vmem_shared>> -> memref<10000x128xf32, #tpu.memory_space<vmem_shared>>
        tpu.wait_indirect_dma semaphore(%run_scoped3A : memref<!tpu.dma_semaphore, #tpu.memory_space<semaphore_mem>>) src(%dma_wait3A_368 : memref<80x128xf32, #tpu.memory_space<vmem>>) dst(%dma_wait3A_374 : memref<10000x128xf32, #tpu.memory_space<vmem_shared>>)
        tpu.yield
      }) : () -> ()
      %add3A_348 = arith.constant 4 : i32
      %add3A_349 = arith.addi %scan3A_321, %add3A_348 : i32
      %lt3A_350 = arith.constant 125 : i32
      %lt3A_351 = arith.cmpi slt, %add3A_349, %lt3A_350 : i32
      %convert_element_type3A_352 = arith.extui %lt3A_351 : i1 to i32
      %cond3A_353 = arith.constant 0 : i32
      %cond3A_354 = arith.cmpi ne, %convert_element_type3A_352, %cond3A_353 : i32
      scf.if %cond3A_354 {
        %rem3A_355 = arith.constant 5 : i32
        %rem3A_356 = arith.remsi %add3A_349, %rem3A_355 : i32
        %div3A_357 = arith.constant 5 : i32
        %div3A_358 = arith.divsi %add3A_349, %div3A_357 : i32
        %rem3A_359 = arith.constant 2 : i32
        %rem3A_360 = arith.remsi %div3A_358, %rem3A_359 : i32
        %eq3A_361 = arith.constant 0 : i32
        %eq3A_362 = arith.cmpi eq, %rem3A_356, %eq3A_361 : i32
        %convert_element_type3A_363 = arith.extui %eq3A_362 : i1 to i32
        %cond3A_364 = arith.constant 0 : i32
        %cond3A_365 = arith.cmpi ne, %convert_element_type3A_363, %cond3A_364 : i32
        scf.if %cond3A_365 {
          %dma_wait3A_378 = arith.constant 0 : i32
          %dma_wait3A_379 = arith.constant 0 : i32
          %dma_wait3A_380 = tpu.memref_slice %arg6[%rem3A_360, %dma_wait3A_378, %dma_wait3A_379] : memref<2x5x80xi32, #tpu.memory_space<vmem>> -> memref<1x5x80xi32, #tpu.memory_space<vmem>>
          %dma_wait3A_381 = tpu.memref_squeeze %dma_wait3A_380 : memref<1x5x80xi32, #tpu.memory_space<vmem>> -> memref<5x80xi32, #tpu.memory_space<vmem>>
          %dma_wait3A_382 = arith.constant 0 : i32
          %dma_wait3A_383 = arith.constant 0 : i32
          %dma_wait3A_384 = tpu.memref_slice %arg3[%add3A, %div3A_358, %dma_wait3A_382, %dma_wait3A_383] : memref<32x25x5x80xi32, #tpu.memory_space<hbm>> -> memref<1x1x5x80xi32, #tpu.memory_space<hbm>>
          %dma_wait3A_385 = tpu.memref_squeeze %dma_wait3A_384 : memref<1x1x5x80xi32, #tpu.memory_space<hbm>> -> memref<5x80xi32, #tpu.memory_space<hbm>>
          %dma_wait3A_386 = arith.constant 0 : i32
          %dma_wait3A_387 = arith.constant 0 : i32
          %dma_wait3A_388 = tpu.memref_slice %arg6[%rem3A_360, %dma_wait3A_386, %dma_wait3A_387] : memref<2x5x80xi32, #tpu.memory_space<vmem>> -> memref<1x5x80xi32, #tpu.memory_space<vmem>>
          %dma_wait3A_389 = tpu.memref_squeeze %dma_wait3A_388 : memref<1x5x80xi32, #tpu.memory_space<vmem>> -> memref<5x80xi32, #tpu.memory_space<vmem>>
          %dma_wait3A_390 = arith.constant 0 : i32
          %dma_wait3A_391 = arith.constant 0 : i32
          %dma_wait3A_392 = tpu.memref_slice %arg3[%add3A, %div3A_358, %dma_wait3A_390, %dma_wait3A_391] : memref<32x25x5x80xi32, #tpu.memory_space<hbm>> -> memref<1x1x5x80xi32, #tpu.memory_space<hbm>>
          %dma_wait3A_393 = tpu.memref_squeeze %dma_wait3A_392 : memref<1x1x5x80xi32, #tpu.memory_space<hbm>> -> memref<5x80xi32, #tpu.memory_space<hbm>>
          tpu.wait_dma2 semaphore(%arg10 : memref<!tpu.dma_semaphore, #tpu.memory_space<semaphore_mem>>) src(%dma_wait3A_393 : memref<5x80xi32, #tpu.memory_space<hbm>>) dst(%dma_wait3A_389 : memref<5x80xi32, #tpu.memory_space<vmem>>)
          %dma_wait3A_394 = arith.constant 0 : i32
          %dma_wait3A_395 = arith.constant 0 : i32
          %dma_wait3A_396 = tpu.memref_slice %arg7[%rem3A_360, %dma_wait3A_394, %dma_wait3A_395] : memref<2x5x80xi32, #tpu.memory_space<vmem>> -> memref<1x5x80xi32, #tpu.memory_space<vmem>>
          %dma_wait3A_397 = tpu.memref_squeeze %dma_wait3A_396 : memref<1x5x80xi32, #tpu.memory_space<vmem>> -> memref<5x80xi32, #tpu.memory_space<vmem>>
          %dma_wait3A_398 = arith.constant 0 : i32
          %dma_wait3A_399 = arith.constant 0 : i32
          %dma_wait3A_400 = tpu.memref_slice %arg4[%add3A, %div3A_358, %dma_wait3A_398, %dma_wait3A_399] : memref<32x25x5x80xi32, #tpu.memory_space<hbm>> -> memref<1x1x5x80xi32, #tpu.memory_space<hbm>>
          %dma_wait3A_401 = tpu.memref_squeeze %dma_wait3A_400 : memref<1x1x5x80xi32, #tpu.memory_space<hbm>> -> memref<5x80xi32, #tpu.memory_space<hbm>>
          %dma_wait3A_402 = arith.constant 0 : i32
          %dma_wait3A_403 = arith.constant 0 : i32
          %dma_wait3A_404 = tpu.memref_slice %arg7[%rem3A_360, %dma_wait3A_402, %dma_wait3A_403] : memref<2x5x80xi32, #tpu.memory_space<vmem>> -> memref<1x5x80xi32, #tpu.memory_space<vmem>>
          %dma_wait3A_405 = tpu.memref_squeeze %dma_wait3A_404 : memref<1x5x80xi32, #tpu.memory_space<vmem>> -> memref<5x80xi32, #tpu.memory_space<vmem>>
          %dma_wait3A_406 = arith.constant 0 : i32
          %dma_wait3A_407 = arith.constant 0 : i32
          %dma_wait3A_408 = tpu.memref_slice %arg4[%add3A, %div3A_358, %dma_wait3A_406, %dma_wait3A_407] : memref<32x25x5x80xi32, #tpu.memory_space<hbm>> -> memref<1x1x5x80xi32, #tpu.memory_space<hbm>>
          %dma_wait3A_409 = tpu.memref_squeeze %dma_wait3A_408 : memref<1x1x5x80xi32, #tpu.memory_space<hbm>> -> memref<5x80xi32, #tpu.memory_space<hbm>>
          tpu.wait_dma2 semaphore(%arg10 : memref<!tpu.dma_semaphore, #tpu.memory_space<semaphore_mem>>) src(%dma_wait3A_409 : memref<5x80xi32, #tpu.memory_space<hbm>>) dst(%dma_wait3A_405 : memref<5x80xi32, #tpu.memory_space<vmem>>)
        } else {
        }
        %dma_start3A_366 = arith.constant 0 : i32
        %dma_start3A_367 = arith.constant 0 : i32
        %dma_start3A_368 = tpu.memref_slice %arg8[%rem3A_322, %dma_start3A_366, %dma_start3A_367] : memref<4x80x128xf32, #tpu.memory_space<vmem>> -> memref<1x80x128xf32, #tpu.memory_space<vmem>>
        %dma_start3A_369 = tpu.memref_squeeze %dma_start3A_368 : memref<1x80x128xf32, #tpu.memory_space<vmem>> -> memref<80x128xf32, #tpu.memory_space<vmem>>
        %dma_start3A_370 = arith.constant 0 : i32
        %dma_start3A_371 = tpu.memref_slice %arg6[%rem3A_360, %rem3A_356, %dma_start3A_370] : memref<2x5x80xi32, #tpu.memory_space<vmem>> -> memref<1x1x80xi32, #tpu.memory_space<vmem>>
        %dma_start3A_372 = tpu.memref_squeeze %dma_start3A_371 : memref<1x1x80xi32, #tpu.memory_space<vmem>> -> memref<80xi32, #tpu.memory_space<vmem>>
        %dma_start3A_373 = arith.constant 0 : i32
        %dma_start3A_374 = arith.constant 0 : i32
        %dma_start3A_375 = tpu.memref_slice %arg2[%dma_start3A_373, %dma_start3A_374] : memref<90000x128xf32, #tpu.memory_space<hbm>> -> memref<90000x128xf32, #tpu.memory_space<hbm>>
        %dma_start3A_376 = tpu.memref_slice %arg11[%rem3A_322] : memref<4x!tpu.dma_semaphore, #tpu.memory_space<semaphore_mem>> -> memref<1x!tpu.dma_semaphore, #tpu.memory_space<semaphore_mem>>
        %dma_start3A_377 = tpu.memref_squeeze %dma_start3A_376 : memref<1x!tpu.dma_semaphore, #tpu.memory_space<semaphore_mem>> -> memref<!tpu.dma_semaphore, #tpu.memory_space<semaphore_mem>>
        tpu.enqueue_indirect_dma source(%dma_start3A_375 : memref<90000x128xf32, #tpu.memory_space<hbm>>) target(%dma_start3A_369 : memref<80x128xf32, #tpu.memory_space<vmem>>) offsets(%dma_start3A_372 : memref<80xi32, #tpu.memory_space<vmem>>) semaphore(%dma_start3A_377 : memref<!tpu.dma_semaphore, #tpu.memory_space<semaphore_mem>>)
      } else {
      }
    }
    %scan3A_207 = arith.constant 125 : i32
    %barrier3A_208 = arith.constant 0 : index
    tpu.barrier barrier_id(%barrier3A_208)
    %add3A_209 = arith.constant 0 : i32
    %add3A_210 = arith.addi %arg1, %add3A_209 : i32
    %lt3A_211 = arith.constant 125 : i32
    %lt3A_212 = arith.cmpi slt, %add3A_210, %lt3A_211 : i32
    %convert_element_type3A_213 = arith.extui %lt3A_212 : i1 to i32
    %cond3A_214 = arith.constant 0 : i32
    %cond3A_215 = arith.cmpi ne, %convert_element_type3A_213, %cond3A_214 : i32
    scf.if %cond3A_215 {
      %mul3A_321 = arith.constant 80 : i32
      %mul3A_322 = arith.muli %add3A_210, %mul3A_321 : i32
      %dma_start3A_323 = arith.constant 0 : i32
      %dma_start3A_324 = tpu.memref_slice %arg5[%arg0, %mul3A_322, %dma_start3A_323] : memref<2x10000x128xf32, #tpu.memory_space<hbm>> -> memref<1x80x128xf32, #tpu.memory_space<hbm>>
      %dma_start3A_325 = tpu.memref_squeeze %dma_start3A_324 : memref<1x80x128xf32, #tpu.memory_space<hbm>> -> memref<80x128xf32, #tpu.memory_space<hbm>>
      %dma_start3A_326 = arith.constant 0 : i32
      %dma_start3A_327 = tpu.memref_slice %arg9[%mul3A_322, %dma_start3A_326] : memref<10000x128xf32, #tpu.memory_space<vmem_shared>> -> memref<80x128xf32, #tpu.memory_space<vmem_shared>>
      tpu.enqueue_dma source(%dma_start3A_327 : memref<80x128xf32, #tpu.memory_space<vmem_shared>>) target(%dma_start3A_325 : memref<80x128xf32, #tpu.memory_space<hbm>>) target_semaphore(%arg10 : memref<!tpu.dma_semaphore, #tpu.memory_space<semaphore_mem>>)
    } else {
    }
    %add3A_216 = arith.constant 16 : i32
    %add3A_217 = arith.addi %arg1, %add3A_216 : i32
    %lt3A_218 = arith.constant 125 : i32
    %lt3A_219 = arith.cmpi slt, %add3A_217, %lt3A_218 : i32
    %convert_element_type3A_220 = arith.extui %lt3A_219 : i1 to i32
    %cond3A_221 = arith.constant 0 : i32
    %cond3A_222 = arith.cmpi ne, %convert_element_type3A_220, %cond3A_221 : i32
    scf.if %cond3A_222 {
      %mul3A_321 = arith.constant 80 : i32
      %mul3A_322 = arith.muli %add3A_217, %mul3A_321 : i32
      %dma_start3A_323 = arith.constant 0 : i32
      %dma_start3A_324 = tpu.memref_slice %arg5[%arg0, %mul3A_322, %dma_start3A_323] : memref<2x10000x128xf32, #tpu.memory_space<hbm>> -> memref<1x80x128xf32, #tpu.memory_space<hbm>>
      %dma_start3A_325 = tpu.memref_squeeze %dma_start3A_324 : memref<1x80x128xf32, #tpu.memory_space<hbm>> -> memref<80x128xf32, #tpu.memory_space<hbm>>
      %dma_start3A_326 = arith.constant 0 : i32
      %dma_start3A_327 = tpu.memref_slice %arg9[%mul3A_322, %dma_start3A_326] : memref<10000x128xf32, #tpu.memory_space<vmem_shared>> -> memref<80x128xf32, #tpu.memory_space<vmem_shared>>
      tpu.enqueue_dma source(%dma_start3A_327 : memref<80x128xf32, #tpu.memory_space<vmem_shared>>) target(%dma_start3A_325 : memref<80x128xf32, #tpu.memory_space<hbm>>) target_semaphore(%arg10 : memref<!tpu.dma_semaphore, #tpu.memory_space<semaphore_mem>>)
    } else {
    }
    %add3A_223 = arith.constant 32 : i32
    %add3A_224 = arith.addi %arg1, %add3A_223 : i32
    %lt3A_225 = arith.constant 125 : i32
    %lt3A_226 = arith.cmpi slt, %add3A_224, %lt3A_225 : i32
    %convert_element_type3A_227 = arith.extui %lt3A_226 : i1 to i32
    %cond3A_228 = arith.constant 0 : i32
    %cond3A_229 = arith.cmpi ne, %convert_element_type3A_227, %cond3A_228 : i32
    scf.if %cond3A_229 {
      %mul3A_321 = arith.constant 80 : i32
      %mul3A_322 = arith.muli %add3A_224, %mul3A_321 : i32
      %dma_start3A_323 = arith.constant 0 : i32
      %dma_start3A_324 = tpu.memref_slice %arg5[%arg0, %mul3A_322, %dma_start3A_323] : memref<2x10000x128xf32, #tpu.memory_space<hbm>> -> memref<1x80x128xf32, #tpu.memory_space<hbm>>
      %dma_start3A_325 = tpu.memref_squeeze %dma_start3A_324 : memref<1x80x128xf32, #tpu.memory_space<hbm>> -> memref<80x128xf32, #tpu.memory_space<hbm>>
      %dma_start3A_326 = arith.constant 0 : i32
      %dma_start3A_327 = tpu.memref_slice %arg9[%mul3A_322, %dma_start3A_326] : memref<10000x128xf32, #tpu.memory_space<vmem_shared>> -> memref<80x128xf32, #tpu.memory_space<vmem_shared>>
      tpu.enqueue_dma source(%dma_start3A_327 : memref<80x128xf32, #tpu.memory_space<vmem_shared>>) target(%dma_start3A_325 : memref<80x128xf32, #tpu.memory_space<hbm>>) target_semaphore(%arg10 : memref<!tpu.dma_semaphore, #tpu.memory_space<semaphore_mem>>)
    } else {
    }
    %add3A_230 = arith.constant 48 : i32
    %add3A_231 = arith.addi %arg1, %add3A_230 : i32
    %lt3A_232 = arith.constant 125 : i32
    %lt3A_233 = arith.cmpi slt, %add3A_231, %lt3A_232 : i32
    %convert_element_type3A_234 = arith.extui %lt3A_233 : i1 to i32
    %cond3A_235 = arith.constant 0 : i32
    %cond3A_236 = arith.cmpi ne, %convert_element_type3A_234, %cond3A_235 : i32
    scf.if %cond3A_236 {
      %mul3A_321 = arith.constant 80 : i32
      %mul3A_322 = arith.muli %add3A_231, %mul3A_321 : i32
      %dma_start3A_323 = arith.constant 0 : i32
      %dma_start3A_324 = tpu.memref_slice %arg5[%arg0, %mul3A_322, %dma_start3A_323] : memref<2x10000x128xf32, #tpu.memory_space<hbm>> -> memref<1x80x128xf32, #tpu.memory_space<hbm>>
      %dma_start3A_325 = tpu.memref_squeeze %dma_start3A_324 : memref<1x80x128xf32, #tpu.memory_space<hbm>> -> memref<80x128xf32, #tpu.memory_space<hbm>>
      %dma_start3A_326 = arith.constant 0 : i32
      %dma_start3A_327 = tpu.memref_slice %arg9[%mul3A_322, %dma_start3A_326] : memref<10000x128xf32, #tpu.memory_space<vmem_shared>> -> memref<80x128xf32, #tpu.memory_space<vmem_shared>>
      tpu.enqueue_dma source(%dma_start3A_327 : memref<80x128xf32, #tpu.memory_space<vmem_shared>>) target(%dma_start3A_325 : memref<80x128xf32, #tpu.memory_space<hbm>>) target_semaphore(%arg10 : memref<!tpu.dma_semaphore, #tpu.memory_space<semaphore_mem>>)
    } else {
    }
    %add3A_237 = arith.constant 64 : i32
    %add3A_238 = arith.addi %arg1, %add3A_237 : i32
    %lt3A_239 = arith.constant 125 : i32
    %lt3A_240 = arith.cmpi slt, %add3A_238, %lt3A_239 : i32
    %convert_element_type3A_241 = arith.extui %lt3A_240 : i1 to i32
    %cond3A_242 = arith.constant 0 : i32
    %cond3A_243 = arith.cmpi ne, %convert_element_type3A_241, %cond3A_242 : i32
    scf.if %cond3A_243 {
      %mul3A_321 = arith.constant 80 : i32
      %mul3A_322 = arith.muli %add3A_238, %mul3A_321 : i32
      %dma_start3A_323 = arith.constant 0 : i32
      %dma_start3A_324 = tpu.memref_slice %arg5[%arg0, %mul3A_322, %dma_start3A_323] : memref<2x10000x128xf32, #tpu.memory_space<hbm>> -> memref<1x80x128xf32, #tpu.memory_space<hbm>>
      %dma_start3A_325 = tpu.memref_squeeze %dma_start3A_324 : memref<1x80x128xf32, #tpu.memory_space<hbm>> -> memref<80x128xf32, #tpu.memory_space<hbm>>
      %dma_start3A_326 = arith.constant 0 : i32
      %dma_start3A_327 = tpu.memref_slice %arg9[%mul3A_322, %dma_start3A_326] : memref<10000x128xf32, #tpu.memory_space<vmem_shared>> -> memref<80x128xf32, #tpu.memory_space<vmem_shared>>
      tpu.enqueue_dma source(%dma_start3A_327 : memref<80x128xf32, #tpu.memory_space<vmem_shared>>) target(%dma_start3A_325 : memref<80x128xf32, #tpu.memory_space<hbm>>) target_semaphore(%arg10 : memref<!tpu.dma_semaphore, #tpu.memory_space<semaphore_mem>>)
    } else {
    }
    %add3A_244 = arith.constant 80 : i32
    %add3A_245 = arith.addi %arg1, %add3A_244 : i32
    %lt3A_246 = arith.constant 125 : i32
    %lt3A_247 = arith.cmpi slt, %add3A_245, %lt3A_246 : i32
    %convert_element_type3A_248 = arith.extui %lt3A_247 : i1 to i32
    %cond3A_249 = arith.constant 0 : i32
    %cond3A_250 = arith.cmpi ne, %convert_element_type3A_248, %cond3A_249 : i32
    scf.if %cond3A_250 {
      %mul3A_321 = arith.constant 80 : i32
      %mul3A_322 = arith.muli %add3A_245, %mul3A_321 : i32
      %dma_start3A_323 = arith.constant 0 : i32
      %dma_start3A_324 = tpu.memref_slice %arg5[%arg0, %mul3A_322, %dma_start3A_323] : memref<2x10000x128xf32, #tpu.memory_space<hbm>> -> memref<1x80x128xf32, #tpu.memory_space<hbm>>
      %dma_start3A_325 = tpu.memref_squeeze %dma_start3A_324 : memref<1x80x128xf32, #tpu.memory_space<hbm>> -> memref<80x128xf32, #tpu.memory_space<hbm>>
      %dma_start3A_326 = arith.constant 0 : i32
      %dma_start3A_327 = tpu.memref_slice %arg9[%mul3A_322, %dma_start3A_326] : memref<10000x128xf32, #tpu.memory_space<vmem_shared>> -> memref<80x128xf32, #tpu.memory_space<vmem_shared>>
      tpu.enqueue_dma source(%dma_start3A_327 : memref<80x128xf32, #tpu.memory_space<vmem_shared>>) target(%dma_start3A_325 : memref<80x128xf32, #tpu.memory_space<hbm>>) target_semaphore(%arg10 : memref<!tpu.dma_semaphore, #tpu.memory_space<semaphore_mem>>)
    } else {
    }
    %add3A_251 = arith.constant 96 : i32
    %add3A_252 = arith.addi %arg1, %add3A_251 : i32
    %lt3A_253 = arith.constant 125 : i32
    %lt3A_254 = arith.cmpi slt, %add3A_252, %lt3A_253 : i32
    %convert_element_type3A_255 = arith.extui %lt3A_254 : i1 to i32
    %cond3A_256 = arith.constant 0 : i32
    %cond3A_257 = arith.cmpi ne, %convert_element_type3A_255, %cond3A_256 : i32
    scf.if %cond3A_257 {
      %mul3A_321 = arith.constant 80 : i32
      %mul3A_322 = arith.muli %add3A_252, %mul3A_321 : i32
      %dma_start3A_323 = arith.constant 0 : i32
      %dma_start3A_324 = tpu.memref_slice %arg5[%arg0, %mul3A_322, %dma_start3A_323] : memref<2x10000x128xf32, #tpu.memory_space<hbm>> -> memref<1x80x128xf32, #tpu.memory_space<hbm>>
      %dma_start3A_325 = tpu.memref_squeeze %dma_start3A_324 : memref<1x80x128xf32, #tpu.memory_space<hbm>> -> memref<80x128xf32, #tpu.memory_space<hbm>>
      %dma_start3A_326 = arith.constant 0 : i32
      %dma_start3A_327 = tpu.memref_slice %arg9[%mul3A_322, %dma_start3A_326] : memref<10000x128xf32, #tpu.memory_space<vmem_shared>> -> memref<80x128xf32, #tpu.memory_space<vmem_shared>>
      tpu.enqueue_dma source(%dma_start3A_327 : memref<80x128xf32, #tpu.memory_space<vmem_shared>>) target(%dma_start3A_325 : memref<80x128xf32, #tpu.memory_space<hbm>>) target_semaphore(%arg10 : memref<!tpu.dma_semaphore, #tpu.memory_space<semaphore_mem>>)
    } else {
    }
    %add3A_258 = arith.constant 112 : i32
    %add3A_259 = arith.addi %arg1, %add3A_258 : i32
    %lt3A_260 = arith.constant 125 : i32
    %lt3A_261 = arith.cmpi slt, %add3A_259, %lt3A_260 : i32
    %convert_element_type3A_262 = arith.extui %lt3A_261 : i1 to i32
    %cond3A_263 = arith.constant 0 : i32
    %cond3A_264 = arith.cmpi ne, %convert_element_type3A_262, %cond3A_263 : i32
    scf.if %cond3A_264 {
      %mul3A_321 = arith.constant 80 : i32
      %mul3A_322 = arith.muli %add3A_259, %mul3A_321 : i32
      %dma_start3A_323 = arith.constant 0 : i32
      %dma_start3A_324 = tpu.memref_slice %arg5[%arg0, %mul3A_322, %dma_start3A_323] : memref<2x10000x128xf32, #tpu.memory_space<hbm>> -> memref<1x80x128xf32, #tpu.memory_space<hbm>>
      %dma_start3A_325 = tpu.memref_squeeze %dma_start3A_324 : memref<1x80x128xf32, #tpu.memory_space<hbm>> -> memref<80x128xf32, #tpu.memory_space<hbm>>
      %dma_start3A_326 = arith.constant 0 : i32
      %dma_start3A_327 = tpu.memref_slice %arg9[%mul3A_322, %dma_start3A_326] : memref<10000x128xf32, #tpu.memory_space<vmem_shared>> -> memref<80x128xf32, #tpu.memory_space<vmem_shared>>
      tpu.enqueue_dma source(%dma_start3A_327 : memref<80x128xf32, #tpu.memory_space<vmem_shared>>) target(%dma_start3A_325 : memref<80x128xf32, #tpu.memory_space<hbm>>) target_semaphore(%arg10 : memref<!tpu.dma_semaphore, #tpu.memory_space<semaphore_mem>>)
    } else {
    }
    %add3A_265 = arith.constant 0 : i32
    %add3A_266 = arith.addi %arg1, %add3A_265 : i32
    %lt3A_267 = arith.constant 125 : i32
    %lt3A_268 = arith.cmpi slt, %add3A_266, %lt3A_267 : i32
    %convert_element_type3A_269 = arith.extui %lt3A_268 : i1 to i32
    %cond3A_270 = arith.constant 0 : i32
    %cond3A_271 = arith.cmpi ne, %convert_element_type3A_269, %cond3A_270 : i32
    scf.if %cond3A_271 {
      %mul3A_321 = arith.constant 80 : i32
      %mul3A_322 = arith.muli %add3A_266, %mul3A_321 : i32
      %dma_wait3A_323 = arith.constant 0 : i32
      %dma_wait3A_324 = tpu.memref_slice %arg5[%arg0, %mul3A_322, %dma_wait3A_323] : memref<2x10000x128xf32, #tpu.memory_space<hbm>> -> memref<1x80x128xf32, #tpu.memory_space<hbm>>
      %dma_wait3A_325 = tpu.memref_squeeze %dma_wait3A_324 : memref<1x80x128xf32, #tpu.memory_space<hbm>> -> memref<80x128xf32, #tpu.memory_space<hbm>>
      %dma_wait3A_326 = arith.constant 0 : i32
      %dma_wait3A_327 = tpu.memref_slice %arg9[%mul3A_322, %dma_wait3A_326] : memref<10000x128xf32, #tpu.memory_space<vmem_shared>> -> memref<80x128xf32, #tpu.memory_space<vmem_shared>>
      tpu.wait_dma2 semaphore(%arg10 : memref<!tpu.dma_semaphore, #tpu.memory_space<semaphore_mem>>) src(%dma_wait3A_327 : memref<80x128xf32, #tpu.memory_space<vmem_shared>>) dst(%dma_wait3A_325 : memref<80x128xf32, #tpu.memory_space<hbm>>)
    } else {
    }
    %add3A_272 = arith.constant 16 : i32
    %add3A_273 = arith.addi %arg1, %add3A_272 : i32
    %lt3A_274 = arith.constant 125 : i32
    %lt3A_275 = arith.cmpi slt, %add3A_273, %lt3A_274 : i32
    %convert_element_type3A_276 = arith.extui %lt3A_275 : i1 to i32
    %cond3A_277 = arith.constant 0 : i32
    %cond3A_278 = arith.cmpi ne, %convert_element_type3A_276, %cond3A_277 : i32
    scf.if %cond3A_278 {
      %mul3A_321 = arith.constant 80 : i32
      %mul3A_322 = arith.muli %add3A_273, %mul3A_321 : i32
      %dma_wait3A_323 = arith.constant 0 : i32
      %dma_wait3A_324 = tpu.memref_slice %arg5[%arg0, %mul3A_322, %dma_wait3A_323] : memref<2x10000x128xf32, #tpu.memory_space<hbm>> -> memref<1x80x128xf32, #tpu.memory_space<hbm>>
      %dma_wait3A_325 = tpu.memref_squeeze %dma_wait3A_324 : memref<1x80x128xf32, #tpu.memory_space<hbm>> -> memref<80x128xf32, #tpu.memory_space<hbm>>
      %dma_wait3A_326 = arith.constant 0 : i32
      %dma_wait3A_327 = tpu.memref_slice %arg9[%mul3A_322, %dma_wait3A_326] : memref<10000x128xf32, #tpu.memory_space<vmem_shared>> -> memref<80x128xf32, #tpu.memory_space<vmem_shared>>
      tpu.wait_dma2 semaphore(%arg10 : memref<!tpu.dma_semaphore, #tpu.memory_space<semaphore_mem>>) src(%dma_wait3A_327 : memref<80x128xf32, #tpu.memory_space<vmem_shared>>) dst(%dma_wait3A_325 : memref<80x128xf32, #tpu.memory_space<hbm>>)
    } else {
    }
    %add3A_279 = arith.constant 32 : i32
    %add3A_280 = arith.addi %arg1, %add3A_279 : i32
    %lt3A_281 = arith.constant 125 : i32
    %lt3A_282 = arith.cmpi slt, %add3A_280, %lt3A_281 : i32
    %convert_element_type3A_283 = arith.extui %lt3A_282 : i1 to i32
    %cond3A_284 = arith.constant 0 : i32
    %cond3A_285 = arith.cmpi ne, %convert_element_type3A_283, %cond3A_284 : i32
    scf.if %cond3A_285 {
      %mul3A_321 = arith.constant 80 : i32
      %mul3A_322 = arith.muli %add3A_280, %mul3A_321 : i32
      %dma_wait3A_323 = arith.constant 0 : i32
      %dma_wait3A_324 = tpu.memref_slice %arg5[%arg0, %mul3A_322, %dma_wait3A_323] : memref<2x10000x128xf32, #tpu.memory_space<hbm>> -> memref<1x80x128xf32, #tpu.memory_space<hbm>>
      %dma_wait3A_325 = tpu.memref_squeeze %dma_wait3A_324 : memref<1x80x128xf32, #tpu.memory_space<hbm>> -> memref<80x128xf32, #tpu.memory_space<hbm>>
      %dma_wait3A_326 = arith.constant 0 : i32
      %dma_wait3A_327 = tpu.memref_slice %arg9[%mul3A_322, %dma_wait3A_326] : memref<10000x128xf32, #tpu.memory_space<vmem_shared>> -> memref<80x128xf32, #tpu.memory_space<vmem_shared>>
      tpu.wait_dma2 semaphore(%arg10 : memref<!tpu.dma_semaphore, #tpu.memory_space<semaphore_mem>>) src(%dma_wait3A_327 : memref<80x128xf32, #tpu.memory_space<vmem_shared>>) dst(%dma_wait3A_325 : memref<80x128xf32, #tpu.memory_space<hbm>>)
    } else {
    }
    %add3A_286 = arith.constant 48 : i32
    %add3A_287 = arith.addi %arg1, %add3A_286 : i32
    %lt3A_288 = arith.constant 125 : i32
    %lt3A_289 = arith.cmpi slt, %add3A_287, %lt3A_288 : i32
    %convert_element_type3A_290 = arith.extui %lt3A_289 : i1 to i32
    %cond3A_291 = arith.constant 0 : i32
    %cond3A_292 = arith.cmpi ne, %convert_element_type3A_290, %cond3A_291 : i32
    scf.if %cond3A_292 {
      %mul3A_321 = arith.constant 80 : i32
      %mul3A_322 = arith.muli %add3A_287, %mul3A_321 : i32
      %dma_wait3A_323 = arith.constant 0 : i32
      %dma_wait3A_324 = tpu.memref_slice %arg5[%arg0, %mul3A_322, %dma_wait3A_323] : memref<2x10000x128xf32, #tpu.memory_space<hbm>> -> memref<1x80x128xf32, #tpu.memory_space<hbm>>
      %dma_wait3A_325 = tpu.memref_squeeze %dma_wait3A_324 : memref<1x80x128xf32, #tpu.memory_space<hbm>> -> memref<80x128xf32, #tpu.memory_space<hbm>>
      %dma_wait3A_326 = arith.constant 0 : i32
      %dma_wait3A_327 = tpu.memref_slice %arg9[%mul3A_322, %dma_wait3A_326] : memref<10000x128xf32, #tpu.memory_space<vmem_shared>> -> memref<80x128xf32, #tpu.memory_space<vmem_shared>>
      tpu.wait_dma2 semaphore(%arg10 : memref<!tpu.dma_semaphore, #tpu.memory_space<semaphore_mem>>) src(%dma_wait3A_327 : memref<80x128xf32, #tpu.memory_space<vmem_shared>>) dst(%dma_wait3A_325 : memref<80x128xf32, #tpu.memory_space<hbm>>)
    } else {
    }
    %add3A_293 = arith.constant 64 : i32
    %add3A_294 = arith.addi %arg1, %add3A_293 : i32
    %lt3A_295 = arith.constant 125 : i32
    %lt3A_296 = arith.cmpi slt, %add3A_294, %lt3A_295 : i32
    %convert_element_type3A_297 = arith.extui %lt3A_296 : i1 to i32
    %cond3A_298 = arith.constant 0 : i32
    %cond3A_299 = arith.cmpi ne, %convert_element_type3A_297, %cond3A_298 : i32
    scf.if %cond3A_299 {
      %mul3A_321 = arith.constant 80 : i32
      %mul3A_322 = arith.muli %add3A_294, %mul3A_321 : i32
      %dma_wait3A_323 = arith.constant 0 : i32
      %dma_wait3A_324 = tpu.memref_slice %arg5[%arg0, %mul3A_322, %dma_wait3A_323] : memref<2x10000x128xf32, #tpu.memory_space<hbm>> -> memref<1x80x128xf32, #tpu.memory_space<hbm>>
      %dma_wait3A_325 = tpu.memref_squeeze %dma_wait3A_324 : memref<1x80x128xf32, #tpu.memory_space<hbm>> -> memref<80x128xf32, #tpu.memory_space<hbm>>
      %dma_wait3A_326 = arith.constant 0 : i32
      %dma_wait3A_327 = tpu.memref_slice %arg9[%mul3A_322, %dma_wait3A_326] : memref<10000x128xf32, #tpu.memory_space<vmem_shared>> -> memref<80x128xf32, #tpu.memory_space<vmem_shared>>
      tpu.wait_dma2 semaphore(%arg10 : memref<!tpu.dma_semaphore, #tpu.memory_space<semaphore_mem>>) src(%dma_wait3A_327 : memref<80x128xf32, #tpu.memory_space<vmem_shared>>) dst(%dma_wait3A_325 : memref<80x128xf32, #tpu.memory_space<hbm>>)
    } else {
    }
    %add3A_300 = arith.constant 80 : i32
    %add3A_301 = arith.addi %arg1, %add3A_300 : i32
    %lt3A_302 = arith.constant 125 : i32
    %lt3A_303 = arith.cmpi slt, %add3A_301, %lt3A_302 : i32
    %convert_element_type3A_304 = arith.extui %lt3A_303 : i1 to i32
    %cond3A_305 = arith.constant 0 : i32
    %cond3A_306 = arith.cmpi ne, %convert_element_type3A_304, %cond3A_305 : i32
    scf.if %cond3A_306 {
      %mul3A_321 = arith.constant 80 : i32
      %mul3A_322 = arith.muli %add3A_301, %mul3A_321 : i32
      %dma_wait3A_323 = arith.constant 0 : i32
      %dma_wait3A_324 = tpu.memref_slice %arg5[%arg0, %mul3A_322, %dma_wait3A_323] : memref<2x10000x128xf32, #tpu.memory_space<hbm>> -> memref<1x80x128xf32, #tpu.memory_space<hbm>>
      %dma_wait3A_325 = tpu.memref_squeeze %dma_wait3A_324 : memref<1x80x128xf32, #tpu.memory_space<hbm>> -> memref<80x128xf32, #tpu.memory_space<hbm>>
      %dma_wait3A_326 = arith.constant 0 : i32
      %dma_wait3A_327 = tpu.memref_slice %arg9[%mul3A_322, %dma_wait3A_326] : memref<10000x128xf32, #tpu.memory_space<vmem_shared>> -> memref<80x128xf32, #tpu.memory_space<vmem_shared>>
      tpu.wait_dma2 semaphore(%arg10 : memref<!tpu.dma_semaphore, #tpu.memory_space<semaphore_mem>>) src(%dma_wait3A_327 : memref<80x128xf32, #tpu.memory_space<vmem_shared>>) dst(%dma_wait3A_325 : memref<80x128xf32, #tpu.memory_space<hbm>>)
    } else {
    }
    %add3A_307 = arith.constant 96 : i32
    %add3A_308 = arith.addi %arg1, %add3A_307 : i32
    %lt3A_309 = arith.constant 125 : i32
    %lt3A_310 = arith.cmpi slt, %add3A_308, %lt3A_309 : i32
    %convert_element_type3A_311 = arith.extui %lt3A_310 : i1 to i32
    %cond3A_312 = arith.constant 0 : i32
    %cond3A_313 = arith.cmpi ne, %convert_element_type3A_311, %cond3A_312 : i32
    scf.if %cond3A_313 {
      %mul3A_321 = arith.constant 80 : i32
      %mul3A_322 = arith.muli %add3A_308, %mul3A_321 : i32
      %dma_wait3A_323 = arith.constant 0 : i32
      %dma_wait3A_324 = tpu.memref_slice %arg5[%arg0, %mul3A_322, %dma_wait3A_323] : memref<2x10000x128xf32, #tpu.memory_space<hbm>> -> memref<1x80x128xf32, #tpu.memory_space<hbm>>
      %dma_wait3A_325 = tpu.memref_squeeze %dma_wait3A_324 : memref<1x80x128xf32, #tpu.memory_space<hbm>> -> memref<80x128xf32, #tpu.memory_space<hbm>>
      %dma_wait3A_326 = arith.constant 0 : i32
      %dma_wait3A_327 = tpu.memref_slice %arg9[%mul3A_322, %dma_wait3A_326] : memref<10000x128xf32, #tpu.memory_space<vmem_shared>> -> memref<80x128xf32, #tpu.memory_space<vmem_shared>>
      tpu.wait_dma2 semaphore(%arg10 : memref<!tpu.dma_semaphore, #tpu.memory_space<semaphore_mem>>) src(%dma_wait3A_327 : memref<80x128xf32, #tpu.memory_space<vmem_shared>>) dst(%dma_wait3A_325 : memref<80x128xf32, #tpu.memory_space<hbm>>)
    } else {
    }
    %add3A_314 = arith.constant 112 : i32
    %add3A_315 = arith.addi %arg1, %add3A_314 : i32
    %lt3A_316 = arith.constant 125 : i32
    %lt3A_317 = arith.cmpi slt, %add3A_315, %lt3A_316 : i32
    %convert_element_type3A_318 = arith.extui %lt3A_317 : i1 to i32
    %cond3A_319 = arith.constant 0 : i32
    %cond3A_320 = arith.cmpi ne, %convert_element_type3A_318, %cond3A_319 : i32
    scf.if %cond3A_320 {
      %mul3A_321 = arith.constant 80 : i32
      %mul3A_322 = arith.muli %add3A_315, %mul3A_321 : i32
      %dma_wait3A_323 = arith.constant 0 : i32
      %dma_wait3A_324 = tpu.memref_slice %arg5[%arg0, %mul3A_322, %dma_wait3A_323] : memref<2x10000x128xf32, #tpu.memory_space<hbm>> -> memref<1x80x128xf32, #tpu.memory_space<hbm>>
      %dma_wait3A_325 = tpu.memref_squeeze %dma_wait3A_324 : memref<1x80x128xf32, #tpu.memory_space<hbm>> -> memref<80x128xf32, #tpu.memory_space<hbm>>
      %dma_wait3A_326 = arith.constant 0 : i32
      %dma_wait3A_327 = tpu.memref_slice %arg9[%mul3A_322, %dma_wait3A_326] : memref<10000x128xf32, #tpu.memory_space<vmem_shared>> -> memref<80x128xf32, #tpu.memory_space<vmem_shared>>
      tpu.wait_dma2 semaphore(%arg10 : memref<!tpu.dma_semaphore, #tpu.memory_space<semaphore_mem>>) src(%dma_wait3A_327 : memref<80x128xf32, #tpu.memory_space<vmem_shared>>) dst(%dma_wait3A_325 : memref<80x128xf32, #tpu.memory_space<hbm>>)
    } else {
    }
    return
  }
}

#map = affine_map<(d0, d1) -> (0, 0)>
#map1 = affine_map<(d0, d1) -> (0, 0, 0, 0)>
#map2 = affine_map<(d0, d1) -> (0, 0, 0)>
module attributes {stable_mosaic.version = 14 : i64} {
  func.func @_sc_scatter_body(%arg0: i32, %arg1: i32, %arg2: memref<90000x128xf32, #tpu.memory_space<hbm>>, %arg3: memref<32x25x5x80xi32, #tpu.memory_space<hbm>>, %arg4: memref<32x25x5x80xi32, #tpu.memory_space<hbm>>, %arg5: memref<2x10000x128xf32, #tpu.memory_space<hbm>>, %arg6: memref<2x5x80xi32, #tpu.memory_space<vmem>>, %arg7: memref<2x5x80xi32, #tpu.memory_space<vmem>>, %arg8: memref<4x80x128xf32, #tpu.memory_space<vmem>>, %arg9: memref<10000x128xf32, #tpu.memory_space<vmem_shared>>, %arg10: memref<!tpu.dma_semaphore, #tpu.memory_space<semaphore_mem>>, %arg11: memref<4x!tpu.dma_semaphore, #tpu.memory_space<semaphore_mem>>) attributes {dimension_semantics = [#tpu.dimension_semantics<core_parallel>, #tpu.dimension_semantics<subcore_parallel>], iteration_bounds = array<i64: 2, 16>, scalar_prefetch = 0 : i64, scratch_operands = 6 : i64, tpu.core_type = #tpu.core_type<sc_vector_subcore>, window_params = [{transform_indices = #map}, {transform_indices = #map1}, {transform_indices = #map1}, {transform_indices = #map2}]} {
    %mul3A = arith.constant 2 : i32
    %mul3A_0 = arith.muli %arg1, %mul3A : i32
    %add3A = arith.addi %mul3A_0, %arg0 : i32
    %dma_start3A = arith.constant 0 : i32
    %dma_start3A_1 = arith.constant 0 : i32
    %dma_start3A_2 = arith.constant 0 : i32
    %dma_start3A_3 = arith.constant 0 : i32
    %dma_start3A_4 = tpu.memref_slice %arg6[%dma_start3A_1, %dma_start3A_2, %dma_start3A_3] : memref<2x5x80xi32, #tpu.memory_space<vmem>> -> memref<1x5x80xi32, #tpu.memory_space<vmem>>
    %dma_start3A_5 = tpu.memref_squeeze %dma_start3A_4 : memref<1x5x80xi32, #tpu.memory_space<vmem>> -> memref<5x80xi32, #tpu.memory_space<vmem>>
    %dma_start3A_6 = arith.constant 0 : i32
    %dma_start3A_7 = arith.constant 0 : i32
    %dma_start3A_8 = tpu.memref_slice %arg3[%add3A, %dma_start3A, %dma_start3A_6, %dma_start3A_7] : memref<32x25x5x80xi32, #tpu.memory_space<hbm>> -> memref<1x1x5x80xi32, #tpu.memory_space<hbm>>
    %dma_start3A_9 = tpu.memref_squeeze %dma_start3A_8 : memref<1x1x5x80xi32, #tpu.memory_space<hbm>> -> memref<5x80xi32, #tpu.memory_space<hbm>>
    %dma_start3A_10 = arith.constant 0 : i32
    %dma_start3A_11 = arith.constant 0 : i32
    %dma_start3A_12 = tpu.memref_slice %arg6[%dma_start3A_1, %dma_start3A_10, %dma_start3A_11] : memref<2x5x80xi32, #tpu.memory_space<vmem>> -> memref<1x5x80xi32, #tpu.memory_space<vmem>>
    %dma_start3A_13 = tpu.memref_squeeze %dma_start3A_12 : memref<1x5x80xi32, #tpu.memory_space<vmem>> -> memref<5x80xi32, #tpu.memory_space<vmem>>
    %dma_start3A_14 = arith.constant 0 : i32
    %dma_start3A_15 = arith.constant 0 : i32
    %dma_start3A_16 = tpu.memref_slice %arg3[%add3A, %dma_start3A, %dma_start3A_14, %dma_start3A_15] : memref<32x25x5x80xi32, #tpu.memory_space<hbm>> -> memref<1x1x5x80xi32, #tpu.memory_space<hbm>>
    %dma_start3A_17 = tpu.memref_squeeze %dma_start3A_16 : memref<1x1x5x80xi32, #tpu.memory_space<hbm>> -> memref<5x80xi32, #tpu.memory_space<hbm>>
    tpu.enqueue_dma source(%dma_start3A_17 : memref<5x80xi32, #tpu.memory_space<hbm>>) target(%dma_start3A_13 : memref<5x80xi32, #tpu.memory_space<vmem>>) target_semaphore(%arg10 : memref<!tpu.dma_semaphore, #tpu.memory_space<semaphore_mem>>)
    %dma_start3A_18 = arith.constant 0 : i32
    %dma_start3A_19 = arith.constant 0 : i32
    %dma_start3A_20 = arith.constant 0 : i32
    %dma_start3A_21 = arith.constant 0 : i32
    %dma_start3A_22 = tpu.memref_slice %arg7[%dma_start3A_19, %dma_start3A_20, %dma_start3A_21] : memref<2x5x80xi32, #tpu.memory_space<vmem>> -> memref<1x5x80xi32, #tpu.memory_space<vmem>>
    %dma_start3A_23 = tpu.memref_squeeze %dma_start3A_22 : memref<1x5x80xi32, #tpu.memory_space<vmem>> -> memref<5x80xi32, #tpu.memory_space<vmem>>
    %dma_start3A_24 = arith.constant 0 : i32
    %dma_start3A_25 = arith.constant 0 : i32
    %dma_start3A_26 = tpu.memref_slice %arg4[%add3A, %dma_start3A_18, %dma_start3A_24, %dma_start3A_25] : memref<32x25x5x80xi32, #tpu.memory_space<hbm>> -> memref<1x1x5x80xi32, #tpu.memory_space<hbm>>
    %dma_start3A_27 = tpu.memref_squeeze %dma_start3A_26 : memref<1x1x5x80xi32, #tpu.memory_space<hbm>> -> memref<5x80xi32, #tpu.memory_space<hbm>>
    %dma_start3A_28 = arith.constant 0 : i32
    %dma_start3A_29 = arith.constant 0 : i32
    %dma_start3A_30 = tpu.memref_slice %arg7[%dma_start3A_19, %dma_start3A_28, %dma_start3A_29] : memref<2x5x80xi32, #tpu.memory_space<vmem>> -> memref<1x5x80xi32, #tpu.memory_space<vmem>>
    %dma_start3A_31 = tpu.memref_squeeze %dma_start3A_30 : memref<1x5x80xi32, #tpu.memory_space<vmem>> -> memref<5x80xi32, #tpu.memory_space<vmem>>
    %dma_start3A_32 = arith.constant 0 : i32
    %dma_start3A_33 = arith.constant 0 : i32
    %dma_start3A_34 = tpu.memref_slice %arg4[%add3A, %dma_start3A_18, %dma_start3A_32, %dma_start3A_33] : memref<32x25x5x80xi32, #tpu.memory_space<hbm>> -> memref<1x1x5x80xi32, #tpu.memory_space<hbm>>
    %dma_start3A_35 = tpu.memref_squeeze %dma_start3A_34 : memref<1x1x5x80xi32, #tpu.memory_space<hbm>> -> memref<5x80xi32, #tpu.memory_space<hbm>>
    tpu.enqueue_dma source(%dma_start3A_35 : memref<5x80xi32, #tpu.memory_space<hbm>>) target(%dma_start3A_31 : memref<5x80xi32, #tpu.memory_space<vmem>>) target_semaphore(%arg10 : memref<!tpu.dma_semaphore, #tpu.memory_space<semaphore_mem>>)
    %dma_wait3A = arith.constant 0 : i32
    %dma_wait3A_36 = arith.constant 0 : i32
    %dma_wait3A_37 = arith.constant 0 : i32
    %dma_wait3A_38 = arith.constant 0 : i32
    %dma_wait3A_39 = tpu.memref_slice %arg6[%dma_wait3A_36, %dma_wait3A_37, %dma_wait3A_38] : memref<2x5x80xi32, #tpu.memory_space<vmem>> -> memref<1x5x80xi32, #tpu.memory_space<vmem>>
    %dma_wait3A_40 = tpu.memref_squeeze %dma_wait3A_39 : memref<1x5x80xi32, #tpu.memory_space<vmem>> -> memref<5x80xi32, #tpu.memory_space<vmem>>
    %dma_wait3A_41 = arith.constant 0 : i32
    %dma_wait3A_42 = arith.constant 0 : i32
    %dma_wait3A_43 = tpu.memref_slice %arg3[%add3A, %dma_wait3A, %dma_wait3A_41, %dma_wait3A_42] : memref<32x25x5x80xi32, #tpu.memory_space<hbm>> -> memref<1x1x5x80xi32, #tpu.memory_space<hbm>>
    %dma_wait3A_44 = tpu.memref_squeeze %dma_wait3A_43 : memref<1x1x5x80xi32, #tpu.memory_space<hbm>> -> memref<5x80xi32, #tpu.memory_space<hbm>>
    %dma_wait3A_45 = arith.constant 0 : i32
    %dma_wait3A_46 = arith.constant 0 : i32
    %dma_wait3A_47 = tpu.memref_slice %arg6[%dma_wait3A_36, %dma_wait3A_45, %dma_wait3A_46] : memref<2x5x80xi32, #tpu.memory_space<vmem>> -> memref<1x5x80xi32, #tpu.memory_space<vmem>>
    %dma_wait3A_48 = tpu.memref_squeeze %dma_wait3A_47 : memref<1x5x80xi32, #tpu.memory_space<vmem>> -> memref<5x80xi32, #tpu.memory_space<vmem>>
    %dma_wait3A_49 = arith.constant 0 : i32
    %dma_wait3A_50 = arith.constant 0 : i32
    %dma_wait3A_51 = tpu.memref_slice %arg3[%add3A, %dma_wait3A, %dma_wait3A_49, %dma_wait3A_50] : memref<32x25x5x80xi32, #tpu.memory_space<hbm>> -> memref<1x1x5x80xi32, #tpu.memory_space<hbm>>
    %dma_wait3A_52 = tpu.memref_squeeze %dma_wait3A_51 : memref<1x1x5x80xi32, #tpu.memory_space<hbm>> -> memref<5x80xi32, #tpu.memory_space<hbm>>
    tpu.wait_dma2 semaphore(%arg10 : memref<!tpu.dma_semaphore, #tpu.memory_space<semaphore_mem>>) src(%dma_wait3A_52 : memref<5x80xi32, #tpu.memory_space<hbm>>) dst(%dma_wait3A_48 : memref<5x80xi32, #tpu.memory_space<vmem>>)
    %dma_wait3A_53 = arith.constant 0 : i32
    %dma_wait3A_54 = arith.constant 0 : i32
    %dma_wait3A_55 = arith.constant 0 : i32
    %dma_wait3A_56 = arith.constant 0 : i32
    %dma_wait3A_57 = tpu.memref_slice %arg7[%dma_wait3A_54, %dma_wait3A_55, %dma_wait3A_56] : memref<2x5x80xi32, #tpu.memory_space<vmem>> -> memref<1x5x80xi32, #tpu.memory_space<vmem>>
    %dma_wait3A_58 = tpu.memref_squeeze %dma_wait3A_57 : memref<1x5x80xi32, #tpu.memory_space<vmem>> -> memref<5x80xi32, #tpu.memory_space<vmem>>
    %dma_wait3A_59 = arith.constant 0 : i32
    %dma_wait3A_60 = arith.constant 0 : i32
    %dma_wait3A_61 = tpu.memref_slice %arg4[%add3A, %dma_wait3A_53, %dma_wait3A_59, %dma_wait3A_60] : memref<32x25x5x80xi32, #tpu.memory_space<hbm>> -> memref<1x1x5x80xi32, #tpu.memory_space<hbm>>
    %dma_wait3A_62 = tpu.memref_squeeze %dma_wait3A_61 : memref<1x1x5x80xi32, #tpu.memory_space<hbm>> -> memref<5x80xi32, #tpu.memory_space<hbm>>
    %dma_wait3A_63 = arith.constant 0 : i32
    %dma_wait3A_64 = arith.constant 0 : i32
    %dma_wait3A_65 = tpu.memref_slice %arg7[%dma_wait3A_54, %dma_wait3A_63, %dma_wait3A_64] : memref<2x5x80xi32, #tpu.memory_space<vmem>> -> memref<1x5x80xi32, #tpu.memory_space<vmem>>
    %dma_wait3A_66 = tpu.memref_squeeze %dma_wait3A_65 : memref<1x5x80xi32, #tpu.memory_space<vmem>> -> memref<5x80xi32, #tpu.memory_space<vmem>>
    %dma_wait3A_67 = arith.constant 0 : i32
    %dma_wait3A_68 = arith.constant 0 : i32
    %dma_wait3A_69 = tpu.memref_slice %arg4[%add3A, %dma_wait3A_53, %dma_wait3A_67, %dma_wait3A_68] : memref<32x25x5x80xi32, #tpu.memory_space<hbm>> -> memref<1x1x5x80xi32, #tpu.memory_space<hbm>>
    %dma_wait3A_70 = tpu.memref_squeeze %dma_wait3A_69 : memref<1x1x5x80xi32, #tpu.memory_space<hbm>> -> memref<5x80xi32, #tpu.memory_space<hbm>>
    tpu.wait_dma2 semaphore(%arg10 : memref<!tpu.dma_semaphore, #tpu.memory_space<semaphore_mem>>) src(%dma_wait3A_70 : memref<5x80xi32, #tpu.memory_space<hbm>>) dst(%dma_wait3A_66 : memref<5x80xi32, #tpu.memory_space<vmem>>)
    %dma_start3A_71 = arith.constant 0 : i32
    %dma_start3A_72 = arith.constant 0 : i32
    %dma_start3A_73 = arith.constant 0 : i32
    %dma_start3A_74 = arith.constant 0 : i32
    %dma_start3A_75 = arith.constant 0 : i32
    %dma_start3A_76 = arith.constant 0 : i32
    %dma_start3A_77 = tpu.memref_slice %arg8[%dma_start3A_73, %dma_start3A_75, %dma_start3A_76] : memref<4x80x128xf32, #tpu.memory_space<vmem>> -> memref<1x80x128xf32, #tpu.memory_space<vmem>>
    %dma_start3A_78 = tpu.memref_squeeze %dma_start3A_77 : memref<1x80x128xf32, #tpu.memory_space<vmem>> -> memref<80x128xf32, #tpu.memory_space<vmem>>
    %dma_start3A_79 = arith.constant 0 : i32
    %dma_start3A_80 = tpu.memref_slice %arg6[%dma_start3A_71, %dma_start3A_72, %dma_start3A_79] : memref<2x5x80xi32, #tpu.memory_space<vmem>> -> memref<1x1x80xi32, #tpu.memory_space<vmem>>
    %dma_start3A_81 = tpu.memref_squeeze %dma_start3A_80 : memref<1x1x80xi32, #tpu.memory_space<vmem>> -> memref<80xi32, #tpu.memory_space<vmem>>
    %dma_start3A_82 = arith.constant 0 : i32
    %dma_start3A_83 = arith.constant 0 : i32
    %dma_start3A_84 = tpu.memref_slice %arg2[%dma_start3A_82, %dma_start3A_83] : memref<90000x128xf32, #tpu.memory_space<hbm>> -> memref<90000x128xf32, #tpu.memory_space<hbm>>
    %dma_start3A_85 = tpu.memref_slice %arg11[%dma_start3A_74] : memref<4x!tpu.dma_semaphore, #tpu.memory_space<semaphore_mem>> -> memref<1x!tpu.dma_semaphore, #tpu.memory_space<semaphore_mem>>
    %dma_start3A_86 = tpu.memref_squeeze %dma_start3A_85 : memref<1x!tpu.dma_semaphore, #tpu.memory_space<semaphore_mem>> -> memref<!tpu.dma_semaphore, #tpu.memory_space<semaphore_mem>>
    tpu.enqueue_indirect_dma source(%dma_start3A_84 : memref<90000x128xf32, #tpu.memory_space<hbm>>) target(%dma_start3A_78 : memref<80x128xf32, #tpu.memory_space<vmem>>) offsets(%dma_start3A_81 : memref<80xi32, #tpu.memory_space<vmem>>) semaphore(%dma_start3A_86 : memref<!tpu.dma_semaphore, #tpu.memory_space<semaphore_mem>>)
    %dma_start3A_87 = arith.constant 0 : i32
    %dma_start3A_88 = arith.constant 1 : i32
    %dma_start3A_89 = arith.constant 1 : i32
    %dma_start3A_90 = arith.constant 1 : i32
    %dma_start3A_91 = arith.constant 0 : i32
    %dma_start3A_92 = arith.constant 0 : i32
    %dma_start3A_93 = tpu.memref_slice %arg8[%dma_start3A_89, %dma_start3A_91, %dma_start3A_92] : memref<4x80x128xf32, #tpu.memory_space<vmem>> -> memref<1x80x128xf32, #tpu.memory_space<vmem>>
    %dma_start3A_94 = tpu.memref_squeeze %dma_start3A_93 : memref<1x80x128xf32, #tpu.memory_space<vmem>> -> memref<80x128xf32, #tpu.memory_space<vmem>>
    %dma_start3A_95 = arith.constant 0 : i32
    %dma_start3A_96 = tpu.memref_slice %arg6[%dma_start3A_87, %dma_start3A_88, %dma_start3A_95] : memref<2x5x80xi32, #tpu.memory_space<vmem>> -> memref<1x1x80xi32, #tpu.memory_space<vmem>>
    %dma_start3A_97 = tpu.memref_squeeze %dma_start3A_96 : memref<1x1x80xi32, #tpu.memory_space<vmem>> -> memref<80xi32, #tpu.memory_space<vmem>>
    %dma_start3A_98 = arith.constant 0 : i32
    %dma_start3A_99 = arith.constant 0 : i32
    %dma_start3A_100 = tpu.memref_slice %arg2[%dma_start3A_98, %dma_start3A_99] : memref<90000x128xf32, #tpu.memory_space<hbm>> -> memref<90000x128xf32, #tpu.memory_space<hbm>>
    %dma_start3A_101 = tpu.memref_slice %arg11[%dma_start3A_90] : memref<4x!tpu.dma_semaphore, #tpu.memory_space<semaphore_mem>> -> memref<1x!tpu.dma_semaphore, #tpu.memory_space<semaphore_mem>>
    %dma_start3A_102 = tpu.memref_squeeze %dma_start3A_101 : memref<1x!tpu.dma_semaphore, #tpu.memory_space<semaphore_mem>> -> memref<!tpu.dma_semaphore, #tpu.memory_space<semaphore_mem>>
    tpu.enqueue_indirect_dma source(%dma_start3A_100 : memref<90000x128xf32, #tpu.memory_space<hbm>>) target(%dma_start3A_94 : memref<80x128xf32, #tpu.memory_space<vmem>>) offsets(%dma_start3A_97 : memref<80xi32, #tpu.memory_space<vmem>>) semaphore(%dma_start3A_102 : memref<!tpu.dma_semaphore, #tpu.memory_space<semaphore_mem>>)
    %dma_start3A_103 = arith.constant 0 : i32
    %dma_start3A_104 = arith.constant 2 : i32
    %dma_start3A_105 = arith.constant 2 : i32
    %dma_start3A_106 = arith.constant 2 : i32
    %dma_start3A_107 = arith.constant 0 : i32
    %dma_start3A_108 = arith.constant 0 : i32
    %dma_start3A_109 = tpu.memref_slice %arg8[%dma_start3A_105, %dma_start3A_107, %dma_start3A_108] : memref<4x80x128xf32, #tpu.memory_space<vmem>> -> memref<1x80x128xf32, #tpu.memory_space<vmem>>
    %dma_start3A_110 = tpu.memref_squeeze %dma_start3A_109 : memref<1x80x128xf32, #tpu.memory_space<vmem>> -> memref<80x128xf32, #tpu.memory_space<vmem>>
    %dma_start3A_111 = arith.constant 0 : i32
    %dma_start3A_112 = tpu.memref_slice %arg6[%dma_start3A_103, %dma_start3A_104, %dma_start3A_111] : memref<2x5x80xi32, #tpu.memory_space<vmem>> -> memref<1x1x80xi32, #tpu.memory_space<vmem>>
    %dma_start3A_113 = tpu.memref_squeeze %dma_start3A_112 : memref<1x1x80xi32, #tpu.memory_space<vmem>> -> memref<80xi32, #tpu.memory_space<vmem>>
    %dma_start3A_114 = arith.constant 0 : i32
    %dma_start3A_115 = arith.constant 0 : i32
    %dma_start3A_116 = tpu.memref_slice %arg2[%dma_start3A_114, %dma_start3A_115] : memref<90000x128xf32, #tpu.memory_space<hbm>> -> memref<90000x128xf32, #tpu.memory_space<hbm>>
    %dma_start3A_117 = tpu.memref_slice %arg11[%dma_start3A_106] : memref<4x!tpu.dma_semaphore, #tpu.memory_space<semaphore_mem>> -> memref<1x!tpu.dma_semaphore, #tpu.memory_space<semaphore_mem>>
    %dma_start3A_118 = tpu.memref_squeeze %dma_start3A_117 : memref<1x!tpu.dma_semaphore, #tpu.memory_space<semaphore_mem>> -> memref<!tpu.dma_semaphore, #tpu.memory_space<semaphore_mem>>
    tpu.enqueue_indirect_dma source(%dma_start3A_116 : memref<90000x128xf32, #tpu.memory_space<hbm>>) target(%dma_start3A_110 : memref<80x128xf32, #tpu.memory_space<vmem>>) offsets(%dma_start3A_113 : memref<80xi32, #tpu.memory_space<vmem>>) semaphore(%dma_start3A_118 : memref<!tpu.dma_semaphore, #tpu.memory_space<semaphore_mem>>)
    %broadcast_in_dim3A = arith.constant 0.000000e+00 : f32
    %broadcast_in_dim3A_119 = vector.broadcast %broadcast_in_dim3A : f32 to vector<16xf32>
    %scan3A = arith.constant 0 : i32
    %scan3A_120 = arith.constant 0 : i32
    %scan3A_121 = arith.constant 80 : i32
    %scan3A_122 = arith.addi %scan3A_120, %scan3A_121 : i32
    %scan3A_123 = arith.constant 1 : i32
    scf.for %scan3A_321 = %scan3A_120 to %scan3A_122 step %scan3A_123  : i32 {
      %swap3A = arith.constant 3 : i32
      %swap3A_322 = arith.index_cast %swap3A : i32 to index
      %swap3A_323 = arith.index_cast %scan3A_321 : i32 to index
      %swap3A_324 = arith.constant 0 : index
      %swap3A_325 = tpu.vector_load %arg8[%swap3A_322, %swap3A_323, %swap3A_324] {strides = array<i32>} : memref<4x80x128xf32, #tpu.memory_space<vmem>>, vector<1x1x16xf32>,
      %swap3A_326 = vector.shape_cast %swap3A_325 : vector<1x1x16xf32> to vector<16xf32>
      %swap3A_327 = vector.shape_cast %broadcast_in_dim3A_119 : vector<16xf32> to vector<1x1x16xf32>
      tpu.vector_store %arg8[%swap3A_322, %swap3A_323, %swap3A_324], %swap3A_327 {strides = array<i32>} : memref<4x80x128xf32, #tpu.memory_space<vmem>>, vector<1x1x16xf32>,
      %swap3A_328 = arith.constant 3 : i32
      %swap3A_329 = arith.index_cast %swap3A_328 : i32 to index
      %swap3A_330 = arith.index_cast %scan3A_321 : i32 to index
      %swap3A_331 = arith.constant 16 : index
      %swap3A_332 = tpu.vector_load %arg8[%swap3A_329, %swap3A_330, %swap3A_331] {strides = array<i32>} : memref<4x80x128xf32, #tpu.memory_space<vmem>>, vector<1x1x16xf32>,
      %swap3A_333 = vector.shape_cast %swap3A_332 : vector<1x1x16xf32> to vector<16xf32>
      %swap3A_334 = vector.shape_cast %broadcast_in_dim3A_119 : vector<16xf32> to vector<1x1x16xf32>
      tpu.vector_store %arg8[%swap3A_329, %swap3A_330, %swap3A_331], %swap3A_334 {strides = array<i32>} : memref<4x80x128xf32, #tpu.memory_space<vmem>>, vector<1x1x16xf32>,
      %swap3A_335 = arith.constant 3 : i32
      %swap3A_336 = arith.index_cast %swap3A_335 : i32 to index
      %swap3A_337 = arith.index_cast %scan3A_321 : i32 to index
      %swap3A_338 = arith.constant 32 : index
      %swap3A_339 = tpu.vector_load %arg8[%swap3A_336, %swap3A_337, %swap3A_338] {strides = array<i32>} : memref<4x80x128xf32, #tpu.memory_space<vmem>>, vector<1x1x16xf32>,
      %swap3A_340 = vector.shape_cast %swap3A_339 : vector<1x1x16xf32> to vector<16xf32>
      %swap3A_341 = vector.shape_cast %broadcast_in_dim3A_119 : vector<16xf32> to vector<1x1x16xf32>
      tpu.vector_store %arg8[%swap3A_336, %swap3A_337, %swap3A_338], %swap3A_341 {strides = array<i32>} : memref<4x80x128xf32, #tpu.memory_space<vmem>>, vector<1x1x16xf32>,
      %swap3A_342 = arith.constant 3 : i32
      %swap3A_343 = arith.index_cast %swap3A_342 : i32 to index
      %swap3A_344 = arith.index_cast %scan3A_321 : i32 to index
      %swap3A_345 = arith.constant 48 : index
      %swap3A_346 = tpu.vector_load %arg8[%swap3A_343, %swap3A_344, %swap3A_345] {strides = array<i32>} : memref<4x80x128xf32, #tpu.memory_space<vmem>>, vector<1x1x16xf32>,
      %swap3A_347 = vector.shape_cast %swap3A_346 : vector<1x1x16xf32> to vector<16xf32>
      %swap3A_348 = vector.shape_cast %broadcast_in_dim3A_119 : vector<16xf32> to vector<1x1x16xf32>
      tpu.vector_store %arg8[%swap3A_343, %swap3A_344, %swap3A_345], %swap3A_348 {strides = array<i32>} : memref<4x80x128xf32, #tpu.memory_space<vmem>>, vector<1x1x16xf32>,
      %swap3A_349 = arith.constant 3 : i32
      %swap3A_350 = arith.index_cast %swap3A_349 : i32 to index
      %swap3A_351 = arith.index_cast %scan3A_321 : i32 to index
      %swap3A_352 = arith.constant 64 : index
      %swap3A_353 = tpu.vector_load %arg8[%swap3A_350, %swap3A_351, %swap3A_352] {strides = array<i32>} : memref<4x80x128xf32, #tpu.memory_space<vmem>>, vector<1x1x16xf32>,
      %swap3A_354 = vector.shape_cast %swap3A_353 : vector<1x1x16xf32> to vector<16xf32>
      %swap3A_355 = vector.shape_cast %broadcast_in_dim3A_119 : vector<16xf32> to vector<1x1x16xf32>
      tpu.vector_store %arg8[%swap3A_350, %swap3A_351, %swap3A_352], %swap3A_355 {strides = array<i32>} : memref<4x80x128xf32, #tpu.memory_space<vmem>>, vector<1x1x16xf32>,
      %swap3A_356 = arith.constant 3 : i32
      %swap3A_357 = arith.index_cast %swap3A_356 : i32 to index
      %swap3A_358 = arith.index_cast %scan3A_321 : i32 to index
      %swap3A_359 = arith.constant 80 : index
      %swap3A_360 = tpu.vector_load %arg8[%swap3A_357, %swap3A_358, %swap3A_359] {strides = array<i32>} : memref<4x80x128xf32, #tpu.memory_space<vmem>>, vector<1x1x16xf32>,
      %swap3A_361 = vector.shape_cast %swap3A_360 : vector<1x1x16xf32> to vector<16xf32>
      %swap3A_362 = vector.shape_cast %broadcast_in_dim3A_119 : vector<16xf32> to vector<1x1x16xf32>
      tpu.vector_store %arg8[%swap3A_357, %swap3A_358, %swap3A_359], %swap3A_362 {strides = array<i32>} : memref<4x80x128xf32, #tpu.memory_space<vmem>>, vector<1x1x16xf32>,
      %swap3A_363 = arith.constant 3 : i32
      %swap3A_364 = arith.index_cast %swap3A_363 : i32 to index
      %swap3A_365 = arith.index_cast %scan3A_321 : i32 to index
      %swap3A_366 = arith.constant 96 : index
      %swap3A_367 = tpu.vector_load %arg8[%swap3A_364, %swap3A_365, %swap3A_366] {strides = array<i32>} : memref<4x80x128xf32, #tpu.memory_space<vmem>>, vector<1x1x16xf32>,
      %swap3A_368 = vector.shape_cast %swap3A_367 : vector<1x1x16xf32> to vector<16xf32>
      %swap3A_369 = vector.shape_cast %broadcast_in_dim3A_119 : vector<16xf32> to vector<1x1x16xf32>
      tpu.vector_store %arg8[%swap3A_364, %swap3A_365, %swap3A_366], %swap3A_369 {strides = array<i32>} : memref<4x80x128xf32, #tpu.memory_space<vmem>>, vector<1x1x16xf32>,
      %swap3A_370 = arith.constant 3 : i32
      %swap3A_371 = arith.index_cast %swap3A_370 : i32 to index
      %swap3A_372 = arith.index_cast %scan3A_321 : i32 to index
      %swap3A_373 = arith.constant 112 : index
      %swap3A_374 = tpu.vector_load %arg8[%swap3A_371, %swap3A_372, %swap3A_373] {strides = array<i32>} : memref<4x80x128xf32, #tpu.memory_space<vmem>>, vector<1x1x16xf32>,
      %swap3A_375 = vector.shape_cast %swap3A_374 : vector<1x1x16xf32> to vector<16xf32>
      %swap3A_376 = vector.shape_cast %broadcast_in_dim3A_119 : vector<16xf32> to vector<1x1x16xf32>
      tpu.vector_store %arg8[%swap3A_371, %swap3A_372, %swap3A_373], %swap3A_376 {strides = array<i32>} : memref<4x80x128xf32, #tpu.memory_space<vmem>>, vector<1x1x16xf32>,
    }
    %scan3A_124 = arith.constant 80 : i32
    %add3A_125 = arith.constant 0 : i32
    %add3A_126 = arith.addi %arg1, %add3A_125 : i32
    %lt3A = arith.constant 125 : i32
    %lt3A_127 = arith.cmpi slt, %add3A_126, %lt3A : i32
    %convert_element_type3A = arith.extui %lt3A_127 : i1 to i32
    %cond3A = arith.constant 3 : i32
    %cond3A_128 = arith.constant 0 : i32
    %cond3A_129 = arith.cmpi ne, %convert_element_type3A, %cond3A_128 : i32
    scf.if %cond3A_129 {
      %mul3A_321 = arith.constant 80 : i32
      %mul3A_322 = arith.muli %add3A_126, %mul3A_321 : i32
      "tpu.region"() ({
        %run_scoped3A = tpu.sem_alloc : memref<!tpu.dma_semaphore, #tpu.memory_space<semaphore_mem>>
        %dma_start3A_323 = arith.constant 0 : i32
        %dma_start3A_324 = arith.constant 0 : i32
        %dma_start3A_325 = tpu.memref_slice %arg8[%cond3A, %dma_start3A_323, %dma_start3A_324] : memref<4x80x128xf32, #tpu.memory_space<vmem>> -> memref<1x80x128xf32, #tpu.memory_space<vmem>>
        %dma_start3A_326 = tpu.memref_squeeze %dma_start3A_325 : memref<1x80x128xf32, #tpu.memory_space<vmem>> -> memref<80x128xf32, #tpu.memory_space<vmem>>
        %dma_start3A_327 = arith.constant 0 : i32
        %dma_start3A_328 = tpu.memref_slice %arg9[%mul3A_322, %dma_start3A_327] : memref<10000x128xf32, #tpu.memory_space<vmem_shared>> -> memref<80x128xf32, #tpu.memory_space<vmem_shared>>
        %dma_start3A_329 = arith.constant 0 : i32
        %dma_start3A_330 = tpu.memref_slice %arg9[%mul3A_322, %dma_start3A_329] : memref<10000x128xf32, #tpu.memory_space<vmem_shared>> -> memref<80x128xf32, #tpu.memory_space<vmem_shared>>
        %dma_start3A_331 = arith.constant 0 : i32
        %dma_start3A_332 = arith.constant 0 : i32
        %dma_start3A_333 = tpu.memref_slice %arg8[%cond3A, %dma_start3A_331, %dma_start3A_332] : memref<4x80x128xf32, #tpu.memory_space<vmem>> -> memref<1x80x128xf32, #tpu.memory_space<vmem>>
        %dma_start3A_334 = tpu.memref_squeeze %dma_start3A_333 : memref<1x80x128xf32, #tpu.memory_space<vmem>> -> memref<80x128xf32, #tpu.memory_space<vmem>>
        tpu.enqueue_dma source(%dma_start3A_334 : memref<80x128xf32, #tpu.memory_space<vmem>>) target(%dma_start3A_330 : memref<80x128xf32, #tpu.memory_space<vmem_shared>>) target_semaphore(%run_scoped3A : memref<!tpu.dma_semaphore, #tpu.memory_space<semaphore_mem>>)
        %dma_wait3A_335 = arith.constant 0 : i32
        %dma_wait3A_336 = arith.constant 0 : i32
        %dma_wait3A_337 = tpu.memref_slice %arg8[%cond3A, %dma_wait3A_335, %dma_wait3A_336] : memref<4x80x128xf32, #tpu.memory_space<vmem>> -> memref<1x80x128xf32, #tpu.memory_space<vmem>>
        %dma_wait3A_338 = tpu.memref_squeeze %dma_wait3A_337 : memref<1x80x128xf32, #tpu.memory_space<vmem>> -> memref<80x128xf32, #tpu.memory_space<vmem>>
        %dma_wait3A_339 = arith.constant 0 : i32
        %dma_wait3A_340 = tpu.memref_slice %arg9[%mul3A_322, %dma_wait3A_339] : memref<10000x128xf32, #tpu.memory_space<vmem_shared>> -> memref<80x128xf32, #tpu.memory_space<vmem_shared>>
        %dma_wait3A_341 = arith.constant 0 : i32
        %dma_wait3A_342 = tpu.memref_slice %arg9[%mul3A_322, %dma_wait3A_341] : memref<10000x128xf32, #tpu.memory_space<vmem_shared>> -> memref<80x128xf32, #tpu.memory_space<vmem_shared>>
        %dma_wait3A_343 = arith.constant 0 : i32
        %dma_wait3A_344 = arith.constant 0 : i32
        %dma_wait3A_345 = tpu.memref_slice %arg8[%cond3A, %dma_wait3A_343, %dma_wait3A_344] : memref<4x80x128xf32, #tpu.memory_space<vmem>> -> memref<1x80x128xf32, #tpu.memory_space<vmem>>
        %dma_wait3A_346 = tpu.memref_squeeze %dma_wait3A_345 : memref<1x80x128xf32, #tpu.memory_space<vmem>> -> memref<80x128xf32, #tpu.memory_space<vmem>>
        tpu.wait_dma2 semaphore(%run_scoped3A : memref<!tpu.dma_semaphore, #tpu.memory_space<semaphore_mem>>) src(%dma_wait3A_346 : memref<80x128xf32, #tpu.memory_space<vmem>>) dst(%dma_wait3A_342 : memref<80x128xf32, #tpu.memory_space<vmem_shared>>)
        tpu.yield
      }) : () -> ()
    } else {
    }
    %add3A_130 = arith.constant 16 : i32
    %add3A_131 = arith.addi %arg1, %add3A_130 : i32
    %lt3A_132 = arith.constant 125 : i32
    %lt3A_133 = arith.cmpi slt, %add3A_131, %lt3A_132 : i32
    %convert_element_type3A_134 = arith.extui %lt3A_133 : i1 to i32
    %cond3A_135 = arith.constant 3 : i32
    %cond3A_136 = arith.constant 0 : i32
    %cond3A_137 = arith.cmpi ne, %convert_element_type3A_134, %cond3A_136 : i32
    scf.if %cond3A_137 {
      %mul3A_321 = arith.constant 80 : i32
      %mul3A_322 = arith.muli %add3A_131, %mul3A_321 : i32
      "tpu.region"() ({
        %run_scoped3A = tpu.sem_alloc : memref<!tpu.dma_semaphore, #tpu.memory_space<semaphore_mem>>
        %dma_start3A_323 = arith.constant 0 : i32
        %dma_start3A_324 = arith.constant 0 : i32
        %dma_start3A_325 = tpu.memref_slice %arg8[%cond3A_135, %dma_start3A_323, %dma_start3A_324] : memref<4x80x128xf32, #tpu.memory_space<vmem>> -> memref<1x80x128xf32, #tpu.memory_space<vmem>>
        %dma_start3A_326 = tpu.memref_squeeze %dma_start3A_325 : memref<1x80x128xf32, #tpu.memory_space<vmem>> -> memref<80x128xf32, #tpu.memory_space<vmem>>
        %dma_start3A_327 = arith.constant 0 : i32
        %dma_start3A_328 = tpu.memref_slice %arg9[%mul3A_322, %dma_start3A_327] : memref<10000x128xf32, #tpu.memory_space<vmem_shared>> -> memref<80x128xf32, #tpu.memory_space<vmem_shared>>
        %dma_start3A_329 = arith.constant 0 : i32
        %dma_start3A_330 = tpu.memref_slice %arg9[%mul3A_322, %dma_start3A_329] : memref<10000x128xf32, #tpu.memory_space<vmem_shared>> -> memref<80x128xf32, #tpu.memory_space<vmem_shared>>
        %dma_start3A_331 = arith.constant 0 : i32
        %dma_start3A_332 = arith.constant 0 : i32
        %dma_start3A_333 = tpu.memref_slice %arg8[%cond3A_135, %dma_start3A_331, %dma_start3A_332] : memref<4x80x128xf32, #tpu.memory_space<vmem>> -> memref<1x80x128xf32, #tpu.memory_space<vmem>>
        %dma_start3A_334 = tpu.memref_squeeze %dma_start3A_333 : memref<1x80x128xf32, #tpu.memory_space<vmem>> -> memref<80x128xf32, #tpu.memory_space<vmem>>
        tpu.enqueue_dma source(%dma_start3A_334 : memref<80x128xf32, #tpu.memory_space<vmem>>) target(%dma_start3A_330 : memref<80x128xf32, #tpu.memory_space<vmem_shared>>) target_semaphore(%run_scoped3A : memref<!tpu.dma_semaphore, #tpu.memory_space<semaphore_mem>>)
        %dma_wait3A_335 = arith.constant 0 : i32
        %dma_wait3A_336 = arith.constant 0 : i32
        %dma_wait3A_337 = tpu.memref_slice %arg8[%cond3A_135, %dma_wait3A_335, %dma_wait3A_336] : memref<4x80x128xf32, #tpu.memory_space<vmem>> -> memref<1x80x128xf32, #tpu.memory_space<vmem>>
        %dma_wait3A_338 = tpu.memref_squeeze %dma_wait3A_337 : memref<1x80x128xf32, #tpu.memory_space<vmem>> -> memref<80x128xf32, #tpu.memory_space<vmem>>
        %dma_wait3A_339 = arith.constant 0 : i32
        %dma_wait3A_340 = tpu.memref_slice %arg9[%mul3A_322, %dma_wait3A_339] : memref<10000x128xf32, #tpu.memory_space<vmem_shared>> -> memref<80x128xf32, #tpu.memory_space<vmem_shared>>
        %dma_wait3A_341 = arith.constant 0 : i32
        %dma_wait3A_342 = tpu.memref_slice %arg9[%mul3A_322, %dma_wait3A_341] : memref<10000x128xf32, #tpu.memory_space<vmem_shared>> -> memref<80x128xf32, #tpu.memory_space<vmem_shared>>
        %dma_wait3A_343 = arith.constant 0 : i32
        %dma_wait3A_344 = arith.constant 0 : i32
        %dma_wait3A_345 = tpu.memref_slice %arg8[%cond3A_135, %dma_wait3A_343, %dma_wait3A_344] : memref<4x80x128xf32, #tpu.memory_space<vmem>> -> memref<1x80x128xf32, #tpu.memory_space<vmem>>
        %dma_wait3A_346 = tpu.memref_squeeze %dma_wait3A_345 : memref<1x80x128xf32, #tpu.memory_space<vmem>> -> memref<80x128xf32, #tpu.memory_space<vmem>>
        tpu.wait_dma2 semaphore(%run_scoped3A : memref<!tpu.dma_semaphore, #tpu.memory_space<semaphore_mem>>) src(%dma_wait3A_346 : memref<80x128xf32, #tpu.memory_space<vmem>>) dst(%dma_wait3A_342 : memref<80x128xf32, #tpu.memory_space<vmem_shared>>)
        tpu.yield
      }) : () -> ()
    } else {
    }
    %add3A_138 = arith.constant 32 : i32
    %add3A_139 = arith.addi %arg1, %add3A_138 : i32
    %lt3A_140 = arith.constant 125 : i32
    %lt3A_141 = arith.cmpi slt, %add3A_139, %lt3A_140 : i32
    %convert_element_type3A_142 = arith.extui %lt3A_141 : i1 to i32
    %cond3A_143 = arith.constant 3 : i32
    %cond3A_144 = arith.constant 0 : i32
    %cond3A_145 = arith.cmpi ne, %convert_element_type3A_142, %cond3A_144 : i32
    scf.if %cond3A_145 {
      %mul3A_321 = arith.constant 80 : i32
      %mul3A_322 = arith.muli %add3A_139, %mul3A_321 : i32
      "tpu.region"() ({
        %run_scoped3A = tpu.sem_alloc : memref<!tpu.dma_semaphore, #tpu.memory_space<semaphore_mem>>
        %dma_start3A_323 = arith.constant 0 : i32
        %dma_start3A_324 = arith.constant 0 : i32
        %dma_start3A_325 = tpu.memref_slice %arg8[%cond3A_143, %dma_start3A_323, %dma_start3A_324] : memref<4x80x128xf32, #tpu.memory_space<vmem>> -> memref<1x80x128xf32, #tpu.memory_space<vmem>>
        %dma_start3A_326 = tpu.memref_squeeze %dma_start3A_325 : memref<1x80x128xf32, #tpu.memory_space<vmem>> -> memref<80x128xf32, #tpu.memory_space<vmem>>
        %dma_start3A_327 = arith.constant 0 : i32
        %dma_start3A_328 = tpu.memref_slice %arg9[%mul3A_322, %dma_start3A_327] : memref<10000x128xf32, #tpu.memory_space<vmem_shared>> -> memref<80x128xf32, #tpu.memory_space<vmem_shared>>
        %dma_start3A_329 = arith.constant 0 : i32
        %dma_start3A_330 = tpu.memref_slice %arg9[%mul3A_322, %dma_start3A_329] : memref<10000x128xf32, #tpu.memory_space<vmem_shared>> -> memref<80x128xf32, #tpu.memory_space<vmem_shared>>
        %dma_start3A_331 = arith.constant 0 : i32
        %dma_start3A_332 = arith.constant 0 : i32
        %dma_start3A_333 = tpu.memref_slice %arg8[%cond3A_143, %dma_start3A_331, %dma_start3A_332] : memref<4x80x128xf32, #tpu.memory_space<vmem>> -> memref<1x80x128xf32, #tpu.memory_space<vmem>>
        %dma_start3A_334 = tpu.memref_squeeze %dma_start3A_333 : memref<1x80x128xf32, #tpu.memory_space<vmem>> -> memref<80x128xf32, #tpu.memory_space<vmem>>
        tpu.enqueue_dma source(%dma_start3A_334 : memref<80x128xf32, #tpu.memory_space<vmem>>) target(%dma_start3A_330 : memref<80x128xf32, #tpu.memory_space<vmem_shared>>) target_semaphore(%run_scoped3A : memref<!tpu.dma_semaphore, #tpu.memory_space<semaphore_mem>>)
        %dma_wait3A_335 = arith.constant 0 : i32
        %dma_wait3A_336 = arith.constant 0 : i32
        %dma_wait3A_337 = tpu.memref_slice %arg8[%cond3A_143, %dma_wait3A_335, %dma_wait3A_336] : memref<4x80x128xf32, #tpu.memory_space<vmem>> -> memref<1x80x128xf32, #tpu.memory_space<vmem>>
        %dma_wait3A_338 = tpu.memref_squeeze %dma_wait3A_337 : memref<1x80x128xf32, #tpu.memory_space<vmem>> -> memref<80x128xf32, #tpu.memory_space<vmem>>
        %dma_wait3A_339 = arith.constant 0 : i32
        %dma_wait3A_340 = tpu.memref_slice %arg9[%mul3A_322, %dma_wait3A_339] : memref<10000x128xf32, #tpu.memory_space<vmem_shared>> -> memref<80x128xf32, #tpu.memory_space<vmem_shared>>
        %dma_wait3A_341 = arith.constant 0 : i32
        %dma_wait3A_342 = tpu.memref_slice %arg9[%mul3A_322, %dma_wait3A_341] : memref<10000x128xf32, #tpu.memory_space<vmem_shared>> -> memref<80x128xf32, #tpu.memory_space<vmem_shared>>
        %dma_wait3A_343 = arith.constant 0 : i32
        %dma_wait3A_344 = arith.constant 0 : i32
        %dma_wait3A_345 = tpu.memref_slice %arg8[%cond3A_143, %dma_wait3A_343, %dma_wait3A_344] : memref<4x80x128xf32, #tpu.memory_space<vmem>> -> memref<1x80x128xf32, #tpu.memory_space<vmem>>
        %dma_wait3A_346 = tpu.memref_squeeze %dma_wait3A_345 : memref<1x80x128xf32, #tpu.memory_space<vmem>> -> memref<80x128xf32, #tpu.memory_space<vmem>>
        tpu.wait_dma2 semaphore(%run_scoped3A : memref<!tpu.dma_semaphore, #tpu.memory_space<semaphore_mem>>) src(%dma_wait3A_346 : memref<80x128xf32, #tpu.memory_space<vmem>>) dst(%dma_wait3A_342 : memref<80x128xf32, #tpu.memory_space<vmem_shared>>)
        tpu.yield
      }) : () -> ()
    } else {
    }
    %add3A_146 = arith.constant 48 : i32
    %add3A_147 = arith.addi %arg1, %add3A_146 : i32
    %lt3A_148 = arith.constant 125 : i32
    %lt3A_149 = arith.cmpi slt, %add3A_147, %lt3A_148 : i32
    %convert_element_type3A_150 = arith.extui %lt3A_149 : i1 to i32
    %cond3A_151 = arith.constant 3 : i32
    %cond3A_152 = arith.constant 0 : i32
    %cond3A_153 = arith.cmpi ne, %convert_element_type3A_150, %cond3A_152 : i32
    scf.if %cond3A_153 {
      %mul3A_321 = arith.constant 80 : i32
      %mul3A_322 = arith.muli %add3A_147, %mul3A_321 : i32
      "tpu.region"() ({
        %run_scoped3A = tpu.sem_alloc : memref<!tpu.dma_semaphore, #tpu.memory_space<semaphore_mem>>
        %dma_start3A_323 = arith.constant 0 : i32
        %dma_start3A_324 = arith.constant 0 : i32
        %dma_start3A_325 = tpu.memref_slice %arg8[%cond3A_151, %dma_start3A_323, %dma_start3A_324] : memref<4x80x128xf32, #tpu.memory_space<vmem>> -> memref<1x80x128xf32, #tpu.memory_space<vmem>>
        %dma_start3A_326 = tpu.memref_squeeze %dma_start3A_325 : memref<1x80x128xf32, #tpu.memory_space<vmem>> -> memref<80x128xf32, #tpu.memory_space<vmem>>
        %dma_start3A_327 = arith.constant 0 : i32
        %dma_start3A_328 = tpu.memref_slice %arg9[%mul3A_322, %dma_start3A_327] : memref<10000x128xf32, #tpu.memory_space<vmem_shared>> -> memref<80x128xf32, #tpu.memory_space<vmem_shared>>
        %dma_start3A_329 = arith.constant 0 : i32
        %dma_start3A_330 = tpu.memref_slice %arg9[%mul3A_322, %dma_start3A_329] : memref<10000x128xf32, #tpu.memory_space<vmem_shared>> -> memref<80x128xf32, #tpu.memory_space<vmem_shared>>
        %dma_start3A_331 = arith.constant 0 : i32
        %dma_start3A_332 = arith.constant 0 : i32
        %dma_start3A_333 = tpu.memref_slice %arg8[%cond3A_151, %dma_start3A_331, %dma_start3A_332] : memref<4x80x128xf32, #tpu.memory_space<vmem>> -> memref<1x80x128xf32, #tpu.memory_space<vmem>>
        %dma_start3A_334 = tpu.memref_squeeze %dma_start3A_333 : memref<1x80x128xf32, #tpu.memory_space<vmem>> -> memref<80x128xf32, #tpu.memory_space<vmem>>
        tpu.enqueue_dma source(%dma_start3A_334 : memref<80x128xf32, #tpu.memory_space<vmem>>) target(%dma_start3A_330 : memref<80x128xf32, #tpu.memory_space<vmem_shared>>) target_semaphore(%run_scoped3A : memref<!tpu.dma_semaphore, #tpu.memory_space<semaphore_mem>>)
        %dma_wait3A_335 = arith.constant 0 : i32
        %dma_wait3A_336 = arith.constant 0 : i32
        %dma_wait3A_337 = tpu.memref_slice %arg8[%cond3A_151, %dma_wait3A_335, %dma_wait3A_336] : memref<4x80x128xf32, #tpu.memory_space<vmem>> -> memref<1x80x128xf32, #tpu.memory_space<vmem>>
        %dma_wait3A_338 = tpu.memref_squeeze %dma_wait3A_337 : memref<1x80x128xf32, #tpu.memory_space<vmem>> -> memref<80x128xf32, #tpu.memory_space<vmem>>
        %dma_wait3A_339 = arith.constant 0 : i32
        %dma_wait3A_340 = tpu.memref_slice %arg9[%mul3A_322, %dma_wait3A_339] : memref<10000x128xf32, #tpu.memory_space<vmem_shared>> -> memref<80x128xf32, #tpu.memory_space<vmem_shared>>
        %dma_wait3A_341 = arith.constant 0 : i32
        %dma_wait3A_342 = tpu.memref_slice %arg9[%mul3A_322, %dma_wait3A_341] : memref<10000x128xf32, #tpu.memory_space<vmem_shared>> -> memref<80x128xf32, #tpu.memory_space<vmem_shared>>
        %dma_wait3A_343 = arith.constant 0 : i32
        %dma_wait3A_344 = arith.constant 0 : i32
        %dma_wait3A_345 = tpu.memref_slice %arg8[%cond3A_151, %dma_wait3A_343, %dma_wait3A_344] : memref<4x80x128xf32, #tpu.memory_space<vmem>> -> memref<1x80x128xf32, #tpu.memory_space<vmem>>
        %dma_wait3A_346 = tpu.memref_squeeze %dma_wait3A_345 : memref<1x80x128xf32, #tpu.memory_space<vmem>> -> memref<80x128xf32, #tpu.memory_space<vmem>>
        tpu.wait_dma2 semaphore(%run_scoped3A : memref<!tpu.dma_semaphore, #tpu.memory_space<semaphore_mem>>) src(%dma_wait3A_346 : memref<80x128xf32, #tpu.memory_space<vmem>>) dst(%dma_wait3A_342 : memref<80x128xf32, #tpu.memory_space<vmem_shared>>)
        tpu.yield
      }) : () -> ()
    } else {
    }
    %add3A_154 = arith.constant 64 : i32
    %add3A_155 = arith.addi %arg1, %add3A_154 : i32
    %lt3A_156 = arith.constant 125 : i32
    %lt3A_157 = arith.cmpi slt, %add3A_155, %lt3A_156 : i32
    %convert_element_type3A_158 = arith.extui %lt3A_157 : i1 to i32
    %cond3A_159 = arith.constant 3 : i32
    %cond3A_160 = arith.constant 0 : i32
    %cond3A_161 = arith.cmpi ne, %convert_element_type3A_158, %cond3A_160 : i32
    scf.if %cond3A_161 {
      %mul3A_321 = arith.constant 80 : i32
      %mul3A_322 = arith.muli %add3A_155, %mul3A_321 : i32
      "tpu.region"() ({
        %run_scoped3A = tpu.sem_alloc : memref<!tpu.dma_semaphore, #tpu.memory_space<semaphore_mem>>
        %dma_start3A_323 = arith.constant 0 : i32
        %dma_start3A_324 = arith.constant 0 : i32
        %dma_start3A_325 = tpu.memref_slice %arg8[%cond3A_159, %dma_start3A_323, %dma_start3A_324] : memref<4x80x128xf32, #tpu.memory_space<vmem>> -> memref<1x80x128xf32, #tpu.memory_space<vmem>>
        %dma_start3A_326 = tpu.memref_squeeze %dma_start3A_325 : memref<1x80x128xf32, #tpu.memory_space<vmem>> -> memref<80x128xf32, #tpu.memory_space<vmem>>
        %dma_start3A_327 = arith.constant 0 : i32
        %dma_start3A_328 = tpu.memref_slice %arg9[%mul3A_322, %dma_start3A_327] : memref<10000x128xf32, #tpu.memory_space<vmem_shared>> -> memref<80x128xf32, #tpu.memory_space<vmem_shared>>
        %dma_start3A_329 = arith.constant 0 : i32
        %dma_start3A_330 = tpu.memref_slice %arg9[%mul3A_322, %dma_start3A_329] : memref<10000x128xf32, #tpu.memory_space<vmem_shared>> -> memref<80x128xf32, #tpu.memory_space<vmem_shared>>
        %dma_start3A_331 = arith.constant 0 : i32
        %dma_start3A_332 = arith.constant 0 : i32
        %dma_start3A_333 = tpu.memref_slice %arg8[%cond3A_159, %dma_start3A_331, %dma_start3A_332] : memref<4x80x128xf32, #tpu.memory_space<vmem>> -> memref<1x80x128xf32, #tpu.memory_space<vmem>>
        %dma_start3A_334 = tpu.memref_squeeze %dma_start3A_333 : memref<1x80x128xf32, #tpu.memory_space<vmem>> -> memref<80x128xf32, #tpu.memory_space<vmem>>
        tpu.enqueue_dma source(%dma_start3A_334 : memref<80x128xf32, #tpu.memory_space<vmem>>) target(%dma_start3A_330 : memref<80x128xf32, #tpu.memory_space<vmem_shared>>) target_semaphore(%run_scoped3A : memref<!tpu.dma_semaphore, #tpu.memory_space<semaphore_mem>>)
        %dma_wait3A_335 = arith.constant 0 : i32
        %dma_wait3A_336 = arith.constant 0 : i32
        %dma_wait3A_337 = tpu.memref_slice %arg8[%cond3A_159, %dma_wait3A_335, %dma_wait3A_336] : memref<4x80x128xf32, #tpu.memory_space<vmem>> -> memref<1x80x128xf32, #tpu.memory_space<vmem>>
        %dma_wait3A_338 = tpu.memref_squeeze %dma_wait3A_337 : memref<1x80x128xf32, #tpu.memory_space<vmem>> -> memref<80x128xf32, #tpu.memory_space<vmem>>
        %dma_wait3A_339 = arith.constant 0 : i32
        %dma_wait3A_340 = tpu.memref_slice %arg9[%mul3A_322, %dma_wait3A_339] : memref<10000x128xf32, #tpu.memory_space<vmem_shared>> -> memref<80x128xf32, #tpu.memory_space<vmem_shared>>
        %dma_wait3A_341 = arith.constant 0 : i32
        %dma_wait3A_342 = tpu.memref_slice %arg9[%mul3A_322, %dma_wait3A_341] : memref<10000x128xf32, #tpu.memory_space<vmem_shared>> -> memref<80x128xf32, #tpu.memory_space<vmem_shared>>
        %dma_wait3A_343 = arith.constant 0 : i32
        %dma_wait3A_344 = arith.constant 0 : i32
        %dma_wait3A_345 = tpu.memref_slice %arg8[%cond3A_159, %dma_wait3A_343, %dma_wait3A_344] : memref<4x80x128xf32, #tpu.memory_space<vmem>> -> memref<1x80x128xf32, #tpu.memory_space<vmem>>
        %dma_wait3A_346 = tpu.memref_squeeze %dma_wait3A_345 : memref<1x80x128xf32, #tpu.memory_space<vmem>> -> memref<80x128xf32, #tpu.memory_space<vmem>>
        tpu.wait_dma2 semaphore(%run_scoped3A : memref<!tpu.dma_semaphore, #tpu.memory_space<semaphore_mem>>) src(%dma_wait3A_346 : memref<80x128xf32, #tpu.memory_space<vmem>>) dst(%dma_wait3A_342 : memref<80x128xf32, #tpu.memory_space<vmem_shared>>)
        tpu.yield
      }) : () -> ()
    } else {
    }
    %add3A_162 = arith.constant 80 : i32
    %add3A_163 = arith.addi %arg1, %add3A_162 : i32
    %lt3A_164 = arith.constant 125 : i32
    %lt3A_165 = arith.cmpi slt, %add3A_163, %lt3A_164 : i32
    %convert_element_type3A_166 = arith.extui %lt3A_165 : i1 to i32
    %cond3A_167 = arith.constant 3 : i32
    %cond3A_168 = arith.constant 0 : i32
    %cond3A_169 = arith.cmpi ne, %convert_element_type3A_166, %cond3A_168 : i32
    scf.if %cond3A_169 {
      %mul3A_321 = arith.constant 80 : i32
      %mul3A_322 = arith.muli %add3A_163, %mul3A_321 : i32
      "tpu.region"() ({
        %run_scoped3A = tpu.sem_alloc : memref<!tpu.dma_semaphore, #tpu.memory_space<semaphore_mem>>
        %dma_start3A_323 = arith.constant 0 : i32
        %dma_start3A_324 = arith.constant 0 : i32
        %dma_start3A_325 = tpu.memref_slice %arg8[%cond3A_167, %dma_start3A_323, %dma_start3A_324] : memref<4x80x128xf32, #tpu.memory_space<vmem>> -> memref<1x80x128xf32, #tpu.memory_space<vmem>>
        %dma_start3A_326 = tpu.memref_squeeze %dma_start3A_325 : memref<1x80x128xf32, #tpu.memory_space<vmem>> -> memref<80x128xf32, #tpu.memory_space<vmem>>
        %dma_start3A_327 = arith.constant 0 : i32
        %dma_start3A_328 = tpu.memref_slice %arg9[%mul3A_322, %dma_start3A_327] : memref<10000x128xf32, #tpu.memory_space<vmem_shared>> -> memref<80x128xf32, #tpu.memory_space<vmem_shared>>
        %dma_start3A_329 = arith.constant 0 : i32
        %dma_start3A_330 = tpu.memref_slice %arg9[%mul3A_322, %dma_start3A_329] : memref<10000x128xf32, #tpu.memory_space<vmem_shared>> -> memref<80x128xf32, #tpu.memory_space<vmem_shared>>
        %dma_start3A_331 = arith.constant 0 : i32
        %dma_start3A_332 = arith.constant 0 : i32
        %dma_start3A_333 = tpu.memref_slice %arg8[%cond3A_167, %dma_start3A_331, %dma_start3A_332] : memref<4x80x128xf32, #tpu.memory_space<vmem>> -> memref<1x80x128xf32, #tpu.memory_space<vmem>>
        %dma_start3A_334 = tpu.memref_squeeze %dma_start3A_333 : memref<1x80x128xf32, #tpu.memory_space<vmem>> -> memref<80x128xf32, #tpu.memory_space<vmem>>
        tpu.enqueue_dma source(%dma_start3A_334 : memref<80x128xf32, #tpu.memory_space<vmem>>) target(%dma_start3A_330 : memref<80x128xf32, #tpu.memory_space<vmem_shared>>) target_semaphore(%run_scoped3A : memref<!tpu.dma_semaphore, #tpu.memory_space<semaphore_mem>>)
        %dma_wait3A_335 = arith.constant 0 : i32
        %dma_wait3A_336 = arith.constant 0 : i32
        %dma_wait3A_337 = tpu.memref_slice %arg8[%cond3A_167, %dma_wait3A_335, %dma_wait3A_336] : memref<4x80x128xf32, #tpu.memory_space<vmem>> -> memref<1x80x128xf32, #tpu.memory_space<vmem>>
        %dma_wait3A_338 = tpu.memref_squeeze %dma_wait3A_337 : memref<1x80x128xf32, #tpu.memory_space<vmem>> -> memref<80x128xf32, #tpu.memory_space<vmem>>
        %dma_wait3A_339 = arith.constant 0 : i32
        %dma_wait3A_340 = tpu.memref_slice %arg9[%mul3A_322, %dma_wait3A_339] : memref<10000x128xf32, #tpu.memory_space<vmem_shared>> -> memref<80x128xf32, #tpu.memory_space<vmem_shared>>
        %dma_wait3A_341 = arith.constant 0 : i32
        %dma_wait3A_342 = tpu.memref_slice %arg9[%mul3A_322, %dma_wait3A_341] : memref<10000x128xf32, #tpu.memory_space<vmem_shared>> -> memref<80x128xf32, #tpu.memory_space<vmem_shared>>
        %dma_wait3A_343 = arith.constant 0 : i32
        %dma_wait3A_344 = arith.constant 0 : i32
        %dma_wait3A_345 = tpu.memref_slice %arg8[%cond3A_167, %dma_wait3A_343, %dma_wait3A_344] : memref<4x80x128xf32, #tpu.memory_space<vmem>> -> memref<1x80x128xf32, #tpu.memory_space<vmem>>
        %dma_wait3A_346 = tpu.memref_squeeze %dma_wait3A_345 : memref<1x80x128xf32, #tpu.memory_space<vmem>> -> memref<80x128xf32, #tpu.memory_space<vmem>>
        tpu.wait_dma2 semaphore(%run_scoped3A : memref<!tpu.dma_semaphore, #tpu.memory_space<semaphore_mem>>) src(%dma_wait3A_346 : memref<80x128xf32, #tpu.memory_space<vmem>>) dst(%dma_wait3A_342 : memref<80x128xf32, #tpu.memory_space<vmem_shared>>)
        tpu.yield
      }) : () -> ()
    } else {
    }
    %add3A_170 = arith.constant 96 : i32
    %add3A_171 = arith.addi %arg1, %add3A_170 : i32
    %lt3A_172 = arith.constant 125 : i32
    %lt3A_173 = arith.cmpi slt, %add3A_171, %lt3A_172 : i32
    %convert_element_type3A_174 = arith.extui %lt3A_173 : i1 to i32
    %cond3A_175 = arith.constant 3 : i32
    %cond3A_176 = arith.constant 0 : i32
    %cond3A_177 = arith.cmpi ne, %convert_element_type3A_174, %cond3A_176 : i32
    scf.if %cond3A_177 {
      %mul3A_321 = arith.constant 80 : i32
      %mul3A_322 = arith.muli %add3A_171, %mul3A_321 : i32
      "tpu.region"() ({
        %run_scoped3A = tpu.sem_alloc : memref<!tpu.dma_semaphore, #tpu.memory_space<semaphore_mem>>
        %dma_start3A_323 = arith.constant 0 : i32
        %dma_start3A_324 = arith.constant 0 : i32
        %dma_start3A_325 = tpu.memref_slice %arg8[%cond3A_175, %dma_start3A_323, %dma_start3A_324] : memref<4x80x128xf32, #tpu.memory_space<vmem>> -> memref<1x80x128xf32, #tpu.memory_space<vmem>>
        %dma_start3A_326 = tpu.memref_squeeze %dma_start3A_325 : memref<1x80x128xf32, #tpu.memory_space<vmem>> -> memref<80x128xf32, #tpu.memory_space<vmem>>
        %dma_start3A_327 = arith.constant 0 : i32
        %dma_start3A_328 = tpu.memref_slice %arg9[%mul3A_322, %dma_start3A_327] : memref<10000x128xf32, #tpu.memory_space<vmem_shared>> -> memref<80x128xf32, #tpu.memory_space<vmem_shared>>
        %dma_start3A_329 = arith.constant 0 : i32
        %dma_start3A_330 = tpu.memref_slice %arg9[%mul3A_322, %dma_start3A_329] : memref<10000x128xf32, #tpu.memory_space<vmem_shared>> -> memref<80x128xf32, #tpu.memory_space<vmem_shared>>
        %dma_start3A_331 = arith.constant 0 : i32
        %dma_start3A_332 = arith.constant 0 : i32
        %dma_start3A_333 = tpu.memref_slice %arg8[%cond3A_175, %dma_start3A_331, %dma_start3A_332] : memref<4x80x128xf32, #tpu.memory_space<vmem>> -> memref<1x80x128xf32, #tpu.memory_space<vmem>>
        %dma_start3A_334 = tpu.memref_squeeze %dma_start3A_333 : memref<1x80x128xf32, #tpu.memory_space<vmem>> -> memref<80x128xf32, #tpu.memory_space<vmem>>
        tpu.enqueue_dma source(%dma_start3A_334 : memref<80x128xf32, #tpu.memory_space<vmem>>) target(%dma_start3A_330 : memref<80x128xf32, #tpu.memory_space<vmem_shared>>) target_semaphore(%run_scoped3A : memref<!tpu.dma_semaphore, #tpu.memory_space<semaphore_mem>>)
        %dma_wait3A_335 = arith.constant 0 : i32
        %dma_wait3A_336 = arith.constant 0 : i32
        %dma_wait3A_337 = tpu.memref_slice %arg8[%cond3A_175, %dma_wait3A_335, %dma_wait3A_336] : memref<4x80x128xf32, #tpu.memory_space<vmem>> -> memref<1x80x128xf32, #tpu.memory_space<vmem>>
        %dma_wait3A_338 = tpu.memref_squeeze %dma_wait3A_337 : memref<1x80x128xf32, #tpu.memory_space<vmem>> -> memref<80x128xf32, #tpu.memory_space<vmem>>
        %dma_wait3A_339 = arith.constant 0 : i32
        %dma_wait3A_340 = tpu.memref_slice %arg9[%mul3A_322, %dma_wait3A_339] : memref<10000x128xf32, #tpu.memory_space<vmem_shared>> -> memref<80x128xf32, #tpu.memory_space<vmem_shared>>
        %dma_wait3A_341 = arith.constant 0 : i32
        %dma_wait3A_342 = tpu.memref_slice %arg9[%mul3A_322, %dma_wait3A_341] : memref<10000x128xf32, #tpu.memory_space<vmem_shared>> -> memref<80x128xf32, #tpu.memory_space<vmem_shared>>
        %dma_wait3A_343 = arith.constant 0 : i32
        %dma_wait3A_344 = arith.constant 0 : i32
        %dma_wait3A_345 = tpu.memref_slice %arg8[%cond3A_175, %dma_wait3A_343, %dma_wait3A_344] : memref<4x80x128xf32, #tpu.memory_space<vmem>> -> memref<1x80x128xf32, #tpu.memory_space<vmem>>
        %dma_wait3A_346 = tpu.memref_squeeze %dma_wait3A_345 : memref<1x80x128xf32, #tpu.memory_space<vmem>> -> memref<80x128xf32, #tpu.memory_space<vmem>>
        tpu.wait_dma2 semaphore(%run_scoped3A : memref<!tpu.dma_semaphore, #tpu.memory_space<semaphore_mem>>) src(%dma_wait3A_346 : memref<80x128xf32, #tpu.memory_space<vmem>>) dst(%dma_wait3A_342 : memref<80x128xf32, #tpu.memory_space<vmem_shared>>)
        tpu.yield
      }) : () -> ()
    } else {
    }
    %add3A_178 = arith.constant 112 : i32
    %add3A_179 = arith.addi %arg1, %add3A_178 : i32
    %lt3A_180 = arith.constant 125 : i32
    %lt3A_181 = arith.cmpi slt, %add3A_179, %lt3A_180 : i32
    %convert_element_type3A_182 = arith.extui %lt3A_181 : i1 to i32
    %cond3A_183 = arith.constant 3 : i32
    %cond3A_184 = arith.constant 0 : i32
    %cond3A_185 = arith.cmpi ne, %convert_element_type3A_182, %cond3A_184 : i32
    scf.if %cond3A_185 {
      %mul3A_321 = arith.constant 80 : i32
      %mul3A_322 = arith.muli %add3A_179, %mul3A_321 : i32
      "tpu.region"() ({
        %run_scoped3A = tpu.sem_alloc : memref<!tpu.dma_semaphore, #tpu.memory_space<semaphore_mem>>
        %dma_start3A_323 = arith.constant 0 : i32
        %dma_start3A_324 = arith.constant 0 : i32
        %dma_start3A_325 = tpu.memref_slice %arg8[%cond3A_183, %dma_start3A_323, %dma_start3A_324] : memref<4x80x128xf32, #tpu.memory_space<vmem>> -> memref<1x80x128xf32, #tpu.memory_space<vmem>>
        %dma_start3A_326 = tpu.memref_squeeze %dma_start3A_325 : memref<1x80x128xf32, #tpu.memory_space<vmem>> -> memref<80x128xf32, #tpu.memory_space<vmem>>
        %dma_start3A_327 = arith.constant 0 : i32
        %dma_start3A_328 = tpu.memref_slice %arg9[%mul3A_322, %dma_start3A_327] : memref<10000x128xf32, #tpu.memory_space<vmem_shared>> -> memref<80x128xf32, #tpu.memory_space<vmem_shared>>
        %dma_start3A_329 = arith.constant 0 : i32
        %dma_start3A_330 = tpu.memref_slice %arg9[%mul3A_322, %dma_start3A_329] : memref<10000x128xf32, #tpu.memory_space<vmem_shared>> -> memref<80x128xf32, #tpu.memory_space<vmem_shared>>
        %dma_start3A_331 = arith.constant 0 : i32
        %dma_start3A_332 = arith.constant 0 : i32
        %dma_start3A_333 = tpu.memref_slice %arg8[%cond3A_183, %dma_start3A_331, %dma_start3A_332] : memref<4x80x128xf32, #tpu.memory_space<vmem>> -> memref<1x80x128xf32, #tpu.memory_space<vmem>>
        %dma_start3A_334 = tpu.memref_squeeze %dma_start3A_333 : memref<1x80x128xf32, #tpu.memory_space<vmem>> -> memref<80x128xf32, #tpu.memory_space<vmem>>
        tpu.enqueue_dma source(%dma_start3A_334 : memref<80x128xf32, #tpu.memory_space<vmem>>) target(%dma_start3A_330 : memref<80x128xf32, #tpu.memory_space<vmem_shared>>) target_semaphore(%run_scoped3A : memref<!tpu.dma_semaphore, #tpu.memory_space<semaphore_mem>>)
        %dma_wait3A_335 = arith.constant 0 : i32
        %dma_wait3A_336 = arith.constant 0 : i32
        %dma_wait3A_337 = tpu.memref_slice %arg8[%cond3A_183, %dma_wait3A_335, %dma_wait3A_336] : memref<4x80x128xf32, #tpu.memory_space<vmem>> -> memref<1x80x128xf32, #tpu.memory_space<vmem>>
        %dma_wait3A_338 = tpu.memref_squeeze %dma_wait3A_337 : memref<1x80x128xf32, #tpu.memory_space<vmem>> -> memref<80x128xf32, #tpu.memory_space<vmem>>
        %dma_wait3A_339 = arith.constant 0 : i32
        %dma_wait3A_340 = tpu.memref_slice %arg9[%mul3A_322, %dma_wait3A_339] : memref<10000x128xf32, #tpu.memory_space<vmem_shared>> -> memref<80x128xf32, #tpu.memory_space<vmem_shared>>
        %dma_wait3A_341 = arith.constant 0 : i32
        %dma_wait3A_342 = tpu.memref_slice %arg9[%mul3A_322, %dma_wait3A_341] : memref<10000x128xf32, #tpu.memory_space<vmem_shared>> -> memref<80x128xf32, #tpu.memory_space<vmem_shared>>
        %dma_wait3A_343 = arith.constant 0 : i32
        %dma_wait3A_344 = arith.constant 0 : i32
        %dma_wait3A_345 = tpu.memref_slice %arg8[%cond3A_183, %dma_wait3A_343, %dma_wait3A_344] : memref<4x80x128xf32, #tpu.memory_space<vmem>> -> memref<1x80x128xf32, #tpu.memory_space<vmem>>
        %dma_wait3A_346 = tpu.memref_squeeze %dma_wait3A_345 : memref<1x80x128xf32, #tpu.memory_space<vmem>> -> memref<80x128xf32, #tpu.memory_space<vmem>>
        tpu.wait_dma2 semaphore(%run_scoped3A : memref<!tpu.dma_semaphore, #tpu.memory_space<semaphore_mem>>) src(%dma_wait3A_346 : memref<80x128xf32, #tpu.memory_space<vmem>>) dst(%dma_wait3A_342 : memref<80x128xf32, #tpu.memory_space<vmem_shared>>)
        tpu.yield
      }) : () -> ()
    } else {
    }
    %dma_start3A_186 = arith.constant 0 : i32
    %dma_start3A_187 = arith.constant 3 : i32
    %dma_start3A_188 = arith.constant 3 : i32
    %dma_start3A_189 = arith.constant 3 : i32
    %dma_start3A_190 = arith.constant 0 : i32
    %dma_start3A_191 = arith.constant 0 : i32
    %dma_start3A_192 = tpu.memref_slice %arg8[%dma_start3A_188, %dma_start3A_190, %dma_start3A_191] : memref<4x80x128xf32, #tpu.memory_space<vmem>> -> memref<1x80x128xf32, #tpu.memory_space<vmem>>
    %dma_start3A_193 = tpu.memref_squeeze %dma_start3A_192 : memref<1x80x128xf32, #tpu.memory_space<vmem>> -> memref<80x128xf32, #tpu.memory_space<vmem>>
    %dma_start3A_194 = arith.constant 0 : i32
    %dma_start3A_195 = tpu.memref_slice %arg6[%dma_start3A_186, %dma_start3A_187, %dma_start3A_194] : memref<2x5x80xi32, #tpu.memory_space<vmem>> -> memref<1x1x80xi32, #tpu.memory_space<vmem>>
    %dma_start3A_196 = tpu.memref_squeeze %dma_start3A_195 : memref<1x1x80xi32, #tpu.memory_space<vmem>> -> memref<80xi32, #tpu.memory_space<vmem>>
    %dma_start3A_197 = arith.constant 0 : i32
    %dma_start3A_198 = arith.constant 0 : i32
    %dma_start3A_199 = tpu.memref_slice %arg2[%dma_start3A_197, %dma_start3A_198] : memref<90000x128xf32, #tpu.memory_space<hbm>> -> memref<90000x128xf32, #tpu.memory_space<hbm>>
    %dma_start3A_200 = tpu.memref_slice %arg11[%dma_start3A_189] : memref<4x!tpu.dma_semaphore, #tpu.memory_space<semaphore_mem>> -> memref<1x!tpu.dma_semaphore, #tpu.memory_space<semaphore_mem>>
    %dma_start3A_201 = tpu.memref_squeeze %dma_start3A_200 : memref<1x!tpu.dma_semaphore, #tpu.memory_space<semaphore_mem>> -> memref<!tpu.dma_semaphore, #tpu.memory_space<semaphore_mem>>
    tpu.enqueue_indirect_dma source(%dma_start3A_199 : memref<90000x128xf32, #tpu.memory_space<hbm>>) target(%dma_start3A_193 : memref<80x128xf32, #tpu.memory_space<vmem>>) offsets(%dma_start3A_196 : memref<80xi32, #tpu.memory_space<vmem>>) semaphore(%dma_start3A_201 : memref<!tpu.dma_semaphore, #tpu.memory_space<semaphore_mem>>)
    %barrier3A = arith.constant 0 : index
    tpu.barrier barrier_id(%barrier3A)
    %scan3A_202 = arith.constant 0 : i32
    %scan3A_203 = arith.constant 0 : i32
    %scan3A_204 = arith.constant 125 : i32
    %scan3A_205 = arith.addi %scan3A_203, %scan3A_204 : i32
    %scan3A_206 = arith.constant 1 : i32
    scf.for %scan3A_321 = %scan3A_203 to %scan3A_205 step %scan3A_206  : i32 {
      %rem3A = arith.constant 4 : i32
      %rem3A_322 = arith.remsi %scan3A_321, %rem3A : i32
      %div3A = arith.constant 5 : i32
      %div3A_323 = arith.divsi %scan3A_321, %div3A : i32
      %rem3A_324 = arith.constant 5 : i32
      %rem3A_325 = arith.remsi %scan3A_321, %rem3A_324 : i32
      %rem3A_326 = arith.constant 2 : i32
      %rem3A_327 = arith.remsi %div3A_323, %rem3A_326 : i32
      %eq3A = arith.constant 0 : i32
      %eq3A_328 = arith.cmpi eq, %rem3A_325, %eq3A : i32
      %add3A_329 = arith.constant 1 : i32
      %add3A_330 = arith.addi %div3A_323, %add3A_329 : i32
      %lt3A_331 = arith.constant 25 : i32
      %lt3A_332 = arith.cmpi slt, %add3A_330, %lt3A_331 : i32
      %and3A = arith.andi %eq3A_328, %lt3A_332 : i1
      %convert_element_type3A_333 = arith.extui %and3A : i1 to i32
      %cond3A_334 = arith.constant 0 : i32
      %cond3A_335 = arith.cmpi ne, %convert_element_type3A_333, %cond3A_334 : i32
      scf.if %cond3A_335 {
        %add3A_355 = arith.constant 1 : i32
        %add3A_356 = arith.addi %div3A_323, %add3A_355 : i32
        %sub3A = arith.constant 1 : i32
        %sub3A_357 = arith.subi %sub3A, %rem3A_327 : i32
        %dma_start3A_358 = arith.constant 0 : i32
        %dma_start3A_359 = arith.constant 0 : i32
        %dma_start3A_360 = tpu.memref_slice %arg6[%sub3A_357, %dma_start3A_358, %dma_start3A_359] : memref<2x5x80xi32, #tpu.memory_space<vmem>> -> memref<1x5x80xi32, #tpu.memory_space<vmem>>
        %dma_start3A_361 = tpu.memref_squeeze %dma_start3A_360 : memref<1x5x80xi32, #tpu.memory_space<vmem>> -> memref<5x80xi32, #tpu.memory_space<vmem>>
        %dma_start3A_362 = arith.constant 0 : i32
        %dma_start3A_363 = arith.constant 0 : i32
        %dma_start3A_364 = tpu.memref_slice %arg3[%add3A, %add3A_356, %dma_start3A_362, %dma_start3A_363] : memref<32x25x5x80xi32, #tpu.memory_space<hbm>> -> memref<1x1x5x80xi32, #tpu.memory_space<hbm>>
        %dma_start3A_365 = tpu.memref_squeeze %dma_start3A_364 : memref<1x1x5x80xi32, #tpu.memory_space<hbm>> -> memref<5x80xi32, #tpu.memory_space<hbm>>
        %dma_start3A_366 = arith.constant 0 : i32
        %dma_start3A_367 = arith.constant 0 : i32
        %dma_start3A_368 = tpu.memref_slice %arg6[%sub3A_357, %dma_start3A_366, %dma_start3A_367] : memref<2x5x80xi32, #tpu.memory_space<vmem>> -> memref<1x5x80xi32, #tpu.memory_space<vmem>>
        %dma_start3A_369 = tpu.memref_squeeze %dma_start3A_368 : memref<1x5x80xi32, #tpu.memory_space<vmem>> -> memref<5x80xi32, #tpu.memory_space<vmem>>
        %dma_start3A_370 = arith.constant 0 : i32
        %dma_start3A_371 = arith.constant 0 : i32
        %dma_start3A_372 = tpu.memref_slice %arg3[%add3A, %add3A_356, %dma_start3A_370, %dma_start3A_371] : memref<32x25x5x80xi32, #tpu.memory_space<hbm>> -> memref<1x1x5x80xi32, #tpu.memory_space<hbm>>
        %dma_start3A_373 = tpu.memref_squeeze %dma_start3A_372 : memref<1x1x5x80xi32, #tpu.memory_space<hbm>> -> memref<5x80xi32, #tpu.memory_space<hbm>>
        tpu.enqueue_dma source(%dma_start3A_373 : memref<5x80xi32, #tpu.memory_space<hbm>>) target(%dma_start3A_369 : memref<5x80xi32, #tpu.memory_space<vmem>>) target_semaphore(%arg10 : memref<!tpu.dma_semaphore, #tpu.memory_space<semaphore_mem>>)
        %add3A_374 = arith.constant 1 : i32
        %add3A_375 = arith.addi %div3A_323, %add3A_374 : i32
        %sub3A_376 = arith.constant 1 : i32
        %sub3A_377 = arith.subi %sub3A_376, %rem3A_327 : i32
        %dma_start3A_378 = arith.constant 0 : i32
        %dma_start3A_379 = arith.constant 0 : i32
        %dma_start3A_380 = tpu.memref_slice %arg7[%sub3A_377, %dma_start3A_378, %dma_start3A_379] : memref<2x5x80xi32, #tpu.memory_space<vmem>> -> memref<1x5x80xi32, #tpu.memory_space<vmem>>
        %dma_start3A_381 = tpu.memref_squeeze %dma_start3A_380 : memref<1x5x80xi32, #tpu.memory_space<vmem>> -> memref<5x80xi32, #tpu.memory_space<vmem>>
        %dma_start3A_382 = arith.constant 0 : i32
        %dma_start3A_383 = arith.constant 0 : i32
        %dma_start3A_384 = tpu.memref_slice %arg4[%add3A, %add3A_375, %dma_start3A_382, %dma_start3A_383] : memref<32x25x5x80xi32, #tpu.memory_space<hbm>> -> memref<1x1x5x80xi32, #tpu.memory_space<hbm>>
        %dma_start3A_385 = tpu.memref_squeeze %dma_start3A_384 : memref<1x1x5x80xi32, #tpu.memory_space<hbm>> -> memref<5x80xi32, #tpu.memory_space<hbm>>
        %dma_start3A_386 = arith.constant 0 : i32
        %dma_start3A_387 = arith.constant 0 : i32
        %dma_start3A_388 = tpu.memref_slice %arg7[%sub3A_377, %dma_start3A_386, %dma_start3A_387] : memref<2x5x80xi32, #tpu.memory_space<vmem>> -> memref<1x5x80xi32, #tpu.memory_space<vmem>>
        %dma_start3A_389 = tpu.memref_squeeze %dma_start3A_388 : memref<1x5x80xi32, #tpu.memory_space<vmem>> -> memref<5x80xi32, #tpu.memory_space<vmem>>
        %dma_start3A_390 = arith.constant 0 : i32
        %dma_start3A_391 = arith.constant 0 : i32
        %dma_start3A_392 = tpu.memref_slice %arg4[%add3A, %add3A_375, %dma_start3A_390, %dma_start3A_391] : memref<32x25x5x80xi32, #tpu.memory_space<hbm>> -> memref<1x1x5x80xi32, #tpu.memory_space<hbm>>
        %dma_start3A_393 = tpu.memref_squeeze %dma_start3A_392 : memref<1x1x5x80xi32, #tpu.memory_space<hbm>> -> memref<5x80xi32, #tpu.memory_space<hbm>>
        tpu.enqueue_dma source(%dma_start3A_393 : memref<5x80xi32, #tpu.memory_space<hbm>>) target(%dma_start3A_389 : memref<5x80xi32, #tpu.memory_space<vmem>>) target_semaphore(%arg10 : memref<!tpu.dma_semaphore, #tpu.memory_space<semaphore_mem>>)
      } else {
      }
      %dma_wait3A_336 = arith.constant 0 : i32
      %dma_wait3A_337 = arith.constant 0 : i32
      %dma_wait3A_338 = tpu.memref_slice %arg8[%rem3A_322, %dma_wait3A_336, %dma_wait3A_337] : memref<4x80x128xf32, #tpu.memory_space<vmem>> -> memref<1x80x128xf32, #tpu.memory_space<vmem>>
      %dma_wait3A_339 = tpu.memref_squeeze %dma_wait3A_338 : memref<1x80x128xf32, #tpu.memory_space<vmem>> -> memref<80x128xf32, #tpu.memory_space<vmem>>
      %dma_wait3A_340 = arith.constant 0 : i32
      %dma_wait3A_341 = tpu.memref_slice %arg6[%rem3A_327, %rem3A_325, %dma_wait3A_340] : memref<2x5x80xi32, #tpu.memory_space<vmem>> -> memref<1x1x80xi32, #tpu.memory_space<vmem>>
      %dma_wait3A_342 = tpu.memref_squeeze %dma_wait3A_341 : memref<1x1x80xi32, #tpu.memory_space<vmem>> -> memref<80xi32, #tpu.memory_space<vmem>>
      %dma_wait3A_343 = arith.constant 0 : i32
      %dma_wait3A_344 = arith.constant 0 : i32
      %dma_wait3A_345 = tpu.memref_slice %arg2[%dma_wait3A_343, %dma_wait3A_344] : memref<90000x128xf32, #tpu.memory_space<hbm>> -> memref<90000x128xf32, #tpu.memory_space<hbm>>
      %dma_wait3A_346 = tpu.memref_slice %arg11[%rem3A_322] : memref<4x!tpu.dma_semaphore, #tpu.memory_space<semaphore_mem>> -> memref<1x!tpu.dma_semaphore, #tpu.memory_space<semaphore_mem>>
      %dma_wait3A_347 = tpu.memref_squeeze %dma_wait3A_346 : memref<1x!tpu.dma_semaphore, #tpu.memory_space<semaphore_mem>> -> memref<!tpu.dma_semaphore, #tpu.memory_space<semaphore_mem>>
      tpu.wait_indirect_dma semaphore(%dma_wait3A_347 : memref<!tpu.dma_semaphore, #tpu.memory_space<semaphore_mem>>) src(%dma_wait3A_345 : memref<90000x128xf32, #tpu.memory_space<hbm>>) dst(%dma_wait3A_339 : memref<80x128xf32, #tpu.memory_space<vmem>>)
      "tpu.region"() ({
        %run_scoped3A = tpu.sem_alloc : memref<!tpu.dma_semaphore, #tpu.memory_space<semaphore_mem>>
        %dma_start3A_355 = arith.constant 0 : i32
        %dma_start3A_356 = arith.constant 0 : i32
        %dma_start3A_357 = tpu.memref_slice %arg8[%rem3A_322, %dma_start3A_355, %dma_start3A_356] : memref<4x80x128xf32, #tpu.memory_space<vmem>> -> memref<1x80x128xf32, #tpu.memory_space<vmem>>
        %dma_start3A_358 = tpu.memref_squeeze %dma_start3A_357 : memref<1x80x128xf32, #tpu.memory_space<vmem>> -> memref<80x128xf32, #tpu.memory_space<vmem>>
        %dma_start3A_359 = arith.constant 0 : i32
        %dma_start3A_360 = tpu.memref_slice %arg7[%rem3A_327, %rem3A_325, %dma_start3A_359] : memref<2x5x80xi32, #tpu.memory_space<vmem>> -> memref<1x1x80xi32, #tpu.memory_space<vmem>>
        %dma_start3A_361 = tpu.memref_squeeze %dma_start3A_360 : memref<1x1x80xi32, #tpu.memory_space<vmem>> -> memref<80xi32, #tpu.memory_space<vmem>>
        %dma_start3A_362 = arith.constant 0 : i32
        %dma_start3A_363 = arith.constant 0 : i32
        %dma_start3A_364 = tpu.memref_slice %arg9[%dma_start3A_362, %dma_start3A_363] : memref<10000x128xf32, #tpu.memory_space<vmem_shared>> -> memref<10000x128xf32, #tpu.memory_space<vmem_shared>>
        tpu.enqueue_indirect_dma source(%dma_start3A_358 : memref<80x128xf32, #tpu.memory_space<vmem>>) target(%dma_start3A_364 : memref<10000x128xf32, #tpu.memory_space<vmem_shared>>) offsets(%dma_start3A_361 : memref<80xi32, #tpu.memory_space<vmem>>) semaphore(%run_scoped3A : memref<!tpu.dma_semaphore, #tpu.memory_space<semaphore_mem>>) {add = true}
        %dma_wait3A_365 = arith.constant 0 : i32
        %dma_wait3A_366 = arith.constant 0 : i32
        %dma_wait3A_367 = tpu.memref_slice %arg8[%rem3A_322, %dma_wait3A_365, %dma_wait3A_366] : memref<4x80x128xf32, #tpu.memory_space<vmem>> -> memref<1x80x128xf32, #tpu.memory_space<vmem>>
        %dma_wait3A_368 = tpu.memref_squeeze %dma_wait3A_367 : memref<1x80x128xf32, #tpu.memory_space<vmem>> -> memref<80x128xf32, #tpu.memory_space<vmem>>
        %dma_wait3A_369 = arith.constant 0 : i32
        %dma_wait3A_370 = tpu.memref_slice %arg7[%rem3A_327, %rem3A_325, %dma_wait3A_369] : memref<2x5x80xi32, #tpu.memory_space<vmem>> -> memref<1x1x80xi32, #tpu.memory_space<vmem>>
        %dma_wait3A_371 = tpu.memref_squeeze %dma_wait3A_370 : memref<1x1x80xi32, #tpu.memory_space<vmem>> -> memref<80xi32, #tpu.memory_space<vmem>>
        %dma_wait3A_372 = arith.constant 0 : i32
        %dma_wait3A_373 = arith.constant 0 : i32
        %dma_wait3A_374 = tpu.memref_slice %arg9[%dma_wait3A_372, %dma_wait3A_373] : memref<10000x128xf32, #tpu.memory_space<vmem_shared>> -> memref<10000x128xf32, #tpu.memory_space<vmem_shared>>
        tpu.wait_indirect_dma semaphore(%run_scoped3A : memref<!tpu.dma_semaphore, #tpu.memory_space<semaphore_mem>>) src(%dma_wait3A_368 : memref<80x128xf32, #tpu.memory_space<vmem>>) dst(%dma_wait3A_374 : memref<10000x128xf32, #tpu.memory_space<vmem_shared>>)
        tpu.yield
      }) : () -> ()
      %add3A_348 = arith.constant 4 : i32
      %add3A_349 = arith.addi %scan3A_321, %add3A_348 : i32
      %lt3A_350 = arith.constant 125 : i32
      %lt3A_351 = arith.cmpi slt, %add3A_349, %lt3A_350 : i32
      %convert_element_type3A_352 = arith.extui %lt3A_351 : i1 to i32
      %cond3A_353 = arith.constant 0 : i32
      %cond3A_354 = arith.cmpi ne, %convert_element_type3A_352, %cond3A_353 : i32
      scf.if %cond3A_354 {
        %rem3A_355 = arith.constant 5 : i32
        %rem3A_356 = arith.remsi %add3A_349, %rem3A_355 : i32
        %div3A_357 = arith.constant 5 : i32
        %div3A_358 = arith.divsi %add3A_349, %div3A_357 : i32
        %rem3A_359 = arith.constant 2 : i32
        %rem3A_360 = arith.remsi %div3A_358, %rem3A_359 : i32
        %eq3A_361 = arith.constant 0 : i32
        %eq3A_362 = arith.cmpi eq, %rem3A_356, %eq3A_361 : i32
        %convert_element_type3A_363 = arith.extui %eq3A_362 : i1 to i32
        %cond3A_364 = arith.constant 0 : i32
        %cond3A_365 = arith.cmpi ne, %convert_element_type3A_363, %cond3A_364 : i32
        scf.if %cond3A_365 {
          %dma_wait3A_378 = arith.constant 0 : i32
          %dma_wait3A_379 = arith.constant 0 : i32
          %dma_wait3A_380 = tpu.memref_slice %arg6[%rem3A_360, %dma_wait3A_378, %dma_wait3A_379] : memref<2x5x80xi32, #tpu.memory_space<vmem>> -> memref<1x5x80xi32, #tpu.memory_space<vmem>>
          %dma_wait3A_381 = tpu.memref_squeeze %dma_wait3A_380 : memref<1x5x80xi32, #tpu.memory_space<vmem>> -> memref<5x80xi32, #tpu.memory_space<vmem>>
          %dma_wait3A_382 = arith.constant 0 : i32
          %dma_wait3A_383 = arith.constant 0 : i32
          %dma_wait3A_384 = tpu.memref_slice %arg3[%add3A, %div3A_358, %dma_wait3A_382, %dma_wait3A_383] : memref<32x25x5x80xi32, #tpu.memory_space<hbm>> -> memref<1x1x5x80xi32, #tpu.memory_space<hbm>>
          %dma_wait3A_385 = tpu.memref_squeeze %dma_wait3A_384 : memref<1x1x5x80xi32, #tpu.memory_space<hbm>> -> memref<5x80xi32, #tpu.memory_space<hbm>>
          %dma_wait3A_386 = arith.constant 0 : i32
          %dma_wait3A_387 = arith.constant 0 : i32
          %dma_wait3A_388 = tpu.memref_slice %arg6[%rem3A_360, %dma_wait3A_386, %dma_wait3A_387] : memref<2x5x80xi32, #tpu.memory_space<vmem>> -> memref<1x5x80xi32, #tpu.memory_space<vmem>>
          %dma_wait3A_389 = tpu.memref_squeeze %dma_wait3A_388 : memref<1x5x80xi32, #tpu.memory_space<vmem>> -> memref<5x80xi32, #tpu.memory_space<vmem>>
          %dma_wait3A_390 = arith.constant 0 : i32
          %dma_wait3A_391 = arith.constant 0 : i32
          %dma_wait3A_392 = tpu.memref_slice %arg3[%add3A, %div3A_358, %dma_wait3A_390, %dma_wait3A_391] : memref<32x25x5x80xi32, #tpu.memory_space<hbm>> -> memref<1x1x5x80xi32, #tpu.memory_space<hbm>>
          %dma_wait3A_393 = tpu.memref_squeeze %dma_wait3A_392 : memref<1x1x5x80xi32, #tpu.memory_space<hbm>> -> memref<5x80xi32, #tpu.memory_space<hbm>>
          tpu.wait_dma2 semaphore(%arg10 : memref<!tpu.dma_semaphore, #tpu.memory_space<semaphore_mem>>) src(%dma_wait3A_393 : memref<5x80xi32, #tpu.memory_space<hbm>>) dst(%dma_wait3A_389 : memref<5x80xi32, #tpu.memory_space<vmem>>)
          %dma_wait3A_394 = arith.constant 0 : i32
          %dma_wait3A_395 = arith.constant 0 : i32
          %dma_wait3A_396 = tpu.memref_slice %arg7[%rem3A_360, %dma_wait3A_394, %dma_wait3A_395] : memref<2x5x80xi32, #tpu.memory_space<vmem>> -> memref<1x5x80xi32, #tpu.memory_space<vmem>>
          %dma_wait3A_397 = tpu.memref_squeeze %dma_wait3A_396 : memref<1x5x80xi32, #tpu.memory_space<vmem>> -> memref<5x80xi32, #tpu.memory_space<vmem>>
          %dma_wait3A_398 = arith.constant 0 : i32
          %dma_wait3A_399 = arith.constant 0 : i32
          %dma_wait3A_400 = tpu.memref_slice %arg4[%add3A, %div3A_358, %dma_wait3A_398, %dma_wait3A_399] : memref<32x25x5x80xi32, #tpu.memory_space<hbm>> -> memref<1x1x5x80xi32, #tpu.memory_space<hbm>>
          %dma_wait3A_401 = tpu.memref_squeeze %dma_wait3A_400 : memref<1x1x5x80xi32, #tpu.memory_space<hbm>> -> memref<5x80xi32, #tpu.memory_space<hbm>>
          %dma_wait3A_402 = arith.constant 0 : i32
          %dma_wait3A_403 = arith.constant 0 : i32
          %dma_wait3A_404 = tpu.memref_slice %arg7[%rem3A_360, %dma_wait3A_402, %dma_wait3A_403] : memref<2x5x80xi32, #tpu.memory_space<vmem>> -> memref<1x5x80xi32, #tpu.memory_space<vmem>>
          %dma_wait3A_405 = tpu.memref_squeeze %dma_wait3A_404 : memref<1x5x80xi32, #tpu.memory_space<vmem>> -> memref<5x80xi32, #tpu.memory_space<vmem>>
          %dma_wait3A_406 = arith.constant 0 : i32
          %dma_wait3A_407 = arith.constant 0 : i32
          %dma_wait3A_408 = tpu.memref_slice %arg4[%add3A, %div3A_358, %dma_wait3A_406, %dma_wait3A_407] : memref<32x25x5x80xi32, #tpu.memory_space<hbm>> -> memref<1x1x5x80xi32, #tpu.memory_space<hbm>>
          %dma_wait3A_409 = tpu.memref_squeeze %dma_wait3A_408 : memref<1x1x5x80xi32, #tpu.memory_space<hbm>> -> memref<5x80xi32, #tpu.memory_space<hbm>>
          tpu.wait_dma2 semaphore(%arg10 : memref<!tpu.dma_semaphore, #tpu.memory_space<semaphore_mem>>) src(%dma_wait3A_409 : memref<5x80xi32, #tpu.memory_space<hbm>>) dst(%dma_wait3A_405 : memref<5x80xi32, #tpu.memory_space<vmem>>)
        } else {
        }
        %dma_start3A_366 = arith.constant 0 : i32
        %dma_start3A_367 = arith.constant 0 : i32
        %dma_start3A_368 = tpu.memref_slice %arg8[%rem3A_322, %dma_start3A_366, %dma_start3A_367] : memref<4x80x128xf32, #tpu.memory_space<vmem>> -> memref<1x80x128xf32, #tpu.memory_space<vmem>>
        %dma_start3A_369 = tpu.memref_squeeze %dma_start3A_368 : memref<1x80x128xf32, #tpu.memory_space<vmem>> -> memref<80x128xf32, #tpu.memory_space<vmem>>
        %dma_start3A_370 = arith.constant 0 : i32
        %dma_start3A_371 = tpu.memref_slice %arg6[%rem3A_360, %rem3A_356, %dma_start3A_370] : memref<2x5x80xi32, #tpu.memory_space<vmem>> -> memref<1x1x80xi32, #tpu.memory_space<vmem>>
        %dma_start3A_372 = tpu.memref_squeeze %dma_start3A_371 : memref<1x1x80xi32, #tpu.memory_space<vmem>> -> memref<80xi32, #tpu.memory_space<vmem>>
        %dma_start3A_373 = arith.constant 0 : i32
        %dma_start3A_374 = arith.constant 0 : i32
        %dma_start3A_375 = tpu.memref_slice %arg2[%dma_start3A_373, %dma_start3A_374] : memref<90000x128xf32, #tpu.memory_space<hbm>> -> memref<90000x128xf32, #tpu.memory_space<hbm>>
        %dma_start3A_376 = tpu.memref_slice %arg11[%rem3A_322] : memref<4x!tpu.dma_semaphore, #tpu.memory_space<semaphore_mem>> -> memref<1x!tpu.dma_semaphore, #tpu.memory_space<semaphore_mem>>
        %dma_start3A_377 = tpu.memref_squeeze %dma_start3A_376 : memref<1x!tpu.dma_semaphore, #tpu.memory_space<semaphore_mem>> -> memref<!tpu.dma_semaphore, #tpu.memory_space<semaphore_mem>>
        tpu.enqueue_indirect_dma source(%dma_start3A_375 : memref<90000x128xf32, #tpu.memory_space<hbm>>) target(%dma_start3A_369 : memref<80x128xf32, #tpu.memory_space<vmem>>) offsets(%dma_start3A_372 : memref<80xi32, #tpu.memory_space<vmem>>) semaphore(%dma_start3A_377 : memref<!tpu.dma_semaphore, #tpu.memory_space<semaphore_mem>>)
      } else {
      }
    }
    %scan3A_207 = arith.constant 125 : i32
    %barrier3A_208 = arith.constant 0 : index
    tpu.barrier barrier_id(%barrier3A_208)
    %add3A_209 = arith.constant 0 : i32
    %add3A_210 = arith.addi %arg1, %add3A_209 : i32
    %lt3A_211 = arith.constant 125 : i32
    %lt3A_212 = arith.cmpi slt, %add3A_210, %lt3A_211 : i32
    %convert_element_type3A_213 = arith.extui %lt3A_212 : i1 to i32
    %cond3A_214 = arith.constant 0 : i32
    %cond3A_215 = arith.cmpi ne, %convert_element_type3A_213, %cond3A_214 : i32
    scf.if %cond3A_215 {
      %mul3A_321 = arith.constant 80 : i32
      %mul3A_322 = arith.muli %add3A_210, %mul3A_321 : i32
      %dma_start3A_323 = arith.constant 0 : i32
      %dma_start3A_324 = tpu.memref_slice %arg5[%arg0, %mul3A_322, %dma_start3A_323] : memref<2x10000x128xf32, #tpu.memory_space<hbm>> -> memref<1x80x128xf32, #tpu.memory_space<hbm>>
      %dma_start3A_325 = tpu.memref_squeeze %dma_start3A_324 : memref<1x80x128xf32, #tpu.memory_space<hbm>> -> memref<80x128xf32, #tpu.memory_space<hbm>>
      %dma_start3A_326 = arith.constant 0 : i32
      %dma_start3A_327 = tpu.memref_slice %arg9[%mul3A_322, %dma_start3A_326] : memref<10000x128xf32, #tpu.memory_space<vmem_shared>> -> memref<80x128xf32, #tpu.memory_space<vmem_shared>>
      tpu.enqueue_dma source(%dma_start3A_327 : memref<80x128xf32, #tpu.memory_space<vmem_shared>>) target(%dma_start3A_325 : memref<80x128xf32, #tpu.memory_space<hbm>>) target_semaphore(%arg10 : memref<!tpu.dma_semaphore, #tpu.memory_space<semaphore_mem>>)
    } else {
    }
    %add3A_216 = arith.constant 16 : i32
    %add3A_217 = arith.addi %arg1, %add3A_216 : i32
    %lt3A_218 = arith.constant 125 : i32
    %lt3A_219 = arith.cmpi slt, %add3A_217, %lt3A_218 : i32
    %convert_element_type3A_220 = arith.extui %lt3A_219 : i1 to i32
    %cond3A_221 = arith.constant 0 : i32
    %cond3A_222 = arith.cmpi ne, %convert_element_type3A_220, %cond3A_221 : i32
    scf.if %cond3A_222 {
      %mul3A_321 = arith.constant 80 : i32
      %mul3A_322 = arith.muli %add3A_217, %mul3A_321 : i32
      %dma_start3A_323 = arith.constant 0 : i32
      %dma_start3A_324 = tpu.memref_slice %arg5[%arg0, %mul3A_322, %dma_start3A_323] : memref<2x10000x128xf32, #tpu.memory_space<hbm>> -> memref<1x80x128xf32, #tpu.memory_space<hbm>>
      %dma_start3A_325 = tpu.memref_squeeze %dma_start3A_324 : memref<1x80x128xf32, #tpu.memory_space<hbm>> -> memref<80x128xf32, #tpu.memory_space<hbm>>
      %dma_start3A_326 = arith.constant 0 : i32
      %dma_start3A_327 = tpu.memref_slice %arg9[%mul3A_322, %dma_start3A_326] : memref<10000x128xf32, #tpu.memory_space<vmem_shared>> -> memref<80x128xf32, #tpu.memory_space<vmem_shared>>
      tpu.enqueue_dma source(%dma_start3A_327 : memref<80x128xf32, #tpu.memory_space<vmem_shared>>) target(%dma_start3A_325 : memref<80x128xf32, #tpu.memory_space<hbm>>) target_semaphore(%arg10 : memref<!tpu.dma_semaphore, #tpu.memory_space<semaphore_mem>>)
    } else {
    }
    %add3A_223 = arith.constant 32 : i32
    %add3A_224 = arith.addi %arg1, %add3A_223 : i32
    %lt3A_225 = arith.constant 125 : i32
    %lt3A_226 = arith.cmpi slt, %add3A_224, %lt3A_225 : i32
    %convert_element_type3A_227 = arith.extui %lt3A_226 : i1 to i32
    %cond3A_228 = arith.constant 0 : i32
    %cond3A_229 = arith.cmpi ne, %convert_element_type3A_227, %cond3A_228 : i32
    scf.if %cond3A_229 {
      %mul3A_321 = arith.constant 80 : i32
      %mul3A_322 = arith.muli %add3A_224, %mul3A_321 : i32
      %dma_start3A_323 = arith.constant 0 : i32
      %dma_start3A_324 = tpu.memref_slice %arg5[%arg0, %mul3A_322, %dma_start3A_323] : memref<2x10000x128xf32, #tpu.memory_space<hbm>> -> memref<1x80x128xf32, #tpu.memory_space<hbm>>
      %dma_start3A_325 = tpu.memref_squeeze %dma_start3A_324 : memref<1x80x128xf32, #tpu.memory_space<hbm>> -> memref<80x128xf32, #tpu.memory_space<hbm>>
      %dma_start3A_326 = arith.constant 0 : i32
      %dma_start3A_327 = tpu.memref_slice %arg9[%mul3A_322, %dma_start3A_326] : memref<10000x128xf32, #tpu.memory_space<vmem_shared>> -> memref<80x128xf32, #tpu.memory_space<vmem_shared>>
      tpu.enqueue_dma source(%dma_start3A_327 : memref<80x128xf32, #tpu.memory_space<vmem_shared>>) target(%dma_start3A_325 : memref<80x128xf32, #tpu.memory_space<hbm>>) target_semaphore(%arg10 : memref<!tpu.dma_semaphore, #tpu.memory_space<semaphore_mem>>)
    } else {
    }
    %add3A_230 = arith.constant 48 : i32
    %add3A_231 = arith.addi %arg1, %add3A_230 : i32
    %lt3A_232 = arith.constant 125 : i32
    %lt3A_233 = arith.cmpi slt, %add3A_231, %lt3A_232 : i32
    %convert_element_type3A_234 = arith.extui %lt3A_233 : i1 to i32
    %cond3A_235 = arith.constant 0 : i32
    %cond3A_236 = arith.cmpi ne, %convert_element_type3A_234, %cond3A_235 : i32
    scf.if %cond3A_236 {
      %mul3A_321 = arith.constant 80 : i32
      %mul3A_322 = arith.muli %add3A_231, %mul3A_321 : i32
      %dma_start3A_323 = arith.constant 0 : i32
      %dma_start3A_324 = tpu.memref_slice %arg5[%arg0, %mul3A_322, %dma_start3A_323] : memref<2x10000x128xf32, #tpu.memory_space<hbm>> -> memref<1x80x128xf32, #tpu.memory_space<hbm>>
      %dma_start3A_325 = tpu.memref_squeeze %dma_start3A_324 : memref<1x80x128xf32, #tpu.memory_space<hbm>> -> memref<80x128xf32, #tpu.memory_space<hbm>>
      %dma_start3A_326 = arith.constant 0 : i32
      %dma_start3A_327 = tpu.memref_slice %arg9[%mul3A_322, %dma_start3A_326] : memref<10000x128xf32, #tpu.memory_space<vmem_shared>> -> memref<80x128xf32, #tpu.memory_space<vmem_shared>>
      tpu.enqueue_dma source(%dma_start3A_327 : memref<80x128xf32, #tpu.memory_space<vmem_shared>>) target(%dma_start3A_325 : memref<80x128xf32, #tpu.memory_space<hbm>>) target_semaphore(%arg10 : memref<!tpu.dma_semaphore, #tpu.memory_space<semaphore_mem>>)
    } else {
    }
    %add3A_237 = arith.constant 64 : i32
    %add3A_238 = arith.addi %arg1, %add3A_237 : i32
    %lt3A_239 = arith.constant 125 : i32
    %lt3A_240 = arith.cmpi slt, %add3A_238, %lt3A_239 : i32
    %convert_element_type3A_241 = arith.extui %lt3A_240 : i1 to i32
    %cond3A_242 = arith.constant 0 : i32
    %cond3A_243 = arith.cmpi ne, %convert_element_type3A_241, %cond3A_242 : i32
    scf.if %cond3A_243 {
      %mul3A_321 = arith.constant 80 : i32
      %mul3A_322 = arith.muli %add3A_238, %mul3A_321 : i32
      %dma_start3A_323 = arith.constant 0 : i32
      %dma_start3A_324 = tpu.memref_slice %arg5[%arg0, %mul3A_322, %dma_start3A_323] : memref<2x10000x128xf32, #tpu.memory_space<hbm>> -> memref<1x80x128xf32, #tpu.memory_space<hbm>>
      %dma_start3A_325 = tpu.memref_squeeze %dma_start3A_324 : memref<1x80x128xf32, #tpu.memory_space<hbm>> -> memref<80x128xf32, #tpu.memory_space<hbm>>
      %dma_start3A_326 = arith.constant 0 : i32
      %dma_start3A_327 = tpu.memref_slice %arg9[%mul3A_322, %dma_start3A_326] : memref<10000x128xf32, #tpu.memory_space<vmem_shared>> -> memref<80x128xf32, #tpu.memory_space<vmem_shared>>
      tpu.enqueue_dma source(%dma_start3A_327 : memref<80x128xf32, #tpu.memory_space<vmem_shared>>) target(%dma_start3A_325 : memref<80x128xf32, #tpu.memory_space<hbm>>) target_semaphore(%arg10 : memref<!tpu.dma_semaphore, #tpu.memory_space<semaphore_mem>>)
    } else {
    }
    %add3A_244 = arith.constant 80 : i32
    %add3A_245 = arith.addi %arg1, %add3A_244 : i32
    %lt3A_246 = arith.constant 125 : i32
    %lt3A_247 = arith.cmpi slt, %add3A_245, %lt3A_246 : i32
    %convert_element_type3A_248 = arith.extui %lt3A_247 : i1 to i32
    %cond3A_249 = arith.constant 0 : i32
    %cond3A_250 = arith.cmpi ne, %convert_element_type3A_248, %cond3A_249 : i32
    scf.if %cond3A_250 {
      %mul3A_321 = arith.constant 80 : i32
      %mul3A_322 = arith.muli %add3A_245, %mul3A_321 : i32
      %dma_start3A_323 = arith.constant 0 : i32
      %dma_start3A_324 = tpu.memref_slice %arg5[%arg0, %mul3A_322, %dma_start3A_323] : memref<2x10000x128xf32, #tpu.memory_space<hbm>> -> memref<1x80x128xf32, #tpu.memory_space<hbm>>
      %dma_start3A_325 = tpu.memref_squeeze %dma_start3A_324 : memref<1x80x128xf32, #tpu.memory_space<hbm>> -> memref<80x128xf32, #tpu.memory_space<hbm>>
      %dma_start3A_326 = arith.constant 0 : i32
      %dma_start3A_327 = tpu.memref_slice %arg9[%mul3A_322, %dma_start3A_326] : memref<10000x128xf32, #tpu.memory_space<vmem_shared>> -> memref<80x128xf32, #tpu.memory_space<vmem_shared>>
      tpu.enqueue_dma source(%dma_start3A_327 : memref<80x128xf32, #tpu.memory_space<vmem_shared>>) target(%dma_start3A_325 : memref<80x128xf32, #tpu.memory_space<hbm>>) target_semaphore(%arg10 : memref<!tpu.dma_semaphore, #tpu.memory_space<semaphore_mem>>)
    } else {
    }
    %add3A_251 = arith.constant 96 : i32
    %add3A_252 = arith.addi %arg1, %add3A_251 : i32
    %lt3A_253 = arith.constant 125 : i32
    %lt3A_254 = arith.cmpi slt, %add3A_252, %lt3A_253 : i32
    %convert_element_type3A_255 = arith.extui %lt3A_254 : i1 to i32
    %cond3A_256 = arith.constant 0 : i32
    %cond3A_257 = arith.cmpi ne, %convert_element_type3A_255, %cond3A_256 : i32
    scf.if %cond3A_257 {
      %mul3A_321 = arith.constant 80 : i32
      %mul3A_322 = arith.muli %add3A_252, %mul3A_321 : i32
      %dma_start3A_323 = arith.constant 0 : i32
      %dma_start3A_324 = tpu.memref_slice %arg5[%arg0, %mul3A_322, %dma_start3A_323] : memref<2x10000x128xf32, #tpu.memory_space<hbm>> -> memref<1x80x128xf32, #tpu.memory_space<hbm>>
      %dma_start3A_325 = tpu.memref_squeeze %dma_start3A_324 : memref<1x80x128xf32, #tpu.memory_space<hbm>> -> memref<80x128xf32, #tpu.memory_space<hbm>>
      %dma_start3A_326 = arith.constant 0 : i32
      %dma_start3A_327 = tpu.memref_slice %arg9[%mul3A_322, %dma_start3A_326] : memref<10000x128xf32, #tpu.memory_space<vmem_shared>> -> memref<80x128xf32, #tpu.memory_space<vmem_shared>>
      tpu.enqueue_dma source(%dma_start3A_327 : memref<80x128xf32, #tpu.memory_space<vmem_shared>>) target(%dma_start3A_325 : memref<80x128xf32, #tpu.memory_space<hbm>>) target_semaphore(%arg10 : memref<!tpu.dma_semaphore, #tpu.memory_space<semaphore_mem>>)
    } else {
    }
    %add3A_258 = arith.constant 112 : i32
    %add3A_259 = arith.addi %arg1, %add3A_258 : i32
    %lt3A_260 = arith.constant 125 : i32
    %lt3A_261 = arith.cmpi slt, %add3A_259, %lt3A_260 : i32
    %convert_element_type3A_262 = arith.extui %lt3A_261 : i1 to i32
    %cond3A_263 = arith.constant 0 : i32
    %cond3A_264 = arith.cmpi ne, %convert_element_type3A_262, %cond3A_263 : i32
    scf.if %cond3A_264 {
      %mul3A_321 = arith.constant 80 : i32
      %mul3A_322 = arith.muli %add3A_259, %mul3A_321 : i32
      %dma_start3A_323 = arith.constant 0 : i32
      %dma_start3A_324 = tpu.memref_slice %arg5[%arg0, %mul3A_322, %dma_start3A_323] : memref<2x10000x128xf32, #tpu.memory_space<hbm>> -> memref<1x80x128xf32, #tpu.memory_space<hbm>>
      %dma_start3A_325 = tpu.memref_squeeze %dma_start3A_324 : memref<1x80x128xf32, #tpu.memory_space<hbm>> -> memref<80x128xf32, #tpu.memory_space<hbm>>
      %dma_start3A_326 = arith.constant 0 : i32
      %dma_start3A_327 = tpu.memref_slice %arg9[%mul3A_322, %dma_start3A_326] : memref<10000x128xf32, #tpu.memory_space<vmem_shared>> -> memref<80x128xf32, #tpu.memory_space<vmem_shared>>
      tpu.enqueue_dma source(%dma_start3A_327 : memref<80x128xf32, #tpu.memory_space<vmem_shared>>) target(%dma_start3A_325 : memref<80x128xf32, #tpu.memory_space<hbm>>) target_semaphore(%arg10 : memref<!tpu.dma_semaphore, #tpu.memory_space<semaphore_mem>>)
    } else {
    }
    %add3A_265 = arith.constant 0 : i32
    %add3A_266 = arith.addi %arg1, %add3A_265 : i32
    %lt3A_267 = arith.constant 125 : i32
    %lt3A_268 = arith.cmpi slt, %add3A_266, %lt3A_267 : i32
    %convert_element_type3A_269 = arith.extui %lt3A_268 : i1 to i32
    %cond3A_270 = arith.constant 0 : i32
    %cond3A_271 = arith.cmpi ne, %convert_element_type3A_269, %cond3A_270 : i32
    scf.if %cond3A_271 {
      %mul3A_321 = arith.constant 80 : i32
      %mul3A_322 = arith.muli %add3A_266, %mul3A_321 : i32
      %dma_wait3A_323 = arith.constant 0 : i32
      %dma_wait3A_324 = tpu.memref_slice %arg5[%arg0, %mul3A_322, %dma_wait3A_323] : memref<2x10000x128xf32, #tpu.memory_space<hbm>> -> memref<1x80x128xf32, #tpu.memory_space<hbm>>
      %dma_wait3A_325 = tpu.memref_squeeze %dma_wait3A_324 : memref<1x80x128xf32, #tpu.memory_space<hbm>> -> memref<80x128xf32, #tpu.memory_space<hbm>>
      %dma_wait3A_326 = arith.constant 0 : i32
      %dma_wait3A_327 = tpu.memref_slice %arg9[%mul3A_322, %dma_wait3A_326] : memref<10000x128xf32, #tpu.memory_space<vmem_shared>> -> memref<80x128xf32, #tpu.memory_space<vmem_shared>>
      tpu.wait_dma2 semaphore(%arg10 : memref<!tpu.dma_semaphore, #tpu.memory_space<semaphore_mem>>) src(%dma_wait3A_327 : memref<80x128xf32, #tpu.memory_space<vmem_shared>>) dst(%dma_wait3A_325 : memref<80x128xf32, #tpu.memory_space<hbm>>)
    } else {
    }
    %add3A_272 = arith.constant 16 : i32
    %add3A_273 = arith.addi %arg1, %add3A_272 : i32
    %lt3A_274 = arith.constant 125 : i32
    %lt3A_275 = arith.cmpi slt, %add3A_273, %lt3A_274 : i32
    %convert_element_type3A_276 = arith.extui %lt3A_275 : i1 to i32
    %cond3A_277 = arith.constant 0 : i32
    %cond3A_278 = arith.cmpi ne, %convert_element_type3A_276, %cond3A_277 : i32
    scf.if %cond3A_278 {
      %mul3A_321 = arith.constant 80 : i32
      %mul3A_322 = arith.muli %add3A_273, %mul3A_321 : i32
      %dma_wait3A_323 = arith.constant 0 : i32
      %dma_wait3A_324 = tpu.memref_slice %arg5[%arg0, %mul3A_322, %dma_wait3A_323] : memref<2x10000x128xf32, #tpu.memory_space<hbm>> -> memref<1x80x128xf32, #tpu.memory_space<hbm>>
      %dma_wait3A_325 = tpu.memref_squeeze %dma_wait3A_324 : memref<1x80x128xf32, #tpu.memory_space<hbm>> -> memref<80x128xf32, #tpu.memory_space<hbm>>
      %dma_wait3A_326 = arith.constant 0 : i32
      %dma_wait3A_327 = tpu.memref_slice %arg9[%mul3A_322, %dma_wait3A_326] : memref<10000x128xf32, #tpu.memory_space<vmem_shared>> -> memref<80x128xf32, #tpu.memory_space<vmem_shared>>
      tpu.wait_dma2 semaphore(%arg10 : memref<!tpu.dma_semaphore, #tpu.memory_space<semaphore_mem>>) src(%dma_wait3A_327 : memref<80x128xf32, #tpu.memory_space<vmem_shared>>) dst(%dma_wait3A_325 : memref<80x128xf32, #tpu.memory_space<hbm>>)
    } else {
    }
    %add3A_279 = arith.constant 32 : i32
    %add3A_280 = arith.addi %arg1, %add3A_279 : i32
    %lt3A_281 = arith.constant 125 : i32
    %lt3A_282 = arith.cmpi slt, %add3A_280, %lt3A_281 : i32
    %convert_element_type3A_283 = arith.extui %lt3A_282 : i1 to i32
    %cond3A_284 = arith.constant 0 : i32
    %cond3A_285 = arith.cmpi ne, %convert_element_type3A_283, %cond3A_284 : i32
    scf.if %cond3A_285 {
      %mul3A_321 = arith.constant 80 : i32
      %mul3A_322 = arith.muli %add3A_280, %mul3A_321 : i32
      %dma_wait3A_323 = arith.constant 0 : i32
      %dma_wait3A_324 = tpu.memref_slice %arg5[%arg0, %mul3A_322, %dma_wait3A_323] : memref<2x10000x128xf32, #tpu.memory_space<hbm>> -> memref<1x80x128xf32, #tpu.memory_space<hbm>>
      %dma_wait3A_325 = tpu.memref_squeeze %dma_wait3A_324 : memref<1x80x128xf32, #tpu.memory_space<hbm>> -> memref<80x128xf32, #tpu.memory_space<hbm>>
      %dma_wait3A_326 = arith.constant 0 : i32
      %dma_wait3A_327 = tpu.memref_slice %arg9[%mul3A_322, %dma_wait3A_326] : memref<10000x128xf32, #tpu.memory_space<vmem_shared>> -> memref<80x128xf32, #tpu.memory_space<vmem_shared>>
      tpu.wait_dma2 semaphore(%arg10 : memref<!tpu.dma_semaphore, #tpu.memory_space<semaphore_mem>>) src(%dma_wait3A_327 : memref<80x128xf32, #tpu.memory_space<vmem_shared>>) dst(%dma_wait3A_325 : memref<80x128xf32, #tpu.memory_space<hbm>>)
    } else {
    }
    %add3A_286 = arith.constant 48 : i32
    %add3A_287 = arith.addi %arg1, %add3A_286 : i32
    %lt3A_288 = arith.constant 125 : i32
    %lt3A_289 = arith.cmpi slt, %add3A_287, %lt3A_288 : i32
    %convert_element_type3A_290 = arith.extui %lt3A_289 : i1 to i32
    %cond3A_291 = arith.constant 0 : i32
    %cond3A_292 = arith.cmpi ne, %convert_element_type3A_290, %cond3A_291 : i32
    scf.if %cond3A_292 {
      %mul3A_321 = arith.constant 80 : i32
      %mul3A_322 = arith.muli %add3A_287, %mul3A_321 : i32
      %dma_wait3A_323 = arith.constant 0 : i32
      %dma_wait3A_324 = tpu.memref_slice %arg5[%arg0, %mul3A_322, %dma_wait3A_323] : memref<2x10000x128xf32, #tpu.memory_space<hbm>> -> memref<1x80x128xf32, #tpu.memory_space<hbm>>
      %dma_wait3A_325 = tpu.memref_squeeze %dma_wait3A_324 : memref<1x80x128xf32, #tpu.memory_space<hbm>> -> memref<80x128xf32, #tpu.memory_space<hbm>>
      %dma_wait3A_326 = arith.constant 0 : i32
      %dma_wait3A_327 = tpu.memref_slice %arg9[%mul3A_322, %dma_wait3A_326] : memref<10000x128xf32, #tpu.memory_space<vmem_shared>> -> memref<80x128xf32, #tpu.memory_space<vmem_shared>>
      tpu.wait_dma2 semaphore(%arg10 : memref<!tpu.dma_semaphore, #tpu.memory_space<semaphore_mem>>) src(%dma_wait3A_327 : memref<80x128xf32, #tpu.memory_space<vmem_shared>>) dst(%dma_wait3A_325 : memref<80x128xf32, #tpu.memory_space<hbm>>)
    } else {
    }
    %add3A_293 = arith.constant 64 : i32
    %add3A_294 = arith.addi %arg1, %add3A_293 : i32
    %lt3A_295 = arith.constant 125 : i32
    %lt3A_296 = arith.cmpi slt, %add3A_294, %lt3A_295 : i32
    %convert_element_type3A_297 = arith.extui %lt3A_296 : i1 to i32
    %cond3A_298 = arith.constant 0 : i32
    %cond3A_299 = arith.cmpi ne, %convert_element_type3A_297, %cond3A_298 : i32
    scf.if %cond3A_299 {
      %mul3A_321 = arith.constant 80 : i32
      %mul3A_322 = arith.muli %add3A_294, %mul3A_321 : i32
      %dma_wait3A_323 = arith.constant 0 : i32
      %dma_wait3A_324 = tpu.memref_slice %arg5[%arg0, %mul3A_322, %dma_wait3A_323] : memref<2x10000x128xf32, #tpu.memory_space<hbm>> -> memref<1x80x128xf32, #tpu.memory_space<hbm>>
      %dma_wait3A_325 = tpu.memref_squeeze %dma_wait3A_324 : memref<1x80x128xf32, #tpu.memory_space<hbm>> -> memref<80x128xf32, #tpu.memory_space<hbm>>
      %dma_wait3A_326 = arith.constant 0 : i32
      %dma_wait3A_327 = tpu.memref_slice %arg9[%mul3A_322, %dma_wait3A_326] : memref<10000x128xf32, #tpu.memory_space<vmem_shared>> -> memref<80x128xf32, #tpu.memory_space<vmem_shared>>
      tpu.wait_dma2 semaphore(%arg10 : memref<!tpu.dma_semaphore, #tpu.memory_space<semaphore_mem>>) src(%dma_wait3A_327 : memref<80x128xf32, #tpu.memory_space<vmem_shared>>) dst(%dma_wait3A_325 : memref<80x128xf32, #tpu.memory_space<hbm>>)
    } else {
    }
    %add3A_300 = arith.constant 80 : i32
    %add3A_301 = arith.addi %arg1, %add3A_300 : i32
    %lt3A_302 = arith.constant 125 : i32
    %lt3A_303 = arith.cmpi slt, %add3A_301, %lt3A_302 : i32
    %convert_element_type3A_304 = arith.extui %lt3A_303 : i1 to i32
    %cond3A_305 = arith.constant 0 : i32
    %cond3A_306 = arith.cmpi ne, %convert_element_type3A_304, %cond3A_305 : i32
    scf.if %cond3A_306 {
      %mul3A_321 = arith.constant 80 : i32
      %mul3A_322 = arith.muli %add3A_301, %mul3A_321 : i32
      %dma_wait3A_323 = arith.constant 0 : i32
      %dma_wait3A_324 = tpu.memref_slice %arg5[%arg0, %mul3A_322, %dma_wait3A_323] : memref<2x10000x128xf32, #tpu.memory_space<hbm>> -> memref<1x80x128xf32, #tpu.memory_space<hbm>>
      %dma_wait3A_325 = tpu.memref_squeeze %dma_wait3A_324 : memref<1x80x128xf32, #tpu.memory_space<hbm>> -> memref<80x128xf32, #tpu.memory_space<hbm>>
      %dma_wait3A_326 = arith.constant 0 : i32
      %dma_wait3A_327 = tpu.memref_slice %arg9[%mul3A_322, %dma_wait3A_326] : memref<10000x128xf32, #tpu.memory_space<vmem_shared>> -> memref<80x128xf32, #tpu.memory_space<vmem_shared>>
      tpu.wait_dma2 semaphore(%arg10 : memref<!tpu.dma_semaphore, #tpu.memory_space<semaphore_mem>>) src(%dma_wait3A_327 : memref<80x128xf32, #tpu.memory_space<vmem_shared>>) dst(%dma_wait3A_325 : memref<80x128xf32, #tpu.memory_space<hbm>>)
    } else {
    }
    %add3A_307 = arith.constant 96 : i32
    %add3A_308 = arith.addi %arg1, %add3A_307 : i32
    %lt3A_309 = arith.constant 125 : i32
    %lt3A_310 = arith.cmpi slt, %add3A_308, %lt3A_309 : i32
    %convert_element_type3A_311 = arith.extui %lt3A_310 : i1 to i32
    %cond3A_312 = arith.constant 0 : i32
    %cond3A_313 = arith.cmpi ne, %convert_element_type3A_311, %cond3A_312 : i32
    scf.if %cond3A_313 {
      %mul3A_321 = arith.constant 80 : i32
      %mul3A_322 = arith.muli %add3A_308, %mul3A_321 : i32
      %dma_wait3A_323 = arith.constant 0 : i32
      %dma_wait3A_324 = tpu.memref_slice %arg5[%arg0, %mul3A_322, %dma_wait3A_323] : memref<2x10000x128xf32, #tpu.memory_space<hbm>> -> memref<1x80x128xf32, #tpu.memory_space<hbm>>
      %dma_wait3A_325 = tpu.memref_squeeze %dma_wait3A_324 : memref<1x80x128xf32, #tpu.memory_space<hbm>> -> memref<80x128xf32, #tpu.memory_space<hbm>>
      %dma_wait3A_326 = arith.constant 0 : i32
      %dma_wait3A_327 = tpu.memref_slice %arg9[%mul3A_322, %dma_wait3A_326] : memref<10000x128xf32, #tpu.memory_space<vmem_shared>> -> memref<80x128xf32, #tpu.memory_space<vmem_shared>>
      tpu.wait_dma2 semaphore(%arg10 : memref<!tpu.dma_semaphore, #tpu.memory_space<semaphore_mem>>) src(%dma_wait3A_327 : memref<80x128xf32, #tpu.memory_space<vmem_shared>>) dst(%dma_wait3A_325 : memref<80x128xf32, #tpu.memory_space<hbm>>)
    } else {
    }
    %add3A_314 = arith.constant 112 : i32
    %add3A_315 = arith.addi %arg1, %add3A_314 : i32
    %lt3A_316 = arith.constant 125 : i32
    %lt3A_317 = arith.cmpi slt, %add3A_315, %lt3A_316 : i32
    %convert_element_type3A_318 = arith.extui %lt3A_317 : i1 to i32
    %cond3A_319 = arith.constant 0 : i32
    %cond3A_320 = arith.cmpi ne, %convert_element_type3A_318, %cond3A_319 : i32
    scf.if %cond3A_320 {
      %mul3A_321 = arith.constant 80 : i32
      %mul3A_322 = arith.muli %add3A_315, %mul3A_321 : i32
      %dma_wait3A_323 = arith.constant 0 : i32
      %dma_wait3A_324 = tpu.memref_slice %arg5[%arg0, %mul3A_322, %dma_wait3A_323] : memref<2x10000x128xf32, #tpu.memory_space<hbm>> -> memref<1x80x128xf32, #tpu.memory_space<hbm>>
      %dma_wait3A_325 = tpu.memref_squeeze %dma_wait3A_324 : memref<1x80x128xf32, #tpu.memory_space<hbm>> -> memref<80x128xf32, #tpu.memory_space<hbm>>
      %dma_wait3A_326 = arith.constant 0 : i32
      %dma_wait3A_327 = tpu.memref_slice %arg9[%mul3A_322, %dma_wait3A_326] : memref<10000x128xf32, #tpu.memory_space<vmem_shared>> -> memref<80x128xf32, #tpu.memory_space<vmem_shared>>
      tpu.wait_dma2 semaphore(%arg10 : memref<!tpu.dma_semaphore, #tpu.memory_space<semaphore_mem>>) src(%dma_wait3A_327 : memref<80x128xf32, #tpu.memory_space<vmem_shared>>) dst(%dma_wait3A_325 : memref<80x128xf32, #tpu.memory_space<hbm>>)
    } else {
    }
    return
  }
}

module attributes {stable_mosaic.version = 14 : i64} {
  func.func @_project1_body(%arg0: i32, %arg1: memref<8x4xf32, #tpu.memory_space<smem>>, %arg2: memref<4x128x128xf32, #tpu.memory_space<vmem>>, %arg3: memref<128x128xf32, #tpu.memory_space<vmem>>, %arg4: memref<2000x128xf32, #tpu.memory_space<vmem>>, %arg5: memref<9x2000x128xf32, #tpu.memory_space<vmem>>) attributes {dimension_semantics = [#tpu.dimension_semantics<arbitrary>], iteration_bounds = array<i64: 5>, scalar_prefetch = 0 : i64, scratch_operands = 0 : i64, tpu.core_type = #tpu.core_type<tc>, window_params = [{transform_indices = @transform_0, window_bounds = array<i64: 8, 4>}, {pipeline_mode = #tpu.pipeline_mode<synchronous>, transform_indices = @transform_1, window_bounds = array<i64: 4, 128, 128>}, {pipeline_mode = #tpu.pipeline_mode<synchronous>, transform_indices = @transform_2, window_bounds = array<i64: 128, 128>}, {transform_indices = @transform_3, window_bounds = array<i64: 2000, 128>}, {transform_indices = @transform_4, window_bounds = array<i64: 9, 2000, 128>}]} {
    %get3A = arith.constant 0 : index
    %get3A_0 = arith.constant 0 : index
    %get3A_1 = vector.load %arg4[%get3A, %get3A_0] : memref<2000x128xf32, #tpu.memory_space<vmem>>, vector<2000x128xf32>
    %get3A_2 = arith.constant 0 : index
    %get3A_3 = arith.constant 0 : index
    %get3A_4 = memref.load %arg1[%get3A_2, %get3A_3] : memref<8x4xf32, #tpu.memory_space<smem>>
    %get3A_5 = arith.constant 0 : index
    %get3A_6 = arith.constant 0 : index
    %get3A_7 = arith.constant 0 : index
    %get3A_8 = vector.load %arg2[%get3A_5, %get3A_6, %get3A_7] : memref<4x128x128xf32, #tpu.memory_space<vmem>>, vector<1x128x128xf32>
    %get3A_9 = vector.shape_cast %get3A_8 : vector<1x128x128xf32> to vector<128x128xf32>
    %mul3A = vector.broadcast %get3A_4 : f32 to vector<128x128xf32>
    %mul3A_10 = arith.mulf %mul3A, %get3A_9 : vector<128x128xf32>
    %get3A_11 = arith.constant 0 : index
    %get3A_12 = arith.constant 1 : index
    %get3A_13 = memref.load %arg1[%get3A_11, %get3A_12] : memref<8x4xf32, #tpu.memory_space<smem>>
    %get3A_14 = arith.constant 1 : index
    %get3A_15 = arith.constant 0 : index
    %get3A_16 = arith.constant 0 : index
    %get3A_17 = vector.load %arg2[%get3A_14, %get3A_15, %get3A_16] : memref<4x128x128xf32, #tpu.memory_space<vmem>>, vector<1x128x128xf32>
    %get3A_18 = vector.shape_cast %get3A_17 : vector<1x128x128xf32> to vector<128x128xf32>
    %mul3A_19 = vector.broadcast %get3A_13 : f32 to vector<128x128xf32>
    %mul3A_20 = arith.mulf %mul3A_19, %get3A_18 : vector<128x128xf32>
    %add3A = arith.addf %mul3A_10, %mul3A_20 : vector<128x128xf32>
    %get3A_21 = arith.constant 0 : index
    %get3A_22 = arith.constant 2 : index
    %get3A_23 = memref.load %arg1[%get3A_21, %get3A_22] : memref<8x4xf32, #tpu.memory_space<smem>>
    %get3A_24 = arith.constant 2 : index
    %get3A_25 = arith.constant 0 : index
    %get3A_26 = arith.constant 0 : index
    %get3A_27 = vector.load %arg2[%get3A_24, %get3A_25, %get3A_26] : memref<4x128x128xf32, #tpu.memory_space<vmem>>, vector<1x128x128xf32>
    %get3A_28 = vector.shape_cast %get3A_27 : vector<1x128x128xf32> to vector<128x128xf32>
    %mul3A_29 = vector.broadcast %get3A_23 : f32 to vector<128x128xf32>
    %mul3A_30 = arith.mulf %mul3A_29, %get3A_28 : vector<128x128xf32>
    %add3A_31 = arith.addf %add3A, %mul3A_30 : vector<128x128xf32>
    %get3A_32 = arith.constant 0 : index
    %get3A_33 = arith.constant 3 : index
    %get3A_34 = memref.load %arg1[%get3A_32, %get3A_33] : memref<8x4xf32, #tpu.memory_space<smem>>
    %get3A_35 = arith.constant 3 : index
    %get3A_36 = arith.constant 0 : index
    %get3A_37 = arith.constant 0 : index
    %get3A_38 = vector.load %arg2[%get3A_35, %get3A_36, %get3A_37] : memref<4x128x128xf32, #tpu.memory_space<vmem>>, vector<1x128x128xf32>
    %get3A_39 = vector.shape_cast %get3A_38 : vector<1x128x128xf32> to vector<128x128xf32>
    %mul3A_40 = vector.broadcast %get3A_34 : f32 to vector<128x128xf32>
    %mul3A_41 = arith.mulf %mul3A_40, %get3A_39 : vector<128x128xf32>
    %add3A_42 = arith.addf %add3A_31, %mul3A_41 : vector<128x128xf32>
    %dot_general3A = arith.constant dense<0.000000e+00> : vector<2000x128xf32>
    %dot_general3A_43 = tpu.matmul %get3A_1, %add3A_42, %dot_general3A {dimension_numbers = #tpu.dot_dimension_numbers<[1], [0], [0], [1], [0, 0, 1, 1], [], []>, transpose_lhs_hint = false} : vector<2000x128xf32>, vector<128x128xf32>, vector<2000x128xf32> -> vector<2000x128xf32>
    %swap3A = arith.constant 0 : index
    %swap3A_44 = arith.constant 0 : index
    %swap3A_45 = arith.constant 0 : index
    %swap3A_46 = vector.load %arg5[%swap3A, %swap3A_44, %swap3A_45] : memref<9x2000x128xf32, #tpu.memory_space<vmem>>, vector<1x2000x128xf32>
    %swap3A_47 = vector.shape_cast %swap3A_46 : vector<1x2000x128xf32> to vector<2000x128xf32>
    %swap3A_48 = vector.shape_cast %dot_general3A_43 : vector<2000x128xf32> to vector<1x2000x128xf32>
    tpu.vector_store %arg5[%swap3A, %swap3A_44, %swap3A_45], %swap3A_48 {strides = array<i32>} : memref<9x2000x128xf32, #tpu.memory_space<vmem>>, vector<1x2000x128xf32>,
    %get3A_49 = arith.constant 1 : index
    %get3A_50 = arith.constant 0 : index
    %get3A_51 = memref.load %arg1[%get3A_49, %get3A_50] : memref<8x4xf32, #tpu.memory_space<smem>>
    %get3A_52 = arith.constant 0 : index
    %get3A_53 = arith.constant 0 : index
    %get3A_54 = arith.constant 0 : index
    %get3A_55 = vector.load %arg2[%get3A_52, %get3A_53, %get3A_54] : memref<4x128x128xf32, #tpu.memory_space<vmem>>, vector<1x128x128xf32>
    %get3A_56 = vector.shape_cast %get3A_55 : vector<1x128x128xf32> to vector<128x128xf32>
    %mul3A_57 = vector.broadcast %get3A_51 : f32 to vector<128x128xf32>
    %mul3A_58 = arith.mulf %mul3A_57, %get3A_56 : vector<128x128xf32>
    %get3A_59 = arith.constant 1 : index
    %get3A_60 = arith.constant 1 : index
    %get3A_61 = memref.load %arg1[%get3A_59, %get3A_60] : memref<8x4xf32, #tpu.memory_space<smem>>
    %get3A_62 = arith.constant 1 : index
    %get3A_63 = arith.constant 0 : index
    %get3A_64 = arith.constant 0 : index
    %get3A_65 = vector.load %arg2[%get3A_62, %get3A_63, %get3A_64] : memref<4x128x128xf32, #tpu.memory_space<vmem>>, vector<1x128x128xf32>
    %get3A_66 = vector.shape_cast %get3A_65 : vector<1x128x128xf32> to vector<128x128xf32>
    %mul3A_67 = vector.broadcast %get3A_61 : f32 to vector<128x128xf32>
    %mul3A_68 = arith.mulf %mul3A_67, %get3A_66 : vector<128x128xf32>
    %add3A_69 = arith.addf %mul3A_58, %mul3A_68 : vector<128x128xf32>
    %get3A_70 = arith.constant 1 : index
    %get3A_71 = arith.constant 2 : index
    %get3A_72 = memref.load %arg1[%get3A_70, %get3A_71] : memref<8x4xf32, #tpu.memory_space<smem>>
    %get3A_73 = arith.constant 2 : index
    %get3A_74 = arith.constant 0 : index
    %get3A_75 = arith.constant 0 : index
    %get3A_76 = vector.load %arg2[%get3A_73, %get3A_74, %get3A_75] : memref<4x128x128xf32, #tpu.memory_space<vmem>>, vector<1x128x128xf32>
    %get3A_77 = vector.shape_cast %get3A_76 : vector<1x128x128xf32> to vector<128x128xf32>
    %mul3A_78 = vector.broadcast %get3A_72 : f32 to vector<128x128xf32>
    %mul3A_79 = arith.mulf %mul3A_78, %get3A_77 : vector<128x128xf32>
    %add3A_80 = arith.addf %add3A_69, %mul3A_79 : vector<128x128xf32>
    %get3A_81 = arith.constant 1 : index
    %get3A_82 = arith.constant 3 : index
    %get3A_83 = memref.load %arg1[%get3A_81, %get3A_82] : memref<8x4xf32, #tpu.memory_space<smem>>
    %get3A_84 = arith.constant 3 : index
    %get3A_85 = arith.constant 0 : index
    %get3A_86 = arith.constant 0 : index
    %get3A_87 = vector.load %arg2[%get3A_84, %get3A_85, %get3A_86] : memref<4x128x128xf32, #tpu.memory_space<vmem>>, vector<1x128x128xf32>
    %get3A_88 = vector.shape_cast %get3A_87 : vector<1x128x128xf32> to vector<128x128xf32>
    %mul3A_89 = vector.broadcast %get3A_83 : f32 to vector<128x128xf32>
    %mul3A_90 = arith.mulf %mul3A_89, %get3A_88 : vector<128x128xf32>
    %add3A_91 = arith.addf %add3A_80, %mul3A_90 : vector<128x128xf32>
    %dot_general3A_92 = arith.constant dense<0.000000e+00> : vector<2000x128xf32>
    %dot_general3A_93 = tpu.matmul %get3A_1, %add3A_91, %dot_general3A_92 {dimension_numbers = #tpu.dot_dimension_numbers<[1], [0], [0], [1], [0, 0, 1, 1], [], []>, transpose_lhs_hint = false} : vector<2000x128xf32>, vector<128x128xf32>, vector<2000x128xf32> -> vector<2000x128xf32>
    %swap3A_94 = arith.constant 1 : index
    %swap3A_95 = arith.constant 0 : index
    %swap3A_96 = arith.constant 0 : index
    %swap3A_97 = vector.load %arg5[%swap3A_94, %swap3A_95, %swap3A_96] : memref<9x2000x128xf32, #tpu.memory_space<vmem>>, vector<1x2000x128xf32>
    %swap3A_98 = vector.shape_cast %swap3A_97 : vector<1x2000x128xf32> to vector<2000x128xf32>
    %swap3A_99 = vector.shape_cast %dot_general3A_93 : vector<2000x128xf32> to vector<1x2000x128xf32>
    tpu.vector_store %arg5[%swap3A_94, %swap3A_95, %swap3A_96], %swap3A_99 {strides = array<i32>} : memref<9x2000x128xf32, #tpu.memory_space<vmem>>, vector<1x2000x128xf32>,
    %get3A_100 = arith.constant 2 : index
    %get3A_101 = arith.constant 0 : index
    %get3A_102 = memref.load %arg1[%get3A_100, %get3A_101] : memref<8x4xf32, #tpu.memory_space<smem>>
    %get3A_103 = arith.constant 0 : index
    %get3A_104 = arith.constant 0 : index
    %get3A_105 = arith.constant 0 : index
    %get3A_106 = vector.load %arg2[%get3A_103, %get3A_104, %get3A_105] : memref<4x128x128xf32, #tpu.memory_space<vmem>>, vector<1x128x128xf32>
    %get3A_107 = vector.shape_cast %get3A_106 : vector<1x128x128xf32> to vector<128x128xf32>
    %mul3A_108 = vector.broadcast %get3A_102 : f32 to vector<128x128xf32>
    %mul3A_109 = arith.mulf %mul3A_108, %get3A_107 : vector<128x128xf32>
    %get3A_110 = arith.constant 2 : index
    %get3A_111 = arith.constant 1 : index
    %get3A_112 = memref.load %arg1[%get3A_110, %get3A_111] : memref<8x4xf32, #tpu.memory_space<smem>>
    %get3A_113 = arith.constant 1 : index
    %get3A_114 = arith.constant 0 : index
    %get3A_115 = arith.constant 0 : index
    %get3A_116 = vector.load %arg2[%get3A_113, %get3A_114, %get3A_115] : memref<4x128x128xf32, #tpu.memory_space<vmem>>, vector<1x128x128xf32>
    %get3A_117 = vector.shape_cast %get3A_116 : vector<1x128x128xf32> to vector<128x128xf32>
    %mul3A_118 = vector.broadcast %get3A_112 : f32 to vector<128x128xf32>
    %mul3A_119 = arith.mulf %mul3A_118, %get3A_117 : vector<128x128xf32>
    %add3A_120 = arith.addf %mul3A_109, %mul3A_119 : vector<128x128xf32>
    %get3A_121 = arith.constant 2 : index
    %get3A_122 = arith.constant 2 : index
    %get3A_123 = memref.load %arg1[%get3A_121, %get3A_122] : memref<8x4xf32, #tpu.memory_space<smem>>
    %get3A_124 = arith.constant 2 : index
    %get3A_125 = arith.constant 0 : index
    %get3A_126 = arith.constant 0 : index
    %get3A_127 = vector.load %arg2[%get3A_124, %get3A_125, %get3A_126] : memref<4x128x128xf32, #tpu.memory_space<vmem>>, vector<1x128x128xf32>
    %get3A_128 = vector.shape_cast %get3A_127 : vector<1x128x128xf32> to vector<128x128xf32>
    %mul3A_129 = vector.broadcast %get3A_123 : f32 to vector<128x128xf32>
    %mul3A_130 = arith.mulf %mul3A_129, %get3A_128 : vector<128x128xf32>
    %add3A_131 = arith.addf %add3A_120, %mul3A_130 : vector<128x128xf32>
    %get3A_132 = arith.constant 2 : index
    %get3A_133 = arith.constant 3 : index
    %get3A_134 = memref.load %arg1[%get3A_132, %get3A_133] : memref<8x4xf32, #tpu.memory_space<smem>>
    %get3A_135 = arith.constant 3 : index
    %get3A_136 = arith.constant 0 : index
    %get3A_137 = arith.constant 0 : index
    %get3A_138 = vector.load %arg2[%get3A_135, %get3A_136, %get3A_137] : memref<4x128x128xf32, #tpu.memory_space<vmem>>, vector<1x128x128xf32>
    %get3A_139 = vector.shape_cast %get3A_138 : vector<1x128x128xf32> to vector<128x128xf32>
    %mul3A_140 = vector.broadcast %get3A_134 : f32 to vector<128x128xf32>
    %mul3A_141 = arith.mulf %mul3A_140, %get3A_139 : vector<128x128xf32>
    %add3A_142 = arith.addf %add3A_131, %mul3A_141 : vector<128x128xf32>
    %dot_general3A_143 = arith.constant dense<0.000000e+00> : vector<2000x128xf32>
    %dot_general3A_144 = tpu.matmul %get3A_1, %add3A_142, %dot_general3A_143 {dimension_numbers = #tpu.dot_dimension_numbers<[1], [0], [0], [1], [0, 0, 1, 1], [], []>, transpose_lhs_hint = false} : vector<2000x128xf32>, vector<128x128xf32>, vector<2000x128xf32> -> vector<2000x128xf32>
    %swap3A_145 = arith.constant 2 : index
    %swap3A_146 = arith.constant 0 : index
    %swap3A_147 = arith.constant 0 : index
    %swap3A_148 = vector.load %arg5[%swap3A_145, %swap3A_146, %swap3A_147] : memref<9x2000x128xf32, #tpu.memory_space<vmem>>, vector<1x2000x128xf32>
    %swap3A_149 = vector.shape_cast %swap3A_148 : vector<1x2000x128xf32> to vector<2000x128xf32>
    %swap3A_150 = vector.shape_cast %dot_general3A_144 : vector<2000x128xf32> to vector<1x2000x128xf32>
    tpu.vector_store %arg5[%swap3A_145, %swap3A_146, %swap3A_147], %swap3A_150 {strides = array<i32>} : memref<9x2000x128xf32, #tpu.memory_space<vmem>>, vector<1x2000x128xf32>,
    %get3A_151 = arith.constant 3 : index
    %get3A_152 = arith.constant 0 : index
    %get3A_153 = memref.load %arg1[%get3A_151, %get3A_152] : memref<8x4xf32, #tpu.memory_space<smem>>
    %get3A_154 = arith.constant 0 : index
    %get3A_155 = arith.constant 0 : index
    %get3A_156 = arith.constant 0 : index
    %get3A_157 = vector.load %arg2[%get3A_154, %get3A_155, %get3A_156] : memref<4x128x128xf32, #tpu.memory_space<vmem>>, vector<1x128x128xf32>
    %get3A_158 = vector.shape_cast %get3A_157 : vector<1x128x128xf32> to vector<128x128xf32>
    %mul3A_159 = vector.broadcast %get3A_153 : f32 to vector<128x128xf32>
    %mul3A_160 = arith.mulf %mul3A_159, %get3A_158 : vector<128x128xf32>
    %get3A_161 = arith.constant 3 : index
    %get3A_162 = arith.constant 1 : index
    %get3A_163 = memref.load %arg1[%get3A_161, %get3A_162] : memref<8x4xf32, #tpu.memory_space<smem>>
    %get3A_164 = arith.constant 1 : index
    %get3A_165 = arith.constant 0 : index
    %get3A_166 = arith.constant 0 : index
    %get3A_167 = vector.load %arg2[%get3A_164, %get3A_165, %get3A_166] : memref<4x128x128xf32, #tpu.memory_space<vmem>>, vector<1x128x128xf32>
    %get3A_168 = vector.shape_cast %get3A_167 : vector<1x128x128xf32> to vector<128x128xf32>
    %mul3A_169 = vector.broadcast %get3A_163 : f32 to vector<128x128xf32>
    %mul3A_170 = arith.mulf %mul3A_169, %get3A_168 : vector<128x128xf32>
    %add3A_171 = arith.addf %mul3A_160, %mul3A_170 : vector<128x128xf32>
    %get3A_172 = arith.constant 3 : index
    %get3A_173 = arith.constant 2 : index
    %get3A_174 = memref.load %arg1[%get3A_172, %get3A_173] : memref<8x4xf32, #tpu.memory_space<smem>>
    %get3A_175 = arith.constant 2 : index
    %get3A_176 = arith.constant 0 : index
    %get3A_177 = arith.constant 0 : index
    %get3A_178 = vector.load %arg2[%get3A_175, %get3A_176, %get3A_177] : memref<4x128x128xf32, #tpu.memory_space<vmem>>, vector<1x128x128xf32>
    %get3A_179 = vector.shape_cast %get3A_178 : vector<1x128x128xf32> to vector<128x128xf32>
    %mul3A_180 = vector.broadcast %get3A_174 : f32 to vector<128x128xf32>
    %mul3A_181 = arith.mulf %mul3A_180, %get3A_179 : vector<128x128xf32>
    %add3A_182 = arith.addf %add3A_171, %mul3A_181 : vector<128x128xf32>
    %get3A_183 = arith.constant 3 : index
    %get3A_184 = arith.constant 3 : index
    %get3A_185 = memref.load %arg1[%get3A_183, %get3A_184] : memref<8x4xf32, #tpu.memory_space<smem>>
    %get3A_186 = arith.constant 3 : index
    %get3A_187 = arith.constant 0 : index
    %get3A_188 = arith.constant 0 : index
    %get3A_189 = vector.load %arg2[%get3A_186, %get3A_187, %get3A_188] : memref<4x128x128xf32, #tpu.memory_space<vmem>>, vector<1x128x128xf32>
    %get3A_190 = vector.shape_cast %get3A_189 : vector<1x128x128xf32> to vector<128x128xf32>
    %mul3A_191 = vector.broadcast %get3A_185 : f32 to vector<128x128xf32>
    %mul3A_192 = arith.mulf %mul3A_191, %get3A_190 : vector<128x128xf32>
    %add3A_193 = arith.addf %add3A_182, %mul3A_192 : vector<128x128xf32>
    %dot_general3A_194 = arith.constant dense<0.000000e+00> : vector<2000x128xf32>
    %dot_general3A_195 = tpu.matmul %get3A_1, %add3A_193, %dot_general3A_194 {dimension_numbers = #tpu.dot_dimension_numbers<[1], [0], [0], [1], [0, 0, 1, 1], [], []>, transpose_lhs_hint = false} : vector<2000x128xf32>, vector<128x128xf32>, vector<2000x128xf32> -> vector<2000x128xf32>
    %swap3A_196 = arith.constant 3 : index
    %swap3A_197 = arith.constant 0 : index
    %swap3A_198 = arith.constant 0 : index
    %swap3A_199 = vector.load %arg5[%swap3A_196, %swap3A_197, %swap3A_198] : memref<9x2000x128xf32, #tpu.memory_space<vmem>>, vector<1x2000x128xf32>
    %swap3A_200 = vector.shape_cast %swap3A_199 : vector<1x2000x128xf32> to vector<2000x128xf32>
    %swap3A_201 = vector.shape_cast %dot_general3A_195 : vector<2000x128xf32> to vector<1x2000x128xf32>
    tpu.vector_store %arg5[%swap3A_196, %swap3A_197, %swap3A_198], %swap3A_201 {strides = array<i32>} : memref<9x2000x128xf32, #tpu.memory_space<vmem>>, vector<1x2000x128xf32>,
    %get3A_202 = arith.constant 4 : index
    %get3A_203 = arith.constant 0 : index
    %get3A_204 = memref.load %arg1[%get3A_202, %get3A_203] : memref<8x4xf32, #tpu.memory_space<smem>>
    %get3A_205 = arith.constant 0 : index
    %get3A_206 = arith.constant 0 : index
    %get3A_207 = arith.constant 0 : index
    %get3A_208 = vector.load %arg2[%get3A_205, %get3A_206, %get3A_207] : memref<4x128x128xf32, #tpu.memory_space<vmem>>, vector<1x128x128xf32>
    %get3A_209 = vector.shape_cast %get3A_208 : vector<1x128x128xf32> to vector<128x128xf32>
    %mul3A_210 = vector.broadcast %get3A_204 : f32 to vector<128x128xf32>
    %mul3A_211 = arith.mulf %mul3A_210, %get3A_209 : vector<128x128xf32>
    %get3A_212 = arith.constant 4 : index
    %get3A_213 = arith.constant 1 : index
    %get3A_214 = memref.load %arg1[%get3A_212, %get3A_213] : memref<8x4xf32, #tpu.memory_space<smem>>
    %get3A_215 = arith.constant 1 : index
    %get3A_216 = arith.constant 0 : index
    %get3A_217 = arith.constant 0 : index
    %get3A_218 = vector.load %arg2[%get3A_215, %get3A_216, %get3A_217] : memref<4x128x128xf32, #tpu.memory_space<vmem>>, vector<1x128x128xf32>
    %get3A_219 = vector.shape_cast %get3A_218 : vector<1x128x128xf32> to vector<128x128xf32>
    %mul3A_220 = vector.broadcast %get3A_214 : f32 to vector<128x128xf32>
    %mul3A_221 = arith.mulf %mul3A_220, %get3A_219 : vector<128x128xf32>
    %add3A_222 = arith.addf %mul3A_211, %mul3A_221 : vector<128x128xf32>
    %get3A_223 = arith.constant 4 : index
    %get3A_224 = arith.constant 2 : index
    %get3A_225 = memref.load %arg1[%get3A_223, %get3A_224] : memref<8x4xf32, #tpu.memory_space<smem>>
    %get3A_226 = arith.constant 2 : index
    %get3A_227 = arith.constant 0 : index
    %get3A_228 = arith.constant 0 : index
    %get3A_229 = vector.load %arg2[%get3A_226, %get3A_227, %get3A_228] : memref<4x128x128xf32, #tpu.memory_space<vmem>>, vector<1x128x128xf32>
    %get3A_230 = vector.shape_cast %get3A_229 : vector<1x128x128xf32> to vector<128x128xf32>
    %mul3A_231 = vector.broadcast %get3A_225 : f32 to vector<128x128xf32>
    %mul3A_232 = arith.mulf %mul3A_231, %get3A_230 : vector<128x128xf32>
    %add3A_233 = arith.addf %add3A_222, %mul3A_232 : vector<128x128xf32>
    %get3A_234 = arith.constant 4 : index
    %get3A_235 = arith.constant 3 : index
    %get3A_236 = memref.load %arg1[%get3A_234, %get3A_235] : memref<8x4xf32, #tpu.memory_space<smem>>
    %get3A_237 = arith.constant 3 : index
    %get3A_238 = arith.constant 0 : index
    %get3A_239 = arith.constant 0 : index
    %get3A_240 = vector.load %arg2[%get3A_237, %get3A_238, %get3A_239] : memref<4x128x128xf32, #tpu.memory_space<vmem>>, vector<1x128x128xf32>
    %get3A_241 = vector.shape_cast %get3A_240 : vector<1x128x128xf32> to vector<128x128xf32>
    %mul3A_242 = vector.broadcast %get3A_236 : f32 to vector<128x128xf32>
    %mul3A_243 = arith.mulf %mul3A_242, %get3A_241 : vector<128x128xf32>
    %add3A_244 = arith.addf %add3A_233, %mul3A_243 : vector<128x128xf32>
    %dot_general3A_245 = arith.constant dense<0.000000e+00> : vector<2000x128xf32>
    %dot_general3A_246 = tpu.matmul %get3A_1, %add3A_244, %dot_general3A_245 {dimension_numbers = #tpu.dot_dimension_numbers<[1], [0], [0], [1], [0, 0, 1, 1], [], []>, transpose_lhs_hint = false} : vector<2000x128xf32>, vector<128x128xf32>, vector<2000x128xf32> -> vector<2000x128xf32>
    %swap3A_247 = arith.constant 4 : index
    %swap3A_248 = arith.constant 0 : index
    %swap3A_249 = arith.constant 0 : index
    %swap3A_250 = vector.load %arg5[%swap3A_247, %swap3A_248, %swap3A_249] : memref<9x2000x128xf32, #tpu.memory_space<vmem>>, vector<1x2000x128xf32>
    %swap3A_251 = vector.shape_cast %swap3A_250 : vector<1x2000x128xf32> to vector<2000x128xf32>
    %swap3A_252 = vector.shape_cast %dot_general3A_246 : vector<2000x128xf32> to vector<1x2000x128xf32>
    tpu.vector_store %arg5[%swap3A_247, %swap3A_248, %swap3A_249], %swap3A_252 {strides = array<i32>} : memref<9x2000x128xf32, #tpu.memory_space<vmem>>, vector<1x2000x128xf32>,
    %get3A_253 = arith.constant 5 : index
    %get3A_254 = arith.constant 0 : index
    %get3A_255 = memref.load %arg1[%get3A_253, %get3A_254] : memref<8x4xf32, #tpu.memory_space<smem>>
    %get3A_256 = arith.constant 0 : index
    %get3A_257 = arith.constant 0 : index
    %get3A_258 = arith.constant 0 : index
    %get3A_259 = vector.load %arg2[%get3A_256, %get3A_257, %get3A_258] : memref<4x128x128xf32, #tpu.memory_space<vmem>>, vector<1x128x128xf32>
    %get3A_260 = vector.shape_cast %get3A_259 : vector<1x128x128xf32> to vector<128x128xf32>
    %mul3A_261 = vector.broadcast %get3A_255 : f32 to vector<128x128xf32>
    %mul3A_262 = arith.mulf %mul3A_261, %get3A_260 : vector<128x128xf32>
    %get3A_263 = arith.constant 5 : index
    %get3A_264 = arith.constant 1 : index
    %get3A_265 = memref.load %arg1[%get3A_263, %get3A_264] : memref<8x4xf32, #tpu.memory_space<smem>>
    %get3A_266 = arith.constant 1 : index
    %get3A_267 = arith.constant 0 : index
    %get3A_268 = arith.constant 0 : index
    %get3A_269 = vector.load %arg2[%get3A_266, %get3A_267, %get3A_268] : memref<4x128x128xf32, #tpu.memory_space<vmem>>, vector<1x128x128xf32>
    %get3A_270 = vector.shape_cast %get3A_269 : vector<1x128x128xf32> to vector<128x128xf32>
    %mul3A_271 = vector.broadcast %get3A_265 : f32 to vector<128x128xf32>
    %mul3A_272 = arith.mulf %mul3A_271, %get3A_270 : vector<128x128xf32>
    %add3A_273 = arith.addf %mul3A_262, %mul3A_272 : vector<128x128xf32>
    %get3A_274 = arith.constant 5 : index
    %get3A_275 = arith.constant 2 : index
    %get3A_276 = memref.load %arg1[%get3A_274, %get3A_275] : memref<8x4xf32, #tpu.memory_space<smem>>
    %get3A_277 = arith.constant 2 : index
    %get3A_278 = arith.constant 0 : index
    %get3A_279 = arith.constant 0 : index
    %get3A_280 = vector.load %arg2[%get3A_277, %get3A_278, %get3A_279] : memref<4x128x128xf32, #tpu.memory_space<vmem>>, vector<1x128x128xf32>
    %get3A_281 = vector.shape_cast %get3A_280 : vector<1x128x128xf32> to vector<128x128xf32>
    %mul3A_282 = vector.broadcast %get3A_276 : f32 to vector<128x128xf32>
    %mul3A_283 = arith.mulf %mul3A_282, %get3A_281 : vector<128x128xf32>
    %add3A_284 = arith.addf %add3A_273, %mul3A_283 : vector<128x128xf32>
    %get3A_285 = arith.constant 5 : index
    %get3A_286 = arith.constant 3 : index
    %get3A_287 = memref.load %arg1[%get3A_285, %get3A_286] : memref<8x4xf32, #tpu.memory_space<smem>>
    %get3A_288 = arith.constant 3 : index
    %get3A_289 = arith.constant 0 : index
    %get3A_290 = arith.constant 0 : index
    %get3A_291 = vector.load %arg2[%get3A_288, %get3A_289, %get3A_290] : memref<4x128x128xf32, #tpu.memory_space<vmem>>, vector<1x128x128xf32>
    %get3A_292 = vector.shape_cast %get3A_291 : vector<1x128x128xf32> to vector<128x128xf32>
    %mul3A_293 = vector.broadcast %get3A_287 : f32 to vector<128x128xf32>
    %mul3A_294 = arith.mulf %mul3A_293, %get3A_292 : vector<128x128xf32>
    %add3A_295 = arith.addf %add3A_284, %mul3A_294 : vector<128x128xf32>
    %dot_general3A_296 = arith.constant dense<0.000000e+00> : vector<2000x128xf32>
    %dot_general3A_297 = tpu.matmul %get3A_1, %add3A_295, %dot_general3A_296 {dimension_numbers = #tpu.dot_dimension_numbers<[1], [0], [0], [1], [0, 0, 1, 1], [], []>, transpose_lhs_hint = false} : vector<2000x128xf32>, vector<128x128xf32>, vector<2000x128xf32> -> vector<2000x128xf32>
    %swap3A_298 = arith.constant 5 : index
    %swap3A_299 = arith.constant 0 : index
    %swap3A_300 = arith.constant 0 : index
    %swap3A_301 = vector.load %arg5[%swap3A_298, %swap3A_299, %swap3A_300] : memref<9x2000x128xf32, #tpu.memory_space<vmem>>, vector<1x2000x128xf32>
    %swap3A_302 = vector.shape_cast %swap3A_301 : vector<1x2000x128xf32> to vector<2000x128xf32>
    %swap3A_303 = vector.shape_cast %dot_general3A_297 : vector<2000x128xf32> to vector<1x2000x128xf32>
    tpu.vector_store %arg5[%swap3A_298, %swap3A_299, %swap3A_300], %swap3A_303 {strides = array<i32>} : memref<9x2000x128xf32, #tpu.memory_space<vmem>>, vector<1x2000x128xf32>,
    %get3A_304 = arith.constant 6 : index
    %get3A_305 = arith.constant 0 : index
    %get3A_306 = memref.load %arg1[%get3A_304, %get3A_305] : memref<8x4xf32, #tpu.memory_space<smem>>
    %get3A_307 = arith.constant 0 : index
    %get3A_308 = arith.constant 0 : index
    %get3A_309 = arith.constant 0 : index
    %get3A_310 = vector.load %arg2[%get3A_307, %get3A_308, %get3A_309] : memref<4x128x128xf32, #tpu.memory_space<vmem>>, vector<1x128x128xf32>
    %get3A_311 = vector.shape_cast %get3A_310 : vector<1x128x128xf32> to vector<128x128xf32>
    %mul3A_312 = vector.broadcast %get3A_306 : f32 to vector<128x128xf32>
    %mul3A_313 = arith.mulf %mul3A_312, %get3A_311 : vector<128x128xf32>
    %get3A_314 = arith.constant 6 : index
    %get3A_315 = arith.constant 1 : index
    %get3A_316 = memref.load %arg1[%get3A_314, %get3A_315] : memref<8x4xf32, #tpu.memory_space<smem>>
    %get3A_317 = arith.constant 1 : index
    %get3A_318 = arith.constant 0 : index
    %get3A_319 = arith.constant 0 : index
    %get3A_320 = vector.load %arg2[%get3A_317, %get3A_318, %get3A_319] : memref<4x128x128xf32, #tpu.memory_space<vmem>>, vector<1x128x128xf32>
    %get3A_321 = vector.shape_cast %get3A_320 : vector<1x128x128xf32> to vector<128x128xf32>
    %mul3A_322 = vector.broadcast %get3A_316 : f32 to vector<128x128xf32>
    %mul3A_323 = arith.mulf %mul3A_322, %get3A_321 : vector<128x128xf32>
    %add3A_324 = arith.addf %mul3A_313, %mul3A_323 : vector<128x128xf32>
    %get3A_325 = arith.constant 6 : index
    %get3A_326 = arith.constant 2 : index
    %get3A_327 = memref.load %arg1[%get3A_325, %get3A_326] : memref<8x4xf32, #tpu.memory_space<smem>>
    %get3A_328 = arith.constant 2 : index
    %get3A_329 = arith.constant 0 : index
    %get3A_330 = arith.constant 0 : index
    %get3A_331 = vector.load %arg2[%get3A_328, %get3A_329, %get3A_330] : memref<4x128x128xf32, #tpu.memory_space<vmem>>, vector<1x128x128xf32>
    %get3A_332 = vector.shape_cast %get3A_331 : vector<1x128x128xf32> to vector<128x128xf32>
    %mul3A_333 = vector.broadcast %get3A_327 : f32 to vector<128x128xf32>
    %mul3A_334 = arith.mulf %mul3A_333, %get3A_332 : vector<128x128xf32>
    %add3A_335 = arith.addf %add3A_324, %mul3A_334 : vector<128x128xf32>
    %get3A_336 = arith.constant 6 : index
    %get3A_337 = arith.constant 3 : index
    %get3A_338 = memref.load %arg1[%get3A_336, %get3A_337] : memref<8x4xf32, #tpu.memory_space<smem>>
    %get3A_339 = arith.constant 3 : index
    %get3A_340 = arith.constant 0 : index
    %get3A_341 = arith.constant 0 : index
    %get3A_342 = vector.load %arg2[%get3A_339, %get3A_340, %get3A_341] : memref<4x128x128xf32, #tpu.memory_space<vmem>>, vector<1x128x128xf32>
    %get3A_343 = vector.shape_cast %get3A_342 : vector<1x128x128xf32> to vector<128x128xf32>
    %mul3A_344 = vector.broadcast %get3A_338 : f32 to vector<128x128xf32>
    %mul3A_345 = arith.mulf %mul3A_344, %get3A_343 : vector<128x128xf32>
    %add3A_346 = arith.addf %add3A_335, %mul3A_345 : vector<128x128xf32>
    %dot_general3A_347 = arith.constant dense<0.000000e+00> : vector<2000x128xf32>
    %dot_general3A_348 = tpu.matmul %get3A_1, %add3A_346, %dot_general3A_347 {dimension_numbers = #tpu.dot_dimension_numbers<[1], [0], [0], [1], [0, 0, 1, 1], [], []>, transpose_lhs_hint = false} : vector<2000x128xf32>, vector<128x128xf32>, vector<2000x128xf32> -> vector<2000x128xf32>
    %swap3A_349 = arith.constant 6 : index
    %swap3A_350 = arith.constant 0 : index
    %swap3A_351 = arith.constant 0 : index
    %swap3A_352 = vector.load %arg5[%swap3A_349, %swap3A_350, %swap3A_351] : memref<9x2000x128xf32, #tpu.memory_space<vmem>>, vector<1x2000x128xf32>
    %swap3A_353 = vector.shape_cast %swap3A_352 : vector<1x2000x128xf32> to vector<2000x128xf32>
    %swap3A_354 = vector.shape_cast %dot_general3A_348 : vector<2000x128xf32> to vector<1x2000x128xf32>
    tpu.vector_store %arg5[%swap3A_349, %swap3A_350, %swap3A_351], %swap3A_354 {strides = array<i32>} : memref<9x2000x128xf32, #tpu.memory_space<vmem>>, vector<1x2000x128xf32>,
    %get3A_355 = arith.constant 7 : index
    %get3A_356 = arith.constant 0 : index
    %get3A_357 = memref.load %arg1[%get3A_355, %get3A_356] : memref<8x4xf32, #tpu.memory_space<smem>>
    %get3A_358 = arith.constant 0 : index
    %get3A_359 = arith.constant 0 : index
    %get3A_360 = arith.constant 0 : index
    %get3A_361 = vector.load %arg2[%get3A_358, %get3A_359, %get3A_360] : memref<4x128x128xf32, #tpu.memory_space<vmem>>, vector<1x128x128xf32>
    %get3A_362 = vector.shape_cast %get3A_361 : vector<1x128x128xf32> to vector<128x128xf32>
    %mul3A_363 = vector.broadcast %get3A_357 : f32 to vector<128x128xf32>
    %mul3A_364 = arith.mulf %mul3A_363, %get3A_362 : vector<128x128xf32>
    %get3A_365 = arith.constant 7 : index
    %get3A_366 = arith.constant 1 : index
    %get3A_367 = memref.load %arg1[%get3A_365, %get3A_366] : memref<8x4xf32, #tpu.memory_space<smem>>
    %get3A_368 = arith.constant 1 : index
    %get3A_369 = arith.constant 0 : index
    %get3A_370 = arith.constant 0 : index
    %get3A_371 = vector.load %arg2[%get3A_368, %get3A_369, %get3A_370] : memref<4x128x128xf32, #tpu.memory_space<vmem>>, vector<1x128x128xf32>
    %get3A_372 = vector.shape_cast %get3A_371 : vector<1x128x128xf32> to vector<128x128xf32>
    %mul3A_373 = vector.broadcast %get3A_367 : f32 to vector<128x128xf32>
    %mul3A_374 = arith.mulf %mul3A_373, %get3A_372 : vector<128x128xf32>
    %add3A_375 = arith.addf %mul3A_364, %mul3A_374 : vector<128x128xf32>
    %get3A_376 = arith.constant 7 : index
    %get3A_377 = arith.constant 2 : index
    %get3A_378 = memref.load %arg1[%get3A_376, %get3A_377] : memref<8x4xf32, #tpu.memory_space<smem>>
    %get3A_379 = arith.constant 2 : index
    %get3A_380 = arith.constant 0 : index
    %get3A_381 = arith.constant 0 : index
    %get3A_382 = vector.load %arg2[%get3A_379, %get3A_380, %get3A_381] : memref<4x128x128xf32, #tpu.memory_space<vmem>>, vector<1x128x128xf32>
    %get3A_383 = vector.shape_cast %get3A_382 : vector<1x128x128xf32> to vector<128x128xf32>
    %mul3A_384 = vector.broadcast %get3A_378 : f32 to vector<128x128xf32>
    %mul3A_385 = arith.mulf %mul3A_384, %get3A_383 : vector<128x128xf32>
    %add3A_386 = arith.addf %add3A_375, %mul3A_385 : vector<128x128xf32>
    %get3A_387 = arith.constant 7 : index
    %get3A_388 = arith.constant 3 : index
    %get3A_389 = memref.load %arg1[%get3A_387, %get3A_388] : memref<8x4xf32, #tpu.memory_space<smem>>
    %get3A_390 = arith.constant 3 : index
    %get3A_391 = arith.constant 0 : index
    %get3A_392 = arith.constant 0 : index
    %get3A_393 = vector.load %arg2[%get3A_390, %get3A_391, %get3A_392] : memref<4x128x128xf32, #tpu.memory_space<vmem>>, vector<1x128x128xf32>
    %get3A_394 = vector.shape_cast %get3A_393 : vector<1x128x128xf32> to vector<128x128xf32>
    %mul3A_395 = vector.broadcast %get3A_389 : f32 to vector<128x128xf32>
    %mul3A_396 = arith.mulf %mul3A_395, %get3A_394 : vector<128x128xf32>
    %add3A_397 = arith.addf %add3A_386, %mul3A_396 : vector<128x128xf32>
    %dot_general3A_398 = arith.constant dense<0.000000e+00> : vector<2000x128xf32>
    %dot_general3A_399 = tpu.matmul %get3A_1, %add3A_397, %dot_general3A_398 {dimension_numbers = #tpu.dot_dimension_numbers<[1], [0], [0], [1], [0, 0, 1, 1], [], []>, transpose_lhs_hint = false} : vector<2000x128xf32>, vector<128x128xf32>, vector<2000x128xf32> -> vector<2000x128xf32>
    %swap3A_400 = arith.constant 7 : index
    %swap3A_401 = arith.constant 0 : index
    %swap3A_402 = arith.constant 0 : index
    %swap3A_403 = vector.load %arg5[%swap3A_400, %swap3A_401, %swap3A_402] : memref<9x2000x128xf32, #tpu.memory_space<vmem>>, vector<1x2000x128xf32>
    %swap3A_404 = vector.shape_cast %swap3A_403 : vector<1x2000x128xf32> to vector<2000x128xf32>
    %swap3A_405 = vector.shape_cast %dot_general3A_399 : vector<2000x128xf32> to vector<1x2000x128xf32>
    tpu.vector_store %arg5[%swap3A_400, %swap3A_401, %swap3A_402], %swap3A_405 {strides = array<i32>} : memref<9x2000x128xf32, #tpu.memory_space<vmem>>, vector<1x2000x128xf32>,
    %get3A_406 = arith.constant 0 : index
    %get3A_407 = arith.constant 0 : index
    %get3A_408 = vector.load %arg3[%get3A_406, %get3A_407] : memref<128x128xf32, #tpu.memory_space<vmem>>, vector<128x128xf32>
    %dot_general3A_409 = arith.constant dense<0.000000e+00> : vector<2000x128xf32>
    %dot_general3A_410 = tpu.matmul %get3A_1, %get3A_408, %dot_general3A_409 {dimension_numbers = #tpu.dot_dimension_numbers<[1], [0], [0], [1], [0, 0, 1, 1], [], []>, transpose_lhs_hint = false} : vector<2000x128xf32>, vector<128x128xf32>, vector<2000x128xf32> -> vector<2000x128xf32>
    %swap3A_411 = arith.constant 8 : index
    %swap3A_412 = arith.constant 0 : index
    %swap3A_413 = arith.constant 0 : index
    %swap3A_414 = vector.load %arg5[%swap3A_411, %swap3A_412, %swap3A_413] : memref<9x2000x128xf32, #tpu.memory_space<vmem>>, vector<1x2000x128xf32>
    %swap3A_415 = vector.shape_cast %swap3A_414 : vector<1x2000x128xf32> to vector<2000x128xf32>
    %swap3A_416 = vector.shape_cast %dot_general3A_410 : vector<2000x128xf32> to vector<1x2000x128xf32>
    tpu.vector_store %arg5[%swap3A_411, %swap3A_412, %swap3A_413], %swap3A_416 {strides = array<i32>} : memref<9x2000x128xf32, #tpu.memory_space<vmem>>, vector<1x2000x128xf32>,
    return
  }
  func.func @transform_0(%arg0: i32) -> (i32, i32) {
    %c0_i32 = arith.constant 0 : i32
    %c0_i32_0 = arith.constant 0 : i32
    %c0_i32_1 = arith.constant 0 : i32
    return %c0_i32, %c0_i32_0 : i32, i32
  }
  func.func @transform_1(%arg0: i32) -> (i32, i32, i32) {
    %c0_i32 = arith.constant 0 : i32
    %c0_i32_0 = arith.constant 0 : i32
    %c0_i32_1 = arith.constant 0 : i32
    %c0_i32_2 = arith.constant 0 : i32
    return %c0_i32, %c0_i32_0, %c0_i32_1 : i32, i32, i32
  }
  func.func @transform_2(%arg0: i32) -> (i32, i32) {
    %c0_i32 = arith.constant 0 : i32
    %c0_i32_0 = arith.constant 0 : i32
    %c0_i32_1 = arith.constant 0 : i32
    return %c0_i32, %c0_i32_0 : i32, i32
  }
  func.func @transform_3(%arg0: i32) -> (i32, i32) {
    %c0_i32 = arith.constant 0 : i32
    %c0_i32_0 = arith.constant 0 : i32
    return %arg0, %c0_i32 : i32, i32
  }
  func.func @transform_4(%arg0: i32) -> (i32, i32, i32) {
    %c0_i32 = arith.constant 0 : i32
    %c0_i32_0 = arith.constant 0 : i32
    %c0_i32_1 = arith.constant 0 : i32
    return %c0_i32, %arg0, %c0_i32_0 : i32, i32, i32
  }
}

module attributes {stable_mosaic.version = 14 : i64} {
  func.func @_finish1_project2_body(%arg0: i32, %arg1: memref<8x4xf32, #tpu.memory_space<smem>>, %arg2: memref<4x128x128xf32, #tpu.memory_space<vmem>>, %arg3: memref<128x128xf32, #tpu.memory_space<vmem>>, %arg4: memref<2x2000x128xf32, #tpu.memory_space<vmem>>, %arg5: memref<1x2000x128xf32, #tpu.memory_space<vmem>>, %arg6: memref<1x128xf32, #tpu.memory_space<vmem>>, %arg7: memref<9x2000x128xf32, #tpu.memory_space<vmem>>) attributes {dimension_semantics = [#tpu.dimension_semantics<arbitrary>], iteration_bounds = array<i64: 5>, scalar_prefetch = 0 : i64, scratch_operands = 0 : i64, tpu.core_type = #tpu.core_type<tc>, window_params = [{transform_indices = @transform_0, window_bounds = array<i64: 8, 4>}, {pipeline_mode = #tpu.pipeline_mode<synchronous>, transform_indices = @transform_1, window_bounds = array<i64: 4, 128, 128>}, {pipeline_mode = #tpu.pipeline_mode<synchronous>, transform_indices = @transform_2, window_bounds = array<i64: 128, 128>}, {transform_indices = @transform_3, window_bounds = array<i64: 2, 2000, 128>}, {transform_indices = @transform_4, window_bounds = array<i64: 1, 2000, 128>}, {pipeline_mode = #tpu.pipeline_mode<synchronous>, transform_indices = @transform_5, window_bounds = array<i64: 1, 128>}, {transform_indices = @transform_6, window_bounds = array<i64: 9, 2000, 128>}]} {
    %get3A = arith.constant 0 : index
    %get3A_0 = arith.constant 0 : index
    %get3A_1 = arith.constant 0 : index
    %get3A_2 = vector.load %arg4[%get3A, %get3A_0, %get3A_1] : memref<2x2000x128xf32, #tpu.memory_space<vmem>>, vector<1x2000x128xf32>
    %get3A_3 = vector.shape_cast %get3A_2 : vector<1x2000x128xf32> to vector<2000x128xf32>
    %get3A_4 = arith.constant 1 : index
    %get3A_5 = arith.constant 0 : index
    %get3A_6 = arith.constant 0 : index
    %get3A_7 = vector.load %arg4[%get3A_4, %get3A_5, %get3A_6] : memref<2x2000x128xf32, #tpu.memory_space<vmem>>, vector<1x2000x128xf32>
    %get3A_8 = vector.shape_cast %get3A_7 : vector<1x2000x128xf32> to vector<2000x128xf32>
    %add3A = arith.addf %get3A_3, %get3A_8 : vector<2000x128xf32>
    %get3A_9 = arith.constant 0 : index
    %get3A_10 = arith.constant 0 : index
    %get3A_11 = arith.constant 0 : index
    %get3A_12 = vector.load %arg5[%get3A_9, %get3A_10, %get3A_11] : memref<1x2000x128xf32, #tpu.memory_space<vmem>>, vector<1x2000x128xf32>
    %get3A_13 = vector.shape_cast %get3A_12 : vector<1x2000x128xf32> to vector<2000x128xf32>
    %add3A_14 = arith.addf %add3A, %get3A_13 : vector<2000x128xf32>
    %get3A_15 = arith.constant 0 : index
    %get3A_16 = arith.constant 0 : index
    %get3A_17 = vector.load %arg6[%get3A_15, %get3A_16] : memref<1x128xf32, #tpu.memory_space<vmem>>, vector<1x128xf32>
    %add3A_18 = vector.broadcast %get3A_17 : vector<1x128xf32> to vector<2000x128xf32>
    %add3A_19 = arith.addf %add3A_14, %add3A_18 : vector<2000x128xf32>
    %ge3A = arith.constant 0.000000e+00 : f32
    %ge3A_20 = vector.broadcast %ge3A : f32 to vector<2000x128xf32>
    %ge3A_21 = arith.cmpf oge, %add3A_19, %ge3A_20 : vector<2000x128xf32>
    %mul3A = arith.constant 0.00999999977 : f32
    %mul3A_22 = vector.broadcast %mul3A : f32 to vector<2000x128xf32>
    %mul3A_23 = arith.mulf %add3A_19, %mul3A_22 : vector<2000x128xf32>
    %select_n3A = arith.select %ge3A_21, %add3A_19, %mul3A_23 : vector<2000x128xi1>, vector<2000x128xf32>
    %get3A_24 = arith.constant 0 : index
    %get3A_25 = arith.constant 0 : index
    %get3A_26 = memref.load %arg1[%get3A_24, %get3A_25] : memref<8x4xf32, #tpu.memory_space<smem>>
    %get3A_27 = arith.constant 0 : index
    %get3A_28 = arith.constant 0 : index
    %get3A_29 = arith.constant 0 : index
    %get3A_30 = vector.load %arg2[%get3A_27, %get3A_28, %get3A_29] : memref<4x128x128xf32, #tpu.memory_space<vmem>>, vector<1x128x128xf32>
    %get3A_31 = vector.shape_cast %get3A_30 : vector<1x128x128xf32> to vector<128x128xf32>
    %mul3A_32 = vector.broadcast %get3A_26 : f32 to vector<128x128xf32>
    %mul3A_33 = arith.mulf %mul3A_32, %get3A_31 : vector<128x128xf32>
    %get3A_34 = arith.constant 0 : index
    %get3A_35 = arith.constant 1 : index
    %get3A_36 = memref.load %arg1[%get3A_34, %get3A_35] : memref<8x4xf32, #tpu.memory_space<smem>>
    %get3A_37 = arith.constant 1 : index
    %get3A_38 = arith.constant 0 : index
    %get3A_39 = arith.constant 0 : index
    %get3A_40 = vector.load %arg2[%get3A_37, %get3A_38, %get3A_39] : memref<4x128x128xf32, #tpu.memory_space<vmem>>, vector<1x128x128xf32>
    %get3A_41 = vector.shape_cast %get3A_40 : vector<1x128x128xf32> to vector<128x128xf32>
    %mul3A_42 = vector.broadcast %get3A_36 : f32 to vector<128x128xf32>
    %mul3A_43 = arith.mulf %mul3A_42, %get3A_41 : vector<128x128xf32>
    %add3A_44 = arith.addf %mul3A_33, %mul3A_43 : vector<128x128xf32>
    %get3A_45 = arith.constant 0 : index
    %get3A_46 = arith.constant 2 : index
    %get3A_47 = memref.load %arg1[%get3A_45, %get3A_46] : memref<8x4xf32, #tpu.memory_space<smem>>
    %get3A_48 = arith.constant 2 : index
    %get3A_49 = arith.constant 0 : index
    %get3A_50 = arith.constant 0 : index
    %get3A_51 = vector.load %arg2[%get3A_48, %get3A_49, %get3A_50] : memref<4x128x128xf32, #tpu.memory_space<vmem>>, vector<1x128x128xf32>
    %get3A_52 = vector.shape_cast %get3A_51 : vector<1x128x128xf32> to vector<128x128xf32>
    %mul3A_53 = vector.broadcast %get3A_47 : f32 to vector<128x128xf32>
    %mul3A_54 = arith.mulf %mul3A_53, %get3A_52 : vector<128x128xf32>
    %add3A_55 = arith.addf %add3A_44, %mul3A_54 : vector<128x128xf32>
    %get3A_56 = arith.constant 0 : index
    %get3A_57 = arith.constant 3 : index
    %get3A_58 = memref.load %arg1[%get3A_56, %get3A_57] : memref<8x4xf32, #tpu.memory_space<smem>>
    %get3A_59 = arith.constant 3 : index
    %get3A_60 = arith.constant 0 : index
    %get3A_61 = arith.constant 0 : index
    %get3A_62 = vector.load %arg2[%get3A_59, %get3A_60, %get3A_61] : memref<4x128x128xf32, #tpu.memory_space<vmem>>, vector<1x128x128xf32>
    %get3A_63 = vector.shape_cast %get3A_62 : vector<1x128x128xf32> to vector<128x128xf32>
    %mul3A_64 = vector.broadcast %get3A_58 : f32 to vector<128x128xf32>
    %mul3A_65 = arith.mulf %mul3A_64, %get3A_63 : vector<128x128xf32>
    %add3A_66 = arith.addf %add3A_55, %mul3A_65 : vector<128x128xf32>
    %dot_general3A = arith.constant dense<0.000000e+00> : vector<2000x128xf32>
    %dot_general3A_67 = tpu.matmul %select_n3A, %add3A_66, %dot_general3A {dimension_numbers = #tpu.dot_dimension_numbers<[1], [0], [0], [1], [0, 0, 1, 1], [], []>, transpose_lhs_hint = false} : vector<2000x128xf32>, vector<128x128xf32>, vector<2000x128xf32> -> vector<2000x128xf32>
    %swap3A = arith.constant 0 : index
    %swap3A_68 = arith.constant 0 : index
    %swap3A_69 = arith.constant 0 : index
    %swap3A_70 = vector.load %arg7[%swap3A, %swap3A_68, %swap3A_69] : memref<9x2000x128xf32, #tpu.memory_space<vmem>>, vector<1x2000x128xf32>
    %swap3A_71 = vector.shape_cast %swap3A_70 : vector<1x2000x128xf32> to vector<2000x128xf32>
    %swap3A_72 = vector.shape_cast %dot_general3A_67 : vector<2000x128xf32> to vector<1x2000x128xf32>
    tpu.vector_store %arg7[%swap3A, %swap3A_68, %swap3A_69], %swap3A_72 {strides = array<i32>} : memref<9x2000x128xf32, #tpu.memory_space<vmem>>, vector<1x2000x128xf32>,
    %get3A_73 = arith.constant 1 : index
    %get3A_74 = arith.constant 0 : index
    %get3A_75 = memref.load %arg1[%get3A_73, %get3A_74] : memref<8x4xf32, #tpu.memory_space<smem>>
    %get3A_76 = arith.constant 0 : index
    %get3A_77 = arith.constant 0 : index
    %get3A_78 = arith.constant 0 : index
    %get3A_79 = vector.load %arg2[%get3A_76, %get3A_77, %get3A_78] : memref<4x128x128xf32, #tpu.memory_space<vmem>>, vector<1x128x128xf32>
    %get3A_80 = vector.shape_cast %get3A_79 : vector<1x128x128xf32> to vector<128x128xf32>
    %mul3A_81 = vector.broadcast %get3A_75 : f32 to vector<128x128xf32>
    %mul3A_82 = arith.mulf %mul3A_81, %get3A_80 : vector<128x128xf32>
    %get3A_83 = arith.constant 1 : index
    %get3A_84 = arith.constant 1 : index
    %get3A_85 = memref.load %arg1[%get3A_83, %get3A_84] : memref<8x4xf32, #tpu.memory_space<smem>>
    %get3A_86 = arith.constant 1 : index
    %get3A_87 = arith.constant 0 : index
    %get3A_88 = arith.constant 0 : index
    %get3A_89 = vector.load %arg2[%get3A_86, %get3A_87, %get3A_88] : memref<4x128x128xf32, #tpu.memory_space<vmem>>, vector<1x128x128xf32>
    %get3A_90 = vector.shape_cast %get3A_89 : vector<1x128x128xf32> to vector<128x128xf32>
    %mul3A_91 = vector.broadcast %get3A_85 : f32 to vector<128x128xf32>
    %mul3A_92 = arith.mulf %mul3A_91, %get3A_90 : vector<128x128xf32>
    %add3A_93 = arith.addf %mul3A_82, %mul3A_92 : vector<128x128xf32>
    %get3A_94 = arith.constant 1 : index
    %get3A_95 = arith.constant 2 : index
    %get3A_96 = memref.load %arg1[%get3A_94, %get3A_95] : memref<8x4xf32, #tpu.memory_space<smem>>
    %get3A_97 = arith.constant 2 : index
    %get3A_98 = arith.constant 0 : index
    %get3A_99 = arith.constant 0 : index
    %get3A_100 = vector.load %arg2[%get3A_97, %get3A_98, %get3A_99] : memref<4x128x128xf32, #tpu.memory_space<vmem>>, vector<1x128x128xf32>
    %get3A_101 = vector.shape_cast %get3A_100 : vector<1x128x128xf32> to vector<128x128xf32>
    %mul3A_102 = vector.broadcast %get3A_96 : f32 to vector<128x128xf32>
    %mul3A_103 = arith.mulf %mul3A_102, %get3A_101 : vector<128x128xf32>
    %add3A_104 = arith.addf %add3A_93, %mul3A_103 : vector<128x128xf32>
    %get3A_105 = arith.constant 1 : index
    %get3A_106 = arith.constant 3 : index
    %get3A_107 = memref.load %arg1[%get3A_105, %get3A_106] : memref<8x4xf32, #tpu.memory_space<smem>>
    %get3A_108 = arith.constant 3 : index
    %get3A_109 = arith.constant 0 : index
    %get3A_110 = arith.constant 0 : index
    %get3A_111 = vector.load %arg2[%get3A_108, %get3A_109, %get3A_110] : memref<4x128x128xf32, #tpu.memory_space<vmem>>, vector<1x128x128xf32>
    %get3A_112 = vector.shape_cast %get3A_111 : vector<1x128x128xf32> to vector<128x128xf32>
    %mul3A_113 = vector.broadcast %get3A_107 : f32 to vector<128x128xf32>
    %mul3A_114 = arith.mulf %mul3A_113, %get3A_112 : vector<128x128xf32>
    %add3A_115 = arith.addf %add3A_104, %mul3A_114 : vector<128x128xf32>
    %dot_general3A_116 = arith.constant dense<0.000000e+00> : vector<2000x128xf32>
    %dot_general3A_117 = tpu.matmul %select_n3A, %add3A_115, %dot_general3A_116 {dimension_numbers = #tpu.dot_dimension_numbers<[1], [0], [0], [1], [0, 0, 1, 1], [], []>, transpose_lhs_hint = false} : vector<2000x128xf32>, vector<128x128xf32>, vector<2000x128xf32> -> vector<2000x128xf32>
    %swap3A_118 = arith.constant 1 : index
    %swap3A_119 = arith.constant 0 : index
    %swap3A_120 = arith.constant 0 : index
    %swap3A_121 = vector.load %arg7[%swap3A_118, %swap3A_119, %swap3A_120] : memref<9x2000x128xf32, #tpu.memory_space<vmem>>, vector<1x2000x128xf32>
    %swap3A_122 = vector.shape_cast %swap3A_121 : vector<1x2000x128xf32> to vector<2000x128xf32>
    %swap3A_123 = vector.shape_cast %dot_general3A_117 : vector<2000x128xf32> to vector<1x2000x128xf32>
    tpu.vector_store %arg7[%swap3A_118, %swap3A_119, %swap3A_120], %swap3A_123 {strides = array<i32>} : memref<9x2000x128xf32, #tpu.memory_space<vmem>>, vector<1x2000x128xf32>,
    %get3A_124 = arith.constant 2 : index
    %get3A_125 = arith.constant 0 : index
    %get3A_126 = memref.load %arg1[%get3A_124, %get3A_125] : memref<8x4xf32, #tpu.memory_space<smem>>
    %get3A_127 = arith.constant 0 : index
    %get3A_128 = arith.constant 0 : index
    %get3A_129 = arith.constant 0 : index
    %get3A_130 = vector.load %arg2[%get3A_127, %get3A_128, %get3A_129] : memref<4x128x128xf32, #tpu.memory_space<vmem>>, vector<1x128x128xf32>
    %get3A_131 = vector.shape_cast %get3A_130 : vector<1x128x128xf32> to vector<128x128xf32>
    %mul3A_132 = vector.broadcast %get3A_126 : f32 to vector<128x128xf32>
    %mul3A_133 = arith.mulf %mul3A_132, %get3A_131 : vector<128x128xf32>
    %get3A_134 = arith.constant 2 : index
    %get3A_135 = arith.constant 1 : index
    %get3A_136 = memref.load %arg1[%get3A_134, %get3A_135] : memref<8x4xf32, #tpu.memory_space<smem>>
    %get3A_137 = arith.constant 1 : index
    %get3A_138 = arith.constant 0 : index
    %get3A_139 = arith.constant 0 : index
    %get3A_140 = vector.load %arg2[%get3A_137, %get3A_138, %get3A_139] : memref<4x128x128xf32, #tpu.memory_space<vmem>>, vector<1x128x128xf32>
    %get3A_141 = vector.shape_cast %get3A_140 : vector<1x128x128xf32> to vector<128x128xf32>
    %mul3A_142 = vector.broadcast %get3A_136 : f32 to vector<128x128xf32>
    %mul3A_143 = arith.mulf %mul3A_142, %get3A_141 : vector<128x128xf32>
    %add3A_144 = arith.addf %mul3A_133, %mul3A_143 : vector<128x128xf32>
    %get3A_145 = arith.constant 2 : index
    %get3A_146 = arith.constant 2 : index
    %get3A_147 = memref.load %arg1[%get3A_145, %get3A_146] : memref<8x4xf32, #tpu.memory_space<smem>>
    %get3A_148 = arith.constant 2 : index
    %get3A_149 = arith.constant 0 : index
    %get3A_150 = arith.constant 0 : index
    %get3A_151 = vector.load %arg2[%get3A_148, %get3A_149, %get3A_150] : memref<4x128x128xf32, #tpu.memory_space<vmem>>, vector<1x128x128xf32>
    %get3A_152 = vector.shape_cast %get3A_151 : vector<1x128x128xf32> to vector<128x128xf32>
    %mul3A_153 = vector.broadcast %get3A_147 : f32 to vector<128x128xf32>
    %mul3A_154 = arith.mulf %mul3A_153, %get3A_152 : vector<128x128xf32>
    %add3A_155 = arith.addf %add3A_144, %mul3A_154 : vector<128x128xf32>
    %get3A_156 = arith.constant 2 : index
    %get3A_157 = arith.constant 3 : index
    %get3A_158 = memref.load %arg1[%get3A_156, %get3A_157] : memref<8x4xf32, #tpu.memory_space<smem>>
    %get3A_159 = arith.constant 3 : index
    %get3A_160 = arith.constant 0 : index
    %get3A_161 = arith.constant 0 : index
    %get3A_162 = vector.load %arg2[%get3A_159, %get3A_160, %get3A_161] : memref<4x128x128xf32, #tpu.memory_space<vmem>>, vector<1x128x128xf32>
    %get3A_163 = vector.shape_cast %get3A_162 : vector<1x128x128xf32> to vector<128x128xf32>
    %mul3A_164 = vector.broadcast %get3A_158 : f32 to vector<128x128xf32>
    %mul3A_165 = arith.mulf %mul3A_164, %get3A_163 : vector<128x128xf32>
    %add3A_166 = arith.addf %add3A_155, %mul3A_165 : vector<128x128xf32>
    %dot_general3A_167 = arith.constant dense<0.000000e+00> : vector<2000x128xf32>
    %dot_general3A_168 = tpu.matmul %select_n3A, %add3A_166, %dot_general3A_167 {dimension_numbers = #tpu.dot_dimension_numbers<[1], [0], [0], [1], [0, 0, 1, 1], [], []>, transpose_lhs_hint = false} : vector<2000x128xf32>, vector<128x128xf32>, vector<2000x128xf32> -> vector<2000x128xf32>
    %swap3A_169 = arith.constant 2 : index
    %swap3A_170 = arith.constant 0 : index
    %swap3A_171 = arith.constant 0 : index
    %swap3A_172 = vector.load %arg7[%swap3A_169, %swap3A_170, %swap3A_171] : memref<9x2000x128xf32, #tpu.memory_space<vmem>>, vector<1x2000x128xf32>
    %swap3A_173 = vector.shape_cast %swap3A_172 : vector<1x2000x128xf32> to vector<2000x128xf32>
    %swap3A_174 = vector.shape_cast %dot_general3A_168 : vector<2000x128xf32> to vector<1x2000x128xf32>
    tpu.vector_store %arg7[%swap3A_169, %swap3A_170, %swap3A_171], %swap3A_174 {strides = array<i32>} : memref<9x2000x128xf32, #tpu.memory_space<vmem>>, vector<1x2000x128xf32>,
    %get3A_175 = arith.constant 3 : index
    %get3A_176 = arith.constant 0 : index
    %get3A_177 = memref.load %arg1[%get3A_175, %get3A_176] : memref<8x4xf32, #tpu.memory_space<smem>>
    %get3A_178 = arith.constant 0 : index
    %get3A_179 = arith.constant 0 : index
    %get3A_180 = arith.constant 0 : index
    %get3A_181 = vector.load %arg2[%get3A_178, %get3A_179, %get3A_180] : memref<4x128x128xf32, #tpu.memory_space<vmem>>, vector<1x128x128xf32>
    %get3A_182 = vector.shape_cast %get3A_181 : vector<1x128x128xf32> to vector<128x128xf32>
    %mul3A_183 = vector.broadcast %get3A_177 : f32 to vector<128x128xf32>
    %mul3A_184 = arith.mulf %mul3A_183, %get3A_182 : vector<128x128xf32>
    %get3A_185 = arith.constant 3 : index
    %get3A_186 = arith.constant 1 : index
    %get3A_187 = memref.load %arg1[%get3A_185, %get3A_186] : memref<8x4xf32, #tpu.memory_space<smem>>
    %get3A_188 = arith.constant 1 : index
    %get3A_189 = arith.constant 0 : index
    %get3A_190 = arith.constant 0 : index
    %get3A_191 = vector.load %arg2[%get3A_188, %get3A_189, %get3A_190] : memref<4x128x128xf32, #tpu.memory_space<vmem>>, vector<1x128x128xf32>
    %get3A_192 = vector.shape_cast %get3A_191 : vector<1x128x128xf32> to vector<128x128xf32>
    %mul3A_193 = vector.broadcast %get3A_187 : f32 to vector<128x128xf32>
    %mul3A_194 = arith.mulf %mul3A_193, %get3A_192 : vector<128x128xf32>
    %add3A_195 = arith.addf %mul3A_184, %mul3A_194 : vector<128x128xf32>
    %get3A_196 = arith.constant 3 : index
    %get3A_197 = arith.constant 2 : index
    %get3A_198 = memref.load %arg1[%get3A_196, %get3A_197] : memref<8x4xf32, #tpu.memory_space<smem>>
    %get3A_199 = arith.constant 2 : index
    %get3A_200 = arith.constant 0 : index
    %get3A_201 = arith.constant 0 : index
    %get3A_202 = vector.load %arg2[%get3A_199, %get3A_200, %get3A_201] : memref<4x128x128xf32, #tpu.memory_space<vmem>>, vector<1x128x128xf32>
    %get3A_203 = vector.shape_cast %get3A_202 : vector<1x128x128xf32> to vector<128x128xf32>
    %mul3A_204 = vector.broadcast %get3A_198 : f32 to vector<128x128xf32>
    %mul3A_205 = arith.mulf %mul3A_204, %get3A_203 : vector<128x128xf32>
    %add3A_206 = arith.addf %add3A_195, %mul3A_205 : vector<128x128xf32>
    %get3A_207 = arith.constant 3 : index
    %get3A_208 = arith.constant 3 : index
    %get3A_209 = memref.load %arg1[%get3A_207, %get3A_208] : memref<8x4xf32, #tpu.memory_space<smem>>
    %get3A_210 = arith.constant 3 : index
    %get3A_211 = arith.constant 0 : index
    %get3A_212 = arith.constant 0 : index
    %get3A_213 = vector.load %arg2[%get3A_210, %get3A_211, %get3A_212] : memref<4x128x128xf32, #tpu.memory_space<vmem>>, vector<1x128x128xf32>
    %get3A_214 = vector.shape_cast %get3A_213 : vector<1x128x128xf32> to vector<128x128xf32>
    %mul3A_215 = vector.broadcast %get3A_209 : f32 to vector<128x128xf32>
    %mul3A_216 = arith.mulf %mul3A_215, %get3A_214 : vector<128x128xf32>
    %add3A_217 = arith.addf %add3A_206, %mul3A_216 : vector<128x128xf32>
    %dot_general3A_218 = arith.constant dense<0.000000e+00> : vector<2000x128xf32>
    %dot_general3A_219 = tpu.matmul %select_n3A, %add3A_217, %dot_general3A_218 {dimension_numbers = #tpu.dot_dimension_numbers<[1], [0], [0], [1], [0, 0, 1, 1], [], []>, transpose_lhs_hint = false} : vector<2000x128xf32>, vector<128x128xf32>, vector<2000x128xf32> -> vector<2000x128xf32>
    %swap3A_220 = arith.constant 3 : index
    %swap3A_221 = arith.constant 0 : index
    %swap3A_222 = arith.constant 0 : index
    %swap3A_223 = vector.load %arg7[%swap3A_220, %swap3A_221, %swap3A_222] : memref<9x2000x128xf32, #tpu.memory_space<vmem>>, vector<1x2000x128xf32>
    %swap3A_224 = vector.shape_cast %swap3A_223 : vector<1x2000x128xf32> to vector<2000x128xf32>
    %swap3A_225 = vector.shape_cast %dot_general3A_219 : vector<2000x128xf32> to vector<1x2000x128xf32>
    tpu.vector_store %arg7[%swap3A_220, %swap3A_221, %swap3A_222], %swap3A_225 {strides = array<i32>} : memref<9x2000x128xf32, #tpu.memory_space<vmem>>, vector<1x2000x128xf32>,
    %get3A_226 = arith.constant 4 : index
    %get3A_227 = arith.constant 0 : index
    %get3A_228 = memref.load %arg1[%get3A_226, %get3A_227] : memref<8x4xf32, #tpu.memory_space<smem>>
    %get3A_229 = arith.constant 0 : index
    %get3A_230 = arith.constant 0 : index
    %get3A_231 = arith.constant 0 : index
    %get3A_232 = vector.load %arg2[%get3A_229, %get3A_230, %get3A_231] : memref<4x128x128xf32, #tpu.memory_space<vmem>>, vector<1x128x128xf32>
    %get3A_233 = vector.shape_cast %get3A_232 : vector<1x128x128xf32> to vector<128x128xf32>
    %mul3A_234 = vector.broadcast %get3A_228 : f32 to vector<128x128xf32>
    %mul3A_235 = arith.mulf %mul3A_234, %get3A_233 : vector<128x128xf32>
    %get3A_236 = arith.constant 4 : index
    %get3A_237 = arith.constant 1 : index
    %get3A_238 = memref.load %arg1[%get3A_236, %get3A_237] : memref<8x4xf32, #tpu.memory_space<smem>>
    %get3A_239 = arith.constant 1 : index
    %get3A_240 = arith.constant 0 : index
    %get3A_241 = arith.constant 0 : index
    %get3A_242 = vector.load %arg2[%get3A_239, %get3A_240, %get3A_241] : memref<4x128x128xf32, #tpu.memory_space<vmem>>, vector<1x128x128xf32>
    %get3A_243 = vector.shape_cast %get3A_242 : vector<1x128x128xf32> to vector<128x128xf32>
    %mul3A_244 = vector.broadcast %get3A_238 : f32 to vector<128x128xf32>
    %mul3A_245 = arith.mulf %mul3A_244, %get3A_243 : vector<128x128xf32>
    %add3A_246 = arith.addf %mul3A_235, %mul3A_245 : vector<128x128xf32>
    %get3A_247 = arith.constant 4 : index
    %get3A_248 = arith.constant 2 : index
    %get3A_249 = memref.load %arg1[%get3A_247, %get3A_248] : memref<8x4xf32, #tpu.memory_space<smem>>
    %get3A_250 = arith.constant 2 : index
    %get3A_251 = arith.constant 0 : index
    %get3A_252 = arith.constant 0 : index
    %get3A_253 = vector.load %arg2[%get3A_250, %get3A_251, %get3A_252] : memref<4x128x128xf32, #tpu.memory_space<vmem>>, vector<1x128x128xf32>
    %get3A_254 = vector.shape_cast %get3A_253 : vector<1x128x128xf32> to vector<128x128xf32>
    %mul3A_255 = vector.broadcast %get3A_249 : f32 to vector<128x128xf32>
    %mul3A_256 = arith.mulf %mul3A_255, %get3A_254 : vector<128x128xf32>
    %add3A_257 = arith.addf %add3A_246, %mul3A_256 : vector<128x128xf32>
    %get3A_258 = arith.constant 4 : index
    %get3A_259 = arith.constant 3 : index
    %get3A_260 = memref.load %arg1[%get3A_258, %get3A_259] : memref<8x4xf32, #tpu.memory_space<smem>>
    %get3A_261 = arith.constant 3 : index
    %get3A_262 = arith.constant 0 : index
    %get3A_263 = arith.constant 0 : index
    %get3A_264 = vector.load %arg2[%get3A_261, %get3A_262, %get3A_263] : memref<4x128x128xf32, #tpu.memory_space<vmem>>, vector<1x128x128xf32>
    %get3A_265 = vector.shape_cast %get3A_264 : vector<1x128x128xf32> to vector<128x128xf32>
    %mul3A_266 = vector.broadcast %get3A_260 : f32 to vector<128x128xf32>
    %mul3A_267 = arith.mulf %mul3A_266, %get3A_265 : vector<128x128xf32>
    %add3A_268 = arith.addf %add3A_257, %mul3A_267 : vector<128x128xf32>
    %dot_general3A_269 = arith.constant dense<0.000000e+00> : vector<2000x128xf32>
    %dot_general3A_270 = tpu.matmul %select_n3A, %add3A_268, %dot_general3A_269 {dimension_numbers = #tpu.dot_dimension_numbers<[1], [0], [0], [1], [0, 0, 1, 1], [], []>, transpose_lhs_hint = false} : vector<2000x128xf32>, vector<128x128xf32>, vector<2000x128xf32> -> vector<2000x128xf32>
    %swap3A_271 = arith.constant 4 : index
    %swap3A_272 = arith.constant 0 : index
    %swap3A_273 = arith.constant 0 : index
    %swap3A_274 = vector.load %arg7[%swap3A_271, %swap3A_272, %swap3A_273] : memref<9x2000x128xf32, #tpu.memory_space<vmem>>, vector<1x2000x128xf32>
    %swap3A_275 = vector.shape_cast %swap3A_274 : vector<1x2000x128xf32> to vector<2000x128xf32>
    %swap3A_276 = vector.shape_cast %dot_general3A_270 : vector<2000x128xf32> to vector<1x2000x128xf32>
    tpu.vector_store %arg7[%swap3A_271, %swap3A_272, %swap3A_273], %swap3A_276 {strides = array<i32>} : memref<9x2000x128xf32, #tpu.memory_space<vmem>>, vector<1x2000x128xf32>,
    %get3A_277 = arith.constant 5 : index
    %get3A_278 = arith.constant 0 : index
    %get3A_279 = memref.load %arg1[%get3A_277, %get3A_278] : memref<8x4xf32, #tpu.memory_space<smem>>
    %get3A_280 = arith.constant 0 : index
    %get3A_281 = arith.constant 0 : index
    %get3A_282 = arith.constant 0 : index
    %get3A_283 = vector.load %arg2[%get3A_280, %get3A_281, %get3A_282] : memref<4x128x128xf32, #tpu.memory_space<vmem>>, vector<1x128x128xf32>
    %get3A_284 = vector.shape_cast %get3A_283 : vector<1x128x128xf32> to vector<128x128xf32>
    %mul3A_285 = vector.broadcast %get3A_279 : f32 to vector<128x128xf32>
    %mul3A_286 = arith.mulf %mul3A_285, %get3A_284 : vector<128x128xf32>
    %get3A_287 = arith.constant 5 : index
    %get3A_288 = arith.constant 1 : index
    %get3A_289 = memref.load %arg1[%get3A_287, %get3A_288] : memref<8x4xf32, #tpu.memory_space<smem>>
    %get3A_290 = arith.constant 1 : index
    %get3A_291 = arith.constant 0 : index
    %get3A_292 = arith.constant 0 : index
    %get3A_293 = vector.load %arg2[%get3A_290, %get3A_291, %get3A_292] : memref<4x128x128xf32, #tpu.memory_space<vmem>>, vector<1x128x128xf32>
    %get3A_294 = vector.shape_cast %get3A_293 : vector<1x128x128xf32> to vector<128x128xf32>
    %mul3A_295 = vector.broadcast %get3A_289 : f32 to vector<128x128xf32>
    %mul3A_296 = arith.mulf %mul3A_295, %get3A_294 : vector<128x128xf32>
    %add3A_297 = arith.addf %mul3A_286, %mul3A_296 : vector<128x128xf32>
    %get3A_298 = arith.constant 5 : index
    %get3A_299 = arith.constant 2 : index
    %get3A_300 = memref.load %arg1[%get3A_298, %get3A_299] : memref<8x4xf32, #tpu.memory_space<smem>>
    %get3A_301 = arith.constant 2 : index
    %get3A_302 = arith.constant 0 : index
    %get3A_303 = arith.constant 0 : index
    %get3A_304 = vector.load %arg2[%get3A_301, %get3A_302, %get3A_303] : memref<4x128x128xf32, #tpu.memory_space<vmem>>, vector<1x128x128xf32>
    %get3A_305 = vector.shape_cast %get3A_304 : vector<1x128x128xf32> to vector<128x128xf32>
    %mul3A_306 = vector.broadcast %get3A_300 : f32 to vector<128x128xf32>
    %mul3A_307 = arith.mulf %mul3A_306, %get3A_305 : vector<128x128xf32>
    %add3A_308 = arith.addf %add3A_297, %mul3A_307 : vector<128x128xf32>
    %get3A_309 = arith.constant 5 : index
    %get3A_310 = arith.constant 3 : index
    %get3A_311 = memref.load %arg1[%get3A_309, %get3A_310] : memref<8x4xf32, #tpu.memory_space<smem>>
    %get3A_312 = arith.constant 3 : index
    %get3A_313 = arith.constant 0 : index
    %get3A_314 = arith.constant 0 : index
    %get3A_315 = vector.load %arg2[%get3A_312, %get3A_313, %get3A_314] : memref<4x128x128xf32, #tpu.memory_space<vmem>>, vector<1x128x128xf32>
    %get3A_316 = vector.shape_cast %get3A_315 : vector<1x128x128xf32> to vector<128x128xf32>
    %mul3A_317 = vector.broadcast %get3A_311 : f32 to vector<128x128xf32>
    %mul3A_318 = arith.mulf %mul3A_317, %get3A_316 : vector<128x128xf32>
    %add3A_319 = arith.addf %add3A_308, %mul3A_318 : vector<128x128xf32>
    %dot_general3A_320 = arith.constant dense<0.000000e+00> : vector<2000x128xf32>
    %dot_general3A_321 = tpu.matmul %select_n3A, %add3A_319, %dot_general3A_320 {dimension_numbers = #tpu.dot_dimension_numbers<[1], [0], [0], [1], [0, 0, 1, 1], [], []>, transpose_lhs_hint = false} : vector<2000x128xf32>, vector<128x128xf32>, vector<2000x128xf32> -> vector<2000x128xf32>
    %swap3A_322 = arith.constant 5 : index
    %swap3A_323 = arith.constant 0 : index
    %swap3A_324 = arith.constant 0 : index
    %swap3A_325 = vector.load %arg7[%swap3A_322, %swap3A_323, %swap3A_324] : memref<9x2000x128xf32, #tpu.memory_space<vmem>>, vector<1x2000x128xf32>
    %swap3A_326 = vector.shape_cast %swap3A_325 : vector<1x2000x128xf32> to vector<2000x128xf32>
    %swap3A_327 = vector.shape_cast %dot_general3A_321 : vector<2000x128xf32> to vector<1x2000x128xf32>
    tpu.vector_store %arg7[%swap3A_322, %swap3A_323, %swap3A_324], %swap3A_327 {strides = array<i32>} : memref<9x2000x128xf32, #tpu.memory_space<vmem>>, vector<1x2000x128xf32>,
    %get3A_328 = arith.constant 6 : index
    %get3A_329 = arith.constant 0 : index
    %get3A_330 = memref.load %arg1[%get3A_328, %get3A_329] : memref<8x4xf32, #tpu.memory_space<smem>>
    %get3A_331 = arith.constant 0 : index
    %get3A_332 = arith.constant 0 : index
    %get3A_333 = arith.constant 0 : index
    %get3A_334 = vector.load %arg2[%get3A_331, %get3A_332, %get3A_333] : memref<4x128x128xf32, #tpu.memory_space<vmem>>, vector<1x128x128xf32>
    %get3A_335 = vector.shape_cast %get3A_334 : vector<1x128x128xf32> to vector<128x128xf32>
    %mul3A_336 = vector.broadcast %get3A_330 : f32 to vector<128x128xf32>
    %mul3A_337 = arith.mulf %mul3A_336, %get3A_335 : vector<128x128xf32>
    %get3A_338 = arith.constant 6 : index
    %get3A_339 = arith.constant 1 : index
    %get3A_340 = memref.load %arg1[%get3A_338, %get3A_339] : memref<8x4xf32, #tpu.memory_space<smem>>
    %get3A_341 = arith.constant 1 : index
    %get3A_342 = arith.constant 0 : index
    %get3A_343 = arith.constant 0 : index
    %get3A_344 = vector.load %arg2[%get3A_341, %get3A_342, %get3A_343] : memref<4x128x128xf32, #tpu.memory_space<vmem>>, vector<1x128x128xf32>
    %get3A_345 = vector.shape_cast %get3A_344 : vector<1x128x128xf32> to vector<128x128xf32>
    %mul3A_346 = vector.broadcast %get3A_340 : f32 to vector<128x128xf32>
    %mul3A_347 = arith.mulf %mul3A_346, %get3A_345 : vector<128x128xf32>
    %add3A_348 = arith.addf %mul3A_337, %mul3A_347 : vector<128x128xf32>
    %get3A_349 = arith.constant 6 : index
    %get3A_350 = arith.constant 2 : index
    %get3A_351 = memref.load %arg1[%get3A_349, %get3A_350] : memref<8x4xf32, #tpu.memory_space<smem>>
    %get3A_352 = arith.constant 2 : index
    %get3A_353 = arith.constant 0 : index
    %get3A_354 = arith.constant 0 : index
    %get3A_355 = vector.load %arg2[%get3A_352, %get3A_353, %get3A_354] : memref<4x128x128xf32, #tpu.memory_space<vmem>>, vector<1x128x128xf32>
    %get3A_356 = vector.shape_cast %get3A_355 : vector<1x128x128xf32> to vector<128x128xf32>
    %mul3A_357 = vector.broadcast %get3A_351 : f32 to vector<128x128xf32>
    %mul3A_358 = arith.mulf %mul3A_357, %get3A_356 : vector<128x128xf32>
    %add3A_359 = arith.addf %add3A_348, %mul3A_358 : vector<128x128xf32>
    %get3A_360 = arith.constant 6 : index
    %get3A_361 = arith.constant 3 : index
    %get3A_362 = memref.load %arg1[%get3A_360, %get3A_361] : memref<8x4xf32, #tpu.memory_space<smem>>
    %get3A_363 = arith.constant 3 : index
    %get3A_364 = arith.constant 0 : index
    %get3A_365 = arith.constant 0 : index
    %get3A_366 = vector.load %arg2[%get3A_363, %get3A_364, %get3A_365] : memref<4x128x128xf32, #tpu.memory_space<vmem>>, vector<1x128x128xf32>
    %get3A_367 = vector.shape_cast %get3A_366 : vector<1x128x128xf32> to vector<128x128xf32>
    %mul3A_368 = vector.broadcast %get3A_362 : f32 to vector<128x128xf32>
    %mul3A_369 = arith.mulf %mul3A_368, %get3A_367 : vector<128x128xf32>
    %add3A_370 = arith.addf %add3A_359, %mul3A_369 : vector<128x128xf32>
    %dot_general3A_371 = arith.constant dense<0.000000e+00> : vector<2000x128xf32>
    %dot_general3A_372 = tpu.matmul %select_n3A, %add3A_370, %dot_general3A_371 {dimension_numbers = #tpu.dot_dimension_numbers<[1], [0], [0], [1], [0, 0, 1, 1], [], []>, transpose_lhs_hint = false} : vector<2000x128xf32>, vector<128x128xf32>, vector<2000x128xf32> -> vector<2000x128xf32>
    %swap3A_373 = arith.constant 6 : index
    %swap3A_374 = arith.constant 0 : index
    %swap3A_375 = arith.constant 0 : index
    %swap3A_376 = vector.load %arg7[%swap3A_373, %swap3A_374, %swap3A_375] : memref<9x2000x128xf32, #tpu.memory_space<vmem>>, vector<1x2000x128xf32>
    %swap3A_377 = vector.shape_cast %swap3A_376 : vector<1x2000x128xf32> to vector<2000x128xf32>
    %swap3A_378 = vector.shape_cast %dot_general3A_372 : vector<2000x128xf32> to vector<1x2000x128xf32>
    tpu.vector_store %arg7[%swap3A_373, %swap3A_374, %swap3A_375], %swap3A_378 {strides = array<i32>} : memref<9x2000x128xf32, #tpu.memory_space<vmem>>, vector<1x2000x128xf32>,
    %get3A_379 = arith.constant 7 : index
    %get3A_380 = arith.constant 0 : index
    %get3A_381 = memref.load %arg1[%get3A_379, %get3A_380] : memref<8x4xf32, #tpu.memory_space<smem>>
    %get3A_382 = arith.constant 0 : index
    %get3A_383 = arith.constant 0 : index
    %get3A_384 = arith.constant 0 : index
    %get3A_385 = vector.load %arg2[%get3A_382, %get3A_383, %get3A_384] : memref<4x128x128xf32, #tpu.memory_space<vmem>>, vector<1x128x128xf32>
    %get3A_386 = vector.shape_cast %get3A_385 : vector<1x128x128xf32> to vector<128x128xf32>
    %mul3A_387 = vector.broadcast %get3A_381 : f32 to vector<128x128xf32>
    %mul3A_388 = arith.mulf %mul3A_387, %get3A_386 : vector<128x128xf32>
    %get3A_389 = arith.constant 7 : index
    %get3A_390 = arith.constant 1 : index
    %get3A_391 = memref.load %arg1[%get3A_389, %get3A_390] : memref<8x4xf32, #tpu.memory_space<smem>>
    %get3A_392 = arith.constant 1 : index
    %get3A_393 = arith.constant 0 : index
    %get3A_394 = arith.constant 0 : index
    %get3A_395 = vector.load %arg2[%get3A_392, %get3A_393, %get3A_394] : memref<4x128x128xf32, #tpu.memory_space<vmem>>, vector<1x128x128xf32>
    %get3A_396 = vector.shape_cast %get3A_395 : vector<1x128x128xf32> to vector<128x128xf32>
    %mul3A_397 = vector.broadcast %get3A_391 : f32 to vector<128x128xf32>
    %mul3A_398 = arith.mulf %mul3A_397, %get3A_396 : vector<128x128xf32>
    %add3A_399 = arith.addf %mul3A_388, %mul3A_398 : vector<128x128xf32>
    %get3A_400 = arith.constant 7 : index
    %get3A_401 = arith.constant 2 : index
    %get3A_402 = memref.load %arg1[%get3A_400, %get3A_401] : memref<8x4xf32, #tpu.memory_space<smem>>
    %get3A_403 = arith.constant 2 : index
    %get3A_404 = arith.constant 0 : index
    %get3A_405 = arith.constant 0 : index
    %get3A_406 = vector.load %arg2[%get3A_403, %get3A_404, %get3A_405] : memref<4x128x128xf32, #tpu.memory_space<vmem>>, vector<1x128x128xf32>
    %get3A_407 = vector.shape_cast %get3A_406 : vector<1x128x128xf32> to vector<128x128xf32>
    %mul3A_408 = vector.broadcast %get3A_402 : f32 to vector<128x128xf32>
    %mul3A_409 = arith.mulf %mul3A_408, %get3A_407 : vector<128x128xf32>
    %add3A_410 = arith.addf %add3A_399, %mul3A_409 : vector<128x128xf32>
    %get3A_411 = arith.constant 7 : index
    %get3A_412 = arith.constant 3 : index
    %get3A_413 = memref.load %arg1[%get3A_411, %get3A_412] : memref<8x4xf32, #tpu.memory_space<smem>>
    %get3A_414 = arith.constant 3 : index
    %get3A_415 = arith.constant 0 : index
    %get3A_416 = arith.constant 0 : index
    %get3A_417 = vector.load %arg2[%get3A_414, %get3A_415, %get3A_416] : memref<4x128x128xf32, #tpu.memory_space<vmem>>, vector<1x128x128xf32>
    %get3A_418 = vector.shape_cast %get3A_417 : vector<1x128x128xf32> to vector<128x128xf32>
    %mul3A_419 = vector.broadcast %get3A_413 : f32 to vector<128x128xf32>
    %mul3A_420 = arith.mulf %mul3A_419, %get3A_418 : vector<128x128xf32>
    %add3A_421 = arith.addf %add3A_410, %mul3A_420 : vector<128x128xf32>
    %dot_general3A_422 = arith.constant dense<0.000000e+00> : vector<2000x128xf32>
    %dot_general3A_423 = tpu.matmul %select_n3A, %add3A_421, %dot_general3A_422 {dimension_numbers = #tpu.dot_dimension_numbers<[1], [0], [0], [1], [0, 0, 1, 1], [], []>, transpose_lhs_hint = false} : vector<2000x128xf32>, vector<128x128xf32>, vector<2000x128xf32> -> vector<2000x128xf32>
    %swap3A_424 = arith.constant 7 : index
    %swap3A_425 = arith.constant 0 : index
    %swap3A_426 = arith.constant 0 : index
    %swap3A_427 = vector.load %arg7[%swap3A_424, %swap3A_425, %swap3A_426] : memref<9x2000x128xf32, #tpu.memory_space<vmem>>, vector<1x2000x128xf32>
    %swap3A_428 = vector.shape_cast %swap3A_427 : vector<1x2000x128xf32> to vector<2000x128xf32>
    %swap3A_429 = vector.shape_cast %dot_general3A_423 : vector<2000x128xf32> to vector<1x2000x128xf32>
    tpu.vector_store %arg7[%swap3A_424, %swap3A_425, %swap3A_426], %swap3A_429 {strides = array<i32>} : memref<9x2000x128xf32, #tpu.memory_space<vmem>>, vector<1x2000x128xf32>,
    %get3A_430 = arith.constant 0 : index
    %get3A_431 = arith.constant 0 : index
    %get3A_432 = vector.load %arg3[%get3A_430, %get3A_431] : memref<128x128xf32, #tpu.memory_space<vmem>>, vector<128x128xf32>
    %dot_general3A_433 = arith.constant dense<0.000000e+00> : vector<2000x128xf32>
    %dot_general3A_434 = tpu.matmul %select_n3A, %get3A_432, %dot_general3A_433 {dimension_numbers = #tpu.dot_dimension_numbers<[1], [0], [0], [1], [0, 0, 1, 1], [], []>, transpose_lhs_hint = false} : vector<2000x128xf32>, vector<128x128xf32>, vector<2000x128xf32> -> vector<2000x128xf32>
    %swap3A_435 = arith.constant 8 : index
    %swap3A_436 = arith.constant 0 : index
    %swap3A_437 = arith.constant 0 : index
    %swap3A_438 = vector.load %arg7[%swap3A_435, %swap3A_436, %swap3A_437] : memref<9x2000x128xf32, #tpu.memory_space<vmem>>, vector<1x2000x128xf32>
    %swap3A_439 = vector.shape_cast %swap3A_438 : vector<1x2000x128xf32> to vector<2000x128xf32>
    %swap3A_440 = vector.shape_cast %dot_general3A_434 : vector<2000x128xf32> to vector<1x2000x128xf32>
    tpu.vector_store %arg7[%swap3A_435, %swap3A_436, %swap3A_437], %swap3A_440 {strides = array<i32>} : memref<9x2000x128xf32, #tpu.memory_space<vmem>>, vector<1x2000x128xf32>,
    return
  }
  func.func @transform_0(%arg0: i32) -> (i32, i32) {
    %c0_i32 = arith.constant 0 : i32
    %c0_i32_0 = arith.constant 0 : i32
    %c0_i32_1 = arith.constant 0 : i32
    return %c0_i32, %c0_i32_0 : i32, i32
  }
  func.func @transform_1(%arg0: i32) -> (i32, i32, i32) {
    %c0_i32 = arith.constant 0 : i32
    %c0_i32_0 = arith.constant 0 : i32
    %c0_i32_1 = arith.constant 0 : i32
    %c0_i32_2 = arith.constant 0 : i32
    return %c0_i32, %c0_i32_0, %c0_i32_1 : i32, i32, i32
  }
  func.func @transform_2(%arg0: i32) -> (i32, i32) {
    %c0_i32 = arith.constant 0 : i32
    %c0_i32_0 = arith.constant 0 : i32
    %c0_i32_1 = arith.constant 0 : i32
    return %c0_i32, %c0_i32_0 : i32, i32
  }
  func.func @transform_3(%arg0: i32) -> (i32, i32, i32) {
    %c0_i32 = arith.constant 0 : i32
    %c0_i32_0 = arith.constant 0 : i32
    %c0_i32_1 = arith.constant 0 : i32
    return %c0_i32, %arg0, %c0_i32_0 : i32, i32, i32
  }
  func.func @transform_4(%arg0: i32) -> (i32, i32, i32) {
    %c8_i32 = arith.constant 8 : i32
    %c0_i32 = arith.constant 0 : i32
    %c0_i32_0 = arith.constant 0 : i32
    return %c8_i32, %arg0, %c0_i32 : i32, i32, i32
  }
  func.func @transform_5(%arg0: i32) -> (i32, i32) {
    %c0_i32 = arith.constant 0 : i32
    %c0_i32_0 = arith.constant 0 : i32
    %c0_i32_1 = arith.constant 0 : i32
    return %c0_i32, %c0_i32_0 : i32, i32
  }
  func.func @transform_6(%arg0: i32) -> (i32, i32, i32) {
    %c0_i32 = arith.constant 0 : i32
    %c0_i32_0 = arith.constant 0 : i32
    %c0_i32_1 = arith.constant 0 : i32
    return %c0_i32, %arg0, %c0_i32_0 : i32, i32, i32
  }
}

module attributes {stable_mosaic.version = 14 : i64} {
  func.func @_finish2_body(%arg0: i32, %arg1: memref<2x2000x128xf32, #tpu.memory_space<vmem>>, %arg2: memref<1x2000x128xf32, #tpu.memory_space<vmem>>, %arg3: memref<1x128xf32, #tpu.memory_space<vmem>>, %arg4: memref<2000x128xf32, #tpu.memory_space<vmem>>) attributes {dimension_semantics = [#tpu.dimension_semantics<arbitrary>], iteration_bounds = array<i64: 5>, scalar_prefetch = 0 : i64, scratch_operands = 0 : i64, tpu.core_type = #tpu.core_type<tc>, window_params = [{transform_indices = @transform_0, window_bounds = array<i64: 2, 2000, 128>}, {transform_indices = @transform_1, window_bounds = array<i64: 1, 2000, 128>}, {pipeline_mode = #tpu.pipeline_mode<synchronous>, transform_indices = @transform_2, window_bounds = array<i64: 1, 128>}, {transform_indices = @transform_3, window_bounds = array<i64: 2000, 128>}]} {
    %get3A = arith.constant 0 : index
    %get3A_0 = arith.constant 0 : index
    %get3A_1 = arith.constant 0 : index
    %get3A_2 = vector.load %arg1[%get3A, %get3A_0, %get3A_1] : memref<2x2000x128xf32, #tpu.memory_space<vmem>>, vector<1x2000x128xf32>
    %get3A_3 = vector.shape_cast %get3A_2 : vector<1x2000x128xf32> to vector<2000x128xf32>
    %get3A_4 = arith.constant 1 : index
    %get3A_5 = arith.constant 0 : index
    %get3A_6 = arith.constant 0 : index
    %get3A_7 = vector.load %arg1[%get3A_4, %get3A_5, %get3A_6] : memref<2x2000x128xf32, #tpu.memory_space<vmem>>, vector<1x2000x128xf32>
    %get3A_8 = vector.shape_cast %get3A_7 : vector<1x2000x128xf32> to vector<2000x128xf32>
    %add3A = arith.addf %get3A_3, %get3A_8 : vector<2000x128xf32>
    %get3A_9 = arith.constant 0 : index
    %get3A_10 = arith.constant 0 : index
    %get3A_11 = arith.constant 0 : index
    %get3A_12 = vector.load %arg2[%get3A_9, %get3A_10, %get3A_11] : memref<1x2000x128xf32, #tpu.memory_space<vmem>>, vector<1x2000x128xf32>
    %get3A_13 = vector.shape_cast %get3A_12 : vector<1x2000x128xf32> to vector<2000x128xf32>
    %add3A_14 = arith.addf %add3A, %get3A_13 : vector<2000x128xf32>
    %get3A_15 = arith.constant 0 : index
    %get3A_16 = arith.constant 0 : index
    %get3A_17 = vector.load %arg3[%get3A_15, %get3A_16] : memref<1x128xf32, #tpu.memory_space<vmem>>, vector<1x128xf32>
    %add3A_18 = vector.broadcast %get3A_17 : vector<1x128xf32> to vector<2000x128xf32>
    %add3A_19 = arith.addf %add3A_14, %add3A_18 : vector<2000x128xf32>
    %swap3A = arith.constant 0 : index
    %swap3A_20 = arith.constant 0 : index
    %swap3A_21 = vector.load %arg4[%swap3A, %swap3A_20] : memref<2000x128xf32, #tpu.memory_space<vmem>>, vector<2000x128xf32>
    tpu.vector_store %arg4[%swap3A, %swap3A_20], %add3A_19 {strides = array<i32>} : memref<2000x128xf32, #tpu.memory_space<vmem>>, vector<2000x128xf32>,
    return
  }
  func.func @transform_0(%arg0: i32) -> (i32, i32, i32) {
    %c0_i32 = arith.constant 0 : i32
    %c0_i32_0 = arith.constant 0 : i32
    %c0_i32_1 = arith.constant 0 : i32
    return %c0_i32, %arg0, %c0_i32_0 : i32, i32, i32
  }
  func.func @transform_1(%arg0: i32) -> (i32, i32, i32) {
    %c8_i32 = arith.constant 8 : i32
    %c0_i32 = arith.constant 0 : i32
    %c0_i32_0 = arith.constant 0 : i32
    return %c8_i32, %arg0, %c0_i32 : i32, i32, i32
  }
  func.func @transform_2(%arg0: i32) -> (i32, i32) {
    %c0_i32 = arith.constant 0 : i32
    %c0_i32_0 = arith.constant 0 : i32
    %c0_i32_1 = arith.constant 0 : i32
    return %c0_i32, %c0_i32_0 : i32, i32
  }
  func.func @transform_3(%arg0: i32) -> (i32, i32) {
    %c0_i32 = arith.constant 0 : i32
    %c0_i32_0 = arith.constant 0 : i32
    return %arg0, %c0_i32 : i32, i32
  }
}

</mosaic_0001>

<sc_bundles>
// kernel: kernel.10.cloned.1.call-start
scs
__scs_entry_jumppad:
0x0: {  	(pc) =	sbr.rel $0x88, $3  }
0x1: {  	(tag) =	ssettag $0x0;
	lr =	simm.s32 $0x1  }
0x2: {  	[smem:$0x3F96] =	sst lr;
	_ =	strace $0xD0000000  }
0x3: {  	_ = 	snop  }
0x4: {  	_ = 	snop  }
0x5: {  	_ = 	snop  }
0x6: {  	_ = 	snop  }
0x7: {  	_ = 	snop  }
__scs_overlays_trampoline_lowered:
0x8: {  	[smem:$0x3FA5] =	sst s0  }
0x9: {  	[smem:$0x3FA6] =	sst s1  }
0xa: {  	[smem:$0x3FA7] =	sst s2  }
0xb: {  	[smem:$0x3FA8] =	sst s3  }
0xc: {  	[smem:$0x3FA9] =	sst s4  }
0xd: {  	[smem:$0x3FAA] =	sst s5  }
0xe: {  	[smem:$0x3FAB] =	sst s6  }
0xf: {  	[smem:$0x3FAC] =	sst s7  }
0x10: {  	[smem:$0x3FAD] =	sst s8  }
0x11: {  	[smem:$0x3FAE] =	sst s9;
	s0 =	simm.s32 @!p0 $0x0  }
0x12: {  	s1 =	sld [smem:$0x3F94];
	s0 =	simm.s32 @p0 $0x1  }
0x13: {  	[smem:$0x3FAF] =	sst s0;
	s0 =	simm.s32 @!p1 $0x0  }
0x14: {  	s2 =	sld [smem:$0x3F93];
	s0 =	simm.s32 @p1 $0x1  }
0x15: {  	[smem:$0x3FB0] =	sst s0;
	s0 =	simm.s32 @!p2 $0x0  }
0x16: {  	s3 =	sld [smem:$0x3FDB];
	s0 =	simm.s32 @p2 $0x1  }
0x17: {  	s4 =	simm.s32 $0x1BF5;
	[smem:$0x3FB2] =	sst s0  }
0x18: {  	s0 =	sld [smem:$0x3F95];
	_ =	swait.ge [sflag:s4], $0x0  }
0x19: {  	s7 =	sld [smem:$0x3F96]  }
0x1a: {  	s8 =	sadd.s32 $0xFFFFE003, lr  }
0x1b: {  	s9 =	sadd.s32 $0xFFFFFEF7, lr;
	s5 =	simm.s32 $0xFFFFFFFF;
	p2 =	slt.u32 s8, $0xFFFFF086  }
0x1c: {  	p1 =	slt.u32 s9, $0xF7A;
	s5 =	simm.s32 @!p2 $0x0  }
0x1d: {  	s5 =	simm.s32 @p1 $0x1;
	p0 =	seq.s32 s7, s2  }
0x1e: {  	s7 =	smul.u32 @!p0 $0xF7A, s2;
	p2 =	seq.s32 @!p0 s5, $0x0  }
0x1f: {  	s9 =	smul.u32 $0xF7A, s1;
	s8 =	simm.s32 @!p0 $0x1BF5;
	p2 =	por !p2, p0  }
0x20: {  	[sflag:s8] =	ssyncset.s32 @!p0 $0xFFFFF086;
	s6 =	sadd.s32 @!p0 s3, s7;
	s7 =	simm.s32 @!p0 $0x108  }
0x21: {  	s3 =	sadd.s32 s3, s9;
	s6 =	sadd.s32 @!p0 $0x88, s6;
	s7 =	simm.s32 @p2 $0x1082  }
0x22: {  	[simem:s7], [sflag:s8] =	dma.local @!p0 [hbm:s6], $0xF7A  }
0x23: {  	s9 =	sor.u32 $0xD0000000, s2;
	s6 =	simm.s32 $0x108;
	_ =	swait.ge @!p0 [sflag:s8], $0x0  }
0x24: {  	s3 =	sadd.s32 $0x88, s3;
	s6 =	simm.s32 @!p1 $0x1082;
	[sflag:s4] =	ssyncset.s32 $0xFFFFF086  }
0x25: {  	[simem:s6], [sflag:s4] =	dma.local [hbm:s3], $0xF7A  }
0x26: {  	[smem:$0x3F96] =	sst s1;
	(tag) =	ssettag s2;
	_ =	strace s9  }
0x27: {  	s1 =	sld [smem:$0x3FA6]  }
0x28: {  	s2 =	sld [smem:$0x3FA7]  }
0x29: {  	s4 =	sld [smem:$0x3FA9]  }
0x2a: {  	p0 =	seq.s32 s5, $0x0;
	s5 =	sld [smem:$0x3FAA]  }
0x2b: {  	s6 =	sld [smem:$0x3FAB]  }
0x2c: {  	s7 =	sld [smem:$0x3FAC]  }
0x2d: {  	s3 =	simm.s32 $0x108;
	s8 =	sld [smem:$0x3FAD]  }
0x2e: {  	s3 =	simm.s32 @!p0 $0x1082;
	s9 =	sld [smem:$0x3FAE]  }
0x2f: {  	lr =	sadd.s32 s0, s3;
	s0 =	sld [smem:$0x3FA5]  }
0x30: {  	s3 =	sld [smem:$0x3FA8]  }
0x31: {  	[smem:$0x3FB1] =	sst s10  }
0x32: {  	s10 =	sld [smem:$0x3FAF];
	_ =	sdelay $0x3  }
0x33: {  	p0 =	seq.s32 s10, $0x1;
	s10 =	sld [smem:$0x3FB1];
	_ =	sdelay $0x3  }
0x34: {  	[smem:$0x3FB1] =	sst s10  }
0x35: {  	s10 =	sld [smem:$0x3FB0];
	_ =	sdelay $0x3  }
0x36: {  	p1 =	seq.s32 s10, $0x1;
	s10 =	sld [smem:$0x3FB1];
	_ =	sdelay $0x3  }
0x37: {  	[smem:$0x3FB1] =	sst s10  }
0x38: {  	s10 =	sld [smem:$0x3FB2]  }
0x39: {  	_ = 	snop;
	(pc) =	sbr.ind lr, $3  }
0x3a: {  	_ = 	snop  }
0x3b: {  	_ = 	snop  }
0x3c: {  	p2 =	seq.s32 s10, $0x1;
	s10 =	sld [smem:$0x3FB1]  }
0x3d: {  	_ =	shalt  }
0x3e: {  	_ =	shalt  }
0x3f: {  	_ =	shalt  }
0x40: {  	_ =	shalt  }
0x41: {  	_ =	shalt  }
0x42: {  	_ =	shalt  }
0x43: {  	_ =	shalt  }
0x44: {  	_ =	shalt  }
0x45: {  	_ =	shalt  }
0x46: {  	_ =	shalt  }
0x47: {  	_ =	shalt  }
0x48: {  	_ =	shalt  }
0x49: {  	_ =	shalt  }
0x4a: {  	_ =	shalt  }
0x4b: {  	_ =	shalt  }
0x4c: {  	_ =	shalt  }
0x4d: {  	_ =	shalt  }
0x4e: {  	_ =	shalt  }
0x4f: {  	_ =	shalt  }
0x50: {  	_ =	shalt  }
0x51: {  	_ =	shalt  }
0x52: {  	_ =	shalt  }
0x53: {  	_ =	shalt  }
0x54: {  	_ =	shalt  }
0x55: {  	_ =	shalt  }
0x56: {  	_ =	shalt  }
0x57: {  	_ =	shalt  }
0x58: {  	_ =	shalt  }
0x59: {  	_ =	shalt  }
0x5a: {  	_ =	shalt  }
0x5b: {  	_ =	shalt  }
0x5c: {  	_ =	shalt  }
0x5d: {  	_ =	shalt  }
0x5e: {  	_ =	shalt  }
0x5f: {  	_ =	shalt  }
0x60: {  	_ =	shalt  }
0x61: {  	_ =	shalt  }
0x62: {  	_ =	shalt  }
0x63: {  	_ =	shalt  }
0x64: {  	_ =	shalt  }
0x65: {  	_ =	shalt  }
0x66: {  	_ =	shalt  }
0x67: {  	_ =	shalt  }
0x68: {  	_ =	shalt  }
0x69: {  	_ =	shalt  }
0x6a: {  	_ =	shalt  }
0x6b: {  	_ =	shalt  }
0x6c: {  	_ =	shalt  }
0x6d: {  	_ =	shalt  }
0x6e: {  	_ =	shalt  }
0x6f: {  	_ =	shalt  }
0x70: {  	_ =	shalt  }
0x71: {  	_ =	shalt  }
0x72: {  	_ =	shalt  }
0x73: {  	_ =	shalt  }
0x74: {  	_ =	shalt  }
0x75: {  	_ =	shalt  }
0x76: {  	_ =	shalt  }
0x77: {  	_ =	shalt  }
0x78: {  	_ =	shalt  }
0x79: {  	_ =	shalt  }
0x7a: {  	_ =	shalt  }
0x7b: {  	_ =	shalt  }
0x7c: {  	_ =	shalt  }
0x7d: {  	_ =	shalt  }
0x7e: {  	_ =	shalt  }
0x7f: {  	_ =	shalt  }
0x80: {  	_ =	shalt  }
0x81: {  	_ =	shalt  }
0x82: {  	_ =	shalt  }
0x83: {  	_ =	shalt  }
0x84: {  	_ =	shalt  }
0x85: {  	_ =	shalt  }
0x86: {  	_ =	shalt  }
0x87: {  	_ =	shalt  }
.Lfunc_end0:
.L_simem_size_0:
called_computation.1_lowered:
.L_overlay_start_0:
0x88: {  	s2 =	sld [smem:$0x3FD9]  }
0x89: {  	s3 =	sld [smem:$0x3FFE];
	_ =	sdelay $0x1  }
0x8a: {  	s1 =	srdreg.scid  }
0x8b: {  	s0 =	sand.u32 $0x1, s1  }
0x8c: {  	s17 =	sshll.u32 s0, $0xA;
	s2 =	sadd.s32 s3, s2  }
0x8d: {  	s2 =	sadd.s32 s2, s17  }
0x8e: {  	[smem:$0x3FBD] =	sst s2  }
0x8f: {  	_ = 	snop  }
0x90: {  	s2 =	sld [smem:$0x3FD0];
	(tm) =	ssettm $0x1  }
0x91: {  	s18 =	sld [smem:$0x3FFB];
	_ =	sdelay $0x3  }
0x92: {  	_ =	strace s18  }
0x93: {  	s3 =	sld [smem:$0x3FFC];
	_ =	sdelay $0x3  }
0x94: {  	_ =	strace s3  }
0x95: {  	s3 =	sld [smem:$0x3FFD];
	_ =	sdelay $0x3  }
0x96: {  	_ =	strace s3  }
0x97: {  	_ =	strace $0x8FFFFFFF  }
0x98: {  	s19 =	sld [smem:$0x3FDB];
	_ =	sdelay $0x1  }
0x99: {  	s4 =	simm.s32 $_scs_section_size  }
0x9a: {  	s5 =	simm.s32 $_size__tile_overlayer_lowered;
	s6 =	simm.s32 $_tile_overlayer_lowered  }
0x9b: {  	s22 =	simm.s32 $0x1BFF;
	s21 =	sshll.u32 s6, $0x1;
	s3 =	sadd.s32 s4, s19  }
0x9c: {  	s7 =	simm.s32 $0x0;
	s20 =	sshll.u32 s5, $0x1;
	s5 =	sadd.s32 s21, s3  }
0x9d: {  	[timem:s7], [sflag:s22] =	dma.local [hbm:s5], s20  }
0x9e: {  	_ =	swait.ge [sflag:s22], s20  }
0x9f: {  	s4 =	ssub.s32 $0x0, s20;
	[sflag:s22] =	ssyncset.done $0x0  }
0xa0: {  	[sflag:s22] =	ssyncadd.s32 s4;
	_ =	sdelay $0x1  }
0xa1: {  	s23 =	simm.s32 $0x1B8B  }
0xa2: {  	_ =	swait.ge [sflag:s23], $0x1  }
0xa3: {  	[sflag:s23] =	ssyncset.done $0x0  }
0xa4: {  	s25 =	simm.s32 $0x1B8E;
	s24 =	sld [smem:$0x3FFE];
	[sflag:s23] =	ssyncadd.s32 $0xFFFFFFFF  }
0xa5: {  	s26 =	simm.s32 $execute0_lowered;
	[smem:$0x3FD2] =	sst s25  }
0xa6: {  	s5 =	sshll.u32 s26, $0x1;
	_ =	strace $0x80000049;
	[dreg:$0x1] =	wrdreg $0xFFFFFFFF  }
0xa7: {  	s28 =	simm.s32 $_size_execute0_lowered;
	s3 =	sadd.s32 s3, s5;
	[dreg:$0x0] =	wrdreg $0x0  }
0xa8: {  	s5 =	sshll.u32 s28, $0x1;
	[dreg:$0x2] =	wrdreg s3  }
0xa9: {  	[dreg:$0x3] =	wrdreg s5  }
0xaa: {  	[dreg:$0x4] =	wrdreg $0xC0  }
0xab: {  	_ =	task [dreg:s7], $0x5FFFF  }
0xac: {  	[dreg:$0x1] =	wrdreg $0xFFFFFFFF  }
0xad: {  	[dreg:$0x0] =	wrdreg $0x60  }
0xae: {  	[dreg:$0x2] =	wrdreg s24  }
0xaf: {  	[dreg:$0x3] =	wrdreg s2  }
0xb0: {  	[dreg:$0x4] =	wrdreg $0xB0000  }
0xb1: {  	[dreg:$0x5] =	wrdreg $0x9  }
0xb2: {  	_ =	task.clear_ibuf [dreg:s7], $0x6FFFF;
	_ =	strace $0x90000049  }
0xb3: {  	s29 =	simm.s32 $0x9;
	_ =	strace $0x8000004B  }
0xb4: {  	_ =	swait.ge [sflag:s29], $0x1  }
0xb5: {  	[sflag:s29] =	ssyncadd.s32 $0xFFFFFFFF  }
0xb6: {  	_ =	strace $0x9000004B  }
0xb7: {  	_ =	sfence  }
0xb8: {  	s30 =	sld [smem:$0x0];
	_ =	sdelay $0x2  }
0xb9: {  	s31 =	sshll.u32 s1, $0xD;
	s1 =	sshrl.u32 s1, $0x2  }
0xba: {  	s3 =	sand.u32 $0x4000, s31;
	s1 =	sadd.s32 s1, s30  }
0xbb: {  	s0 =	sor.u32 s3, s0;
	s1 =	sshll.u32 s1, $0x11  }
0xbc: {  	s0 =	sor.u32 s1, s0  }
0xbd: {  	s0 =	sadd.s32 $0x8F2B, s0  }
0xbe: {  	[sflag:s0] =	ssyncadd.remote.s32 $0x1  }
0xbf: {  	_ =	sfence.sel $0xFFFF  }
0xc0: {  	[dreg:$0x0] =	wrdreg $0xFFFFFFFF;
	(pc) =	sbr.abs _section_cstart, $3  }
0xc1: {  	[dreg:$0x1] =	wrdreg $0xFFFFFFFF  }
0xc2: {  	_ =	task.clear_ibuf [dreg:s7], $0x2FFFF;
	_ =	strace $0x9FFFFFFF  }
0xc3: {  	(tm) =	ssettm $0x7FFFFFFF  }
tec
execute0_lowered:
.L_overlay_start_1:
0x0: {  	(tag) =	ssettag $0x1  }
0x1: {  	s0 =	rddreg [dreg:$0x0];
	s2 =	srdreg.scid  }
0x2: {  	s1 =	rddreg [dreg:$0x1];
	s4 =	stileid.u32;
	s2 =	sand.u32 $0x1, s2  }
0x3: {  	s23 =	sshll.u32 s4, $0x1;
	s10 =	sor.u32 $0x10, s4;
	s11 =	smul.u32 $0x2800, s4  }
0x4: {  	s7 =	sor.u32 s2, s23;
	s24 =	ssub.s32 $0x2, s2;
	s2 =	smul.u32 $0x138800, s2  }
0x5: {  	s3 =	rddreg [dreg:$0x2];
	s17 =	sor.u32 $0x30, s4;
	s12 =	smul.u32 $0x2800, s10  }
0x6: {  	s5 =	simm.s32 $0x0;
	s18 =	sor.u32 $0x40, s4;
	s14 =	smul.u32 $0x2800, s17  }
0x7: {  	s28 =	simm.s32 $0x1;
	s19 =	sor.u32 $0x50, s4;
	s15 =	smul.u32 $0x2800, s18  }
0x8: {  	s29 =	simm.s32 $0x50;
	s20 =	sor.u32 $0x60, s4;
	s25 =	smul.u32 $0x2800, s19  }
0x9: {  	s31 =	simm.s32 $0x8800;
	s21 =	sor.u32 $0x70, s4;
	s22 =	smul.u32 $0x2800, s20  }
0xa: {  	s30 =	simm.s32 $0x0;
	[smem:$0x7FF] =	sst s5;
	s23 =	smul.u32 $0x2800, s21  }
0xb: {  	s5 =	sadd.s32 $0x17A600, s0;
	s6 =	sadd.s32 $0x1C00, s0;
	s10 =	smul.u32 $0xA000, s10  }
0xc: {  	s8 =	sadd.s32 $0x1AC00, s0;
	p0 =	sgt.u32 s4, $0xC;
	s20 =	smul.u32 $0xA000, s20  }
0xd: {  	_ =	strace $0x8000004A;
	s7 =	smul.u32 $0x6400, s7;
	s9 =	sshrl.u32 s24, $0x1  }
0xe: {  	s0 =	ssub.s32 s24, s9;
	s9 =	sor.u32 $0x20, s4;
	s11 =	sadd.s32 s11, s2  }
0xf: {  	s12 =	sadd.s32 s2, s12;
	s14 =	sadd.s32 s2, s14;
	s15 =	sadd.s32 s2, s15  }
0x10: {  	s22 =	sadd.s32 s2, s22;
	s16 =	sshrl.u32 s7, $0x3;
	s13 =	smul.u32 $0x2800, s9  }
0x11: {  	s7 =	sadd.s32 $0x400, s7;
	s24 =	sshrl.u32 s15, $0x3;
	s15 =	smul.u32 $0xA000, s17  }
0x12: {  	s11 =	sshrl.u32 s11, $0x3;
	s26 =	sshrl.u32 s12, $0x3;
	s17 =	smul.u32 $0xA000, s18  }
0x13: {  	s18 =	smul.u32 $0xA000, s19;
	s0 =	smax.u32 s0, $0x1;
	[dreg:$0x4] =	wrdreg s7  }
0x14: {  	s7 =	sadd.s32 s2, s25;
	s11 =	sadd.s32 s8, s11;
	s25 =	sshrl.u32 s22, $0x3  }
0x15: {  	[dreg:$0x11] =	wrdreg s0;
	s0 =	simm.s32 $0x6;
	s13 =	sadd.s32 s2, s13  }
0x16: {  	s2 =	sadd.s32 s2, s23;
	s23 =	smul.u32 $0xA000, s4;
	[dreg:$0x5] =	wrdreg s11  }
0x17: {  	s11 =	sadd.s32 s8, s26;
	s7 =	sshrl.u32 s7, $0x3;
	s26 =	sadd.s32 s8, s25  }
0x18: {  	s19 =	sshrl.u32 s15, $0x2;
	s22 =	sshrl.u32 s17, $0x2;
	[dreg:$0x6] =	wrdreg s11  }
0x19: {  	s12 =	sshrl.u32 s13, $0x3;
	s7 =	sadd.s32 s8, s7;
	[dreg:$0xb] =	wrdreg s26  }
0x1a: {  	s13 =	sshrl.u32 s14, $0x3;
	s11 =	sadd.s32 s8, s12;
	[dreg:$0xa] =	wrdreg s7  }
0x1b: {  	s2 =	sshrl.u32 s2, $0x3;
	s14 =	sadd.s32 s8, s13;
	[dreg:$0x7] =	wrdreg s11  }
0x1c: {  	s25 =	sshrl.u32 s20, $0x2;
	s2 =	sadd.s32 s8, s2;
	[dreg:$0x8] =	wrdreg s14  }
0x1d: {  	s15 =	sadd.s32 s25, s3;
	s13 =	sadd.s32 s6, s16;
	[dreg:$0xc] =	wrdreg s2  }
0x1e: {  	s12 =	smul.u32 $0xA000, s9;
	s11 =	sadd.s32 s8, s24;
	[dreg:$0xe] =	wrdreg s13  }
0x1f: {  	s14 =	sshrl.u32 s23, $0x2;
	s13 =	sadd.s32 s19, s3;
	s23 =	smul.u32 $0xA000, s21  }
0x20: {  	s24 =	sshrl.u32 s18, $0x2;
	[dreg:$0x9] =	wrdreg s11;
	s11 =	sadd.s32 s1, s16  }
0x21: {  	s16 =	sshrl.u32 s10, $0x2;
	s2 =	sshrl.u32 s12, $0x2;
	s8 =	sadd.s32 s24, s3  }
0x22: {  	[dreg:$0xd] =	wrdreg s11;
	s11 =	sadd.s32 s14, s3;
	s10 =	sadd.s32 s16, s3  }
0x23: {  	s12 =	sadd.s32 s2, s3;
	s26 =	sshrl.u32 s23, $0x2;
	[dreg:$0xf] =	wrdreg s11  }
0x24: {  	v0 =	vimm.f32 $0.0e+00;
	s14 =	sadd.s32 s22, s3;
	s9 =	sadd.s32 s26, s3;
	[dreg:$0x10] =	wrdreg s10  }
.LBB2_1:
0x25: {  	s2 =	simm.s32 $0x0;
	s4 =	rddreg [dreg:$0xd]  }
0x26: {  	[tilespmem:s2], [sflag:$0x1] =	stream.linear.gather [hbm4b:s4+s2], $0x280, $0x38;
	[tilespmem:$0x1E880] =	vst v63  }
0x27: {  	s21 =	rddreg [dreg:$0xe];
	s7 =	simm.s32 $0x800  }
0x28: {  	[tilespmem:s7], [sflag:$0x1] =	stream.linear.gather [hbm4b:s21+s2], $0x280, $0x38;
	[tilespmem:$0x1E880] =	vst v63  }
0x29: {  	_ =	swait.ge [sflag:s28], $0x280  }
0x2a: {  	[sflag:s28] =	ssyncset.done $0x0  }
0x2b: {  	[sflag:s28] =	ssyncadd.s32 $0xFFFFFD80  }
0x2c: {  	_ =	swait.ge [sflag:s28], $0x280  }
0x2d: {  	[sflag:s28] =	ssyncset.done $0x0  }
0x2e: {  	s22 =	simm.s32 $0x1000;
	[sflag:s28] =	ssyncadd.s32 $0xFFFFFD80  }
0x2f: {  	[tilespmem:s22], [sflag:$0x2] =	stream.indirect.gather [hbm4b:s5+s29], $0x80, s2, s29, $0xb8;
	[tilespmem:$0x1E880] =	vst v63  }
0x30: {  	s23 =	simm.s32 $0x80;
	s24 =	simm.s32 $0x3800;
	s25 =	simm.s32 $0x100  }
0x31: {  	[tilespmem:s24], [sflag:$0x3] =	stream.indirect.gather [hbm4b:s5+s29], $0x80, s23, s29, $0xb8;
	[tilespmem:$0x1E880] =	vst v63  }
0x32: {  	s26 =	simm.s32 $0x6000;
	s7 =	simm.s32 $0x200;
	s2 =	simm.s32 $0x0  }
0x33: {  	[tilespmem:s26], [sflag:$0x4] =	stream.indirect.gather [hbm4b:s5+s29], $0x80, s25, s29, $0xb8;
	[tilespmem:$0x1E880] =	vst v63  }
.LBB2_2:
0x34: {  	p1 =	sne.s32 s7, $0x9E00;
	[tilespmem:s2+$0x8870] =	vst v0  }
0x35: {  	[tilespmem:s2+$0x8800] =	vst v0  }
0x36: {  	[tilespmem:s2+$0x8810] =	vst v0  }
.Ltmp0:
0x37: {  	[tilespmem:s2+$0x8820] =	vst v0;
	(pc) =	sbr.rel @p1 .LBB2_2-.Ltmp0, $4  }
0x38: {  	[tilespmem:s2+$0x8830] =	vst v0  }
0x39: {  	[tilespmem:s2+$0x8840] =	vst v0  }
0x3a: {  	[tilespmem:s2+$0x8850] =	vst v0  }
0x3b: {  	[tilespmem:s2+$0x8860] =	vst v0;
	s2 =	sshra.s32 s7, $0x2;
	s7 =	sadd.s32 $0x200, s7  }
0x3c: {  	[tilespmem:s2+$0x8870] =	vst v0  }
0x3d: {  	[tilespmem:s2+$0x8800] =	vst v0  }
0x3e: {  	[tilespmem:s2+$0x8810] =	vst v0  }
0x3f: {  	[tilespmem:s2+$0x8820] =	vst v0  }
0x40: {  	[tilespmem:s2+$0x8830] =	vst v0  }
0x41: {  	[tilespmem:s2+$0x8840] =	vst v0  }
0x42: {  	[tilespmem:s2+$0x8850] =	vst v0  }
0x43: {  	[tilespmem:s2+$0x8860] =	vst v0  }
0x44: {  	[spmem:s11] =	stream.linear.scatter [tilespmem:s31], [sflag:$0x6], $0x2800, $0x38;
	[tilespmem:$0x1E880] =	vst v63  }
0x45: {  	_ =	swait.ge [sflag:s0], $0x2800  }
0x46: {  	[sflag:s0] =	ssyncset.done $0x0  }
0x47: {  	[sflag:s0] =	ssyncadd.s32 $0xFFFFD800  }
0x48: {  	[spmem:s10] =	stream.linear.scatter [tilespmem:s31], [sflag:$0x6], $0x2800, $0x38;
	[tilespmem:$0x1E880] =	vst v63  }
0x49: {  	_ =	swait.ge [sflag:s0], $0x2800  }
0x4a: {  	[sflag:s0] =	ssyncset.done $0x0  }
0x4b: {  	[sflag:s0] =	ssyncadd.s32 $0xFFFFD800  }
0x4c: {  	[spmem:s12] =	stream.linear.scatter [tilespmem:s31], [sflag:$0x6], $0x2800, $0x38;
	[tilespmem:$0x1E880] =	vst v63  }
0x4d: {  	_ =	swait.ge [sflag:s0], $0x2800  }
0x4e: {  	[sflag:s0] =	ssyncset.done $0x0  }
0x4f: {  	[sflag:s0] =	ssyncadd.s32 $0xFFFFD800  }
0x50: {  	[spmem:s13] =	stream.linear.scatter [tilespmem:s31], [sflag:$0x6], $0x2800, $0x38;
	[tilespmem:$0x1E880] =	vst v63  }
0x51: {  	_ =	swait.ge [sflag:s0], $0x2800  }
0x52: {  	[sflag:s0] =	ssyncset.done $0x0  }
0x53: {  	[sflag:s0] =	ssyncadd.s32 $0xFFFFD800  }
0x54: {  	[spmem:s14] =	stream.linear.scatter [tilespmem:s31], [sflag:$0x6], $0x2800, $0x38;
	[tilespmem:$0x1E880] =	vst v63  }
0x55: {  	_ =	swait.ge [sflag:s0], $0x2800  }
0x56: {  	[sflag:s0] =	ssyncset.done $0x0  }
0x57: {  	[sflag:s0] =	ssyncadd.s32 $0xFFFFD800  }
0x58: {  	[spmem:s8] =	stream.linear.scatter [tilespmem:s31], [sflag:$0x6], $0x2800, $0x38;
	[tilespmem:$0x1E880] =	vst v63  }
0x59: {  	_ =	swait.ge [sflag:s0], $0x2800  }
0x5a: {  	s21 =	smov.u32 s12;
	[sflag:s0] =	ssyncset.done $0x0  }
0x5b: {  	s22 =	smov.u32 s13;
	s23 =	smov.u32 s14;
	[sflag:s0] =	ssyncadd.s32 $0xFFFFD800  }
0x5c: {  	[spmem:s15] =	stream.linear.scatter [tilespmem:s31], [sflag:$0x6], $0x2800, $0x38;
	[tilespmem:$0x1E880] =	vst v63  }
0x5d: {  	s24 =	smov.u32 s8;
	s19 =	smov.u32 s15;
	_ =	swait.ge [sflag:s0], $0x2800  }
0x5e: {  	s2 =	simm.s32 @!p0 $0x8800;
	s7 =	simm.s32 $0x0;
	[sflag:s0] =	ssyncset.done $0x0  }
0x5f: {  	s14 =	smul.u32 $0xCD, s7;
	s8 =	simm.s32 @!p0 $0x6;
	[sflag:s0] =	ssyncadd.s32 $0xFFFFD800  }
0x60: {  	[spmem:s9] =	stream.linear.scatter @!p0 [tilespmem:s2], [sflag:$0x6], $0x2800, $0x38;
	[tilespmem:$0x1E880] =	vst v63  }
0x61: {  	s20 =	smov.u32 s9;
	s2 =	sshrl.u32 s14, $0xA;
	_ =	swait.ge @!p0 [sflag:s8], $0x2800  }
0x62: {  	s4 =	simm.s32 $0x180;
	s9 =	sand.u32 $0x3F, s2;
	[sflag:s8] =	ssyncset.done @!p0 $0x0  }
0x63: {  	p1 =	por $0x0, $0x0;
	s15 =	smul.u32 $0x5, s9;
	[sflag:s8] =	ssyncadd.s32 @!p0 $0xFFFFD800  }
0x64: {  	[tilespmem:s31], [sflag:$0x5] =	stream.indirect.gather [hbm4b:s5+s29], $0x80, s4, s29, $0xb8;
	[tilespmem:$0x1E880] =	vst v63  }
0x65: {  	s26 =	simm.s32 $0x1;
	s17 =	sand.u32 $0x3, s7;
	s8 =	ssub.s32 $0x0, s15  }
0x66: {  	s18 =	smul.u32 $0xCD, s26;
	[bflag:$0x0] =	sbarrier.arrive $0xFFFF;
	s10 =	sand.u32 @!p1 $0xFF, s8  }
0x67: {  	s8 =	sand.u32 $0xFF, s8;
	p2 =	sne.s32 @!p1 s10, $0x0;
	s10 =	sand.u32 $0x1, s2  }
0x68: {  	s11 =	rddreg [dreg:$0x4];
	s8 =	sshll.u32 s8, $0x7;
	p2 =	por p2, p1  }
0x69: {  	p1 =	por $0x0, $0x0;
	s12 =	sshll.u32 @!p2 s10, $0xA;
	s9 =	sshll.u32 @!p2 s9, $0xA  }
0x6a: {  	s10 =	sshll.u32 s10, $0xA;
	s13 =	sxor.u32 @!p2 $0x400, s12;
	s9 =	sadd.s32 @!p2 s9, s11  }
0x6b: {  	s8 =	sadd.s32 s8, s10;
	s10 =	simm.s32 @!p1 $0x4;
	s9 =	sshrl.u32 @!p2 s9, $0x3  }
0x6c: {  	s11 =	simm.s32 @!p2 $0x0;
	s10 =	sand.u32 @!p1 $0xFF, s10;
	s14 =	sadd.s32 @!p2 s6, s9  }
0x6d: {  	s9 =	sadd.s32 @!p2 s1, s9;
	s10 =	smul.u32 @!p1 $0xCD, s10;
	p1 =	por p1, p1  }
0x6e: {  	[tilespmem:s13], [sflag:$0x1] =	stream.linear.gather @!p2 [hbm4b:s9+s11], $0x280, $0x38;
	[tilespmem:$0x1E880] =	vst v63  }
0x6f: {  	s7 =	sadd.s32 $0x2, s17;
	s16 =	sadd.s32 $0x800, s8;
	s8 =	sshrl.u32 @!p1 s10, $0xA  }
0x70: {  	s2 =	simm.s32 $0x2;
	s12 =	sxor.u32 @!p2 $0xC00, s12;
	s13 =	smul.u32 @!p1 $0x5, s8  }
0x71: {  	[tilespmem:s12], [sflag:$0x1] =	stream.linear.gather @!p2 [hbm4b:s14+s11], $0x280, $0x38;
	[tilespmem:$0x1E880] =	vst v63  }
0x72: {  	s10 =	smul.u32 $0xA000, s17;
	s8 =	sshll.u32 @!p1 s8, $0xA;
	s11 =	sshrl.u32 s18, $0xA  }
0x73: {  	s12 =	sand.u32 @!p1 $0x400, s8;
	_ =	swait.ge [sflag:s7], $0x2800;
	s8 =	ssub.s32 @!p1 $0x4, s13  }
0x74: {  	s25 =	sshrl.u32 s10, $0x2;
	[sflag:s7] =	ssyncset.done $0x0;
	s13 =	sand.u32 @!p1 $0xFF, s8  }
0x75: {  	[sflag:s7] =	ssyncadd.s32 $0xFFFFD800;
	s8 =	sadd.s32 $0x1000, s25;
	s10 =	sshll.u32 @!p1 s13, $0x7  }
0x76: {  	[spmem:s3] =	stream.indirect.scatter.add.f32 [tilespmem:s8], [sflag:$0x6], $0x80, s16, s29, $0xb8;
	[tilespmem:$0x1E880] =	vst v63  }
0x77: {  	p2 =	sne.s32 @!p1 s13, $0x0;
	_ =	swait.ge [sflag:s0], $0x2800;
	s9 =	sadd.s32 @!p1 s10, s12  }
0x78: {  	s12 =	sand.u32 $0x3F, s11;
	p2 =	por p2, p1;
	[sflag:s0] =	ssyncset.done $0x0  }
.LBB2_4:
0x79: {  	s13 =	smul.u32 $0x5, s12  }
0x7a: {  	[sflag:s0] =	ssyncadd.s32 $0xFFFFD800;
	s14 =	simm.s32 @!p2 $0x1;
	s10 =	smov.u32 s2  }
0x7b: {  	s2 =	sadd.s32 $0x1, s2;
	s15 =	simm.s32 @!p1 $0x50;
	p3 =	sgt.u32 s26, $0x77  }
0x7c: {  	s11 =	sand.u32 $0x1, s11;
	_ =	swait.ge @!p2 [sflag:s14], $0x280;
	s13 =	ssub.s32 s26, s13  }
0x7d: {  	[sflag:s14] =	ssyncset.done @!p2 $0x0;
	s16 =	sand.u32 $0xFF, s13;
	s13 =	sand.u32 @!p3 $0xFF, s13  }
0x7e: {  	p5 =	sgt.u32 s26, $0x78;
	[sflag:s14] =	ssyncadd.s32 @!p2 $0xFFFFFD80;
	p4 =	sne.s32 @!p3 s13, $0x0  }
0x7f: {  	s18 =	sshll.u32 s16, $0x7;
	_ =	swait.ge @!p2 [sflag:s14], $0x280;
	p4 =	por p4, p3  }
0x80: {  	s16 =	rddreg [dreg:$0x4];
	[sflag:s14] =	ssyncset.done @!p2 $0x0;
	p3 =	sne.s32 s2, $0x7D  }
0x81: {  	s12 =	sshll.u32 @!p4 s12, $0xA;
	s25 =	sshll.u32 @!p4 s11, $0xA;
	s11 =	sshll.u32 s11, $0xA  }
0x82: {  	s13 =	simm.s32 @!p4 $0x0;
	[sflag:s14] =	ssyncadd.s32 @!p2 $0xFFFFFD80;
	s14 =	sand.u32 $0x3, s26  }
0x83: {  	s4 =	sxor.u32 @!p4 $0x400, s25;
	s25 =	sxor.u32 @!p4 $0xC00, s25;
	s12 =	sadd.s32 @!p4 s12, s16  }
0x84: {  	[tilespmem:s8], [sflag:s7] =	stream.indirect.gather @!p1 [hbm4b:s5+s15], $0x80, s9, s15, $0xb8;
	[tilespmem:$0x1E880] =	vst v63  }
0x85: {  	s11 =	sadd.s32 s18, s11;
	s16 =	sadd.s32 @!p5 $0x4, s26;
	p1 =	por p5, p5  }
0x86: {  	s15 =	smul.u32 $0xA000, s14;
	s12 =	sshrl.u32 @!p4 s12, $0x3;
	s18 =	sand.u32 @!p5 $0xFF, s16  }
0x87: {  	s17 =	sadd.s32 @!p4 s6, s12;
	s12 =	sadd.s32 @!p4 s1, s12;
	s7 =	smul.u32 @!p5 $0xCD, s18  }
0x88: {  	[tilespmem:s4], [sflag:$0x1] =	stream.linear.gather @!p4 [hbm4b:s12+s13], $0x280, $0x38;
	[tilespmem:$0x1E880] =	vst v63  }
0x89: {  	s26 =	smov.u32 s10;
	s18 =	smul.u32 $0xCD, s10;
	s7 =	sshrl.u32 @!p1 s7, $0xA  }
0x8a: {  	s4 =	sadd.s32 $0x800, s11;
	s9 =	smul.u32 @!p1 $0x5, s7;
	s11 =	sshll.u32 @!p1 s7, $0xA  }
0x8b: {  	[tilespmem:s25], [sflag:$0x1] =	stream.linear.gather @!p4 [hbm4b:s17+s13], $0x280, $0x38;
	[tilespmem:$0x1E880] =	vst v63  }
0x8c: {  	s7 =	sadd.s32 $0x2, s14;
	s25 =	sshrl.u32 s15, $0x2;
	s14 =	sand.u32 @!p1 $0x400, s11  }
0x8d: {  	_ =	swait.ge [sflag:s7], $0x2800;
	s11 =	sshrl.u32 s18, $0xA;
	s8 =	ssub.s32 @!p1 s16, s9  }
.Ltmp1:
0x8e: {  	[sflag:s7] =	ssyncset.done $0x0;
	s12 =	sand.u32 $0x3F, s11;
	(pc) =	sbr.rel @p3 .LBB2_4-.Ltmp1, $4  }
0x8f: {  	s9 =	sand.u32 @!p1 $0xFF, s8;
	[sflag:s7] =	ssyncadd.s32 $0xFFFFD800;
	s8 =	sadd.s32 $0x1000, s25  }
0x90: {  	[spmem:s3] =	stream.indirect.scatter.add.f32 [tilespmem:s8], [sflag:$0x6], $0x80, s4, s29, $0xb8;
	[tilespmem:$0x1E880] =	vst v63  }
0x91: {  	p2 =	sne.s32 @!p1 s9, $0x0;
	s9 =	sshll.u32 @!p1 s9, $0x7;
	_ =	swait.ge [sflag:s0], $0x2800  }
0x92: {  	s9 =	sadd.s32 @!p1 s9, s14;
	p2 =	por p2, p1;
	[sflag:s0] =	ssyncset.done $0x0  }
0x93: {  	s4 =	smul.u32 $0x5, s12  }
0x94: {  	[sflag:s0] =	ssyncadd.s32 $0xFFFFD800;
	s2 =	simm.s32 @!p2 $0x1  }
0x95: {  	p3 =	sgt.u32 s26, $0x77;
	_ =	swait.ge @!p2 [sflag:s2], $0x280;
	s4 =	ssub.s32 s26, s4  }
0x96: {  	[sflag:s2] =	ssyncset.done @!p2 $0x0;
	s10 =	sand.u32 @!p3 $0xFF, s4  }
0x97: {  	[sflag:s2] =	ssyncadd.s32 @!p2 $0xFFFFFD80;
	p4 =	sne.s32 @!p3 s10, $0x0  }
0x98: {  	s11 =	sand.u32 $0x1, s11;
	_ =	swait.ge @!p2 [sflag:s2], $0x280;
	p3 =	por p4, p3  }
0x99: {  	s10 =	rddreg [dreg:$0x4];
	[sflag:s2] =	ssyncset.done @!p2 $0x0;
	s12 =	sshll.u32 @!p3 s12, $0xA  }
0x9a: {  	[sflag:s2] =	ssyncadd.s32 @!p2 $0xFFFFFD80;
	s2 =	simm.s32 @!p1 $0x50;
	s10 =	sadd.s32 @!p3 s12, s10  }
0x9b: {  	[tilespmem:s8], [sflag:s7] =	stream.indirect.gather @!p1 [hbm4b:s5+s2], $0x80, s9, s2, $0xb8;
	[tilespmem:$0x1E880] =	vst v63  }
0x9c: {  	s2 =	sshll.u32 @!p3 s11, $0xA;
	s9 =	simm.s32 @!p3 $0x0;
	s7 =	sshrl.u32 @!p3 s10, $0x3  }
0x9d: {  	p1 =	sgt.u32 s26, $0x78;
	s8 =	sxor.u32 @!p3 $0x400, s2;
	s10 =	sadd.s32 @!p3 s1, s7  }
0x9e: {  	[tilespmem:s8], [sflag:$0x1] =	stream.linear.gather @!p3 [hbm4b:s10+s9], $0x280, $0x38;
	[tilespmem:$0x1E880] =	vst v63  }
0x9f: {  	s2 =	sxor.u32 @!p3 $0xC00, s2;
	s7 =	sadd.s32 @!p3 s6, s7;
	s8 =	sadd.s32 @!p1 $0x4, s26  }
0xa0: {  	[tilespmem:s2], [sflag:$0x1] =	stream.linear.gather @!p3 [hbm4b:s7+s9], $0x280, $0x38;
	[tilespmem:$0x1E880] =	vst v63  }
0xa1: {  	s2 =	sand.u32 @!p1 $0xFF, s8  }
0xa2: {  	s4 =	sand.u32 $0xFF, s4;
	s2 =	smul.u32 @!p1 $0xCD, s2  }
0xa3: {  	s4 =	sshll.u32 s4, $0x7;
	s10 =	sand.u32 $0x3, s26;
	p1 =	por p1, p1  }
0xa4: {  	s12 =	sshll.u32 s11, $0xA;
	s13 =	smul.u32 $0xA000, s10;
	s2 =	sshrl.u32 @!p1 s2, $0xA  }
0xa5: {  	s4 =	sadd.s32 s4, s12;
	s7 =	sadd.s32 $0x2, s10;
	s9 =	smul.u32 @!p1 $0x5, s2  }
0xa6: {  	s4 =	sadd.s32 $0x800, s4;
	_ =	swait.ge [sflag:s7], $0x2800  }
0xa7: {  	s14 =	sshrl.u32 s13, $0x2;
	[sflag:s7] =	ssyncset.done $0x0;
	s8 =	ssub.s32 @!p1 s8, s9  }
0xa8: {  	[sflag:s7] =	ssyncadd.s32 $0xFFFFD800;
	s9 =	sadd.s32 $0x1000, s14;
	s8 =	sand.u32 @!p1 $0xFF, s8  }
0xa9: {  	[spmem:s3] =	stream.indirect.scatter.add.f32 [tilespmem:s9], [sflag:$0x6], $0x80, s4, s29, $0xb8;
	[tilespmem:$0x1E880] =	vst v63  }
0xaa: {  	p2 =	sne.s32 @!p1 s8, $0x0;
	_ =	swait.ge [sflag:s0], $0x2800  }
0xab: {  	[sflag:s0] =	ssyncset.done $0x0;
	p2 =	por p2, p1  }
0xac: {  	[sflag:s0] =	ssyncadd.s32 $0xFFFFD800;
	s4 =	simm.s32 @!p2 $0x1  }
0xad: {  	_ =	swait.ge @!p2 [sflag:s4], $0x280  }
0xae: {  	[sflag:s4] =	ssyncset.done @!p2 $0x0  }
0xaf: {  	[sflag:s4] =	ssyncadd.s32 @!p2 $0xFFFFFD80  }
0xb0: {  	s2 =	sshll.u32 @!p1 s2, $0xA;
	_ =	swait.ge @!p2 [sflag:s4], $0x280  }
0xb1: {  	s2 =	sand.u32 @!p1 $0x400, s2;
	s8 =	sshll.u32 @!p1 s8, $0x7;
	[sflag:s4] =	ssyncset.done @!p2 $0x0  }
0xb2: {  	s2 =	sadd.s32 @!p1 s8, s2;
	[sflag:s4] =	ssyncadd.s32 @!p2 $0xFFFFFD80;
	s4 =	simm.s32 @!p1 $0x50  }
0xb3: {  	[tilespmem:s9], [sflag:s7] =	stream.indirect.gather @!p1 [hbm4b:s5+s4], $0x80, s2, s4, $0xb8;
	[tilespmem:$0x1E880] =	vst v63  }
0xb4: {  	s15 =	stileid.u32;
	[bflag:$0x0] =	sbarrier.arrive $0xFFFF  }
0xb5: {  	s2 =	sshll.u32 s15, $0x6;
	s11 =	rddreg [dreg:$0xf]  }
0xb6: {  	s2 =	sor.u32 $0x1C01, s2;
	s17 =	rddreg [dreg:$0x5];
	s16 =	sshrl.u32 s11, $0x3  }
0xb7: {  	[hbm:s17], [sflag:s2] =	dma.local [spmem:s16], $0x500  }
0xb8: {  	s10 =	rddreg [dreg:$0x10]  }
0xb9: {  	s7 =	rddreg [dreg:$0x6];
	s18 =	sshrl.u32 s10, $0x3  }
0xba: {  	[hbm:s7], [sflag:s2] =	dma.local [spmem:s18], $0x500  }
0xbb: {  	s12 =	smov.u32 s21;
	s21 =	sshrl.u32 s21, $0x3;
	s7 =	rddreg [dreg:$0x7]  }
0xbc: {  	[hbm:s7], [sflag:s2] =	dma.local [spmem:s21], $0x500  }
0xbd: {  	s13 =	smov.u32 s22;
	s22 =	sshrl.u32 s22, $0x3;
	s7 =	rddreg [dreg:$0x8]  }
0xbe: {  	[hbm:s7], [sflag:s2] =	dma.local [spmem:s22], $0x500  }
0xbf: {  	s14 =	smov.u32 s23;
	s23 =	sshrl.u32 s23, $0x3;
	s7 =	rddreg [dreg:$0x9]  }
0xc0: {  	[hbm:s7], [sflag:s2] =	dma.local [spmem:s23], $0x500  }
0xc1: {  	s8 =	smov.u32 s24;
	s24 =	sshrl.u32 s24, $0x3;
	s7 =	rddreg [dreg:$0xa]  }
0xc2: {  	[hbm:s7], [sflag:s2] =	dma.local [spmem:s24], $0x500  }
0xc3: {  	s25 =	sshrl.u32 s19, $0x3;
	s7 =	rddreg [dreg:$0xb]  }
0xc4: {  	[hbm:s7], [sflag:s2] =	dma.local [spmem:s25], $0x500  }
0xc5: {  	s4 =	sshrl.u32 @!p0 s20, $0x3;
	s7 =	rddreg [dreg:$0xc]  }
0xc6: {  	[hbm:s7], [sflag:s2] =	dma.local @!p0 [spmem:s4], $0x500  }
0xc7: {  	_ =	swait.ge [sflag:s28], $0x500  }
0xc8: {  	[sflag:s28] =	ssyncset.done $0x0  }
0xc9: {  	[sflag:s28] =	ssyncadd.s32 $0xFFFFFB00  }
0xca: {  	_ =	swait.ge [sflag:s28], $0x500  }
0xcb: {  	[sflag:s28] =	ssyncset.done $0x0  }
0xcc: {  	[sflag:s28] =	ssyncadd.s32 $0xFFFFFB00  }
0xcd: {  	_ =	swait.ge [sflag:s28], $0x500  }
0xce: {  	[sflag:s28] =	ssyncset.done $0x0  }
0xcf: {  	[sflag:s28] =	ssyncadd.s32 $0xFFFFFB00  }
0xd0: {  	_ =	swait.ge [sflag:s28], $0x500  }
0xd1: {  	[sflag:s28] =	ssyncset.done $0x0  }
0xd2: {  	[sflag:s28] =	ssyncadd.s32 $0xFFFFFB00  }
0xd3: {  	_ =	swait.ge [sflag:s28], $0x500  }
0xd4: {  	[sflag:s28] =	ssyncset.done $0x0  }
0xd5: {  	[sflag:s28] =	ssyncadd.s32 $0xFFFFFB00  }
0xd6: {  	_ =	swait.ge [sflag:s28], $0x500  }
0xd7: {  	[sflag:s28] =	ssyncset.done $0x0  }
0xd8: {  	[sflag:s28] =	ssyncadd.s32 $0xFFFFFB00  }
0xd9: {  	_ =	swait.ge [sflag:s28], $0x500  }
0xda: {  	[sflag:s28] =	ssyncset.done $0x0  }
0xdb: {  	s2 =	simm.s32 @!p0 $0x1;
	[sflag:s28] =	ssyncadd.s32 $0xFFFFFB00  }
0xdc: {  	_ =	swait.ge @!p0 [sflag:s2], $0x500  }
0xdd: {  	s30 =	sadd.s32 $0x1, s30;
	s26 =	rddreg [dreg:$0x11]  }
0xde: {  	p1 =	sne.s32 s30, s26  }
.Ltmp2:
0xdf: {  	_ = 	snop;
	(pc) =	sbr.rel @p1 .LBB2_1-.Ltmp2, $3  }
0xe0: {  	_ =	sdelay $0x1  }
0xe1: {  	[sflag:s2] =	ssyncset.done @!p0 $0x0  }
0xe2: {  	s15 =	smov.u32 s19;
	s9 =	smov.u32 s20;
	[sflag:s2] =	ssyncadd.s32 @!p0 $0xFFFFFB00  }
0xe3: {  	_ =	sfence.sel $0x180000  }
0xe4: {  	[bflag:$0x0] =	sbarrier.arrive $0xFFFF  }
0xe5: {  	_ =	strace $0x9000004A  }
0xe6: {  	s0 =	stileid.u32;
	[bflag:$0x2] =	sbarrier.arrive $0xFFFF  }
0xe7: {  	p0 =	sne.s32 s0, $0x0;
	s0 =	rddreg [dreg:$0x3]  }
0xe8: {  	s0 =	sadd.s32 @!p0 $0x100000, s0  }
0xe9: {  	[sflag:s0] =	ssyncadd.tile.s32 @!p0 $0x1;
	_ =	shalt  }
.Lfunc_end2:
_tile_overlayer_lowered:
.L_overlay_start_2:
0xea: {  	(tag) =	ssettag $0x2  }
0xeb: {  	s0 =	rddreg [dreg:$0x0];
	s2 =	stileid.u32  }
0xec: {  	s1 =	rddreg [dreg:$0x1];
	p0 =	sne.s32 s2, $0x0  }
0xed: {  	s3 =	rddreg [dreg:$0x2];
	[bflag:$0x3] =	sbarrier.arrive $0xFFFF;
	s2 =	simm.s32 @!p0 $0x1C06  }
0xee: {  	[timem:s3], [sflag:s2] =	dma.local @!p0 [hbm:s0], s1  }
0xef: {  	s0 =	simm.s32 @!p0 $0x6  }
0xf0: {  	_ =	swait.ge @!p0 [sflag:s0], s1  }
0xf1: {  	s1 =	ssub.s32 @!p0 $0x0, s1;
	[sflag:s0] =	ssyncset.done @!p0 $0x0  }
0xf2: {  	[sflag:s0] =	ssyncadd.s32 @!p0 s1  }
0xf3: {  	[bflag:$0x3] =	sbarrier.arrive $0xFFFF  }
0xf4: {  	_ =	shalt  }

// kernel: kernel.7.cloned.1.call-start
scs
__scs_entry_jumppad:
0x0: {  	(pc) =	sbr.rel $0x88, $3  }
0x1: {  	(tag) =	ssettag $0x0;
	lr =	simm.s32 $0x1  }
0x2: {  	[smem:$0x3F96] =	sst lr;
	_ =	strace $0xD0000000  }
0x3: {  	_ = 	snop  }
0x4: {  	_ = 	snop  }
0x5: {  	_ = 	snop  }
0x6: {  	_ = 	snop  }
0x7: {  	_ = 	snop  }
__scs_overlays_trampoline_lowered:
0x8: {  	[smem:$0x3FA5] =	sst s0  }
0x9: {  	[smem:$0x3FA6] =	sst s1  }
0xa: {  	[smem:$0x3FA7] =	sst s2  }
0xb: {  	[smem:$0x3FA8] =	sst s3  }
0xc: {  	[smem:$0x3FA9] =	sst s4  }
0xd: {  	[smem:$0x3FAA] =	sst s5  }
0xe: {  	[smem:$0x3FAB] =	sst s6  }
0xf: {  	[smem:$0x3FAC] =	sst s7  }
0x10: {  	[smem:$0x3FAD] =	sst s8  }
0x11: {  	[smem:$0x3FAE] =	sst s9;
	s0 =	simm.s32 @!p0 $0x0  }
0x12: {  	s1 =	sld [smem:$0x3F94];
	s0 =	simm.s32 @p0 $0x1  }
0x13: {  	[smem:$0x3FAF] =	sst s0;
	s0 =	simm.s32 @!p1 $0x0  }
0x14: {  	s2 =	sld [smem:$0x3F93];
	s0 =	simm.s32 @p1 $0x1  }
0x15: {  	[smem:$0x3FB0] =	sst s0;
	s0 =	simm.s32 @!p2 $0x0  }
0x16: {  	s3 =	sld [smem:$0x3FDB];
	s0 =	simm.s32 @p2 $0x1  }
0x17: {  	s4 =	simm.s32 $0x1BF5;
	[smem:$0x3FB2] =	sst s0  }
0x18: {  	s0 =	sld [smem:$0x3F95];
	_ =	swait.ge [sflag:s4], $0x0  }
0x19: {  	s7 =	sld [smem:$0x3F96]  }
0x1a: {  	s8 =	sadd.s32 $0xFFFFE003, lr  }
0x1b: {  	s9 =	sadd.s32 $0xFFFFFEF7, lr;
	s5 =	simm.s32 $0xFFFFFFFF;
	p2 =	slt.u32 s8, $0xFFFFF086  }
0x1c: {  	p1 =	slt.u32 s9, $0xF7A;
	s5 =	simm.s32 @!p2 $0x0  }
0x1d: {  	s5 =	simm.s32 @p1 $0x1;
	p0 =	seq.s32 s7, s2  }
0x1e: {  	s7 =	smul.u32 @!p0 $0xF7A, s2;
	p2 =	seq.s32 @!p0 s5, $0x0  }
0x1f: {  	s9 =	smul.u32 $0xF7A, s1;
	s8 =	simm.s32 @!p0 $0x1BF5;
	p2 =	por !p2, p0  }
0x20: {  	[sflag:s8] =	ssyncset.s32 @!p0 $0xFFFFF086;
	s6 =	sadd.s32 @!p0 s3, s7;
	s7 =	simm.s32 @!p0 $0x108  }
0x21: {  	s3 =	sadd.s32 s3, s9;
	s6 =	sadd.s32 @!p0 $0x88, s6;
	s7 =	simm.s32 @p2 $0x1082  }
0x22: {  	[simem:s7], [sflag:s8] =	dma.local @!p0 [hbm:s6], $0xF7A  }
0x23: {  	s9 =	sor.u32 $0xD0000000, s2;
	s6 =	simm.s32 $0x108;
	_ =	swait.ge @!p0 [sflag:s8], $0x0  }
0x24: {  	s3 =	sadd.s32 $0x88, s3;
	s6 =	simm.s32 @!p1 $0x1082;
	[sflag:s4] =	ssyncset.s32 $0xFFFFF086  }
0x25: {  	[simem:s6], [sflag:s4] =	dma.local [hbm:s3], $0xF7A  }
0x26: {  	[smem:$0x3F96] =	sst s1;
	(tag) =	ssettag s2;
	_ =	strace s9  }
0x27: {  	s1 =	sld [smem:$0x3FA6]  }
0x28: {  	s2 =	sld [smem:$0x3FA7]  }
0x29: {  	s4 =	sld [smem:$0x3FA9]  }
0x2a: {  	p0 =	seq.s32 s5, $0x0;
	s5 =	sld [smem:$0x3FAA]  }
0x2b: {  	s6 =	sld [smem:$0x3FAB]  }
0x2c: {  	s7 =	sld [smem:$0x3FAC]  }
0x2d: {  	s3 =	simm.s32 $0x108;
	s8 =	sld [smem:$0x3FAD]  }
0x2e: {  	s3 =	simm.s32 @!p0 $0x1082;
	s9 =	sld [smem:$0x3FAE]  }
0x2f: {  	lr =	sadd.s32 s0, s3;
	s0 =	sld [smem:$0x3FA5]  }
0x30: {  	s3 =	sld [smem:$0x3FA8]  }
0x31: {  	[smem:$0x3FB1] =	sst s10  }
0x32: {  	s10 =	sld [smem:$0x3FAF];
	_ =	sdelay $0x3  }
0x33: {  	p0 =	seq.s32 s10, $0x1;
	s10 =	sld [smem:$0x3FB1];
	_ =	sdelay $0x3  }
0x34: {  	[smem:$0x3FB1] =	sst s10  }
0x35: {  	s10 =	sld [smem:$0x3FB0];
	_ =	sdelay $0x3  }
0x36: {  	p1 =	seq.s32 s10, $0x1;
	s10 =	sld [smem:$0x3FB1];
	_ =	sdelay $0x3  }
0x37: {  	[smem:$0x3FB1] =	sst s10  }
0x38: {  	s10 =	sld [smem:$0x3FB2]  }
0x39: {  	_ = 	snop;
	(pc) =	sbr.ind lr, $3  }
0x3a: {  	_ = 	snop  }
0x3b: {  	_ = 	snop  }
0x3c: {  	p2 =	seq.s32 s10, $0x1;
	s10 =	sld [smem:$0x3FB1]  }
0x3d: {  	_ =	shalt  }
0x3e: {  	_ =	shalt  }
0x3f: {  	_ =	shalt  }
0x40: {  	_ =	shalt  }
0x41: {  	_ =	shalt  }
0x42: {  	_ =	shalt  }
0x43: {  	_ =	shalt  }
0x44: {  	_ =	shalt  }
0x45: {  	_ =	shalt  }
0x46: {  	_ =	shalt  }
0x47: {  	_ =	shalt  }
0x48: {  	_ =	shalt  }
0x49: {  	_ =	shalt  }
0x4a: {  	_ =	shalt  }
0x4b: {  	_ =	shalt  }
0x4c: {  	_ =	shalt  }
0x4d: {  	_ =	shalt  }
0x4e: {  	_ =	shalt  }
0x4f: {  	_ =	shalt  }
0x50: {  	_ =	shalt  }
0x51: {  	_ =	shalt  }
0x52: {  	_ =	shalt  }
0x53: {  	_ =	shalt  }
0x54: {  	_ =	shalt  }
0x55: {  	_ =	shalt  }
0x56: {  	_ =	shalt  }
0x57: {  	_ =	shalt  }
0x58: {  	_ =	shalt  }
0x59: {  	_ =	shalt  }
0x5a: {  	_ =	shalt  }
0x5b: {  	_ =	shalt  }
0x5c: {  	_ =	shalt  }
0x5d: {  	_ =	shalt  }
0x5e: {  	_ =	shalt  }
0x5f: {  	_ =	shalt  }
0x60: {  	_ =	shalt  }
0x61: {  	_ =	shalt  }
0x62: {  	_ =	shalt  }
0x63: {  	_ =	shalt  }
0x64: {  	_ =	shalt  }
0x65: {  	_ =	shalt  }
0x66: {  	_ =	shalt  }
0x67: {  	_ =	shalt  }
0x68: {  	_ =	shalt  }
0x69: {  	_ =	shalt  }
0x6a: {  	_ =	shalt  }
0x6b: {  	_ =	shalt  }
0x6c: {  	_ =	shalt  }
0x6d: {  	_ =	shalt  }
0x6e: {  	_ =	shalt  }
0x6f: {  	_ =	shalt  }
0x70: {  	_ =	shalt  }
0x71: {  	_ =	shalt  }
0x72: {  	_ =	shalt  }
0x73: {  	_ =	shalt  }
0x74: {  	_ =	shalt  }
0x75: {  	_ =	shalt  }
0x76: {  	_ =	shalt  }
0x77: {  	_ =	shalt  }
0x78: {  	_ =	shalt  }
0x79: {  	_ =	shalt  }
0x7a: {  	_ =	shalt  }
0x7b: {  	_ =	shalt  }
0x7c: {  	_ =	shalt  }
0x7d: {  	_ =	shalt  }
0x7e: {  	_ =	shalt  }
0x7f: {  	_ =	shalt  }
0x80: {  	_ =	shalt  }
0x81: {  	_ =	shalt  }
0x82: {  	_ =	shalt  }
0x83: {  	_ =	shalt  }
0x84: {  	_ =	shalt  }
0x85: {  	_ =	shalt  }
0x86: {  	_ =	shalt  }
0x87: {  	_ =	shalt  }
.Lfunc_end0:
.L_simem_size_0:
called_computation_lowered:
.L_overlay_start_0:
0x88: {  	s2 =	sld [smem:$0x3FD9]  }
0x89: {  	s3 =	sld [smem:$0x3FFE];
	_ =	sdelay $0x1  }
0x8a: {  	s1 =	srdreg.scid  }
0x8b: {  	s0 =	sand.u32 $0x1, s1  }
0x8c: {  	s17 =	sshll.u32 s0, $0xA;
	s2 =	sadd.s32 s3, s2  }
0x8d: {  	s2 =	sadd.s32 s2, s17  }
0x8e: {  	[smem:$0x3FBD] =	sst s2  }
0x8f: {  	_ = 	snop  }
0x90: {  	s2 =	sld [smem:$0x3FD0];
	(tm) =	ssettm $0x1  }
0x91: {  	s18 =	sld [smem:$0x3FFB];
	_ =	sdelay $0x3  }
0x92: {  	_ =	strace s18  }
0x93: {  	s3 =	sld [smem:$0x3FFC];
	_ =	sdelay $0x3  }
0x94: {  	_ =	strace s3  }
0x95: {  	s3 =	sld [smem:$0x3FFD];
	_ =	sdelay $0x3  }
0x96: {  	_ =	strace s3  }
0x97: {  	_ =	strace $0x8FFFFFFF  }
0x98: {  	s19 =	sld [smem:$0x3FDB];
	_ =	sdelay $0x1  }
0x99: {  	s4 =	simm.s32 $_scs_section_size  }
0x9a: {  	s5 =	simm.s32 $_size__tile_overlayer_lowered;
	s6 =	simm.s32 $_tile_overlayer_lowered  }
0x9b: {  	s22 =	simm.s32 $0x1BFF;
	s21 =	sshll.u32 s6, $0x1;
	s3 =	sadd.s32 s4, s19  }
0x9c: {  	s7 =	simm.s32 $0x0;
	s20 =	sshll.u32 s5, $0x1;
	s5 =	sadd.s32 s21, s3  }
0x9d: {  	[timem:s7], [sflag:s22] =	dma.local [hbm:s5], s20  }
0x9e: {  	_ =	swait.ge [sflag:s22], s20  }
0x9f: {  	s4 =	ssub.s32 $0x0, s20;
	[sflag:s22] =	ssyncset.done $0x0  }
0xa0: {  	[sflag:s22] =	ssyncadd.s32 s4;
	_ =	sdelay $0x1  }
0xa1: {  	s23 =	simm.s32 $0x1B8B  }
0xa2: {  	_ =	swait.ge [sflag:s23], $0x1  }
0xa3: {  	[sflag:s23] =	ssyncset.done $0x0  }
0xa4: {  	s25 =	simm.s32 $0x1B8E;
	s24 =	sld [smem:$0x3FFE];
	[sflag:s23] =	ssyncadd.s32 $0xFFFFFFFF  }
0xa5: {  	s26 =	simm.s32 $execute0_lowered;
	[smem:$0x3FD2] =	sst s25  }
0xa6: {  	s5 =	sshll.u32 s26, $0x1;
	_ =	strace $0x80000046;
	[dreg:$0x1] =	wrdreg $0xFFFFFFFF  }
0xa7: {  	s28 =	simm.s32 $_size_execute0_lowered;
	s3 =	sadd.s32 s3, s5;
	[dreg:$0x0] =	wrdreg $0x0  }
0xa8: {  	s5 =	sshll.u32 s28, $0x1;
	[dreg:$0x2] =	wrdreg s3  }
0xa9: {  	[dreg:$0x3] =	wrdreg s5  }
0xaa: {  	[dreg:$0x4] =	wrdreg $0xC0  }
0xab: {  	_ =	task [dreg:s7], $0x5FFFF  }
0xac: {  	[dreg:$0x1] =	wrdreg $0xFFFFFFFF  }
0xad: {  	[dreg:$0x0] =	wrdreg $0x60  }
0xae: {  	[dreg:$0x2] =	wrdreg s24  }
0xaf: {  	[dreg:$0x3] =	wrdreg s2  }
0xb0: {  	[dreg:$0x4] =	wrdreg $0xB0000  }
0xb1: {  	[dreg:$0x5] =	wrdreg $0x9  }
0xb2: {  	_ =	task.clear_ibuf [dreg:s7], $0x6FFFF;
	_ =	strace $0x90000046  }
0xb3: {  	s29 =	simm.s32 $0x9;
	_ =	strace $0x80000048  }
0xb4: {  	_ =	swait.ge [sflag:s29], $0x1  }
0xb5: {  	[sflag:s29] =	ssyncadd.s32 $0xFFFFFFFF  }
0xb6: {  	_ =	strace $0x90000048  }
0xb7: {  	_ =	sfence  }
0xb8: {  	s30 =	sld [smem:$0x0];
	_ =	sdelay $0x2  }
0xb9: {  	s31 =	sshll.u32 s1, $0xD;
	s1 =	sshrl.u32 s1, $0x2  }
0xba: {  	s3 =	sand.u32 $0x4000, s31;
	s1 =	sadd.s32 s1, s30  }
0xbb: {  	s0 =	sor.u32 s3, s0;
	s1 =	sshll.u32 s1, $0x11  }
0xbc: {  	s0 =	sor.u32 s1, s0  }
0xbd: {  	s0 =	sadd.s32 $0x8F2B, s0  }
0xbe: {  	[sflag:s0] =	ssyncadd.remote.s32 $0x1  }
0xbf: {  	_ =	sfence.sel $0xFFFF  }
0xc0: {  	[dreg:$0x0] =	wrdreg $0xFFFFFFFF;
	(pc) =	sbr.abs _section_cstart, $3  }
0xc1: {  	[dreg:$0x1] =	wrdreg $0xFFFFFFFF  }
0xc2: {  	_ =	task.clear_ibuf [dreg:s7], $0x2FFFF;
	_ =	strace $0x9FFFFFFF  }
0xc3: {  	(tm) =	ssettm $0x7FFFFFFF  }
tec
execute0_lowered:
.L_overlay_start_1:
0x0: {  	(tag) =	ssettag $0x1  }
0x1: {  	s0 =	rddreg [dreg:$0x0];
	s2 =	srdreg.scid  }
0x2: {  	s1 =	rddreg [dreg:$0x1];
	s4 =	stileid.u32;
	s2 =	sand.u32 $0x1, s2  }
0x3: {  	s23 =	sshll.u32 s4, $0x1;
	s10 =	sor.u32 $0x10, s4;
	s11 =	smul.u32 $0x2800, s4  }
0x4: {  	s7 =	sor.u32 s2, s23;
	s24 =	ssub.s32 $0x2, s2;
	s2 =	smul.u32 $0x138800, s2  }
0x5: {  	s3 =	rddreg [dreg:$0x2];
	s17 =	sor.u32 $0x30, s4;
	s12 =	smul.u32 $0x2800, s10  }
0x6: {  	s5 =	simm.s32 $0x0;
	s18 =	sor.u32 $0x40, s4;
	s14 =	smul.u32 $0x2800, s17  }
0x7: {  	s28 =	simm.s32 $0x1;
	s19 =	sor.u32 $0x50, s4;
	s15 =	smul.u32 $0x2800, s18  }
0x8: {  	s29 =	simm.s32 $0x50;
	s20 =	sor.u32 $0x60, s4;
	s25 =	smul.u32 $0x2800, s19  }
0x9: {  	s31 =	simm.s32 $0x8800;
	s21 =	sor.u32 $0x70, s4;
	s22 =	smul.u32 $0x2800, s20  }
0xa: {  	s30 =	simm.s32 $0x0;
	[smem:$0x7FF] =	sst s5;
	s23 =	smul.u32 $0x2800, s21  }
0xb: {  	s5 =	sadd.s32 $0x1AC00, s0;
	s6 =	sadd.s32 $0x1C00, s0;
	s10 =	smul.u32 $0xA000, s10  }
0xc: {  	s8 =	sadd.s32 $0x17A600, s0;
	p0 =	sgt.u32 s4, $0xC;
	s20 =	smul.u32 $0xA000, s20  }
0xd: {  	_ =	strace $0x80000047;
	s7 =	smul.u32 $0x6400, s7;
	s9 =	sshrl.u32 s24, $0x1  }
0xe: {  	s0 =	ssub.s32 s24, s9;
	s9 =	sor.u32 $0x20, s4;
	s11 =	sadd.s32 s11, s2  }
0xf: {  	s12 =	sadd.s32 s2, s12;
	s14 =	sadd.s32 s2, s14;
	s15 =	sadd.s32 s2, s15  }
0x10: {  	s22 =	sadd.s32 s2, s22;
	s16 =	sshrl.u32 s7, $0x3;
	s13 =	smul.u32 $0x2800, s9  }
0x11: {  	s7 =	sadd.s32 $0x400, s7;
	s24 =	sshrl.u32 s15, $0x3;
	s15 =	smul.u32 $0xA000, s17  }
0x12: {  	s11 =	sshrl.u32 s11, $0x3;
	s26 =	sshrl.u32 s12, $0x3;
	s17 =	smul.u32 $0xA000, s18  }
0x13: {  	s18 =	smul.u32 $0xA000, s19;
	s0 =	smax.u32 s0, $0x1;
	[dreg:$0x4] =	wrdreg s7  }
0x14: {  	s7 =	sadd.s32 s2, s25;
	s11 =	sadd.s32 s8, s11;
	s25 =	sshrl.u32 s22, $0x3  }
0x15: {  	[dreg:$0x11] =	wrdreg s0;
	s0 =	simm.s32 $0x6;
	s13 =	sadd.s32 s2, s13  }
0x16: {  	s2 =	sadd.s32 s2, s23;
	s23 =	smul.u32 $0xA000, s4;
	[dreg:$0x5] =	wrdreg s11  }
0x17: {  	s11 =	sadd.s32 s8, s26;
	s7 =	sshrl.u32 s7, $0x3;
	s26 =	sadd.s32 s8, s25  }
0x18: {  	s19 =	sshrl.u32 s15, $0x2;
	s22 =	sshrl.u32 s17, $0x2;
	[dreg:$0x6] =	wrdreg s11  }
0x19: {  	s12 =	sshrl.u32 s13, $0x3;
	s7 =	sadd.s32 s8, s7;
	[dreg:$0xb] =	wrdreg s26  }
0x1a: {  	s13 =	sshrl.u32 s14, $0x3;
	s11 =	sadd.s32 s8, s12;
	[dreg:$0xa] =	wrdreg s7  }
0x1b: {  	s2 =	sshrl.u32 s2, $0x3;
	s14 =	sadd.s32 s8, s13;
	[dreg:$0x7] =	wrdreg s11  }
0x1c: {  	s25 =	sshrl.u32 s20, $0x2;
	s2 =	sadd.s32 s8, s2;
	[dreg:$0x8] =	wrdreg s14  }
0x1d: {  	s15 =	sadd.s32 s25, s3;
	s13 =	sadd.s32 s6, s16;
	[dreg:$0xc] =	wrdreg s2  }
0x1e: {  	s12 =	smul.u32 $0xA000, s9;
	s11 =	sadd.s32 s8, s24;
	[dreg:$0xe] =	wrdreg s13  }
0x1f: {  	s14 =	sshrl.u32 s23, $0x2;
	s13 =	sadd.s32 s19, s3;
	s23 =	smul.u32 $0xA000, s21  }
0x20: {  	s24 =	sshrl.u32 s18, $0x2;
	[dreg:$0x9] =	wrdreg s11;
	s11 =	sadd.s32 s1, s16  }
0x21: {  	s16 =	sshrl.u32 s10, $0x2;
	s2 =	sshrl.u32 s12, $0x2;
	s8 =	sadd.s32 s24, s3  }
0x22: {  	[dreg:$0xd] =	wrdreg s11;
	s11 =	sadd.s32 s14, s3;
	s10 =	sadd.s32 s16, s3  }
0x23: {  	s12 =	sadd.s32 s2, s3;
	s26 =	sshrl.u32 s23, $0x2;
	[dreg:$0xf] =	wrdreg s11  }
0x24: {  	v0 =	vimm.f32 $0.0e+00;
	s14 =	sadd.s32 s22, s3;
	s9 =	sadd.s32 s26, s3;
	[dreg:$0x10] =	wrdreg s10  }
.LBB2_1:
0x25: {  	s2 =	simm.s32 $0x0;
	s4 =	rddreg [dreg:$0xd]  }
0x26: {  	[tilespmem:s2], [sflag:$0x1] =	stream.linear.gather [hbm4b:s4+s2], $0x280, $0x38;
	[tilespmem:$0x1E880] =	vst v63  }
0x27: {  	s21 =	rddreg [dreg:$0xe];
	s7 =	simm.s32 $0x800  }
0x28: {  	[tilespmem:s7], [sflag:$0x1] =	stream.linear.gather [hbm4b:s21+s2], $0x280, $0x38;
	[tilespmem:$0x1E880] =	vst v63  }
0x29: {  	_ =	swait.ge [sflag:s28], $0x280  }
0x2a: {  	[sflag:s28] =	ssyncset.done $0x0  }
0x2b: {  	[sflag:s28] =	ssyncadd.s32 $0xFFFFFD80  }
0x2c: {  	_ =	swait.ge [sflag:s28], $0x280  }
0x2d: {  	[sflag:s28] =	ssyncset.done $0x0  }
0x2e: {  	s22 =	simm.s32 $0x1000;
	[sflag:s28] =	ssyncadd.s32 $0xFFFFFD80  }
0x2f: {  	[tilespmem:s22], [sflag:$0x2] =	stream.indirect.gather [hbm4b:s5+s29], $0x80, s2, s29, $0xb8;
	[tilespmem:$0x1E880] =	vst v63  }
0x30: {  	s23 =	simm.s32 $0x80;
	s24 =	simm.s32 $0x3800;
	s25 =	simm.s32 $0x100  }
0x31: {  	[tilespmem:s24], [sflag:$0x3] =	stream.indirect.gather [hbm4b:s5+s29], $0x80, s23, s29, $0xb8;
	[tilespmem:$0x1E880] =	vst v63  }
0x32: {  	s26 =	simm.s32 $0x6000;
	s7 =	simm.s32 $0x200;
	s2 =	simm.s32 $0x0  }
0x33: {  	[tilespmem:s26], [sflag:$0x4] =	stream.indirect.gather [hbm4b:s5+s29], $0x80, s25, s29, $0xb8;
	[tilespmem:$0x1E880] =	vst v63  }
.LBB2_2:
0x34: {  	p1 =	sne.s32 s7, $0x9E00;
	[tilespmem:s2+$0x8870] =	vst v0  }
0x35: {  	[tilespmem:s2+$0x8800] =	vst v0  }
0x36: {  	[tilespmem:s2+$0x8810] =	vst v0  }
.Ltmp0:
0x37: {  	[tilespmem:s2+$0x8820] =	vst v0;
	(pc) =	sbr.rel @p1 .LBB2_2-.Ltmp0, $4  }
0x38: {  	[tilespmem:s2+$0x8830] =	vst v0  }
0x39: {  	[tilespmem:s2+$0x8840] =	vst v0  }
0x3a: {  	[tilespmem:s2+$0x8850] =	vst v0  }
0x3b: {  	[tilespmem:s2+$0x8860] =	vst v0;
	s2 =	sshra.s32 s7, $0x2;
	s7 =	sadd.s32 $0x200, s7  }
0x3c: {  	[tilespmem:s2+$0x8870] =	vst v0  }
0x3d: {  	[tilespmem:s2+$0x8800] =	vst v0  }
0x3e: {  	[tilespmem:s2+$0x8810] =	vst v0  }
0x3f: {  	[tilespmem:s2+$0x8820] =	vst v0  }
0x40: {  	[tilespmem:s2+$0x8830] =	vst v0  }
0x41: {  	[tilespmem:s2+$0x8840] =	vst v0  }
0x42: {  	[tilespmem:s2+$0x8850] =	vst v0  }
0x43: {  	[tilespmem:s2+$0x8860] =	vst v0  }
0x44: {  	[spmem:s11] =	stream.linear.scatter [tilespmem:s31], [sflag:$0x6], $0x2800, $0x38;
	[tilespmem:$0x1E880] =	vst v63  }
0x45: {  	_ =	swait.ge [sflag:s0], $0x2800  }
0x46: {  	[sflag:s0] =	ssyncset.done $0x0  }
0x47: {  	[sflag:s0] =	ssyncadd.s32 $0xFFFFD800  }
0x48: {  	[spmem:s10] =	stream.linear.scatter [tilespmem:s31], [sflag:$0x6], $0x2800, $0x38;
	[tilespmem:$0x1E880] =	vst v63  }
0x49: {  	_ =	swait.ge [sflag:s0], $0x2800  }
0x4a: {  	[sflag:s0] =	ssyncset.done $0x0  }
0x4b: {  	[sflag:s0] =	ssyncadd.s32 $0xFFFFD800  }
0x4c: {  	[spmem:s12] =	stream.linear.scatter [tilespmem:s31], [sflag:$0x6], $0x2800, $0x38;
	[tilespmem:$0x1E880] =	vst v63  }
0x4d: {  	_ =	swait.ge [sflag:s0], $0x2800  }
0x4e: {  	[sflag:s0] =	ssyncset.done $0x0  }
0x4f: {  	[sflag:s0] =	ssyncadd.s32 $0xFFFFD800  }
0x50: {  	[spmem:s13] =	stream.linear.scatter [tilespmem:s31], [sflag:$0x6], $0x2800, $0x38;
	[tilespmem:$0x1E880] =	vst v63  }
0x51: {  	_ =	swait.ge [sflag:s0], $0x2800  }
0x52: {  	[sflag:s0] =	ssyncset.done $0x0  }
0x53: {  	[sflag:s0] =	ssyncadd.s32 $0xFFFFD800  }
0x54: {  	[spmem:s14] =	stream.linear.scatter [tilespmem:s31], [sflag:$0x6], $0x2800, $0x38;
	[tilespmem:$0x1E880] =	vst v63  }
0x55: {  	_ =	swait.ge [sflag:s0], $0x2800  }
0x56: {  	[sflag:s0] =	ssyncset.done $0x0  }
0x57: {  	[sflag:s0] =	ssyncadd.s32 $0xFFFFD800  }
0x58: {  	[spmem:s8] =	stream.linear.scatter [tilespmem:s31], [sflag:$0x6], $0x2800, $0x38;
	[tilespmem:$0x1E880] =	vst v63  }
0x59: {  	_ =	swait.ge [sflag:s0], $0x2800  }
0x5a: {  	s21 =	smov.u32 s12;
	[sflag:s0] =	ssyncset.done $0x0  }
0x5b: {  	s22 =	smov.u32 s13;
	s23 =	smov.u32 s14;
	[sflag:s0] =	ssyncadd.s32 $0xFFFFD800  }
0x5c: {  	[spmem:s15] =	stream.linear.scatter [tilespmem:s31], [sflag:$0x6], $0x2800, $0x38;
	[tilespmem:$0x1E880] =	vst v63  }
0x5d: {  	s24 =	smov.u32 s8;
	s19 =	smov.u32 s15;
	_ =	swait.ge [sflag:s0], $0x2800  }
0x5e: {  	s2 =	simm.s32 @!p0 $0x8800;
	s7 =	simm.s32 $0x0;
	[sflag:s0] =	ssyncset.done $0x0  }
0x5f: {  	s14 =	smul.u32 $0xCD, s7;
	s8 =	simm.s32 @!p0 $0x6;
	[sflag:s0] =	ssyncadd.s32 $0xFFFFD800  }
0x60: {  	[spmem:s9] =	stream.linear.scatter @!p0 [tilespmem:s2], [sflag:$0x6], $0x2800, $0x38;
	[tilespmem:$0x1E880] =	vst v63  }
0x61: {  	s20 =	smov.u32 s9;
	s2 =	sshrl.u32 s14, $0xA;
	_ =	swait.ge @!p0 [sflag:s8], $0x2800  }
0x62: {  	s4 =	simm.s32 $0x180;
	s9 =	sand.u32 $0x3F, s2;
	[sflag:s8] =	ssyncset.done @!p0 $0x0  }
0x63: {  	p1 =	por $0x0, $0x0;
	s15 =	smul.u32 $0x5, s9;
	[sflag:s8] =	ssyncadd.s32 @!p0 $0xFFFFD800  }
0x64: {  	[tilespmem:s31], [sflag:$0x5] =	stream.indirect.gather [hbm4b:s5+s29], $0x80, s4, s29, $0xb8;
	[tilespmem:$0x1E880] =	vst v63  }
0x65: {  	s26 =	simm.s32 $0x1;
	s17 =	sand.u32 $0x3, s7;
	s8 =	ssub.s32 $0x0, s15  }
0x66: {  	s18 =	smul.u32 $0xCD, s26;
	[bflag:$0x0] =	sbarrier.arrive $0xFFFF;
	s10 =	sand.u32 @!p1 $0xFF, s8  }
0x67: {  	s8 =	sand.u32 $0xFF, s8;
	p2 =	sne.s32 @!p1 s10, $0x0;
	s10 =	sand.u32 $0x1, s2  }
0x68: {  	s11 =	rddreg [dreg:$0x4];
	s8 =	sshll.u32 s8, $0x7;
	p2 =	por p2, p1  }
0x69: {  	p1 =	por $0x0, $0x0;
	s12 =	sshll.u32 @!p2 s10, $0xA;
	s9 =	sshll.u32 @!p2 s9, $0xA  }
0x6a: {  	s10 =	sshll.u32 s10, $0xA;
	s13 =	sxor.u32 @!p2 $0x400, s12;
	s9 =	sadd.s32 @!p2 s9, s11  }
0x6b: {  	s8 =	sadd.s32 s8, s10;
	s10 =	simm.s32 @!p1 $0x4;
	s9 =	sshrl.u32 @!p2 s9, $0x3  }
0x6c: {  	s11 =	simm.s32 @!p2 $0x0;
	s10 =	sand.u32 @!p1 $0xFF, s10;
	s14 =	sadd.s32 @!p2 s6, s9  }
0x6d: {  	s9 =	sadd.s32 @!p2 s1, s9;
	s10 =	smul.u32 @!p1 $0xCD, s10;
	p1 =	por p1, p1  }
0x6e: {  	[tilespmem:s13], [sflag:$0x1] =	stream.linear.gather @!p2 [hbm4b:s9+s11], $0x280, $0x38;
	[tilespmem:$0x1E880] =	vst v63  }
0x6f: {  	s7 =	sadd.s32 $0x2, s17;
	s16 =	sadd.s32 $0x800, s8;
	s8 =	sshrl.u32 @!p1 s10, $0xA  }
0x70: {  	s2 =	simm.s32 $0x2;
	s12 =	sxor.u32 @!p2 $0xC00, s12;
	s13 =	smul.u32 @!p1 $0x5, s8  }
0x71: {  	[tilespmem:s12], [sflag:$0x1] =	stream.linear.gather @!p2 [hbm4b:s14+s11], $0x280, $0x38;
	[tilespmem:$0x1E880] =	vst v63  }
0x72: {  	s10 =	smul.u32 $0xA000, s17;
	s8 =	sshll.u32 @!p1 s8, $0xA;
	s11 =	sshrl.u32 s18, $0xA  }
0x73: {  	s12 =	sand.u32 @!p1 $0x400, s8;
	_ =	swait.ge [sflag:s7], $0x2800;
	s8 =	ssub.s32 @!p1 $0x4, s13  }
0x74: {  	s25 =	sshrl.u32 s10, $0x2;
	[sflag:s7] =	ssyncset.done $0x0;
	s13 =	sand.u32 @!p1 $0xFF, s8  }
0x75: {  	[sflag:s7] =	ssyncadd.s32 $0xFFFFD800;
	s8 =	sadd.s32 $0x1000, s25;
	s10 =	sshll.u32 @!p1 s13, $0x7  }
0x76: {  	[spmem:s3] =	stream.indirect.scatter.add.f32 [tilespmem:s8], [sflag:$0x6], $0x80, s16, s29, $0xb8;
	[tilespmem:$0x1E880] =	vst v63  }
0x77: {  	p2 =	sne.s32 @!p1 s13, $0x0;
	_ =	swait.ge [sflag:s0], $0x2800;
	s9 =	sadd.s32 @!p1 s10, s12  }
0x78: {  	s12 =	sand.u32 $0x3F, s11;
	p2 =	por p2, p1;
	[sflag:s0] =	ssyncset.done $0x0  }
.LBB2_4:
0x79: {  	s13 =	smul.u32 $0x5, s12  }
0x7a: {  	[sflag:s0] =	ssyncadd.s32 $0xFFFFD800;
	s14 =	simm.s32 @!p2 $0x1;
	s10 =	smov.u32 s2  }
0x7b: {  	s2 =	sadd.s32 $0x1, s2;
	s15 =	simm.s32 @!p1 $0x50;
	p3 =	sgt.u32 s26, $0x77  }
0x7c: {  	s11 =	sand.u32 $0x1, s11;
	_ =	swait.ge @!p2 [sflag:s14], $0x280;
	s13 =	ssub.s32 s26, s13  }
0x7d: {  	[sflag:s14] =	ssyncset.done @!p2 $0x0;
	s16 =	sand.u32 $0xFF, s13;
	s13 =	sand.u32 @!p3 $0xFF, s13  }
0x7e: {  	p5 =	sgt.u32 s26, $0x78;
	[sflag:s14] =	ssyncadd.s32 @!p2 $0xFFFFFD80;
	p4 =	sne.s32 @!p3 s13, $0x0  }
0x7f: {  	s18 =	sshll.u32 s16, $0x7;
	_ =	swait.ge @!p2 [sflag:s14], $0x280;
	p4 =	por p4, p3  }
0x80: {  	s16 =	rddreg [dreg:$0x4];
	[sflag:s14] =	ssyncset.done @!p2 $0x0;
	p3 =	sne.s32 s2, $0x7D  }
0x81: {  	s12 =	sshll.u32 @!p4 s12, $0xA;
	s25 =	sshll.u32 @!p4 s11, $0xA;
	s11 =	sshll.u32 s11, $0xA  }
0x82: {  	s13 =	simm.s32 @!p4 $0x0;
	[sflag:s14] =	ssyncadd.s32 @!p2 $0xFFFFFD80;
	s14 =	sand.u32 $0x3, s26  }
0x83: {  	s4 =	sxor.u32 @!p4 $0x400, s25;
	s25 =	sxor.u32 @!p4 $0xC00, s25;
	s12 =	sadd.s32 @!p4 s12, s16  }
0x84: {  	[tilespmem:s8], [sflag:s7] =	stream.indirect.gather @!p1 [hbm4b:s5+s15], $0x80, s9, s15, $0xb8;
	[tilespmem:$0x1E880] =	vst v63  }
0x85: {  	s11 =	sadd.s32 s18, s11;
	s16 =	sadd.s32 @!p5 $0x4, s26;
	p1 =	por p5, p5  }
0x86: {  	s15 =	smul.u32 $0xA000, s14;
	s12 =	sshrl.u32 @!p4 s12, $0x3;
	s18 =	sand.u32 @!p5 $0xFF, s16  }
0x87: {  	s17 =	sadd.s32 @!p4 s6, s12;
	s12 =	sadd.s32 @!p4 s1, s12;
	s7 =	smul.u32 @!p5 $0xCD, s18  }
0x88: {  	[tilespmem:s4], [sflag:$0x1] =	stream.linear.gather @!p4 [hbm4b:s12+s13], $0x280, $0x38;
	[tilespmem:$0x1E880] =	vst v63  }
0x89: {  	s26 =	smov.u32 s10;
	s18 =	smul.u32 $0xCD, s10;
	s7 =	sshrl.u32 @!p1 s7, $0xA  }
0x8a: {  	s4 =	sadd.s32 $0x800, s11;
	s9 =	smul.u32 @!p1 $0x5, s7;
	s11 =	sshll.u32 @!p1 s7, $0xA  }
0x8b: {  	[tilespmem:s25], [sflag:$0x1] =	stream.linear.gather @!p4 [hbm4b:s17+s13], $0x280, $0x38;
	[tilespmem:$0x1E880] =	vst v63  }
0x8c: {  	s7 =	sadd.s32 $0x2, s14;
	s25 =	sshrl.u32 s15, $0x2;
	s14 =	sand.u32 @!p1 $0x400, s11  }
0x8d: {  	_ =	swait.ge [sflag:s7], $0x2800;
	s11 =	sshrl.u32 s18, $0xA;
	s8 =	ssub.s32 @!p1 s16, s9  }
.Ltmp1:
0x8e: {  	[sflag:s7] =	ssyncset.done $0x0;
	s12 =	sand.u32 $0x3F, s11;
	(pc) =	sbr.rel @p3 .LBB2_4-.Ltmp1, $4  }
0x8f: {  	s9 =	sand.u32 @!p1 $0xFF, s8;
	[sflag:s7] =	ssyncadd.s32 $0xFFFFD800;
	s8 =	sadd.s32 $0x1000, s25  }
0x90: {  	[spmem:s3] =	stream.indirect.scatter.add.f32 [tilespmem:s8], [sflag:$0x6], $0x80, s4, s29, $0xb8;
	[tilespmem:$0x1E880] =	vst v63  }
0x91: {  	p2 =	sne.s32 @!p1 s9, $0x0;
	s9 =	sshll.u32 @!p1 s9, $0x7;
	_ =	swait.ge [sflag:s0], $0x2800  }
0x92: {  	s9 =	sadd.s32 @!p1 s9, s14;
	p2 =	por p2, p1;
	[sflag:s0] =	ssyncset.done $0x0  }
0x93: {  	s4 =	smul.u32 $0x5, s12  }
0x94: {  	[sflag:s0] =	ssyncadd.s32 $0xFFFFD800;
	s2 =	simm.s32 @!p2 $0x1  }
0x95: {  	p3 =	sgt.u32 s26, $0x77;
	_ =	swait.ge @!p2 [sflag:s2], $0x280;
	s4 =	ssub.s32 s26, s4  }
0x96: {  	[sflag:s2] =	ssyncset.done @!p2 $0x0;
	s10 =	sand.u32 @!p3 $0xFF, s4  }
0x97: {  	[sflag:s2] =	ssyncadd.s32 @!p2 $0xFFFFFD80;
	p4 =	sne.s32 @!p3 s10, $0x0  }
0x98: {  	s11 =	sand.u32 $0x1, s11;
	_ =	swait.ge @!p2 [sflag:s2], $0x280;
	p3 =	por p4, p3  }
0x99: {  	s10 =	rddreg [dreg:$0x4];
	[sflag:s2] =	ssyncset.done @!p2 $0x0;
	s12 =	sshll.u32 @!p3 s12, $0xA  }
0x9a: {  	[sflag:s2] =	ssyncadd.s32 @!p2 $0xFFFFFD80;
	s2 =	simm.s32 @!p1 $0x50;
	s10 =	sadd.s32 @!p3 s12, s10  }
0x9b: {  	[tilespmem:s8], [sflag:s7] =	stream.indirect.gather @!p1 [hbm4b:s5+s2], $0x80, s9, s2, $0xb8;
	[tilespmem:$0x1E880] =	vst v63  }
0x9c: {  	s2 =	sshll.u32 @!p3 s11, $0xA;
	s9 =	simm.s32 @!p3 $0x0;
	s7 =	sshrl.u32 @!p3 s10, $0x3  }
0x9d: {  	p1 =	sgt.u32 s26, $0x78;
	s8 =	sxor.u32 @!p3 $0x400, s2;
	s10 =	sadd.s32 @!p3 s1, s7  }
0x9e: {  	[tilespmem:s8], [sflag:$0x1] =	stream.linear.gather @!p3 [hbm4b:s10+s9], $0x280, $0x38;
	[tilespmem:$0x1E880] =	vst v63  }
0x9f: {  	s2 =	sxor.u32 @!p3 $0xC00, s2;
	s7 =	sadd.s32 @!p3 s6, s7;
	s8 =	sadd.s32 @!p1 $0x4, s26  }
0xa0: {  	[tilespmem:s2], [sflag:$0x1] =	stream.linear.gather @!p3 [hbm4b:s7+s9], $0x280, $0x38;
	[tilespmem:$0x1E880] =	vst v63  }
0xa1: {  	s2 =	sand.u32 @!p1 $0xFF, s8  }
0xa2: {  	s4 =	sand.u32 $0xFF, s4;
	s2 =	smul.u32 @!p1 $0xCD, s2  }
0xa3: {  	s4 =	sshll.u32 s4, $0x7;
	s10 =	sand.u32 $0x3, s26;
	p1 =	por p1, p1  }
0xa4: {  	s12 =	sshll.u32 s11, $0xA;
	s13 =	smul.u32 $0xA000, s10;
	s2 =	sshrl.u32 @!p1 s2, $0xA  }
0xa5: {  	s4 =	sadd.s32 s4, s12;
	s7 =	sadd.s32 $0x2, s10;
	s9 =	smul.u32 @!p1 $0x5, s2  }
0xa6: {  	s4 =	sadd.s32 $0x800, s4;
	_ =	swait.ge [sflag:s7], $0x2800  }
0xa7: {  	s14 =	sshrl.u32 s13, $0x2;
	[sflag:s7] =	ssyncset.done $0x0;
	s8 =	ssub.s32 @!p1 s8, s9  }
0xa8: {  	[sflag:s7] =	ssyncadd.s32 $0xFFFFD800;
	s9 =	sadd.s32 $0x1000, s14;
	s8 =	sand.u32 @!p1 $0xFF, s8  }
0xa9: {  	[spmem:s3] =	stream.indirect.scatter.add.f32 [tilespmem:s9], [sflag:$0x6], $0x80, s4, s29, $0xb8;
	[tilespmem:$0x1E880] =	vst v63  }
0xaa: {  	p2 =	sne.s32 @!p1 s8, $0x0;
	_ =	swait.ge [sflag:s0], $0x2800  }
0xab: {  	[sflag:s0] =	ssyncset.done $0x0;
	p2 =	por p2, p1  }
0xac: {  	[sflag:s0] =	ssyncadd.s32 $0xFFFFD800;
	s4 =	simm.s32 @!p2 $0x1  }
0xad: {  	_ =	swait.ge @!p2 [sflag:s4], $0x280  }
0xae: {  	[sflag:s4] =	ssyncset.done @!p2 $0x0  }
0xaf: {  	[sflag:s4] =	ssyncadd.s32 @!p2 $0xFFFFFD80  }
0xb0: {  	s2 =	sshll.u32 @!p1 s2, $0xA;
	_ =	swait.ge @!p2 [sflag:s4], $0x280  }
0xb1: {  	s2 =	sand.u32 @!p1 $0x400, s2;
	s8 =	sshll.u32 @!p1 s8, $0x7;
	[sflag:s4] =	ssyncset.done @!p2 $0x0  }
0xb2: {  	s2 =	sadd.s32 @!p1 s8, s2;
	[sflag:s4] =	ssyncadd.s32 @!p2 $0xFFFFFD80;
	s4 =	simm.s32 @!p1 $0x50  }
0xb3: {  	[tilespmem:s9], [sflag:s7] =	stream.indirect.gather @!p1 [hbm4b:s5+s4], $0x80, s2, s4, $0xb8;
	[tilespmem:$0x1E880] =	vst v63  }
0xb4: {  	s15 =	stileid.u32;
	[bflag:$0x0] =	sbarrier.arrive $0xFFFF  }
0xb5: {  	s2 =	sshll.u32 s15, $0x6;
	s11 =	rddreg [dreg:$0xf]  }
0xb6: {  	s2 =	sor.u32 $0x1C01, s2;
	s17 =	rddreg [dreg:$0x5];
	s16 =	sshrl.u32 s11, $0x3  }
0xb7: {  	[hbm:s17], [sflag:s2] =	dma.local [spmem:s16], $0x500  }
0xb8: {  	s10 =	rddreg [dreg:$0x10]  }
0xb9: {  	s7 =	rddreg [dreg:$0x6];
	s18 =	sshrl.u32 s10, $0x3  }
0xba: {  	[hbm:s7], [sflag:s2] =	dma.local [spmem:s18], $0x500  }
0xbb: {  	s12 =	smov.u32 s21;
	s21 =	sshrl.u32 s21, $0x3;
	s7 =	rddreg [dreg:$0x7]  }
0xbc: {  	[hbm:s7], [sflag:s2] =	dma.local [spmem:s21], $0x500  }
0xbd: {  	s13 =	smov.u32 s22;
	s22 =	sshrl.u32 s22, $0x3;
	s7 =	rddreg [dreg:$0x8]  }
0xbe: {  	[hbm:s7], [sflag:s2] =	dma.local [spmem:s22], $0x500  }
0xbf: {  	s14 =	smov.u32 s23;
	s23 =	sshrl.u32 s23, $0x3;
	s7 =	rddreg [dreg:$0x9]  }
0xc0: {  	[hbm:s7], [sflag:s2] =	dma.local [spmem:s23], $0x500  }
0xc1: {  	s8 =	smov.u32 s24;
	s24 =	sshrl.u32 s24, $0x3;
	s7 =	rddreg [dreg:$0xa]  }
0xc2: {  	[hbm:s7], [sflag:s2] =	dma.local [spmem:s24], $0x500  }
0xc3: {  	s25 =	sshrl.u32 s19, $0x3;
	s7 =	rddreg [dreg:$0xb]  }
0xc4: {  	[hbm:s7], [sflag:s2] =	dma.local [spmem:s25], $0x500  }
0xc5: {  	s4 =	sshrl.u32 @!p0 s20, $0x3;
	s7 =	rddreg [dreg:$0xc]  }
0xc6: {  	[hbm:s7], [sflag:s2] =	dma.local @!p0 [spmem:s4], $0x500  }
0xc7: {  	_ =	swait.ge [sflag:s28], $0x500  }
0xc8: {  	[sflag:s28] =	ssyncset.done $0x0  }
0xc9: {  	[sflag:s28] =	ssyncadd.s32 $0xFFFFFB00  }
0xca: {  	_ =	swait.ge [sflag:s28], $0x500  }
0xcb: {  	[sflag:s28] =	ssyncset.done $0x0  }
0xcc: {  	[sflag:s28] =	ssyncadd.s32 $0xFFFFFB00  }
0xcd: {  	_ =	swait.ge [sflag:s28], $0x500  }
0xce: {  	[sflag:s28] =	ssyncset.done $0x0  }
0xcf: {  	[sflag:s28] =	ssyncadd.s32 $0xFFFFFB00  }
0xd0: {  	_ =	swait.ge [sflag:s28], $0x500  }
0xd1: {  	[sflag:s28] =	ssyncset.done $0x0  }
0xd2: {  	[sflag:s28] =	ssyncadd.s32 $0xFFFFFB00  }
0xd3: {  	_ =	swait.ge [sflag:s28], $0x500  }
0xd4: {  	[sflag:s28] =	ssyncset.done $0x0  }
0xd5: {  	[sflag:s28] =	ssyncadd.s32 $0xFFFFFB00  }
0xd6: {  	_ =	swait.ge [sflag:s28], $0x500  }
0xd7: {  	[sflag:s28] =	ssyncset.done $0x0  }
0xd8: {  	[sflag:s28] =	ssyncadd.s32 $0xFFFFFB00  }
0xd9: {  	_ =	swait.ge [sflag:s28], $0x500  }
0xda: {  	[sflag:s28] =	ssyncset.done $0x0  }
0xdb: {  	s2 =	simm.s32 @!p0 $0x1;
	[sflag:s28] =	ssyncadd.s32 $0xFFFFFB00  }
0xdc: {  	_ =	swait.ge @!p0 [sflag:s2], $0x500  }
0xdd: {  	s30 =	sadd.s32 $0x1, s30;
	s26 =	rddreg [dreg:$0x11]  }
0xde: {  	p1 =	sne.s32 s30, s26  }
.Ltmp2:
0xdf: {  	_ = 	snop;
	(pc) =	sbr.rel @p1 .LBB2_1-.Ltmp2, $3  }
0xe0: {  	_ =	sdelay $0x1  }
0xe1: {  	[sflag:s2] =	ssyncset.done @!p0 $0x0  }
0xe2: {  	s15 =	smov.u32 s19;
	s9 =	smov.u32 s20;
	[sflag:s2] =	ssyncadd.s32 @!p0 $0xFFFFFB00  }
0xe3: {  	_ =	sfence.sel $0x180000  }
0xe4: {  	[bflag:$0x0] =	sbarrier.arrive $0xFFFF  }
0xe5: {  	_ =	strace $0x90000047  }
0xe6: {  	s0 =	stileid.u32;
	[bflag:$0x2] =	sbarrier.arrive $0xFFFF  }
0xe7: {  	p0 =	sne.s32 s0, $0x0;
	s0 =	rddreg [dreg:$0x3]  }
0xe8: {  	s0 =	sadd.s32 @!p0 $0x100000, s0  }
0xe9: {  	[sflag:s0] =	ssyncadd.tile.s32 @!p0 $0x1;
	_ =	shalt  }
.Lfunc_end2:
_tile_overlayer_lowered:
.L_overlay_start_2:
0xea: {  	(tag) =	ssettag $0x2  }
0xeb: {  	s0 =	rddreg [dreg:$0x0];
	s2 =	stileid.u32  }
0xec: {  	s1 =	rddreg [dreg:$0x1];
	p0 =	sne.s32 s2, $0x0  }
0xed: {  	s3 =	rddreg [dreg:$0x2];
	[bflag:$0x3] =	sbarrier.arrive $0xFFFF;
	s2 =	simm.s32 @!p0 $0x1C06  }
0xee: {  	[timem:s3], [sflag:s2] =	dma.local @!p0 [hbm:s0], s1  }
0xef: {  	s0 =	simm.s32 @!p0 $0x6  }
0xf0: {  	_ =	swait.ge @!p0 [sflag:s0], s1  }
0xf1: {  	s1 =	ssub.s32 @!p0 $0x0, s1;
	[sflag:s0] =	ssyncset.done @!p0 $0x0  }
0xf2: {  	[sflag:s0] =	ssyncadd.s32 @!p0 s1  }
0xf3: {  	[bflag:$0x3] =	sbarrier.arrive $0xFFFF  }
0xf4: {  	_ =	shalt  }

</sc_bundles>
